<compile_context>
chip_gen: v7x
topology: tpu7x:2x2x1
jax: 0.10.2.dev20260603
libtpu: 0.0.44.dev20260713+nightly
codegen_flags: <defaults>
</compile_context>

<pallas_src>
import functools

import jax
import jax.numpy as jnp
from jax import lax
from jax.experimental import pallas as pl
from jax.experimental.pallas import tpu as pltpu
from jax.experimental.pallas import tpu_sc as plsc

N_NODES = 10000
N_EDGES = 320000
D = 128

NC = 2
NS = 16
NW = NC * NS
E_PER_W = N_EDGES // NW
CHUNK = 80
NCHUNK = E_PER_W // CHUNK
IBLK = 25
NBLK = NCHUNK // IBLK
N_PAD = 10112
ROWS_PER_SUB = N_PAD // NS


def _sc_aggregate(x, src, dst, zeros_rows):
    mesh = plsc.VectorSubcoreMesh(core_axis_name="c", subcore_axis_name="s")

    @functools.partial(
        pl.kernel,
        out_type=jax.ShapeDtypeStruct((NC, N_PAD, D), jnp.float32),
        mesh=mesh,
        scratch_types=[
            pltpu.VMEM((IBLK, CHUNK), jnp.int32),
            pltpu.VMEM((IBLK, CHUNK), jnp.int32),
            pltpu.VMEM((CHUNK, D), jnp.float32),
            pltpu.VMEM((CHUNK, D), jnp.float32),
            pltpu.VMEM((CHUNK, D), jnp.float32),
            pltpu.VMEM_SHARED((N_PAD, D), jnp.float32),
            pltpu.SemaphoreType.DMA,
            pltpu.SemaphoreType.DMA,
            pltpu.SemaphoreType.DMA,
            pltpu.SemaphoreType.DMA,
        ],
    )
    def agg_kernel(x_hbm, src_hbm, dst_hbm, zeros_hbm, out_hbm,
                   src_v, dst_v, rows0, rows1, rows2, acc_sh,
                   gsem0, gsem1, gsem2, zsem):
        c = lax.axis_index("c")
        s = lax.axis_index("s")
        wid = c * NS + s
        stripe = pl.ds(s * ROWS_PER_SUB, ROWS_PER_SUB)

        pltpu.async_copy(zeros_hbm, acc_sh.at[stripe], zsem)

        def gather(j, buf, sem):
            pltpu.async_copy(x_hbm.at[src_v.at[j]], buf, sem)

        def gwait(buf, sem):
            pltpu.make_async_copy(x_hbm.at[src_v.at[0]], buf, sem).wait()

        def scatter(j, buf):
            pltpu.sync_copy(buf, acc_sh.at[dst_v.at[j]], add=True)

        NTRI = (IBLK - 1) // 3

        def slot(j, buf, sem):
            gwait(buf, sem)
            scatter(j, buf)

            @pl.when(j + 3 < IBLK)
            def _():
                gather(j + 3, buf, sem)

        def prologue(k):
            pltpu.sync_copy(src_hbm.at[wid, k], src_v)
            pltpu.sync_copy(dst_hbm.at[wid, k], dst_v)
            gather(0, rows0, gsem0)
            gather(1, rows1, gsem1)
            gather(2, rows2, gsem2)

        def pipeline():
            def body(t, c2):
                j0 = 3 * t
                slot(j0, rows0, gsem0)
                slot(j0 + 1, rows1, gsem1)
                slot(j0 + 2, rows2, gsem2)
                return c2

            lax.fori_loop(0, NTRI, body, 0)
            slot(IBLK - 1, rows0, gsem0)

        prologue(0)
        pltpu.make_async_copy(zeros_hbm, acc_sh.at[stripe], zsem).wait()
        plsc.subcore_barrier()
        pipeline()

        def block(k, carry):
            prologue(k)
            pipeline()
            return carry

        lax.fori_loop(1, NBLK, block, 0)
        plsc.subcore_barrier()

        pltpu.sync_copy(acc_sh.at[stripe], out_hbm.at[c, stripe])

    return agg_kernel(x, src, dst, zeros_rows)


ROW_BLK = 2000
GRID = N_NODES // ROW_BLK


def _mlp(eps, x, a0, a1, wa, ba, wb, bb):
    h = x * (1.0 + eps) + a0 + a1
    t = jnp.maximum(
        jnp.dot(h, wa, preferred_element_type=jnp.float32) + ba, 0.0)
    return jnp.dot(t, wb, preferred_element_type=jnp.float32) + bb


def _layer1_body(eps_ref, x_ref, a0_ref, a1_ref, wa_ref, ba_ref, wb_ref,
                 bb_ref, wf_ref, bf_ref, o_ref, fo_ref):
    x = x_ref[...]
    o_ref[...] = _mlp(eps_ref[0, 0], x, a0_ref[...], a1_ref[...],
                      wa_ref[...], ba_ref[...], wb_ref[...], bb_ref[...])
    fo_ref[...] = (jnp.dot(x, wf_ref[...], preferred_element_type=jnp.float32)
                   + bf_ref[...])


def _layer2_body(eps_ref, x_ref, a0_ref, a1_ref, wa_ref, ba_ref, wb_ref,
                 bb_ref, wf_ref, facc_ref, o_ref, fo_ref):
    x = x_ref[...]
    o_ref[...] = _mlp(eps_ref[0, 0], x, a0_ref[...], a1_ref[...],
                      wa_ref[...], ba_ref[...], wb_ref[...], bb_ref[...])
    fo_ref[...] = facc_ref[...] + jnp.dot(
        x, wf_ref[...], preferred_element_type=jnp.float32)


def _layer3_body(eps_ref, x_ref, a0_ref, a1_ref, wa_ref, ba_ref, wb_ref,
                 bb_ref, wf2_ref, wf3_ref, facc_ref, o_ref):
    x = x_ref[...]
    x3 = _mlp(eps_ref[0, 0], x, a0_ref[...], a1_ref[...],
              wa_ref[...], ba_ref[...], wb_ref[...], bb_ref[...])
    o_ref[...] = (facc_ref[...]
                  + jnp.dot(x, wf2_ref[...], preferred_element_type=jnp.float32)
                  + jnp.dot(x3, wf3_ref[...], preferred_element_type=jnp.float32))


_ROW_SPEC = pl.BlockSpec((ROW_BLK, D), lambda i: (i, 0))
_FULL_SPEC = pl.BlockSpec((D, D), lambda i: (0, 0))
_BIAS_SPEC = pl.BlockSpec((1, D), lambda i: (0, 0))
_SMEM_SPEC = pl.BlockSpec(memory_space=pltpu.SMEM)
_ROW_OUT = jax.ShapeDtypeStruct((N_NODES, D), jnp.float32)


def _tc_layer1(eps, x, a0, a1, Wa, ba, Wb, bb, Wf0, bf):
    return pl.pallas_call(
        _layer1_body,
        grid=(GRID,),
        in_specs=[_SMEM_SPEC, _ROW_SPEC, _ROW_SPEC, _ROW_SPEC,
                  _FULL_SPEC, _BIAS_SPEC, _FULL_SPEC, _BIAS_SPEC,
                  _FULL_SPEC, _BIAS_SPEC],
        out_specs=[_ROW_SPEC, _ROW_SPEC],
        out_shape=[_ROW_OUT, _ROW_OUT],
    )(jnp.reshape(eps, (1, 1)), x, a0, a1,
      Wa, jnp.reshape(ba, (1, D)), Wb, jnp.reshape(bb, (1, D)),
      Wf0, jnp.reshape(bf, (1, D)))


def _tc_layer2(eps, x, a0, a1, Wa, ba, Wb, bb, Wf1, facc):
    return pl.pallas_call(
        _layer2_body,
        grid=(GRID,),
        in_specs=[_SMEM_SPEC, _ROW_SPEC, _ROW_SPEC, _ROW_SPEC,
                  _FULL_SPEC, _BIAS_SPEC, _FULL_SPEC, _BIAS_SPEC,
                  _FULL_SPEC, _ROW_SPEC],
        out_specs=[_ROW_SPEC, _ROW_SPEC],
        out_shape=[_ROW_OUT, _ROW_OUT],
    )(jnp.reshape(eps, (1, 1)), x, a0, a1,
      Wa, jnp.reshape(ba, (1, D)), Wb, jnp.reshape(bb, (1, D)),
      Wf1, facc)


def _tc_layer3(eps, x, a0, a1, Wa, ba, Wb, bb, Wf2, Wf3, facc):
    return pl.pallas_call(
        _layer3_body,
        grid=(GRID,),
        in_specs=[_SMEM_SPEC, _ROW_SPEC, _ROW_SPEC, _ROW_SPEC,
                  _FULL_SPEC, _BIAS_SPEC, _FULL_SPEC, _BIAS_SPEC,
                  _FULL_SPEC, _FULL_SPEC, _ROW_SPEC],
        out_specs=_ROW_SPEC,
        out_shape=_ROW_OUT,
    )(jnp.reshape(eps, (1, 1)), x, a0, a1,
      Wa, jnp.reshape(ba, (1, D)), Wb, jnp.reshape(bb, (1, D)),
      Wf2, Wf3, facc)


def kernel(x, edge_index,
           eps1, W1a, b1a, W1b, b1b,
           eps2, W2a, b2a, W2b, b2b,
           eps3, W3a, b3a, W3b, b3b,
           Wf, bf):
    src = edge_index[0].astype(jnp.int32).reshape(NW, NBLK, IBLK, CHUNK)
    dst = edge_index[1].astype(jnp.int32).reshape(NW, NBLK, IBLK, CHUNK)
    zeros_rows = jnp.zeros((ROWS_PER_SUB, D), jnp.float32)

    p1 = _sc_aggregate(x, src, dst, zeros_rows)
    x1, facc = _tc_layer1(eps1, x, p1[0, :N_NODES], p1[1, :N_NODES],
                          W1a, b1a, W1b, b1b, Wf[0:D], bf)
    p2 = _sc_aggregate(x1, src, dst, zeros_rows)
    x2, facc = _tc_layer2(eps2, x1, p2[0, :N_NODES], p2[1, :N_NODES],
                          W2a, b2a, W2b, b2b, Wf[D:2 * D], facc)
    p3 = _sc_aggregate(x2, src, dst, zeros_rows)
    return _tc_layer3(eps3, x2, p3[0, :N_NODES], p3[1, :N_NODES],
                      W3a, b3a, W3b, b3b, Wf[2 * D:3 * D], Wf[3 * D:4 * D],
                      facc)

# --- scband reference (transcript-rebuilt; emitter-appended) ---
"""Pipeline reference for scband-gin-16475494547884 (READ-ONLY COPY).

The authoritative reference and input builder live on the scoring server;
editing this copy changes nothing except your own understanding.
"""

import jax, jax.numpy as jnp
import numpy as np

N_NODES = 10000
N_EDGES = 320000
D_IN = 128
D_OUT = 128
NUM_LAYERS = 3


def setup_inputs(seed: int = 0) -> dict:
    key = jax.random.key(seed)
    ks = jax.random.split(key, 20)
    inp = {}
    inp['x'] = jax.random.normal(ks[0], (N_NODES, D_IN), dtype=jnp.float32)
    inp['edge_index'] = jax.random.randint(ks[1], (2, N_EDGES), 0, N_NODES, dtype=jnp.int64)
    d_in = D_IN
    ki = 2
    for l in range(1, NUM_LAYERS + 1):
        inp[f'eps{l}'] = jnp.zeros((), dtype=jnp.float32)
        inp[f'W{l}a'] = jax.random.normal(ks[ki], (d_in, D_OUT), dtype=jnp.float32) * (1.0 / np.sqrt(d_in)); ki += 1
        inp[f'b{l}a'] = jnp.zeros((D_OUT,), dtype=jnp.float32)
        inp[f'W{l}b'] = jax.random.normal(ks[ki], (D_OUT, D_OUT), dtype=jnp.float32) * (1.0 / np.sqrt(D_OUT)); ki += 1
        inp[f'b{l}b'] = jnp.zeros((D_OUT,), dtype=jnp.float32)
        d_in = D_OUT
    d_cat = D_IN + NUM_LAYERS * D_OUT
    inp['Wf'] = jax.random.normal(ks[ki], (d_cat, D_OUT), dtype=jnp.float32) * (1.0 / np.sqrt(d_cat))
    inp['bf'] = jnp.zeros((D_OUT,), dtype=jnp.float32)
    return inp


def _gin_conv(x, edge_index, eps, Wa, ba, Wb, bb):
    src = edge_index[0]
    dst = edge_index[1]
    msg = jnp.take(x, src, axis=0)
    agg = jax.ops.segment_sum(msg, dst, num_segments=x.shape[0])
    h = (1.0 + eps) * x + agg
    h = jax.nn.relu(h @ Wa + ba)
    return h @ Wb + bb


def reference(x, edge_index,
              eps1, W1a, b1a, W1b, b1b,
              eps2, W2a, b2a, W2b, b2b,
              eps3, W3a, b3a, W3b, b3b,
              Wf, bf):
    xs = [x]
    params = [(eps1, W1a, b1a, W1b, b1b),
              (eps2, W2a, b2a, W2b, b2b),
              (eps3, W3a, b3a, W3b, b3b)]
    for (eps, Wa, ba, Wb, bb) in params:
        xs.append(_gin_conv(xs[-1], edge_index, eps, Wa, ba, Wb, bb))
    h = jnp.concatenate(xs, axis=-1)
    return h @ Wf + bf

if __name__ == "__main__":
    import jax
    _d = setup_inputs()
    print(jax.jit(kernel)(*tuple(_d.values())))

</pallas_src>

<mosaic_0001>
#map = affine_map<(d0, d1) -> (0, 0)>
#map1 = affine_map<(d0, d1) -> (0, 0, 0, 0)>
#map2 = affine_map<(d0, d1) -> (0, 0, 0)>
module attributes {stable_mosaic.version = 14 : i64} {
  func.func @agg_kernel(%arg0: i32, %arg1: i32, %arg2: memref<10000x128xf32, #tpu.memory_space<hbm>>, %arg3: memref<32x5x25x80xi32, #tpu.memory_space<hbm>>, %arg4: memref<32x5x25x80xi32, #tpu.memory_space<hbm>>, %arg5: memref<632x128xf32, #tpu.memory_space<hbm>>, %arg6: memref<2x10112x128xf32, #tpu.memory_space<hbm>>, %arg7: memref<25x80xi32, #tpu.memory_space<vmem>>, %arg8: memref<25x80xi32, #tpu.memory_space<vmem>>, %arg9: memref<80x128xf32, #tpu.memory_space<vmem>>, %arg10: memref<80x128xf32, #tpu.memory_space<vmem>>, %arg11: memref<80x128xf32, #tpu.memory_space<vmem>>, %arg12: memref<10112x128xf32, #tpu.memory_space<vmem_shared>>, %arg13: memref<!tpu.dma_semaphore, #tpu.memory_space<semaphore_mem>>, %arg14: memref<!tpu.dma_semaphore, #tpu.memory_space<semaphore_mem>>, %arg15: memref<!tpu.dma_semaphore, #tpu.memory_space<semaphore_mem>>, %arg16: memref<!tpu.dma_semaphore, #tpu.memory_space<semaphore_mem>>) attributes {dimension_semantics = [#tpu.dimension_semantics<core_parallel>, #tpu.dimension_semantics<subcore_parallel>], iteration_bounds = array<i64: 2, 16>, scalar_prefetch = 0 : i64, scratch_operands = 10 : i64, tpu.core_type = #tpu.core_type<sc_vector_subcore>, window_params = [{transform_indices = #map}, {transform_indices = #map1}, {transform_indices = #map1}, {transform_indices = #map}, {transform_indices = #map2}]} {
    %mul3A = arith.constant 16 : i32
    %mul3A_0 = arith.muli %arg0, %mul3A : i32
    %add3A = arith.addi %mul3A_0, %arg1 : i32
    %mul3A_1 = arith.constant 632 : i32
    %mul3A_2 = arith.muli %arg1, %mul3A_1 : i32
    %dma_start3A = arith.constant 0 : i32
    %dma_start3A_3 = tpu.memref_slice %arg12[%mul3A_2, %dma_start3A] : memref<10112x128xf32, #tpu.memory_space<vmem_shared>> -> memref<632x128xf32, #tpu.memory_space<vmem_shared>>
    tpu.enqueue_dma source(%arg5 : memref<632x128xf32, #tpu.memory_space<hbm>>) target(%dma_start3A_3 : memref<632x128xf32, #tpu.memory_space<vmem_shared>>) target_semaphore(%arg16 : memref<!tpu.dma_semaphore, #tpu.memory_space<semaphore_mem>>)
    %run_scoped3A = arith.constant 0 : i32
    "tpu.region"() ({
      %run_scoped3A_47 = tpu.sem_alloc : memref<!tpu.dma_semaphore, #tpu.memory_space<semaphore_mem>>
      %dma_start3A_48 = arith.constant 0 : i32
      %dma_start3A_49 = arith.constant 0 : i32
      %dma_start3A_50 = tpu.memref_slice %arg3[%add3A, %run_scoped3A, %dma_start3A_48, %dma_start3A_49] : memref<32x5x25x80xi32, #tpu.memory_space<hbm>> -> memref<1x1x25x80xi32, #tpu.memory_space<hbm>>
      %dma_start3A_51 = tpu.memref_squeeze %dma_start3A_50 : memref<1x1x25x80xi32, #tpu.memory_space<hbm>> -> memref<25x80xi32, #tpu.memory_space<hbm>>
      %dma_start3A_52 = arith.constant 0 : i32
      %dma_start3A_53 = arith.constant 0 : i32
      %dma_start3A_54 = tpu.memref_slice %arg3[%add3A, %run_scoped3A, %dma_start3A_52, %dma_start3A_53] : memref<32x5x25x80xi32, #tpu.memory_space<hbm>> -> memref<1x1x25x80xi32, #tpu.memory_space<hbm>>
      %dma_start3A_55 = tpu.memref_squeeze %dma_start3A_54 : memref<1x1x25x80xi32, #tpu.memory_space<hbm>> -> memref<25x80xi32, #tpu.memory_space<hbm>>
      tpu.enqueue_dma source(%dma_start3A_55 : memref<25x80xi32, #tpu.memory_space<hbm>>) target(%arg7 : memref<25x80xi32, #tpu.memory_space<vmem>>) target_semaphore(%run_scoped3A_47 : memref<!tpu.dma_semaphore, #tpu.memory_space<semaphore_mem>>)
      %dma_wait3A_56 = arith.constant 0 : i32
      %dma_wait3A_57 = arith.constant 0 : i32
      %dma_wait3A_58 = tpu.memref_slice %arg3[%add3A, %run_scoped3A, %dma_wait3A_56, %dma_wait3A_57] : memref<32x5x25x80xi32, #tpu.memory_space<hbm>> -> memref<1x1x25x80xi32, #tpu.memory_space<hbm>>
      %dma_wait3A_59 = tpu.memref_squeeze %dma_wait3A_58 : memref<1x1x25x80xi32, #tpu.memory_space<hbm>> -> memref<25x80xi32, #tpu.memory_space<hbm>>
      %dma_wait3A_60 = arith.constant 0 : i32
      %dma_wait3A_61 = arith.constant 0 : i32
      %dma_wait3A_62 = tpu.memref_slice %arg3[%add3A, %run_scoped3A, %dma_wait3A_60, %dma_wait3A_61] : memref<32x5x25x80xi32, #tpu.memory_space<hbm>> -> memref<1x1x25x80xi32, #tpu.memory_space<hbm>>
      %dma_wait3A_63 = tpu.memref_squeeze %dma_wait3A_62 : memref<1x1x25x80xi32, #tpu.memory_space<hbm>> -> memref<25x80xi32, #tpu.memory_space<hbm>>
      tpu.wait_dma2 semaphore(%run_scoped3A_47 : memref<!tpu.dma_semaphore, #tpu.memory_space<semaphore_mem>>) src(%dma_wait3A_63 : memref<25x80xi32, #tpu.memory_space<hbm>>) dst(%arg7 : memref<25x80xi32, #tpu.memory_space<vmem>>)
      tpu.yield
    }) : () -> ()
    %run_scoped3A_4 = arith.constant 0 : i32
    "tpu.region"() ({
      %run_scoped3A_47 = tpu.sem_alloc : memref<!tpu.dma_semaphore, #tpu.memory_space<semaphore_mem>>
      %dma_start3A_48 = arith.constant 0 : i32
      %dma_start3A_49 = arith.constant 0 : i32
      %dma_start3A_50 = tpu.memref_slice %arg4[%add3A, %run_scoped3A_4, %dma_start3A_48, %dma_start3A_49] : memref<32x5x25x80xi32, #tpu.memory_space<hbm>> -> memref<1x1x25x80xi32, #tpu.memory_space<hbm>>
      %dma_start3A_51 = tpu.memref_squeeze %dma_start3A_50 : memref<1x1x25x80xi32, #tpu.memory_space<hbm>> -> memref<25x80xi32, #tpu.memory_space<hbm>>
      %dma_start3A_52 = arith.constant 0 : i32
      %dma_start3A_53 = arith.constant 0 : i32
      %dma_start3A_54 = tpu.memref_slice %arg4[%add3A, %run_scoped3A_4, %dma_start3A_52, %dma_start3A_53] : memref<32x5x25x80xi32, #tpu.memory_space<hbm>> -> memref<1x1x25x80xi32, #tpu.memory_space<hbm>>
      %dma_start3A_55 = tpu.memref_squeeze %dma_start3A_54 : memref<1x1x25x80xi32, #tpu.memory_space<hbm>> -> memref<25x80xi32, #tpu.memory_space<hbm>>
      tpu.enqueue_dma source(%dma_start3A_55 : memref<25x80xi32, #tpu.memory_space<hbm>>) target(%arg8 : memref<25x80xi32, #tpu.memory_space<vmem>>) target_semaphore(%run_scoped3A_47 : memref<!tpu.dma_semaphore, #tpu.memory_space<semaphore_mem>>)
      %dma_wait3A_56 = arith.constant 0 : i32
      %dma_wait3A_57 = arith.constant 0 : i32
      %dma_wait3A_58 = tpu.memref_slice %arg4[%add3A, %run_scoped3A_4, %dma_wait3A_56, %dma_wait3A_57] : memref<32x5x25x80xi32, #tpu.memory_space<hbm>> -> memref<1x1x25x80xi32, #tpu.memory_space<hbm>>
      %dma_wait3A_59 = tpu.memref_squeeze %dma_wait3A_58 : memref<1x1x25x80xi32, #tpu.memory_space<hbm>> -> memref<25x80xi32, #tpu.memory_space<hbm>>
      %dma_wait3A_60 = arith.constant 0 : i32
      %dma_wait3A_61 = arith.constant 0 : i32
      %dma_wait3A_62 = tpu.memref_slice %arg4[%add3A, %run_scoped3A_4, %dma_wait3A_60, %dma_wait3A_61] : memref<32x5x25x80xi32, #tpu.memory_space<hbm>> -> memref<1x1x25x80xi32, #tpu.memory_space<hbm>>
      %dma_wait3A_63 = tpu.memref_squeeze %dma_wait3A_62 : memref<1x1x25x80xi32, #tpu.memory_space<hbm>> -> memref<25x80xi32, #tpu.memory_space<hbm>>
      tpu.wait_dma2 semaphore(%run_scoped3A_47 : memref<!tpu.dma_semaphore, #tpu.memory_space<semaphore_mem>>) src(%dma_wait3A_63 : memref<25x80xi32, #tpu.memory_space<hbm>>) dst(%arg8 : memref<25x80xi32, #tpu.memory_space<vmem>>)
      tpu.yield
    }) : () -> ()
    %dma_start3A_5 = arith.constant 0 : i32
    %dma_start3A_6 = arith.constant 0 : i32
    %dma_start3A_7 = tpu.memref_slice %arg7[%dma_start3A_5, %dma_start3A_6] : memref<25x80xi32, #tpu.memory_space<vmem>> -> memref<1x80xi32, #tpu.memory_space<vmem>>
    %dma_start3A_8 = tpu.memref_squeeze %dma_start3A_7 : memref<1x80xi32, #tpu.memory_space<vmem>> -> memref<80xi32, #tpu.memory_space<vmem>>
    %dma_start3A_9 = arith.constant 0 : i32
    %dma_start3A_10 = arith.constant 0 : i32
    %dma_start3A_11 = tpu.memref_slice %arg2[%dma_start3A_9, %dma_start3A_10] : memref<10000x128xf32, #tpu.memory_space<hbm>> -> memref<10000x128xf32, #tpu.memory_space<hbm>>
    tpu.enqueue_indirect_dma source(%dma_start3A_11 : memref<10000x128xf32, #tpu.memory_space<hbm>>) target(%arg9 : memref<80x128xf32, #tpu.memory_space<vmem>>) offsets(%dma_start3A_8 : memref<80xi32, #tpu.memory_space<vmem>>) semaphore(%arg13 : memref<!tpu.dma_semaphore, #tpu.memory_space<semaphore_mem>>)
    %dma_start3A_12 = arith.constant 1 : i32
    %dma_start3A_13 = arith.constant 0 : i32
    %dma_start3A_14 = tpu.memref_slice %arg7[%dma_start3A_12, %dma_start3A_13] : memref<25x80xi32, #tpu.memory_space<vmem>> -> memref<1x80xi32, #tpu.memory_space<vmem>>
    %dma_start3A_15 = tpu.memref_squeeze %dma_start3A_14 : memref<1x80xi32, #tpu.memory_space<vmem>> -> memref<80xi32, #tpu.memory_space<vmem>>
    %dma_start3A_16 = arith.constant 0 : i32
    %dma_start3A_17 = arith.constant 0 : i32
    %dma_start3A_18 = tpu.memref_slice %arg2[%dma_start3A_16, %dma_start3A_17] : memref<10000x128xf32, #tpu.memory_space<hbm>> -> memref<10000x128xf32, #tpu.memory_space<hbm>>
    tpu.enqueue_indirect_dma source(%dma_start3A_18 : memref<10000x128xf32, #tpu.memory_space<hbm>>) target(%arg10 : memref<80x128xf32, #tpu.memory_space<vmem>>) offsets(%dma_start3A_15 : memref<80xi32, #tpu.memory_space<vmem>>) semaphore(%arg14 : memref<!tpu.dma_semaphore, #tpu.memory_space<semaphore_mem>>)
    %dma_start3A_19 = arith.constant 2 : i32
    %dma_start3A_20 = arith.constant 0 : i32
    %dma_start3A_21 = tpu.memref_slice %arg7[%dma_start3A_19, %dma_start3A_20] : memref<25x80xi32, #tpu.memory_space<vmem>> -> memref<1x80xi32, #tpu.memory_space<vmem>>
    %dma_start3A_22 = tpu.memref_squeeze %dma_start3A_21 : memref<1x80xi32, #tpu.memory_space<vmem>> -> memref<80xi32, #tpu.memory_space<vmem>>
    %dma_start3A_23 = arith.constant 0 : i32
    %dma_start3A_24 = arith.constant 0 : i32
    %dma_start3A_25 = tpu.memref_slice %arg2[%dma_start3A_23, %dma_start3A_24] : memref<10000x128xf32, #tpu.memory_space<hbm>> -> memref<10000x128xf32, #tpu.memory_space<hbm>>
    tpu.enqueue_indirect_dma source(%dma_start3A_25 : memref<10000x128xf32, #tpu.memory_space<hbm>>) target(%arg11 : memref<80x128xf32, #tpu.memory_space<vmem>>) offsets(%dma_start3A_22 : memref<80xi32, #tpu.memory_space<vmem>>) semaphore(%arg15 : memref<!tpu.dma_semaphore, #tpu.memory_space<semaphore_mem>>)
    %dma_wait3A = arith.constant 0 : i32
    %dma_wait3A_26 = tpu.memref_slice %arg12[%mul3A_2, %dma_wait3A] : memref<10112x128xf32, #tpu.memory_space<vmem_shared>> -> memref<632x128xf32, #tpu.memory_space<vmem_shared>>
    tpu.wait_dma2 semaphore(%arg16 : memref<!tpu.dma_semaphore, #tpu.memory_space<semaphore_mem>>) src(%arg5 : memref<632x128xf32, #tpu.memory_space<hbm>>) dst(%dma_wait3A_26 : memref<632x128xf32, #tpu.memory_space<vmem_shared>>)
    %barrier3A = arith.constant 0 : index
    tpu.barrier barrier_id(%barrier3A)
    %scan3A = arith.constant 0 : i32
    %scan3A_27 = arith.constant 0 : i32
    %scan3A_28 = arith.constant 8 : i32
    %scan3A_29 = arith.addi %scan3A_27, %scan3A_28 : i32
    %scan3A_30 = arith.constant 1 : i32
    scf.for %scan3A_47 = %scan3A_27 to %scan3A_29 step %scan3A_30  : i32 {
      %mul3A_48 = arith.constant 3 : i32
      %mul3A_49 = arith.muli %mul3A_48, %scan3A_47 : i32
      %dma_wait3A_50 = arith.constant 0 : i32
      %dma_wait3A_51 = arith.constant 0 : i32
      %dma_wait3A_52 = tpu.memref_slice %arg7[%dma_wait3A_50, %dma_wait3A_51] : memref<25x80xi32, #tpu.memory_space<vmem>> -> memref<1x80xi32, #tpu.memory_space<vmem>>
      %dma_wait3A_53 = tpu.memref_squeeze %dma_wait3A_52 : memref<1x80xi32, #tpu.memory_space<vmem>> -> memref<80xi32, #tpu.memory_space<vmem>>
      %dma_wait3A_54 = arith.constant 0 : i32
      %dma_wait3A_55 = arith.constant 0 : i32
      %dma_wait3A_56 = tpu.memref_slice %arg2[%dma_wait3A_54, %dma_wait3A_55] : memref<10000x128xf32, #tpu.memory_space<hbm>> -> memref<10000x128xf32, #tpu.memory_space<hbm>>
      tpu.wait_indirect_dma semaphore(%arg13 : memref<!tpu.dma_semaphore, #tpu.memory_space<semaphore_mem>>) src(%dma_wait3A_56 : memref<10000x128xf32, #tpu.memory_space<hbm>>) dst(%arg9 : memref<80x128xf32, #tpu.memory_space<vmem>>)
      "tpu.region"() ({
        %run_scoped3A_93 = tpu.sem_alloc : memref<!tpu.dma_semaphore, #tpu.memory_space<semaphore_mem>>
        %dma_start3A_94 = arith.constant 0 : i32
        %dma_start3A_95 = tpu.memref_slice %arg8[%mul3A_49, %dma_start3A_94] : memref<25x80xi32, #tpu.memory_space<vmem>> -> memref<1x80xi32, #tpu.memory_space<vmem>>
        %dma_start3A_96 = tpu.memref_squeeze %dma_start3A_95 : memref<1x80xi32, #tpu.memory_space<vmem>> -> memref<80xi32, #tpu.memory_space<vmem>>
        %dma_start3A_97 = arith.constant 0 : i32
        %dma_start3A_98 = arith.constant 0 : i32
        %dma_start3A_99 = tpu.memref_slice %arg12[%dma_start3A_97, %dma_start3A_98] : memref<10112x128xf32, #tpu.memory_space<vmem_shared>> -> memref<10112x128xf32, #tpu.memory_space<vmem_shared>>
        tpu.enqueue_indirect_dma source(%arg9 : memref<80x128xf32, #tpu.memory_space<vmem>>) target(%dma_start3A_99 : memref<10112x128xf32, #tpu.memory_space<vmem_shared>>) offsets(%dma_start3A_96 : memref<80xi32, #tpu.memory_space<vmem>>) semaphore(%run_scoped3A_93 : memref<!tpu.dma_semaphore, #tpu.memory_space<semaphore_mem>>) {add = true}
        %dma_wait3A_100 = arith.constant 0 : i32
        %dma_wait3A_101 = tpu.memref_slice %arg8[%mul3A_49, %dma_wait3A_100] : memref<25x80xi32, #tpu.memory_space<vmem>> -> memref<1x80xi32, #tpu.memory_space<vmem>>
        %dma_wait3A_102 = tpu.memref_squeeze %dma_wait3A_101 : memref<1x80xi32, #tpu.memory_space<vmem>> -> memref<80xi32, #tpu.memory_space<vmem>>
        %dma_wait3A_103 = arith.constant 0 : i32
        %dma_wait3A_104 = arith.constant 0 : i32
        %dma_wait3A_105 = tpu.memref_slice %arg12[%dma_wait3A_103, %dma_wait3A_104] : memref<10112x128xf32, #tpu.memory_space<vmem_shared>> -> memref<10112x128xf32, #tpu.memory_space<vmem_shared>>
        tpu.wait_indirect_dma semaphore(%run_scoped3A_93 : memref<!tpu.dma_semaphore, #tpu.memory_space<semaphore_mem>>) src(%arg9 : memref<80x128xf32, #tpu.memory_space<vmem>>) dst(%dma_wait3A_105 : memref<10112x128xf32, #tpu.memory_space<vmem_shared>>)
        tpu.yield
      }) : () -> ()
      %add3A_57 = arith.constant 3 : i32
      %add3A_58 = arith.addi %mul3A_49, %add3A_57 : i32
      %lt3A = arith.constant 25 : i32
      %lt3A_59 = arith.cmpi slt, %add3A_58, %lt3A : i32
      %convert_element_type3A = arith.extui %lt3A_59 : i1 to i32
      %cond3A = arith.constant 0 : i32
      %cond3A_60 = arith.cmpi ne, %convert_element_type3A, %cond3A : i32
      scf.if %cond3A_60 {
        %add3A_93 = arith.constant 3 : i32
        %add3A_94 = arith.addi %mul3A_49, %add3A_93 : i32
        %dma_start3A_95 = arith.constant 0 : i32
        %dma_start3A_96 = tpu.memref_slice %arg7[%add3A_94, %dma_start3A_95] : memref<25x80xi32, #tpu.memory_space<vmem>> -> memref<1x80xi32, #tpu.memory_space<vmem>>
        %dma_start3A_97 = tpu.memref_squeeze %dma_start3A_96 : memref<1x80xi32, #tpu.memory_space<vmem>> -> memref<80xi32, #tpu.memory_space<vmem>>
        %dma_start3A_98 = arith.constant 0 : i32
        %dma_start3A_99 = arith.constant 0 : i32
        %dma_start3A_100 = tpu.memref_slice %arg2[%dma_start3A_98, %dma_start3A_99] : memref<10000x128xf32, #tpu.memory_space<hbm>> -> memref<10000x128xf32, #tpu.memory_space<hbm>>
        tpu.enqueue_indirect_dma source(%dma_start3A_100 : memref<10000x128xf32, #tpu.memory_space<hbm>>) target(%arg9 : memref<80x128xf32, #tpu.memory_space<vmem>>) offsets(%dma_start3A_97 : memref<80xi32, #tpu.memory_space<vmem>>) semaphore(%arg13 : memref<!tpu.dma_semaphore, #tpu.memory_space<semaphore_mem>>)
      } else {
      }
      %add3A_61 = arith.constant 1 : i32
      %add3A_62 = arith.addi %mul3A_49, %add3A_61 : i32
      %dma_wait3A_63 = arith.constant 0 : i32
      %dma_wait3A_64 = arith.constant 0 : i32
      %dma_wait3A_65 = tpu.memref_slice %arg7[%dma_wait3A_63, %dma_wait3A_64] : memref<25x80xi32, #tpu.memory_space<vmem>> -> memref<1x80xi32, #tpu.memory_space<vmem>>
      %dma_wait3A_66 = tpu.memref_squeeze %dma_wait3A_65 : memref<1x80xi32, #tpu.memory_space<vmem>> -> memref<80xi32, #tpu.memory_space<vmem>>
      %dma_wait3A_67 = arith.constant 0 : i32
      %dma_wait3A_68 = arith.constant 0 : i32
      %dma_wait3A_69 = tpu.memref_slice %arg2[%dma_wait3A_67, %dma_wait3A_68] : memref<10000x128xf32, #tpu.memory_space<hbm>> -> memref<10000x128xf32, #tpu.memory_space<hbm>>
      tpu.wait_indirect_dma semaphore(%arg14 : memref<!tpu.dma_semaphore, #tpu.memory_space<semaphore_mem>>) src(%dma_wait3A_69 : memref<10000x128xf32, #tpu.memory_space<hbm>>) dst(%arg10 : memref<80x128xf32, #tpu.memory_space<vmem>>)
      "tpu.region"() ({
        %run_scoped3A_93 = tpu.sem_alloc : memref<!tpu.dma_semaphore, #tpu.memory_space<semaphore_mem>>
        %dma_start3A_94 = arith.constant 0 : i32
        %dma_start3A_95 = tpu.memref_slice %arg8[%add3A_62, %dma_start3A_94] : memref<25x80xi32, #tpu.memory_space<vmem>> -> memref<1x80xi32, #tpu.memory_space<vmem>>
        %dma_start3A_96 = tpu.memref_squeeze %dma_start3A_95 : memref<1x80xi32, #tpu.memory_space<vmem>> -> memref<80xi32, #tpu.memory_space<vmem>>
        %dma_start3A_97 = arith.constant 0 : i32
        %dma_start3A_98 = arith.constant 0 : i32
        %dma_start3A_99 = tpu.memref_slice %arg12[%dma_start3A_97, %dma_start3A_98] : memref<10112x128xf32, #tpu.memory_space<vmem_shared>> -> memref<10112x128xf32, #tpu.memory_space<vmem_shared>>
        tpu.enqueue_indirect_dma source(%arg10 : memref<80x128xf32, #tpu.memory_space<vmem>>) target(%dma_start3A_99 : memref<10112x128xf32, #tpu.memory_space<vmem_shared>>) offsets(%dma_start3A_96 : memref<80xi32, #tpu.memory_space<vmem>>) semaphore(%run_scoped3A_93 : memref<!tpu.dma_semaphore, #tpu.memory_space<semaphore_mem>>) {add = true}
        %dma_wait3A_100 = arith.constant 0 : i32
        %dma_wait3A_101 = tpu.memref_slice %arg8[%add3A_62, %dma_wait3A_100] : memref<25x80xi32, #tpu.memory_space<vmem>> -> memref<1x80xi32, #tpu.memory_space<vmem>>
        %dma_wait3A_102 = tpu.memref_squeeze %dma_wait3A_101 : memref<1x80xi32, #tpu.memory_space<vmem>> -> memref<80xi32, #tpu.memory_space<vmem>>
        %dma_wait3A_103 = arith.constant 0 : i32
        %dma_wait3A_104 = arith.constant 0 : i32
        %dma_wait3A_105 = tpu.memref_slice %arg12[%dma_wait3A_103, %dma_wait3A_104] : memref<10112x128xf32, #tpu.memory_space<vmem_shared>> -> memref<10112x128xf32, #tpu.memory_space<vmem_shared>>
        tpu.wait_indirect_dma semaphore(%run_scoped3A_93 : memref<!tpu.dma_semaphore, #tpu.memory_space<semaphore_mem>>) src(%arg10 : memref<80x128xf32, #tpu.memory_space<vmem>>) dst(%dma_wait3A_105 : memref<10112x128xf32, #tpu.memory_space<vmem_shared>>)
        tpu.yield
      }) : () -> ()
      %add3A_70 = arith.constant 3 : i32
      %add3A_71 = arith.addi %add3A_62, %add3A_70 : i32
      %lt3A_72 = arith.constant 25 : i32
      %lt3A_73 = arith.cmpi slt, %add3A_71, %lt3A_72 : i32
      %convert_element_type3A_74 = arith.extui %lt3A_73 : i1 to i32
      %cond3A_75 = arith.constant 0 : i32
      %cond3A_76 = arith.cmpi ne, %convert_element_type3A_74, %cond3A_75 : i32
      scf.if %cond3A_76 {
        %add3A_93 = arith.constant 3 : i32
        %add3A_94 = arith.addi %add3A_62, %add3A_93 : i32
        %dma_start3A_95 = arith.constant 0 : i32
        %dma_start3A_96 = tpu.memref_slice %arg7[%add3A_94, %dma_start3A_95] : memref<25x80xi32, #tpu.memory_space<vmem>> -> memref<1x80xi32, #tpu.memory_space<vmem>>
        %dma_start3A_97 = tpu.memref_squeeze %dma_start3A_96 : memref<1x80xi32, #tpu.memory_space<vmem>> -> memref<80xi32, #tpu.memory_space<vmem>>
        %dma_start3A_98 = arith.constant 0 : i32
        %dma_start3A_99 = arith.constant 0 : i32
        %dma_start3A_100 = tpu.memref_slice %arg2[%dma_start3A_98, %dma_start3A_99] : memref<10000x128xf32, #tpu.memory_space<hbm>> -> memref<10000x128xf32, #tpu.memory_space<hbm>>
        tpu.enqueue_indirect_dma source(%dma_start3A_100 : memref<10000x128xf32, #tpu.memory_space<hbm>>) target(%arg10 : memref<80x128xf32, #tpu.memory_space<vmem>>) offsets(%dma_start3A_97 : memref<80xi32, #tpu.memory_space<vmem>>) semaphore(%arg14 : memref<!tpu.dma_semaphore, #tpu.memory_space<semaphore_mem>>)
      } else {
      }
      %add3A_77 = arith.constant 2 : i32
      %add3A_78 = arith.addi %mul3A_49, %add3A_77 : i32
      %dma_wait3A_79 = arith.constant 0 : i32
      %dma_wait3A_80 = arith.constant 0 : i32
      %dma_wait3A_81 = tpu.memref_slice %arg7[%dma_wait3A_79, %dma_wait3A_80] : memref<25x80xi32, #tpu.memory_space<vmem>> -> memref<1x80xi32, #tpu.memory_space<vmem>>
      %dma_wait3A_82 = tpu.memref_squeeze %dma_wait3A_81 : memref<1x80xi32, #tpu.memory_space<vmem>> -> memref<80xi32, #tpu.memory_space<vmem>>
      %dma_wait3A_83 = arith.constant 0 : i32
      %dma_wait3A_84 = arith.constant 0 : i32
      %dma_wait3A_85 = tpu.memref_slice %arg2[%dma_wait3A_83, %dma_wait3A_84] : memref<10000x128xf32, #tpu.memory_space<hbm>> -> memref<10000x128xf32, #tpu.memory_space<hbm>>
      tpu.wait_indirect_dma semaphore(%arg15 : memref<!tpu.dma_semaphore, #tpu.memory_space<semaphore_mem>>) src(%dma_wait3A_85 : memref<10000x128xf32, #tpu.memory_space<hbm>>) dst(%arg11 : memref<80x128xf32, #tpu.memory_space<vmem>>)
      "tpu.region"() ({
        %run_scoped3A_93 = tpu.sem_alloc : memref<!tpu.dma_semaphore, #tpu.memory_space<semaphore_mem>>
        %dma_start3A_94 = arith.constant 0 : i32
        %dma_start3A_95 = tpu.memref_slice %arg8[%add3A_78, %dma_start3A_94] : memref<25x80xi32, #tpu.memory_space<vmem>> -> memref<1x80xi32, #tpu.memory_space<vmem>>
        %dma_start3A_96 = tpu.memref_squeeze %dma_start3A_95 : memref<1x80xi32, #tpu.memory_space<vmem>> -> memref<80xi32, #tpu.memory_space<vmem>>
        %dma_start3A_97 = arith.constant 0 : i32
        %dma_start3A_98 = arith.constant 0 : i32
        %dma_start3A_99 = tpu.memref_slice %arg12[%dma_start3A_97, %dma_start3A_98] : memref<10112x128xf32, #tpu.memory_space<vmem_shared>> -> memref<10112x128xf32, #tpu.memory_space<vmem_shared>>
        tpu.enqueue_indirect_dma source(%arg11 : memref<80x128xf32, #tpu.memory_space<vmem>>) target(%dma_start3A_99 : memref<10112x128xf32, #tpu.memory_space<vmem_shared>>) offsets(%dma_start3A_96 : memref<80xi32, #tpu.memory_space<vmem>>) semaphore(%run_scoped3A_93 : memref<!tpu.dma_semaphore, #tpu.memory_space<semaphore_mem>>) {add = true}
        %dma_wait3A_100 = arith.constant 0 : i32
        %dma_wait3A_101 = tpu.memref_slice %arg8[%add3A_78, %dma_wait3A_100] : memref<25x80xi32, #tpu.memory_space<vmem>> -> memref<1x80xi32, #tpu.memory_space<vmem>>
        %dma_wait3A_102 = tpu.memref_squeeze %dma_wait3A_101 : memref<1x80xi32, #tpu.memory_space<vmem>> -> memref<80xi32, #tpu.memory_space<vmem>>
        %dma_wait3A_103 = arith.constant 0 : i32
        %dma_wait3A_104 = arith.constant 0 : i32
        %dma_wait3A_105 = tpu.memref_slice %arg12[%dma_wait3A_103, %dma_wait3A_104] : memref<10112x128xf32, #tpu.memory_space<vmem_shared>> -> memref<10112x128xf32, #tpu.memory_space<vmem_shared>>
        tpu.wait_indirect_dma semaphore(%run_scoped3A_93 : memref<!tpu.dma_semaphore, #tpu.memory_space<semaphore_mem>>) src(%arg11 : memref<80x128xf32, #tpu.memory_space<vmem>>) dst(%dma_wait3A_105 : memref<10112x128xf32, #tpu.memory_space<vmem_shared>>)
        tpu.yield
      }) : () -> ()
      %add3A_86 = arith.constant 3 : i32
      %add3A_87 = arith.addi %add3A_78, %add3A_86 : i32
      %lt3A_88 = arith.constant 25 : i32
      %lt3A_89 = arith.cmpi slt, %add3A_87, %lt3A_88 : i32
      %convert_element_type3A_90 = arith.extui %lt3A_89 : i1 to i32
      %cond3A_91 = arith.constant 0 : i32
      %cond3A_92 = arith.cmpi ne, %convert_element_type3A_90, %cond3A_91 : i32
      scf.if %cond3A_92 {
        %add3A_93 = arith.constant 3 : i32
        %add3A_94 = arith.addi %add3A_78, %add3A_93 : i32
        %dma_start3A_95 = arith.constant 0 : i32
        %dma_start3A_96 = tpu.memref_slice %arg7[%add3A_94, %dma_start3A_95] : memref<25x80xi32, #tpu.memory_space<vmem>> -> memref<1x80xi32, #tpu.memory_space<vmem>>
        %dma_start3A_97 = tpu.memref_squeeze %dma_start3A_96 : memref<1x80xi32, #tpu.memory_space<vmem>> -> memref<80xi32, #tpu.memory_space<vmem>>
        %dma_start3A_98 = arith.constant 0 : i32
        %dma_start3A_99 = arith.constant 0 : i32
        %dma_start3A_100 = tpu.memref_slice %arg2[%dma_start3A_98, %dma_start3A_99] : memref<10000x128xf32, #tpu.memory_space<hbm>> -> memref<10000x128xf32, #tpu.memory_space<hbm>>
        tpu.enqueue_indirect_dma source(%dma_start3A_100 : memref<10000x128xf32, #tpu.memory_space<hbm>>) target(%arg11 : memref<80x128xf32, #tpu.memory_space<vmem>>) offsets(%dma_start3A_97 : memref<80xi32, #tpu.memory_space<vmem>>) semaphore(%arg15 : memref<!tpu.dma_semaphore, #tpu.memory_space<semaphore_mem>>)
      } else {
      }
    }
    %scan3A_31 = arith.constant 8 : i32
    %dma_wait3A_32 = arith.constant 0 : i32
    %dma_wait3A_33 = arith.constant 0 : i32
    %dma_wait3A_34 = tpu.memref_slice %arg7[%dma_wait3A_32, %dma_wait3A_33] : memref<25x80xi32, #tpu.memory_space<vmem>> -> memref<1x80xi32, #tpu.memory_space<vmem>>
    %dma_wait3A_35 = tpu.memref_squeeze %dma_wait3A_34 : memref<1x80xi32, #tpu.memory_space<vmem>> -> memref<80xi32, #tpu.memory_space<vmem>>
    %dma_wait3A_36 = arith.constant 0 : i32
    %dma_wait3A_37 = arith.constant 0 : i32
    %dma_wait3A_38 = tpu.memref_slice %arg2[%dma_wait3A_36, %dma_wait3A_37] : memref<10000x128xf32, #tpu.memory_space<hbm>> -> memref<10000x128xf32, #tpu.memory_space<hbm>>
    tpu.wait_indirect_dma semaphore(%arg13 : memref<!tpu.dma_semaphore, #tpu.memory_space<semaphore_mem>>) src(%dma_wait3A_38 : memref<10000x128xf32, #tpu.memory_space<hbm>>) dst(%arg9 : memref<80x128xf32, #tpu.memory_space<vmem>>)
    %run_scoped3A_39 = arith.constant 24 : i32
    "tpu.region"() ({
      %run_scoped3A_47 = tpu.sem_alloc : memref<!tpu.dma_semaphore, #tpu.memory_space<semaphore_mem>>
      %dma_start3A_48 = arith.constant 0 : i32
      %dma_start3A_49 = tpu.memref_slice %arg8[%run_scoped3A_39, %dma_start3A_48] : memref<25x80xi32, #tpu.memory_space<vmem>> -> memref<1x80xi32, #tpu.memory_space<vmem>>
      %dma_start3A_50 = tpu.memref_squeeze %dma_start3A_49 : memref<1x80xi32, #tpu.memory_space<vmem>> -> memref<80xi32, #tpu.memory_space<vmem>>
      %dma_start3A_51 = arith.constant 0 : i32
      %dma_start3A_52 = arith.constant 0 : i32
      %dma_start3A_53 = tpu.memref_slice %arg12[%dma_start3A_51, %dma_start3A_52] : memref<10112x128xf32, #tpu.memory_space<vmem_shared>> -> memref<10112x128xf32, #tpu.memory_space<vmem_shared>>
      tpu.enqueue_indirect_dma source(%arg9 : memref<80x128xf32, #tpu.memory_space<vmem>>) target(%dma_start3A_53 : memref<10112x128xf32, #tpu.memory_space<vmem_shared>>) offsets(%dma_start3A_50 : memref<80xi32, #tpu.memory_space<vmem>>) semaphore(%run_scoped3A_47 : memref<!tpu.dma_semaphore, #tpu.memory_space<semaphore_mem>>) {add = true}
      %dma_wait3A_54 = arith.constant 0 : i32
      %dma_wait3A_55 = tpu.memref_slice %arg8[%run_scoped3A_39, %dma_wait3A_54] : memref<25x80xi32, #tpu.memory_space<vmem>> -> memref<1x80xi32, #tpu.memory_space<vmem>>
      %dma_wait3A_56 = tpu.memref_squeeze %dma_wait3A_55 : memref<1x80xi32, #tpu.memory_space<vmem>> -> memref<80xi32, #tpu.memory_space<vmem>>
      %dma_wait3A_57 = arith.constant 0 : i32
      %dma_wait3A_58 = arith.constant 0 : i32
      %dma_wait3A_59 = tpu.memref_slice %arg12[%dma_wait3A_57, %dma_wait3A_58] : memref<10112x128xf32, #tpu.memory_space<vmem_shared>> -> memref<10112x128xf32, #tpu.memory_space<vmem_shared>>
      tpu.wait_indirect_dma semaphore(%run_scoped3A_47 : memref<!tpu.dma_semaphore, #tpu.memory_space<semaphore_mem>>) src(%arg9 : memref<80x128xf32, #tpu.memory_space<vmem>>) dst(%dma_wait3A_59 : memref<10112x128xf32, #tpu.memory_space<vmem_shared>>)
      tpu.yield
    }) : () -> ()
    %scan3A_40 = arith.constant 0 : i32
    %scan3A_41 = arith.constant 1 : i32
    %scan3A_42 = arith.constant 4 : i32
    %scan3A_43 = arith.addi %scan3A_41, %scan3A_42 : i32
    %scan3A_44 = arith.constant 1 : i32
    scf.for %scan3A_47 = %scan3A_41 to %scan3A_43 step %scan3A_44  : i32 {
      "tpu.region"() ({
        %run_scoped3A_83 = tpu.sem_alloc : memref<!tpu.dma_semaphore, #tpu.memory_space<semaphore_mem>>
        %dma_start3A_84 = arith.constant 0 : i32
        %dma_start3A_85 = arith.constant 0 : i32
        %dma_start3A_86 = tpu.memref_slice %arg3[%add3A, %scan3A_47, %dma_start3A_84, %dma_start3A_85] : memref<32x5x25x80xi32, #tpu.memory_space<hbm>> -> memref<1x1x25x80xi32, #tpu.memory_space<hbm>>
        %dma_start3A_87 = tpu.memref_squeeze %dma_start3A_86 : memref<1x1x25x80xi32, #tpu.memory_space<hbm>> -> memref<25x80xi32, #tpu.memory_space<hbm>>
        %dma_start3A_88 = arith.constant 0 : i32
        %dma_start3A_89 = arith.constant 0 : i32
        %dma_start3A_90 = tpu.memref_slice %arg3[%add3A, %scan3A_47, %dma_start3A_88, %dma_start3A_89] : memref<32x5x25x80xi32, #tpu.memory_space<hbm>> -> memref<1x1x25x80xi32, #tpu.memory_space<hbm>>
        %dma_start3A_91 = tpu.memref_squeeze %dma_start3A_90 : memref<1x1x25x80xi32, #tpu.memory_space<hbm>> -> memref<25x80xi32, #tpu.memory_space<hbm>>
        tpu.enqueue_dma source(%dma_start3A_91 : memref<25x80xi32, #tpu.memory_space<hbm>>) target(%arg7 : memref<25x80xi32, #tpu.memory_space<vmem>>) target_semaphore(%run_scoped3A_83 : memref<!tpu.dma_semaphore, #tpu.memory_space<semaphore_mem>>)
        %dma_wait3A_92 = arith.constant 0 : i32
        %dma_wait3A_93 = arith.constant 0 : i32
        %dma_wait3A_94 = tpu.memref_slice %arg3[%add3A, %scan3A_47, %dma_wait3A_92, %dma_wait3A_93] : memref<32x5x25x80xi32, #tpu.memory_space<hbm>> -> memref<1x1x25x80xi32, #tpu.memory_space<hbm>>
        %dma_wait3A_95 = tpu.memref_squeeze %dma_wait3A_94 : memref<1x1x25x80xi32, #tpu.memory_space<hbm>> -> memref<25x80xi32, #tpu.memory_space<hbm>>
        %dma_wait3A_96 = arith.constant 0 : i32
        %dma_wait3A_97 = arith.constant 0 : i32
        %dma_wait3A_98 = tpu.memref_slice %arg3[%add3A, %scan3A_47, %dma_wait3A_96, %dma_wait3A_97] : memref<32x5x25x80xi32, #tpu.memory_space<hbm>> -> memref<1x1x25x80xi32, #tpu.memory_space<hbm>>
        %dma_wait3A_99 = tpu.memref_squeeze %dma_wait3A_98 : memref<1x1x25x80xi32, #tpu.memory_space<hbm>> -> memref<25x80xi32, #tpu.memory_space<hbm>>
        tpu.wait_dma2 semaphore(%run_scoped3A_83 : memref<!tpu.dma_semaphore, #tpu.memory_space<semaphore_mem>>) src(%dma_wait3A_99 : memref<25x80xi32, #tpu.memory_space<hbm>>) dst(%arg7 : memref<25x80xi32, #tpu.memory_space<vmem>>)
        tpu.yield
      }) : () -> ()
      "tpu.region"() ({
        %run_scoped3A_83 = tpu.sem_alloc : memref<!tpu.dma_semaphore, #tpu.memory_space<semaphore_mem>>
        %dma_start3A_84 = arith.constant 0 : i32
        %dma_start3A_85 = arith.constant 0 : i32
        %dma_start3A_86 = tpu.memref_slice %arg4[%add3A, %scan3A_47, %dma_start3A_84, %dma_start3A_85] : memref<32x5x25x80xi32, #tpu.memory_space<hbm>> -> memref<1x1x25x80xi32, #tpu.memory_space<hbm>>
        %dma_start3A_87 = tpu.memref_squeeze %dma_start3A_86 : memref<1x1x25x80xi32, #tpu.memory_space<hbm>> -> memref<25x80xi32, #tpu.memory_space<hbm>>
        %dma_start3A_88 = arith.constant 0 : i32
        %dma_start3A_89 = arith.constant 0 : i32
        %dma_start3A_90 = tpu.memref_slice %arg4[%add3A, %scan3A_47, %dma_start3A_88, %dma_start3A_89] : memref<32x5x25x80xi32, #tpu.memory_space<hbm>> -> memref<1x1x25x80xi32, #tpu.memory_space<hbm>>
        %dma_start3A_91 = tpu.memref_squeeze %dma_start3A_90 : memref<1x1x25x80xi32, #tpu.memory_space<hbm>> -> memref<25x80xi32, #tpu.memory_space<hbm>>
        tpu.enqueue_dma source(%dma_start3A_91 : memref<25x80xi32, #tpu.memory_space<hbm>>) target(%arg8 : memref<25x80xi32, #tpu.memory_space<vmem>>) target_semaphore(%run_scoped3A_83 : memref<!tpu.dma_semaphore, #tpu.memory_space<semaphore_mem>>)
        %dma_wait3A_92 = arith.constant 0 : i32
        %dma_wait3A_93 = arith.constant 0 : i32
        %dma_wait3A_94 = tpu.memref_slice %arg4[%add3A, %scan3A_47, %dma_wait3A_92, %dma_wait3A_93] : memref<32x5x25x80xi32, #tpu.memory_space<hbm>> -> memref<1x1x25x80xi32, #tpu.memory_space<hbm>>
        %dma_wait3A_95 = tpu.memref_squeeze %dma_wait3A_94 : memref<1x1x25x80xi32, #tpu.memory_space<hbm>> -> memref<25x80xi32, #tpu.memory_space<hbm>>
        %dma_wait3A_96 = arith.constant 0 : i32
        %dma_wait3A_97 = arith.constant 0 : i32
        %dma_wait3A_98 = tpu.memref_slice %arg4[%add3A, %scan3A_47, %dma_wait3A_96, %dma_wait3A_97] : memref<32x5x25x80xi32, #tpu.memory_space<hbm>> -> memref<1x1x25x80xi32, #tpu.memory_space<hbm>>
        %dma_wait3A_99 = tpu.memref_squeeze %dma_wait3A_98 : memref<1x1x25x80xi32, #tpu.memory_space<hbm>> -> memref<25x80xi32, #tpu.memory_space<hbm>>
        tpu.wait_dma2 semaphore(%run_scoped3A_83 : memref<!tpu.dma_semaphore, #tpu.memory_space<semaphore_mem>>) src(%dma_wait3A_99 : memref<25x80xi32, #tpu.memory_space<hbm>>) dst(%arg8 : memref<25x80xi32, #tpu.memory_space<vmem>>)
        tpu.yield
      }) : () -> ()
      %dma_start3A_48 = arith.constant 0 : i32
      %dma_start3A_49 = arith.constant 0 : i32
      %dma_start3A_50 = tpu.memref_slice %arg7[%dma_start3A_48, %dma_start3A_49] : memref<25x80xi32, #tpu.memory_space<vmem>> -> memref<1x80xi32, #tpu.memory_space<vmem>>
      %dma_start3A_51 = tpu.memref_squeeze %dma_start3A_50 : memref<1x80xi32, #tpu.memory_space<vmem>> -> memref<80xi32, #tpu.memory_space<vmem>>
      %dma_start3A_52 = arith.constant 0 : i32
      %dma_start3A_53 = arith.constant 0 : i32
      %dma_start3A_54 = tpu.memref_slice %arg2[%dma_start3A_52, %dma_start3A_53] : memref<10000x128xf32, #tpu.memory_space<hbm>> -> memref<10000x128xf32, #tpu.memory_space<hbm>>
      tpu.enqueue_indirect_dma source(%dma_start3A_54 : memref<10000x128xf32, #tpu.memory_space<hbm>>) target(%arg9 : memref<80x128xf32, #tpu.memory_space<vmem>>) offsets(%dma_start3A_51 : memref<80xi32, #tpu.memory_space<vmem>>) semaphore(%arg13 : memref<!tpu.dma_semaphore, #tpu.memory_space<semaphore_mem>>)
      %dma_start3A_55 = arith.constant 1 : i32
      %dma_start3A_56 = arith.constant 0 : i32
      %dma_start3A_57 = tpu.memref_slice %arg7[%dma_start3A_55, %dma_start3A_56] : memref<25x80xi32, #tpu.memory_space<vmem>> -> memref<1x80xi32, #tpu.memory_space<vmem>>
      %dma_start3A_58 = tpu.memref_squeeze %dma_start3A_57 : memref<1x80xi32, #tpu.memory_space<vmem>> -> memref<80xi32, #tpu.memory_space<vmem>>
      %dma_start3A_59 = arith.constant 0 : i32
      %dma_start3A_60 = arith.constant 0 : i32
      %dma_start3A_61 = tpu.memref_slice %arg2[%dma_start3A_59, %dma_start3A_60] : memref<10000x128xf32, #tpu.memory_space<hbm>> -> memref<10000x128xf32, #tpu.memory_space<hbm>>
      tpu.enqueue_indirect_dma source(%dma_start3A_61 : memref<10000x128xf32, #tpu.memory_space<hbm>>) target(%arg10 : memref<80x128xf32, #tpu.memory_space<vmem>>) offsets(%dma_start3A_58 : memref<80xi32, #tpu.memory_space<vmem>>) semaphore(%arg14 : memref<!tpu.dma_semaphore, #tpu.memory_space<semaphore_mem>>)
      %dma_start3A_62 = arith.constant 2 : i32
      %dma_start3A_63 = arith.constant 0 : i32
      %dma_start3A_64 = tpu.memref_slice %arg7[%dma_start3A_62, %dma_start3A_63] : memref<25x80xi32, #tpu.memory_space<vmem>> -> memref<1x80xi32, #tpu.memory_space<vmem>>
      %dma_start3A_65 = tpu.memref_squeeze %dma_start3A_64 : memref<1x80xi32, #tpu.memory_space<vmem>> -> memref<80xi32, #tpu.memory_space<vmem>>
      %dma_start3A_66 = arith.constant 0 : i32
      %dma_start3A_67 = arith.constant 0 : i32
      %dma_start3A_68 = tpu.memref_slice %arg2[%dma_start3A_66, %dma_start3A_67] : memref<10000x128xf32, #tpu.memory_space<hbm>> -> memref<10000x128xf32, #tpu.memory_space<hbm>>
      tpu.enqueue_indirect_dma source(%dma_start3A_68 : memref<10000x128xf32, #tpu.memory_space<hbm>>) target(%arg11 : memref<80x128xf32, #tpu.memory_space<vmem>>) offsets(%dma_start3A_65 : memref<80xi32, #tpu.memory_space<vmem>>) semaphore(%arg15 : memref<!tpu.dma_semaphore, #tpu.memory_space<semaphore_mem>>)
      %scan3A_69 = arith.constant 0 : i32
      %scan3A_70 = arith.constant 0 : i32
      %scan3A_71 = arith.constant 8 : i32
      %scan3A_72 = arith.addi %scan3A_70, %scan3A_71 : i32
      %scan3A_73 = arith.constant 1 : i32
      scf.for %scan3A_83 = %scan3A_70 to %scan3A_72 step %scan3A_73  : i32 {
        %mul3A_84 = arith.constant 3 : i32
        %mul3A_85 = arith.muli %mul3A_84, %scan3A_83 : i32
        %dma_wait3A_86 = arith.constant 0 : i32
        %dma_wait3A_87 = arith.constant 0 : i32
        %dma_wait3A_88 = tpu.memref_slice %arg7[%dma_wait3A_86, %dma_wait3A_87] : memref<25x80xi32, #tpu.memory_space<vmem>> -> memref<1x80xi32, #tpu.memory_space<vmem>>
        %dma_wait3A_89 = tpu.memref_squeeze %dma_wait3A_88 : memref<1x80xi32, #tpu.memory_space<vmem>> -> memref<80xi32, #tpu.memory_space<vmem>>
        %dma_wait3A_90 = arith.constant 0 : i32
        %dma_wait3A_91 = arith.constant 0 : i32
        %dma_wait3A_92 = tpu.memref_slice %arg2[%dma_wait3A_90, %dma_wait3A_91] : memref<10000x128xf32, #tpu.memory_space<hbm>> -> memref<10000x128xf32, #tpu.memory_space<hbm>>
        tpu.wait_indirect_dma semaphore(%arg13 : memref<!tpu.dma_semaphore, #tpu.memory_space<semaphore_mem>>) src(%dma_wait3A_92 : memref<10000x128xf32, #tpu.memory_space<hbm>>) dst(%arg9 : memref<80x128xf32, #tpu.memory_space<vmem>>)
        "tpu.region"() ({
          %run_scoped3A_129 = tpu.sem_alloc : memref<!tpu.dma_semaphore, #tpu.memory_space<semaphore_mem>>
          %dma_start3A_130 = arith.constant 0 : i32
          %dma_start3A_131 = tpu.memref_slice %arg8[%mul3A_85, %dma_start3A_130] : memref<25x80xi32, #tpu.memory_space<vmem>> -> memref<1x80xi32, #tpu.memory_space<vmem>>
          %dma_start3A_132 = tpu.memref_squeeze %dma_start3A_131 : memref<1x80xi32, #tpu.memory_space<vmem>> -> memref<80xi32, #tpu.memory_space<vmem>>
          %dma_start3A_133 = arith.constant 0 : i32
          %dma_start3A_134 = arith.constant 0 : i32
          %dma_start3A_135 = tpu.memref_slice %arg12[%dma_start3A_133, %dma_start3A_134] : memref<10112x128xf32, #tpu.memory_space<vmem_shared>> -> memref<10112x128xf32, #tpu.memory_space<vmem_shared>>
          tpu.enqueue_indirect_dma source(%arg9 : memref<80x128xf32, #tpu.memory_space<vmem>>) target(%dma_start3A_135 : memref<10112x128xf32, #tpu.memory_space<vmem_shared>>) offsets(%dma_start3A_132 : memref<80xi32, #tpu.memory_space<vmem>>) semaphore(%run_scoped3A_129 : memref<!tpu.dma_semaphore, #tpu.memory_space<semaphore_mem>>) {add = true}
          %dma_wait3A_136 = arith.constant 0 : i32
          %dma_wait3A_137 = tpu.memref_slice %arg8[%mul3A_85, %dma_wait3A_136] : memref<25x80xi32, #tpu.memory_space<vmem>> -> memref<1x80xi32, #tpu.memory_space<vmem>>
          %dma_wait3A_138 = tpu.memref_squeeze %dma_wait3A_137 : memref<1x80xi32, #tpu.memory_space<vmem>> -> memref<80xi32, #tpu.memory_space<vmem>>
          %dma_wait3A_139 = arith.constant 0 : i32
          %dma_wait3A_140 = arith.constant 0 : i32
          %dma_wait3A_141 = tpu.memref_slice %arg12[%dma_wait3A_139, %dma_wait3A_140] : memref<10112x128xf32, #tpu.memory_space<vmem_shared>> -> memref<10112x128xf32, #tpu.memory_space<vmem_shared>>
          tpu.wait_indirect_dma semaphore(%run_scoped3A_129 : memref<!tpu.dma_semaphore, #tpu.memory_space<semaphore_mem>>) src(%arg9 : memref<80x128xf32, #tpu.memory_space<vmem>>) dst(%dma_wait3A_141 : memref<10112x128xf32, #tpu.memory_space<vmem_shared>>)
          tpu.yield
        }) : () -> ()
        %add3A_93 = arith.constant 3 : i32
        %add3A_94 = arith.addi %mul3A_85, %add3A_93 : i32
        %lt3A = arith.constant 25 : i32
        %lt3A_95 = arith.cmpi slt, %add3A_94, %lt3A : i32
        %convert_element_type3A = arith.extui %lt3A_95 : i1 to i32
        %cond3A = arith.constant 0 : i32
        %cond3A_96 = arith.cmpi ne, %convert_element_type3A, %cond3A : i32
        scf.if %cond3A_96 {
          %add3A_129 = arith.constant 3 : i32
          %add3A_130 = arith.addi %mul3A_85, %add3A_129 : i32
          %dma_start3A_131 = arith.constant 0 : i32
          %dma_start3A_132 = tpu.memref_slice %arg7[%add3A_130, %dma_start3A_131] : memref<25x80xi32, #tpu.memory_space<vmem>> -> memref<1x80xi32, #tpu.memory_space<vmem>>
          %dma_start3A_133 = tpu.memref_squeeze %dma_start3A_132 : memref<1x80xi32, #tpu.memory_space<vmem>> -> memref<80xi32, #tpu.memory_space<vmem>>
          %dma_start3A_134 = arith.constant 0 : i32
          %dma_start3A_135 = arith.constant 0 : i32
          %dma_start3A_136 = tpu.memref_slice %arg2[%dma_start3A_134, %dma_start3A_135] : memref<10000x128xf32, #tpu.memory_space<hbm>> -> memref<10000x128xf32, #tpu.memory_space<hbm>>
          tpu.enqueue_indirect_dma source(%dma_start3A_136 : memref<10000x128xf32, #tpu.memory_space<hbm>>) target(%arg9 : memref<80x128xf32, #tpu.memory_space<vmem>>) offsets(%dma_start3A_133 : memref<80xi32, #tpu.memory_space<vmem>>) semaphore(%arg13 : memref<!tpu.dma_semaphore, #tpu.memory_space<semaphore_mem>>)
        } else {
        }
        %add3A_97 = arith.constant 1 : i32
        %add3A_98 = arith.addi %mul3A_85, %add3A_97 : i32
        %dma_wait3A_99 = arith.constant 0 : i32
        %dma_wait3A_100 = arith.constant 0 : i32
        %dma_wait3A_101 = tpu.memref_slice %arg7[%dma_wait3A_99, %dma_wait3A_100] : memref<25x80xi32, #tpu.memory_space<vmem>> -> memref<1x80xi32, #tpu.memory_space<vmem>>
        %dma_wait3A_102 = tpu.memref_squeeze %dma_wait3A_101 : memref<1x80xi32, #tpu.memory_space<vmem>> -> memref<80xi32, #tpu.memory_space<vmem>>
        %dma_wait3A_103 = arith.constant 0 : i32
        %dma_wait3A_104 = arith.constant 0 : i32
        %dma_wait3A_105 = tpu.memref_slice %arg2[%dma_wait3A_103, %dma_wait3A_104] : memref<10000x128xf32, #tpu.memory_space<hbm>> -> memref<10000x128xf32, #tpu.memory_space<hbm>>
        tpu.wait_indirect_dma semaphore(%arg14 : memref<!tpu.dma_semaphore, #tpu.memory_space<semaphore_mem>>) src(%dma_wait3A_105 : memref<10000x128xf32, #tpu.memory_space<hbm>>) dst(%arg10 : memref<80x128xf32, #tpu.memory_space<vmem>>)
        "tpu.region"() ({
          %run_scoped3A_129 = tpu.sem_alloc : memref<!tpu.dma_semaphore, #tpu.memory_space<semaphore_mem>>
          %dma_start3A_130 = arith.constant 0 : i32
          %dma_start3A_131 = tpu.memref_slice %arg8[%add3A_98, %dma_start3A_130] : memref<25x80xi32, #tpu.memory_space<vmem>> -> memref<1x80xi32, #tpu.memory_space<vmem>>
          %dma_start3A_132 = tpu.memref_squeeze %dma_start3A_131 : memref<1x80xi32, #tpu.memory_space<vmem>> -> memref<80xi32, #tpu.memory_space<vmem>>
          %dma_start3A_133 = arith.constant 0 : i32
          %dma_start3A_134 = arith.constant 0 : i32
          %dma_start3A_135 = tpu.memref_slice %arg12[%dma_start3A_133, %dma_start3A_134] : memref<10112x128xf32, #tpu.memory_space<vmem_shared>> -> memref<10112x128xf32, #tpu.memory_space<vmem_shared>>
          tpu.enqueue_indirect_dma source(%arg10 : memref<80x128xf32, #tpu.memory_space<vmem>>) target(%dma_start3A_135 : memref<10112x128xf32, #tpu.memory_space<vmem_shared>>) offsets(%dma_start3A_132 : memref<80xi32, #tpu.memory_space<vmem>>) semaphore(%run_scoped3A_129 : memref<!tpu.dma_semaphore, #tpu.memory_space<semaphore_mem>>) {add = true}
          %dma_wait3A_136 = arith.constant 0 : i32
          %dma_wait3A_137 = tpu.memref_slice %arg8[%add3A_98, %dma_wait3A_136] : memref<25x80xi32, #tpu.memory_space<vmem>> -> memref<1x80xi32, #tpu.memory_space<vmem>>
          %dma_wait3A_138 = tpu.memref_squeeze %dma_wait3A_137 : memref<1x80xi32, #tpu.memory_space<vmem>> -> memref<80xi32, #tpu.memory_space<vmem>>
          %dma_wait3A_139 = arith.constant 0 : i32
          %dma_wait3A_140 = arith.constant 0 : i32
          %dma_wait3A_141 = tpu.memref_slice %arg12[%dma_wait3A_139, %dma_wait3A_140] : memref<10112x128xf32, #tpu.memory_space<vmem_shared>> -> memref<10112x128xf32, #tpu.memory_space<vmem_shared>>
          tpu.wait_indirect_dma semaphore(%run_scoped3A_129 : memref<!tpu.dma_semaphore, #tpu.memory_space<semaphore_mem>>) src(%arg10 : memref<80x128xf32, #tpu.memory_space<vmem>>) dst(%dma_wait3A_141 : memref<10112x128xf32, #tpu.memory_space<vmem_shared>>)
          tpu.yield
        }) : () -> ()
        %add3A_106 = arith.constant 3 : i32
        %add3A_107 = arith.addi %add3A_98, %add3A_106 : i32
        %lt3A_108 = arith.constant 25 : i32
        %lt3A_109 = arith.cmpi slt, %add3A_107, %lt3A_108 : i32
        %convert_element_type3A_110 = arith.extui %lt3A_109 : i1 to i32
        %cond3A_111 = arith.constant 0 : i32
        %cond3A_112 = arith.cmpi ne, %convert_element_type3A_110, %cond3A_111 : i32
        scf.if %cond3A_112 {
          %add3A_129 = arith.constant 3 : i32
          %add3A_130 = arith.addi %add3A_98, %add3A_129 : i32
          %dma_start3A_131 = arith.constant 0 : i32
          %dma_start3A_132 = tpu.memref_slice %arg7[%add3A_130, %dma_start3A_131] : memref<25x80xi32, #tpu.memory_space<vmem>> -> memref<1x80xi32, #tpu.memory_space<vmem>>
          %dma_start3A_133 = tpu.memref_squeeze %dma_start3A_132 : memref<1x80xi32, #tpu.memory_space<vmem>> -> memref<80xi32, #tpu.memory_space<vmem>>
          %dma_start3A_134 = arith.constant 0 : i32
          %dma_start3A_135 = arith.constant 0 : i32
          %dma_start3A_136 = tpu.memref_slice %arg2[%dma_start3A_134, %dma_start3A_135] : memref<10000x128xf32, #tpu.memory_space<hbm>> -> memref<10000x128xf32, #tpu.memory_space<hbm>>
          tpu.enqueue_indirect_dma source(%dma_start3A_136 : memref<10000x128xf32, #tpu.memory_space<hbm>>) target(%arg10 : memref<80x128xf32, #tpu.memory_space<vmem>>) offsets(%dma_start3A_133 : memref<80xi32, #tpu.memory_space<vmem>>) semaphore(%arg14 : memref<!tpu.dma_semaphore, #tpu.memory_space<semaphore_mem>>)
        } else {
        }
        %add3A_113 = arith.constant 2 : i32
        %add3A_114 = arith.addi %mul3A_85, %add3A_113 : i32
        %dma_wait3A_115 = arith.constant 0 : i32
        %dma_wait3A_116 = arith.constant 0 : i32
        %dma_wait3A_117 = tpu.memref_slice %arg7[%dma_wait3A_115, %dma_wait3A_116] : memref<25x80xi32, #tpu.memory_space<vmem>> -> memref<1x80xi32, #tpu.memory_space<vmem>>
        %dma_wait3A_118 = tpu.memref_squeeze %dma_wait3A_117 : memref<1x80xi32, #tpu.memory_space<vmem>> -> memref<80xi32, #tpu.memory_space<vmem>>
        %dma_wait3A_119 = arith.constant 0 : i32
        %dma_wait3A_120 = arith.constant 0 : i32
        %dma_wait3A_121 = tpu.memref_slice %arg2[%dma_wait3A_119, %dma_wait3A_120] : memref<10000x128xf32, #tpu.memory_space<hbm>> -> memref<10000x128xf32, #tpu.memory_space<hbm>>
        tpu.wait_indirect_dma semaphore(%arg15 : memref<!tpu.dma_semaphore, #tpu.memory_space<semaphore_mem>>) src(%dma_wait3A_121 : memref<10000x128xf32, #tpu.memory_space<hbm>>) dst(%arg11 : memref<80x128xf32, #tpu.memory_space<vmem>>)
        "tpu.region"() ({
          %run_scoped3A_129 = tpu.sem_alloc : memref<!tpu.dma_semaphore, #tpu.memory_space<semaphore_mem>>
          %dma_start3A_130 = arith.constant 0 : i32
          %dma_start3A_131 = tpu.memref_slice %arg8[%add3A_114, %dma_start3A_130] : memref<25x80xi32, #tpu.memory_space<vmem>> -> memref<1x80xi32, #tpu.memory_space<vmem>>
          %dma_start3A_132 = tpu.memref_squeeze %dma_start3A_131 : memref<1x80xi32, #tpu.memory_space<vmem>> -> memref<80xi32, #tpu.memory_space<vmem>>
          %dma_start3A_133 = arith.constant 0 : i32
          %dma_start3A_134 = arith.constant 0 : i32
          %dma_start3A_135 = tpu.memref_slice %arg12[%dma_start3A_133, %dma_start3A_134] : memref<10112x128xf32, #tpu.memory_space<vmem_shared>> -> memref<10112x128xf32, #tpu.memory_space<vmem_shared>>
          tpu.enqueue_indirect_dma source(%arg11 : memref<80x128xf32, #tpu.memory_space<vmem>>) target(%dma_start3A_135 : memref<10112x128xf32, #tpu.memory_space<vmem_shared>>) offsets(%dma_start3A_132 : memref<80xi32, #tpu.memory_space<vmem>>) semaphore(%run_scoped3A_129 : memref<!tpu.dma_semaphore, #tpu.memory_space<semaphore_mem>>) {add = true}
          %dma_wait3A_136 = arith.constant 0 : i32
          %dma_wait3A_137 = tpu.memref_slice %arg8[%add3A_114, %dma_wait3A_136] : memref<25x80xi32, #tpu.memory_space<vmem>> -> memref<1x80xi32, #tpu.memory_space<vmem>>
          %dma_wait3A_138 = tpu.memref_squeeze %dma_wait3A_137 : memref<1x80xi32, #tpu.memory_space<vmem>> -> memref<80xi32, #tpu.memory_space<vmem>>
          %dma_wait3A_139 = arith.constant 0 : i32
          %dma_wait3A_140 = arith.constant 0 : i32
          %dma_wait3A_141 = tpu.memref_slice %arg12[%dma_wait3A_139, %dma_wait3A_140] : memref<10112x128xf32, #tpu.memory_space<vmem_shared>> -> memref<10112x128xf32, #tpu.memory_space<vmem_shared>>
          tpu.wait_indirect_dma semaphore(%run_scoped3A_129 : memref<!tpu.dma_semaphore, #tpu.memory_space<semaphore_mem>>) src(%arg11 : memref<80x128xf32, #tpu.memory_space<vmem>>) dst(%dma_wait3A_141 : memref<10112x128xf32, #tpu.memory_space<vmem_shared>>)
          tpu.yield
        }) : () -> ()
        %add3A_122 = arith.constant 3 : i32
        %add3A_123 = arith.addi %add3A_114, %add3A_122 : i32
        %lt3A_124 = arith.constant 25 : i32
        %lt3A_125 = arith.cmpi slt, %add3A_123, %lt3A_124 : i32
        %convert_element_type3A_126 = arith.extui %lt3A_125 : i1 to i32
        %cond3A_127 = arith.constant 0 : i32
        %cond3A_128 = arith.cmpi ne, %convert_element_type3A_126, %cond3A_127 : i32
        scf.if %cond3A_128 {
          %add3A_129 = arith.constant 3 : i32
          %add3A_130 = arith.addi %add3A_114, %add3A_129 : i32
          %dma_start3A_131 = arith.constant 0 : i32
          %dma_start3A_132 = tpu.memref_slice %arg7[%add3A_130, %dma_start3A_131] : memref<25x80xi32, #tpu.memory_space<vmem>> -> memref<1x80xi32, #tpu.memory_space<vmem>>
          %dma_start3A_133 = tpu.memref_squeeze %dma_start3A_132 : memref<1x80xi32, #tpu.memory_space<vmem>> -> memref<80xi32, #tpu.memory_space<vmem>>
          %dma_start3A_134 = arith.constant 0 : i32
          %dma_start3A_135 = arith.constant 0 : i32
          %dma_start3A_136 = tpu.memref_slice %arg2[%dma_start3A_134, %dma_start3A_135] : memref<10000x128xf32, #tpu.memory_space<hbm>> -> memref<10000x128xf32, #tpu.memory_space<hbm>>
          tpu.enqueue_indirect_dma source(%dma_start3A_136 : memref<10000x128xf32, #tpu.memory_space<hbm>>) target(%arg11 : memref<80x128xf32, #tpu.memory_space<vmem>>) offsets(%dma_start3A_133 : memref<80xi32, #tpu.memory_space<vmem>>) semaphore(%arg15 : memref<!tpu.dma_semaphore, #tpu.memory_space<semaphore_mem>>)
        } else {
        }
      }
      %scan3A_74 = arith.constant 8 : i32
      %dma_wait3A_75 = arith.constant 0 : i32
      %dma_wait3A_76 = arith.constant 0 : i32
      %dma_wait3A_77 = tpu.memref_slice %arg7[%dma_wait3A_75, %dma_wait3A_76] : memref<25x80xi32, #tpu.memory_space<vmem>> -> memref<1x80xi32, #tpu.memory_space<vmem>>
      %dma_wait3A_78 = tpu.memref_squeeze %dma_wait3A_77 : memref<1x80xi32, #tpu.memory_space<vmem>> -> memref<80xi32, #tpu.memory_space<vmem>>
      %dma_wait3A_79 = arith.constant 0 : i32
      %dma_wait3A_80 = arith.constant 0 : i32
      %dma_wait3A_81 = tpu.memref_slice %arg2[%dma_wait3A_79, %dma_wait3A_80] : memref<10000x128xf32, #tpu.memory_space<hbm>> -> memref<10000x128xf32, #tpu.memory_space<hbm>>
      tpu.wait_indirect_dma semaphore(%arg13 : memref<!tpu.dma_semaphore, #tpu.memory_space<semaphore_mem>>) src(%dma_wait3A_81 : memref<10000x128xf32, #tpu.memory_space<hbm>>) dst(%arg9 : memref<80x128xf32, #tpu.memory_space<vmem>>)
      %run_scoped3A_82 = arith.constant 24 : i32
      "tpu.region"() ({
        %run_scoped3A_83 = tpu.sem_alloc : memref<!tpu.dma_semaphore, #tpu.memory_space<semaphore_mem>>
        %dma_start3A_84 = arith.constant 0 : i32
        %dma_start3A_85 = tpu.memref_slice %arg8[%run_scoped3A_82, %dma_start3A_84] : memref<25x80xi32, #tpu.memory_space<vmem>> -> memref<1x80xi32, #tpu.memory_space<vmem>>
        %dma_start3A_86 = tpu.memref_squeeze %dma_start3A_85 : memref<1x80xi32, #tpu.memory_space<vmem>> -> memref<80xi32, #tpu.memory_space<vmem>>
        %dma_start3A_87 = arith.constant 0 : i32
        %dma_start3A_88 = arith.constant 0 : i32
        %dma_start3A_89 = tpu.memref_slice %arg12[%dma_start3A_87, %dma_start3A_88] : memref<10112x128xf32, #tpu.memory_space<vmem_shared>> -> memref<10112x128xf32, #tpu.memory_space<vmem_shared>>
        tpu.enqueue_indirect_dma source(%arg9 : memref<80x128xf32, #tpu.memory_space<vmem>>) target(%dma_start3A_89 : memref<10112x128xf32, #tpu.memory_space<vmem_shared>>) offsets(%dma_start3A_86 : memref<80xi32, #tpu.memory_space<vmem>>) semaphore(%run_scoped3A_83 : memref<!tpu.dma_semaphore, #tpu.memory_space<semaphore_mem>>) {add = true}
        %dma_wait3A_90 = arith.constant 0 : i32
        %dma_wait3A_91 = tpu.memref_slice %arg8[%run_scoped3A_82, %dma_wait3A_90] : memref<25x80xi32, #tpu.memory_space<vmem>> -> memref<1x80xi32, #tpu.memory_space<vmem>>
        %dma_wait3A_92 = tpu.memref_squeeze %dma_wait3A_91 : memref<1x80xi32, #tpu.memory_space<vmem>> -> memref<80xi32, #tpu.memory_space<vmem>>
        %dma_wait3A_93 = arith.constant 0 : i32
        %dma_wait3A_94 = arith.constant 0 : i32
        %dma_wait3A_95 = tpu.memref_slice %arg12[%dma_wait3A_93, %dma_wait3A_94] : memref<10112x128xf32, #tpu.memory_space<vmem_shared>> -> memref<10112x128xf32, #tpu.memory_space<vmem_shared>>
        tpu.wait_indirect_dma semaphore(%run_scoped3A_83 : memref<!tpu.dma_semaphore, #tpu.memory_space<semaphore_mem>>) src(%arg9 : memref<80x128xf32, #tpu.memory_space<vmem>>) dst(%dma_wait3A_95 : memref<10112x128xf32, #tpu.memory_space<vmem_shared>>)
        tpu.yield
      }) : () -> ()
    }
    %scan3A_45 = arith.constant 4 : i32
    %barrier3A_46 = arith.constant 0 : index
    tpu.barrier barrier_id(%barrier3A_46)
    "tpu.region"() ({
      %run_scoped3A_47 = tpu.sem_alloc : memref<!tpu.dma_semaphore, #tpu.memory_space<semaphore_mem>>
      %dma_start3A_48 = arith.constant 0 : i32
      %dma_start3A_49 = tpu.memref_slice %arg6[%arg0, %mul3A_2, %dma_start3A_48] : memref<2x10112x128xf32, #tpu.memory_space<hbm>> -> memref<1x632x128xf32, #tpu.memory_space<hbm>>
      %dma_start3A_50 = tpu.memref_squeeze %dma_start3A_49 : memref<1x632x128xf32, #tpu.memory_space<hbm>> -> memref<632x128xf32, #tpu.memory_space<hbm>>
      %dma_start3A_51 = arith.constant 0 : i32
      %dma_start3A_52 = tpu.memref_slice %arg12[%mul3A_2, %dma_start3A_51] : memref<10112x128xf32, #tpu.memory_space<vmem_shared>> -> memref<632x128xf32, #tpu.memory_space<vmem_shared>>
      tpu.enqueue_dma source(%dma_start3A_52 : memref<632x128xf32, #tpu.memory_space<vmem_shared>>) target(%dma_start3A_50 : memref<632x128xf32, #tpu.memory_space<hbm>>) target_semaphore(%run_scoped3A_47 : memref<!tpu.dma_semaphore, #tpu.memory_space<semaphore_mem>>)
      %dma_wait3A_53 = arith.constant 0 : i32
      %dma_wait3A_54 = tpu.memref_slice %arg6[%arg0, %mul3A_2, %dma_wait3A_53] : memref<2x10112x128xf32, #tpu.memory_space<hbm>> -> memref<1x632x128xf32, #tpu.memory_space<hbm>>
      %dma_wait3A_55 = tpu.memref_squeeze %dma_wait3A_54 : memref<1x632x128xf32, #tpu.memory_space<hbm>> -> memref<632x128xf32, #tpu.memory_space<hbm>>
      %dma_wait3A_56 = arith.constant 0 : i32
      %dma_wait3A_57 = tpu.memref_slice %arg12[%mul3A_2, %dma_wait3A_56] : memref<10112x128xf32, #tpu.memory_space<vmem_shared>> -> memref<632x128xf32, #tpu.memory_space<vmem_shared>>
      tpu.wait_dma2 semaphore(%run_scoped3A_47 : memref<!tpu.dma_semaphore, #tpu.memory_space<semaphore_mem>>) src(%dma_wait3A_57 : memref<632x128xf32, #tpu.memory_space<vmem_shared>>) dst(%dma_wait3A_55 : memref<632x128xf32, #tpu.memory_space<hbm>>)
      tpu.yield
    }) : () -> ()
    return
  }
}

#map = affine_map<(d0, d1) -> (0, 0)>
#map1 = affine_map<(d0, d1) -> (0, 0, 0, 0)>
#map2 = affine_map<(d0, d1) -> (0, 0, 0)>
module attributes {stable_mosaic.version = 14 : i64} {
  func.func @agg_kernel(%arg0: i32, %arg1: i32, %arg2: memref<10000x128xf32, #tpu.memory_space<hbm>>, %arg3: memref<32x5x25x80xi32, #tpu.memory_space<hbm>>, %arg4: memref<32x5x25x80xi32, #tpu.memory_space<hbm>>, %arg5: memref<632x128xf32, #tpu.memory_space<hbm>>, %arg6: memref<2x10112x128xf32, #tpu.memory_space<hbm>>, %arg7: memref<25x80xi32, #tpu.memory_space<vmem>>, %arg8: memref<25x80xi32, #tpu.memory_space<vmem>>, %arg9: memref<80x128xf32, #tpu.memory_space<vmem>>, %arg10: memref<80x128xf32, #tpu.memory_space<vmem>>, %arg11: memref<80x128xf32, #tpu.memory_space<vmem>>, %arg12: memref<10112x128xf32, #tpu.memory_space<vmem_shared>>, %arg13: memref<!tpu.dma_semaphore, #tpu.memory_space<semaphore_mem>>, %arg14: memref<!tpu.dma_semaphore, #tpu.memory_space<semaphore_mem>>, %arg15: memref<!tpu.dma_semaphore, #tpu.memory_space<semaphore_mem>>, %arg16: memref<!tpu.dma_semaphore, #tpu.memory_space<semaphore_mem>>) attributes {dimension_semantics = [#tpu.dimension_semantics<core_parallel>, #tpu.dimension_semantics<subcore_parallel>], iteration_bounds = array<i64: 2, 16>, scalar_prefetch = 0 : i64, scratch_operands = 10 : i64, tpu.core_type = #tpu.core_type<sc_vector_subcore>, window_params = [{transform_indices = #map}, {transform_indices = #map1}, {transform_indices = #map1}, {transform_indices = #map}, {transform_indices = #map2}]} {
    %mul3A = arith.constant 16 : i32
    %mul3A_0 = arith.muli %arg0, %mul3A : i32
    %add3A = arith.addi %mul3A_0, %arg1 : i32
    %mul3A_1 = arith.constant 632 : i32
    %mul3A_2 = arith.muli %arg1, %mul3A_1 : i32
    %dma_start3A = arith.constant 0 : i32
    %dma_start3A_3 = tpu.memref_slice %arg12[%mul3A_2, %dma_start3A] : memref<10112x128xf32, #tpu.memory_space<vmem_shared>> -> memref<632x128xf32, #tpu.memory_space<vmem_shared>>
    tpu.enqueue_dma source(%arg5 : memref<632x128xf32, #tpu.memory_space<hbm>>) target(%dma_start3A_3 : memref<632x128xf32, #tpu.memory_space<vmem_shared>>) target_semaphore(%arg16 : memref<!tpu.dma_semaphore, #tpu.memory_space<semaphore_mem>>)
    %run_scoped3A = arith.constant 0 : i32
    "tpu.region"() ({
      %run_scoped3A_47 = tpu.sem_alloc : memref<!tpu.dma_semaphore, #tpu.memory_space<semaphore_mem>>
      %dma_start3A_48 = arith.constant 0 : i32
      %dma_start3A_49 = arith.constant 0 : i32
      %dma_start3A_50 = tpu.memref_slice %arg3[%add3A, %run_scoped3A, %dma_start3A_48, %dma_start3A_49] : memref<32x5x25x80xi32, #tpu.memory_space<hbm>> -> memref<1x1x25x80xi32, #tpu.memory_space<hbm>>
      %dma_start3A_51 = tpu.memref_squeeze %dma_start3A_50 : memref<1x1x25x80xi32, #tpu.memory_space<hbm>> -> memref<25x80xi32, #tpu.memory_space<hbm>>
      %dma_start3A_52 = arith.constant 0 : i32
      %dma_start3A_53 = arith.constant 0 : i32
      %dma_start3A_54 = tpu.memref_slice %arg3[%add3A, %run_scoped3A, %dma_start3A_52, %dma_start3A_53] : memref<32x5x25x80xi32, #tpu.memory_space<hbm>> -> memref<1x1x25x80xi32, #tpu.memory_space<hbm>>
      %dma_start3A_55 = tpu.memref_squeeze %dma_start3A_54 : memref<1x1x25x80xi32, #tpu.memory_space<hbm>> -> memref<25x80xi32, #tpu.memory_space<hbm>>
      tpu.enqueue_dma source(%dma_start3A_55 : memref<25x80xi32, #tpu.memory_space<hbm>>) target(%arg7 : memref<25x80xi32, #tpu.memory_space<vmem>>) target_semaphore(%run_scoped3A_47 : memref<!tpu.dma_semaphore, #tpu.memory_space<semaphore_mem>>)
      %dma_wait3A_56 = arith.constant 0 : i32
      %dma_wait3A_57 = arith.constant 0 : i32
      %dma_wait3A_58 = tpu.memref_slice %arg3[%add3A, %run_scoped3A, %dma_wait3A_56, %dma_wait3A_57] : memref<32x5x25x80xi32, #tpu.memory_space<hbm>> -> memref<1x1x25x80xi32, #tpu.memory_space<hbm>>
      %dma_wait3A_59 = tpu.memref_squeeze %dma_wait3A_58 : memref<1x1x25x80xi32, #tpu.memory_space<hbm>> -> memref<25x80xi32, #tpu.memory_space<hbm>>
      %dma_wait3A_60 = arith.constant 0 : i32
      %dma_wait3A_61 = arith.constant 0 : i32
      %dma_wait3A_62 = tpu.memref_slice %arg3[%add3A, %run_scoped3A, %dma_wait3A_60, %dma_wait3A_61] : memref<32x5x25x80xi32, #tpu.memory_space<hbm>> -> memref<1x1x25x80xi32, #tpu.memory_space<hbm>>
      %dma_wait3A_63 = tpu.memref_squeeze %dma_wait3A_62 : memref<1x1x25x80xi32, #tpu.memory_space<hbm>> -> memref<25x80xi32, #tpu.memory_space<hbm>>
      tpu.wait_dma2 semaphore(%run_scoped3A_47 : memref<!tpu.dma_semaphore, #tpu.memory_space<semaphore_mem>>) src(%dma_wait3A_63 : memref<25x80xi32, #tpu.memory_space<hbm>>) dst(%arg7 : memref<25x80xi32, #tpu.memory_space<vmem>>)
      tpu.yield
    }) : () -> ()
    %run_scoped3A_4 = arith.constant 0 : i32
    "tpu.region"() ({
      %run_scoped3A_47 = tpu.sem_alloc : memref<!tpu.dma_semaphore, #tpu.memory_space<semaphore_mem>>
      %dma_start3A_48 = arith.constant 0 : i32
      %dma_start3A_49 = arith.constant 0 : i32
      %dma_start3A_50 = tpu.memref_slice %arg4[%add3A, %run_scoped3A_4, %dma_start3A_48, %dma_start3A_49] : memref<32x5x25x80xi32, #tpu.memory_space<hbm>> -> memref<1x1x25x80xi32, #tpu.memory_space<hbm>>
      %dma_start3A_51 = tpu.memref_squeeze %dma_start3A_50 : memref<1x1x25x80xi32, #tpu.memory_space<hbm>> -> memref<25x80xi32, #tpu.memory_space<hbm>>
      %dma_start3A_52 = arith.constant 0 : i32
      %dma_start3A_53 = arith.constant 0 : i32
      %dma_start3A_54 = tpu.memref_slice %arg4[%add3A, %run_scoped3A_4, %dma_start3A_52, %dma_start3A_53] : memref<32x5x25x80xi32, #tpu.memory_space<hbm>> -> memref<1x1x25x80xi32, #tpu.memory_space<hbm>>
      %dma_start3A_55 = tpu.memref_squeeze %dma_start3A_54 : memref<1x1x25x80xi32, #tpu.memory_space<hbm>> -> memref<25x80xi32, #tpu.memory_space<hbm>>
      tpu.enqueue_dma source(%dma_start3A_55 : memref<25x80xi32, #tpu.memory_space<hbm>>) target(%arg8 : memref<25x80xi32, #tpu.memory_space<vmem>>) target_semaphore(%run_scoped3A_47 : memref<!tpu.dma_semaphore, #tpu.memory_space<semaphore_mem>>)
      %dma_wait3A_56 = arith.constant 0 : i32
      %dma_wait3A_57 = arith.constant 0 : i32
      %dma_wait3A_58 = tpu.memref_slice %arg4[%add3A, %run_scoped3A_4, %dma_wait3A_56, %dma_wait3A_57] : memref<32x5x25x80xi32, #tpu.memory_space<hbm>> -> memref<1x1x25x80xi32, #tpu.memory_space<hbm>>
      %dma_wait3A_59 = tpu.memref_squeeze %dma_wait3A_58 : memref<1x1x25x80xi32, #tpu.memory_space<hbm>> -> memref<25x80xi32, #tpu.memory_space<hbm>>
      %dma_wait3A_60 = arith.constant 0 : i32
      %dma_wait3A_61 = arith.constant 0 : i32
      %dma_wait3A_62 = tpu.memref_slice %arg4[%add3A, %run_scoped3A_4, %dma_wait3A_60, %dma_wait3A_61] : memref<32x5x25x80xi32, #tpu.memory_space<hbm>> -> memref<1x1x25x80xi32, #tpu.memory_space<hbm>>
      %dma_wait3A_63 = tpu.memref_squeeze %dma_wait3A_62 : memref<1x1x25x80xi32, #tpu.memory_space<hbm>> -> memref<25x80xi32, #tpu.memory_space<hbm>>
      tpu.wait_dma2 semaphore(%run_scoped3A_47 : memref<!tpu.dma_semaphore, #tpu.memory_space<semaphore_mem>>) src(%dma_wait3A_63 : memref<25x80xi32, #tpu.memory_space<hbm>>) dst(%arg8 : memref<25x80xi32, #tpu.memory_space<vmem>>)
      tpu.yield
    }) : () -> ()
    %dma_start3A_5 = arith.constant 0 : i32
    %dma_start3A_6 = arith.constant 0 : i32
    %dma_start3A_7 = tpu.memref_slice %arg7[%dma_start3A_5, %dma_start3A_6] : memref<25x80xi32, #tpu.memory_space<vmem>> -> memref<1x80xi32, #tpu.memory_space<vmem>>
    %dma_start3A_8 = tpu.memref_squeeze %dma_start3A_7 : memref<1x80xi32, #tpu.memory_space<vmem>> -> memref<80xi32, #tpu.memory_space<vmem>>
    %dma_start3A_9 = arith.constant 0 : i32
    %dma_start3A_10 = arith.constant 0 : i32
    %dma_start3A_11 = tpu.memref_slice %arg2[%dma_start3A_9, %dma_start3A_10] : memref<10000x128xf32, #tpu.memory_space<hbm>> -> memref<10000x128xf32, #tpu.memory_space<hbm>>
    tpu.enqueue_indirect_dma source(%dma_start3A_11 : memref<10000x128xf32, #tpu.memory_space<hbm>>) target(%arg9 : memref<80x128xf32, #tpu.memory_space<vmem>>) offsets(%dma_start3A_8 : memref<80xi32, #tpu.memory_space<vmem>>) semaphore(%arg13 : memref<!tpu.dma_semaphore, #tpu.memory_space<semaphore_mem>>)
    %dma_start3A_12 = arith.constant 1 : i32
    %dma_start3A_13 = arith.constant 0 : i32
    %dma_start3A_14 = tpu.memref_slice %arg7[%dma_start3A_12, %dma_start3A_13] : memref<25x80xi32, #tpu.memory_space<vmem>> -> memref<1x80xi32, #tpu.memory_space<vmem>>
    %dma_start3A_15 = tpu.memref_squeeze %dma_start3A_14 : memref<1x80xi32, #tpu.memory_space<vmem>> -> memref<80xi32, #tpu.memory_space<vmem>>
    %dma_start3A_16 = arith.constant 0 : i32
    %dma_start3A_17 = arith.constant 0 : i32
    %dma_start3A_18 = tpu.memref_slice %arg2[%dma_start3A_16, %dma_start3A_17] : memref<10000x128xf32, #tpu.memory_space<hbm>> -> memref<10000x128xf32, #tpu.memory_space<hbm>>
    tpu.enqueue_indirect_dma source(%dma_start3A_18 : memref<10000x128xf32, #tpu.memory_space<hbm>>) target(%arg10 : memref<80x128xf32, #tpu.memory_space<vmem>>) offsets(%dma_start3A_15 : memref<80xi32, #tpu.memory_space<vmem>>) semaphore(%arg14 : memref<!tpu.dma_semaphore, #tpu.memory_space<semaphore_mem>>)
    %dma_start3A_19 = arith.constant 2 : i32
    %dma_start3A_20 = arith.constant 0 : i32
    %dma_start3A_21 = tpu.memref_slice %arg7[%dma_start3A_19, %dma_start3A_20] : memref<25x80xi32, #tpu.memory_space<vmem>> -> memref<1x80xi32, #tpu.memory_space<vmem>>
    %dma_start3A_22 = tpu.memref_squeeze %dma_start3A_21 : memref<1x80xi32, #tpu.memory_space<vmem>> -> memref<80xi32, #tpu.memory_space<vmem>>
    %dma_start3A_23 = arith.constant 0 : i32
    %dma_start3A_24 = arith.constant 0 : i32
    %dma_start3A_25 = tpu.memref_slice %arg2[%dma_start3A_23, %dma_start3A_24] : memref<10000x128xf32, #tpu.memory_space<hbm>> -> memref<10000x128xf32, #tpu.memory_space<hbm>>
    tpu.enqueue_indirect_dma source(%dma_start3A_25 : memref<10000x128xf32, #tpu.memory_space<hbm>>) target(%arg11 : memref<80x128xf32, #tpu.memory_space<vmem>>) offsets(%dma_start3A_22 : memref<80xi32, #tpu.memory_space<vmem>>) semaphore(%arg15 : memref<!tpu.dma_semaphore, #tpu.memory_space<semaphore_mem>>)
    %dma_wait3A = arith.constant 0 : i32
    %dma_wait3A_26 = tpu.memref_slice %arg12[%mul3A_2, %dma_wait3A] : memref<10112x128xf32, #tpu.memory_space<vmem_shared>> -> memref<632x128xf32, #tpu.memory_space<vmem_shared>>
    tpu.wait_dma2 semaphore(%arg16 : memref<!tpu.dma_semaphore, #tpu.memory_space<semaphore_mem>>) src(%arg5 : memref<632x128xf32, #tpu.memory_space<hbm>>) dst(%dma_wait3A_26 : memref<632x128xf32, #tpu.memory_space<vmem_shared>>)
    %barrier3A = arith.constant 0 : index
    tpu.barrier barrier_id(%barrier3A)
    %scan3A = arith.constant 0 : i32
    %scan3A_27 = arith.constant 0 : i32
    %scan3A_28 = arith.constant 8 : i32
    %scan3A_29 = arith.addi %scan3A_27, %scan3A_28 : i32
    %scan3A_30 = arith.constant 1 : i32
    scf.for %scan3A_47 = %scan3A_27 to %scan3A_29 step %scan3A_30  : i32 {
      %mul3A_48 = arith.constant 3 : i32
      %mul3A_49 = arith.muli %mul3A_48, %scan3A_47 : i32
      %dma_wait3A_50 = arith.constant 0 : i32
      %dma_wait3A_51 = arith.constant 0 : i32
      %dma_wait3A_52 = tpu.memref_slice %arg7[%dma_wait3A_50, %dma_wait3A_51] : memref<25x80xi32, #tpu.memory_space<vmem>> -> memref<1x80xi32, #tpu.memory_space<vmem>>
      %dma_wait3A_53 = tpu.memref_squeeze %dma_wait3A_52 : memref<1x80xi32, #tpu.memory_space<vmem>> -> memref<80xi32, #tpu.memory_space<vmem>>
      %dma_wait3A_54 = arith.constant 0 : i32
      %dma_wait3A_55 = arith.constant 0 : i32
      %dma_wait3A_56 = tpu.memref_slice %arg2[%dma_wait3A_54, %dma_wait3A_55] : memref<10000x128xf32, #tpu.memory_space<hbm>> -> memref<10000x128xf32, #tpu.memory_space<hbm>>
      tpu.wait_indirect_dma semaphore(%arg13 : memref<!tpu.dma_semaphore, #tpu.memory_space<semaphore_mem>>) src(%dma_wait3A_56 : memref<10000x128xf32, #tpu.memory_space<hbm>>) dst(%arg9 : memref<80x128xf32, #tpu.memory_space<vmem>>)
      "tpu.region"() ({
        %run_scoped3A_93 = tpu.sem_alloc : memref<!tpu.dma_semaphore, #tpu.memory_space<semaphore_mem>>
        %dma_start3A_94 = arith.constant 0 : i32
        %dma_start3A_95 = tpu.memref_slice %arg8[%mul3A_49, %dma_start3A_94] : memref<25x80xi32, #tpu.memory_space<vmem>> -> memref<1x80xi32, #tpu.memory_space<vmem>>
        %dma_start3A_96 = tpu.memref_squeeze %dma_start3A_95 : memref<1x80xi32, #tpu.memory_space<vmem>> -> memref<80xi32, #tpu.memory_space<vmem>>
        %dma_start3A_97 = arith.constant 0 : i32
        %dma_start3A_98 = arith.constant 0 : i32
        %dma_start3A_99 = tpu.memref_slice %arg12[%dma_start3A_97, %dma_start3A_98] : memref<10112x128xf32, #tpu.memory_space<vmem_shared>> -> memref<10112x128xf32, #tpu.memory_space<vmem_shared>>
        tpu.enqueue_indirect_dma source(%arg9 : memref<80x128xf32, #tpu.memory_space<vmem>>) target(%dma_start3A_99 : memref<10112x128xf32, #tpu.memory_space<vmem_shared>>) offsets(%dma_start3A_96 : memref<80xi32, #tpu.memory_space<vmem>>) semaphore(%run_scoped3A_93 : memref<!tpu.dma_semaphore, #tpu.memory_space<semaphore_mem>>) {add = true}
        %dma_wait3A_100 = arith.constant 0 : i32
        %dma_wait3A_101 = tpu.memref_slice %arg8[%mul3A_49, %dma_wait3A_100] : memref<25x80xi32, #tpu.memory_space<vmem>> -> memref<1x80xi32, #tpu.memory_space<vmem>>
        %dma_wait3A_102 = tpu.memref_squeeze %dma_wait3A_101 : memref<1x80xi32, #tpu.memory_space<vmem>> -> memref<80xi32, #tpu.memory_space<vmem>>
        %dma_wait3A_103 = arith.constant 0 : i32
        %dma_wait3A_104 = arith.constant 0 : i32
        %dma_wait3A_105 = tpu.memref_slice %arg12[%dma_wait3A_103, %dma_wait3A_104] : memref<10112x128xf32, #tpu.memory_space<vmem_shared>> -> memref<10112x128xf32, #tpu.memory_space<vmem_shared>>
        tpu.wait_indirect_dma semaphore(%run_scoped3A_93 : memref<!tpu.dma_semaphore, #tpu.memory_space<semaphore_mem>>) src(%arg9 : memref<80x128xf32, #tpu.memory_space<vmem>>) dst(%dma_wait3A_105 : memref<10112x128xf32, #tpu.memory_space<vmem_shared>>)
        tpu.yield
      }) : () -> ()
      %add3A_57 = arith.constant 3 : i32
      %add3A_58 = arith.addi %mul3A_49, %add3A_57 : i32
      %lt3A = arith.constant 25 : i32
      %lt3A_59 = arith.cmpi slt, %add3A_58, %lt3A : i32
      %convert_element_type3A = arith.extui %lt3A_59 : i1 to i32
      %cond3A = arith.constant 0 : i32
      %cond3A_60 = arith.cmpi ne, %convert_element_type3A, %cond3A : i32
      scf.if %cond3A_60 {
        %add3A_93 = arith.constant 3 : i32
        %add3A_94 = arith.addi %mul3A_49, %add3A_93 : i32
        %dma_start3A_95 = arith.constant 0 : i32
        %dma_start3A_96 = tpu.memref_slice %arg7[%add3A_94, %dma_start3A_95] : memref<25x80xi32, #tpu.memory_space<vmem>> -> memref<1x80xi32, #tpu.memory_space<vmem>>
        %dma_start3A_97 = tpu.memref_squeeze %dma_start3A_96 : memref<1x80xi32, #tpu.memory_space<vmem>> -> memref<80xi32, #tpu.memory_space<vmem>>
        %dma_start3A_98 = arith.constant 0 : i32
        %dma_start3A_99 = arith.constant 0 : i32
        %dma_start3A_100 = tpu.memref_slice %arg2[%dma_start3A_98, %dma_start3A_99] : memref<10000x128xf32, #tpu.memory_space<hbm>> -> memref<10000x128xf32, #tpu.memory_space<hbm>>
        tpu.enqueue_indirect_dma source(%dma_start3A_100 : memref<10000x128xf32, #tpu.memory_space<hbm>>) target(%arg9 : memref<80x128xf32, #tpu.memory_space<vmem>>) offsets(%dma_start3A_97 : memref<80xi32, #tpu.memory_space<vmem>>) semaphore(%arg13 : memref<!tpu.dma_semaphore, #tpu.memory_space<semaphore_mem>>)
      } else {
      }
      %add3A_61 = arith.constant 1 : i32
      %add3A_62 = arith.addi %mul3A_49, %add3A_61 : i32
      %dma_wait3A_63 = arith.constant 0 : i32
      %dma_wait3A_64 = arith.constant 0 : i32
      %dma_wait3A_65 = tpu.memref_slice %arg7[%dma_wait3A_63, %dma_wait3A_64] : memref<25x80xi32, #tpu.memory_space<vmem>> -> memref<1x80xi32, #tpu.memory_space<vmem>>
      %dma_wait3A_66 = tpu.memref_squeeze %dma_wait3A_65 : memref<1x80xi32, #tpu.memory_space<vmem>> -> memref<80xi32, #tpu.memory_space<vmem>>
      %dma_wait3A_67 = arith.constant 0 : i32
      %dma_wait3A_68 = arith.constant 0 : i32
      %dma_wait3A_69 = tpu.memref_slice %arg2[%dma_wait3A_67, %dma_wait3A_68] : memref<10000x128xf32, #tpu.memory_space<hbm>> -> memref<10000x128xf32, #tpu.memory_space<hbm>>
      tpu.wait_indirect_dma semaphore(%arg14 : memref<!tpu.dma_semaphore, #tpu.memory_space<semaphore_mem>>) src(%dma_wait3A_69 : memref<10000x128xf32, #tpu.memory_space<hbm>>) dst(%arg10 : memref<80x128xf32, #tpu.memory_space<vmem>>)
      "tpu.region"() ({
        %run_scoped3A_93 = tpu.sem_alloc : memref<!tpu.dma_semaphore, #tpu.memory_space<semaphore_mem>>
        %dma_start3A_94 = arith.constant 0 : i32
        %dma_start3A_95 = tpu.memref_slice %arg8[%add3A_62, %dma_start3A_94] : memref<25x80xi32, #tpu.memory_space<vmem>> -> memref<1x80xi32, #tpu.memory_space<vmem>>
        %dma_start3A_96 = tpu.memref_squeeze %dma_start3A_95 : memref<1x80xi32, #tpu.memory_space<vmem>> -> memref<80xi32, #tpu.memory_space<vmem>>
        %dma_start3A_97 = arith.constant 0 : i32
        %dma_start3A_98 = arith.constant 0 : i32
        %dma_start3A_99 = tpu.memref_slice %arg12[%dma_start3A_97, %dma_start3A_98] : memref<10112x128xf32, #tpu.memory_space<vmem_shared>> -> memref<10112x128xf32, #tpu.memory_space<vmem_shared>>
        tpu.enqueue_indirect_dma source(%arg10 : memref<80x128xf32, #tpu.memory_space<vmem>>) target(%dma_start3A_99 : memref<10112x128xf32, #tpu.memory_space<vmem_shared>>) offsets(%dma_start3A_96 : memref<80xi32, #tpu.memory_space<vmem>>) semaphore(%run_scoped3A_93 : memref<!tpu.dma_semaphore, #tpu.memory_space<semaphore_mem>>) {add = true}
        %dma_wait3A_100 = arith.constant 0 : i32
        %dma_wait3A_101 = tpu.memref_slice %arg8[%add3A_62, %dma_wait3A_100] : memref<25x80xi32, #tpu.memory_space<vmem>> -> memref<1x80xi32, #tpu.memory_space<vmem>>
        %dma_wait3A_102 = tpu.memref_squeeze %dma_wait3A_101 : memref<1x80xi32, #tpu.memory_space<vmem>> -> memref<80xi32, #tpu.memory_space<vmem>>
        %dma_wait3A_103 = arith.constant 0 : i32
        %dma_wait3A_104 = arith.constant 0 : i32
        %dma_wait3A_105 = tpu.memref_slice %arg12[%dma_wait3A_103, %dma_wait3A_104] : memref<10112x128xf32, #tpu.memory_space<vmem_shared>> -> memref<10112x128xf32, #tpu.memory_space<vmem_shared>>
        tpu.wait_indirect_dma semaphore(%run_scoped3A_93 : memref<!tpu.dma_semaphore, #tpu.memory_space<semaphore_mem>>) src(%arg10 : memref<80x128xf32, #tpu.memory_space<vmem>>) dst(%dma_wait3A_105 : memref<10112x128xf32, #tpu.memory_space<vmem_shared>>)
        tpu.yield
      }) : () -> ()
      %add3A_70 = arith.constant 3 : i32
      %add3A_71 = arith.addi %add3A_62, %add3A_70 : i32
      %lt3A_72 = arith.constant 25 : i32
      %lt3A_73 = arith.cmpi slt, %add3A_71, %lt3A_72 : i32
      %convert_element_type3A_74 = arith.extui %lt3A_73 : i1 to i32
      %cond3A_75 = arith.constant 0 : i32
      %cond3A_76 = arith.cmpi ne, %convert_element_type3A_74, %cond3A_75 : i32
      scf.if %cond3A_76 {
        %add3A_93 = arith.constant 3 : i32
        %add3A_94 = arith.addi %add3A_62, %add3A_93 : i32
        %dma_start3A_95 = arith.constant 0 : i32
        %dma_start3A_96 = tpu.memref_slice %arg7[%add3A_94, %dma_start3A_95] : memref<25x80xi32, #tpu.memory_space<vmem>> -> memref<1x80xi32, #tpu.memory_space<vmem>>
        %dma_start3A_97 = tpu.memref_squeeze %dma_start3A_96 : memref<1x80xi32, #tpu.memory_space<vmem>> -> memref<80xi32, #tpu.memory_space<vmem>>
        %dma_start3A_98 = arith.constant 0 : i32
        %dma_start3A_99 = arith.constant 0 : i32
        %dma_start3A_100 = tpu.memref_slice %arg2[%dma_start3A_98, %dma_start3A_99] : memref<10000x128xf32, #tpu.memory_space<hbm>> -> memref<10000x128xf32, #tpu.memory_space<hbm>>
        tpu.enqueue_indirect_dma source(%dma_start3A_100 : memref<10000x128xf32, #tpu.memory_space<hbm>>) target(%arg10 : memref<80x128xf32, #tpu.memory_space<vmem>>) offsets(%dma_start3A_97 : memref<80xi32, #tpu.memory_space<vmem>>) semaphore(%arg14 : memref<!tpu.dma_semaphore, #tpu.memory_space<semaphore_mem>>)
      } else {
      }
      %add3A_77 = arith.constant 2 : i32
      %add3A_78 = arith.addi %mul3A_49, %add3A_77 : i32
      %dma_wait3A_79 = arith.constant 0 : i32
      %dma_wait3A_80 = arith.constant 0 : i32
      %dma_wait3A_81 = tpu.memref_slice %arg7[%dma_wait3A_79, %dma_wait3A_80] : memref<25x80xi32, #tpu.memory_space<vmem>> -> memref<1x80xi32, #tpu.memory_space<vmem>>
      %dma_wait3A_82 = tpu.memref_squeeze %dma_wait3A_81 : memref<1x80xi32, #tpu.memory_space<vmem>> -> memref<80xi32, #tpu.memory_space<vmem>>
      %dma_wait3A_83 = arith.constant 0 : i32
      %dma_wait3A_84 = arith.constant 0 : i32
      %dma_wait3A_85 = tpu.memref_slice %arg2[%dma_wait3A_83, %dma_wait3A_84] : memref<10000x128xf32, #tpu.memory_space<hbm>> -> memref<10000x128xf32, #tpu.memory_space<hbm>>
      tpu.wait_indirect_dma semaphore(%arg15 : memref<!tpu.dma_semaphore, #tpu.memory_space<semaphore_mem>>) src(%dma_wait3A_85 : memref<10000x128xf32, #tpu.memory_space<hbm>>) dst(%arg11 : memref<80x128xf32, #tpu.memory_space<vmem>>)
      "tpu.region"() ({
        %run_scoped3A_93 = tpu.sem_alloc : memref<!tpu.dma_semaphore, #tpu.memory_space<semaphore_mem>>
        %dma_start3A_94 = arith.constant 0 : i32
        %dma_start3A_95 = tpu.memref_slice %arg8[%add3A_78, %dma_start3A_94] : memref<25x80xi32, #tpu.memory_space<vmem>> -> memref<1x80xi32, #tpu.memory_space<vmem>>
        %dma_start3A_96 = tpu.memref_squeeze %dma_start3A_95 : memref<1x80xi32, #tpu.memory_space<vmem>> -> memref<80xi32, #tpu.memory_space<vmem>>
        %dma_start3A_97 = arith.constant 0 : i32
        %dma_start3A_98 = arith.constant 0 : i32
        %dma_start3A_99 = tpu.memref_slice %arg12[%dma_start3A_97, %dma_start3A_98] : memref<10112x128xf32, #tpu.memory_space<vmem_shared>> -> memref<10112x128xf32, #tpu.memory_space<vmem_shared>>
        tpu.enqueue_indirect_dma source(%arg11 : memref<80x128xf32, #tpu.memory_space<vmem>>) target(%dma_start3A_99 : memref<10112x128xf32, #tpu.memory_space<vmem_shared>>) offsets(%dma_start3A_96 : memref<80xi32, #tpu.memory_space<vmem>>) semaphore(%run_scoped3A_93 : memref<!tpu.dma_semaphore, #tpu.memory_space<semaphore_mem>>) {add = true}
        %dma_wait3A_100 = arith.constant 0 : i32
        %dma_wait3A_101 = tpu.memref_slice %arg8[%add3A_78, %dma_wait3A_100] : memref<25x80xi32, #tpu.memory_space<vmem>> -> memref<1x80xi32, #tpu.memory_space<vmem>>
        %dma_wait3A_102 = tpu.memref_squeeze %dma_wait3A_101 : memref<1x80xi32, #tpu.memory_space<vmem>> -> memref<80xi32, #tpu.memory_space<vmem>>
        %dma_wait3A_103 = arith.constant 0 : i32
        %dma_wait3A_104 = arith.constant 0 : i32
        %dma_wait3A_105 = tpu.memref_slice %arg12[%dma_wait3A_103, %dma_wait3A_104] : memref<10112x128xf32, #tpu.memory_space<vmem_shared>> -> memref<10112x128xf32, #tpu.memory_space<vmem_shared>>
        tpu.wait_indirect_dma semaphore(%run_scoped3A_93 : memref<!tpu.dma_semaphore, #tpu.memory_space<semaphore_mem>>) src(%arg11 : memref<80x128xf32, #tpu.memory_space<vmem>>) dst(%dma_wait3A_105 : memref<10112x128xf32, #tpu.memory_space<vmem_shared>>)
        tpu.yield
      }) : () -> ()
      %add3A_86 = arith.constant 3 : i32
      %add3A_87 = arith.addi %add3A_78, %add3A_86 : i32
      %lt3A_88 = arith.constant 25 : i32
      %lt3A_89 = arith.cmpi slt, %add3A_87, %lt3A_88 : i32
      %convert_element_type3A_90 = arith.extui %lt3A_89 : i1 to i32
      %cond3A_91 = arith.constant 0 : i32
      %cond3A_92 = arith.cmpi ne, %convert_element_type3A_90, %cond3A_91 : i32
      scf.if %cond3A_92 {
        %add3A_93 = arith.constant 3 : i32
        %add3A_94 = arith.addi %add3A_78, %add3A_93 : i32
        %dma_start3A_95 = arith.constant 0 : i32
        %dma_start3A_96 = tpu.memref_slice %arg7[%add3A_94, %dma_start3A_95] : memref<25x80xi32, #tpu.memory_space<vmem>> -> memref<1x80xi32, #tpu.memory_space<vmem>>
        %dma_start3A_97 = tpu.memref_squeeze %dma_start3A_96 : memref<1x80xi32, #tpu.memory_space<vmem>> -> memref<80xi32, #tpu.memory_space<vmem>>
        %dma_start3A_98 = arith.constant 0 : i32
        %dma_start3A_99 = arith.constant 0 : i32
        %dma_start3A_100 = tpu.memref_slice %arg2[%dma_start3A_98, %dma_start3A_99] : memref<10000x128xf32, #tpu.memory_space<hbm>> -> memref<10000x128xf32, #tpu.memory_space<hbm>>
        tpu.enqueue_indirect_dma source(%dma_start3A_100 : memref<10000x128xf32, #tpu.memory_space<hbm>>) target(%arg11 : memref<80x128xf32, #tpu.memory_space<vmem>>) offsets(%dma_start3A_97 : memref<80xi32, #tpu.memory_space<vmem>>) semaphore(%arg15 : memref<!tpu.dma_semaphore, #tpu.memory_space<semaphore_mem>>)
      } else {
      }
    }
    %scan3A_31 = arith.constant 8 : i32
    %dma_wait3A_32 = arith.constant 0 : i32
    %dma_wait3A_33 = arith.constant 0 : i32
    %dma_wait3A_34 = tpu.memref_slice %arg7[%dma_wait3A_32, %dma_wait3A_33] : memref<25x80xi32, #tpu.memory_space<vmem>> -> memref<1x80xi32, #tpu.memory_space<vmem>>
    %dma_wait3A_35 = tpu.memref_squeeze %dma_wait3A_34 : memref<1x80xi32, #tpu.memory_space<vmem>> -> memref<80xi32, #tpu.memory_space<vmem>>
    %dma_wait3A_36 = arith.constant 0 : i32
    %dma_wait3A_37 = arith.constant 0 : i32
    %dma_wait3A_38 = tpu.memref_slice %arg2[%dma_wait3A_36, %dma_wait3A_37] : memref<10000x128xf32, #tpu.memory_space<hbm>> -> memref<10000x128xf32, #tpu.memory_space<hbm>>
    tpu.wait_indirect_dma semaphore(%arg13 : memref<!tpu.dma_semaphore, #tpu.memory_space<semaphore_mem>>) src(%dma_wait3A_38 : memref<10000x128xf32, #tpu.memory_space<hbm>>) dst(%arg9 : memref<80x128xf32, #tpu.memory_space<vmem>>)
    %run_scoped3A_39 = arith.constant 24 : i32
    "tpu.region"() ({
      %run_scoped3A_47 = tpu.sem_alloc : memref<!tpu.dma_semaphore, #tpu.memory_space<semaphore_mem>>
      %dma_start3A_48 = arith.constant 0 : i32
      %dma_start3A_49 = tpu.memref_slice %arg8[%run_scoped3A_39, %dma_start3A_48] : memref<25x80xi32, #tpu.memory_space<vmem>> -> memref<1x80xi32, #tpu.memory_space<vmem>>
      %dma_start3A_50 = tpu.memref_squeeze %dma_start3A_49 : memref<1x80xi32, #tpu.memory_space<vmem>> -> memref<80xi32, #tpu.memory_space<vmem>>
      %dma_start3A_51 = arith.constant 0 : i32
      %dma_start3A_52 = arith.constant 0 : i32
      %dma_start3A_53 = tpu.memref_slice %arg12[%dma_start3A_51, %dma_start3A_52] : memref<10112x128xf32, #tpu.memory_space<vmem_shared>> -> memref<10112x128xf32, #tpu.memory_space<vmem_shared>>
      tpu.enqueue_indirect_dma source(%arg9 : memref<80x128xf32, #tpu.memory_space<vmem>>) target(%dma_start3A_53 : memref<10112x128xf32, #tpu.memory_space<vmem_shared>>) offsets(%dma_start3A_50 : memref<80xi32, #tpu.memory_space<vmem>>) semaphore(%run_scoped3A_47 : memref<!tpu.dma_semaphore, #tpu.memory_space<semaphore_mem>>) {add = true}
      %dma_wait3A_54 = arith.constant 0 : i32
      %dma_wait3A_55 = tpu.memref_slice %arg8[%run_scoped3A_39, %dma_wait3A_54] : memref<25x80xi32, #tpu.memory_space<vmem>> -> memref<1x80xi32, #tpu.memory_space<vmem>>
      %dma_wait3A_56 = tpu.memref_squeeze %dma_wait3A_55 : memref<1x80xi32, #tpu.memory_space<vmem>> -> memref<80xi32, #tpu.memory_space<vmem>>
      %dma_wait3A_57 = arith.constant 0 : i32
      %dma_wait3A_58 = arith.constant 0 : i32
      %dma_wait3A_59 = tpu.memref_slice %arg12[%dma_wait3A_57, %dma_wait3A_58] : memref<10112x128xf32, #tpu.memory_space<vmem_shared>> -> memref<10112x128xf32, #tpu.memory_space<vmem_shared>>
      tpu.wait_indirect_dma semaphore(%run_scoped3A_47 : memref<!tpu.dma_semaphore, #tpu.memory_space<semaphore_mem>>) src(%arg9 : memref<80x128xf32, #tpu.memory_space<vmem>>) dst(%dma_wait3A_59 : memref<10112x128xf32, #tpu.memory_space<vmem_shared>>)
      tpu.yield
    }) : () -> ()
    %scan3A_40 = arith.constant 0 : i32
    %scan3A_41 = arith.constant 1 : i32
    %scan3A_42 = arith.constant 4 : i32
    %scan3A_43 = arith.addi %scan3A_41, %scan3A_42 : i32
    %scan3A_44 = arith.constant 1 : i32
    scf.for %scan3A_47 = %scan3A_41 to %scan3A_43 step %scan3A_44  : i32 {
      "tpu.region"() ({
        %run_scoped3A_83 = tpu.sem_alloc : memref<!tpu.dma_semaphore, #tpu.memory_space<semaphore_mem>>
        %dma_start3A_84 = arith.constant 0 : i32
        %dma_start3A_85 = arith.constant 0 : i32
        %dma_start3A_86 = tpu.memref_slice %arg3[%add3A, %scan3A_47, %dma_start3A_84, %dma_start3A_85] : memref<32x5x25x80xi32, #tpu.memory_space<hbm>> -> memref<1x1x25x80xi32, #tpu.memory_space<hbm>>
        %dma_start3A_87 = tpu.memref_squeeze %dma_start3A_86 : memref<1x1x25x80xi32, #tpu.memory_space<hbm>> -> memref<25x80xi32, #tpu.memory_space<hbm>>
        %dma_start3A_88 = arith.constant 0 : i32
        %dma_start3A_89 = arith.constant 0 : i32
        %dma_start3A_90 = tpu.memref_slice %arg3[%add3A, %scan3A_47, %dma_start3A_88, %dma_start3A_89] : memref<32x5x25x80xi32, #tpu.memory_space<hbm>> -> memref<1x1x25x80xi32, #tpu.memory_space<hbm>>
        %dma_start3A_91 = tpu.memref_squeeze %dma_start3A_90 : memref<1x1x25x80xi32, #tpu.memory_space<hbm>> -> memref<25x80xi32, #tpu.memory_space<hbm>>
        tpu.enqueue_dma source(%dma_start3A_91 : memref<25x80xi32, #tpu.memory_space<hbm>>) target(%arg7 : memref<25x80xi32, #tpu.memory_space<vmem>>) target_semaphore(%run_scoped3A_83 : memref<!tpu.dma_semaphore, #tpu.memory_space<semaphore_mem>>)
        %dma_wait3A_92 = arith.constant 0 : i32
        %dma_wait3A_93 = arith.constant 0 : i32
        %dma_wait3A_94 = tpu.memref_slice %arg3[%add3A, %scan3A_47, %dma_wait3A_92, %dma_wait3A_93] : memref<32x5x25x80xi32, #tpu.memory_space<hbm>> -> memref<1x1x25x80xi32, #tpu.memory_space<hbm>>
        %dma_wait3A_95 = tpu.memref_squeeze %dma_wait3A_94 : memref<1x1x25x80xi32, #tpu.memory_space<hbm>> -> memref<25x80xi32, #tpu.memory_space<hbm>>
        %dma_wait3A_96 = arith.constant 0 : i32
        %dma_wait3A_97 = arith.constant 0 : i32
        %dma_wait3A_98 = tpu.memref_slice %arg3[%add3A, %scan3A_47, %dma_wait3A_96, %dma_wait3A_97] : memref<32x5x25x80xi32, #tpu.memory_space<hbm>> -> memref<1x1x25x80xi32, #tpu.memory_space<hbm>>
        %dma_wait3A_99 = tpu.memref_squeeze %dma_wait3A_98 : memref<1x1x25x80xi32, #tpu.memory_space<hbm>> -> memref<25x80xi32, #tpu.memory_space<hbm>>
        tpu.wait_dma2 semaphore(%run_scoped3A_83 : memref<!tpu.dma_semaphore, #tpu.memory_space<semaphore_mem>>) src(%dma_wait3A_99 : memref<25x80xi32, #tpu.memory_space<hbm>>) dst(%arg7 : memref<25x80xi32, #tpu.memory_space<vmem>>)
        tpu.yield
      }) : () -> ()
      "tpu.region"() ({
        %run_scoped3A_83 = tpu.sem_alloc : memref<!tpu.dma_semaphore, #tpu.memory_space<semaphore_mem>>
        %dma_start3A_84 = arith.constant 0 : i32
        %dma_start3A_85 = arith.constant 0 : i32
        %dma_start3A_86 = tpu.memref_slice %arg4[%add3A, %scan3A_47, %dma_start3A_84, %dma_start3A_85] : memref<32x5x25x80xi32, #tpu.memory_space<hbm>> -> memref<1x1x25x80xi32, #tpu.memory_space<hbm>>
        %dma_start3A_87 = tpu.memref_squeeze %dma_start3A_86 : memref<1x1x25x80xi32, #tpu.memory_space<hbm>> -> memref<25x80xi32, #tpu.memory_space<hbm>>
        %dma_start3A_88 = arith.constant 0 : i32
        %dma_start3A_89 = arith.constant 0 : i32
        %dma_start3A_90 = tpu.memref_slice %arg4[%add3A, %scan3A_47, %dma_start3A_88, %dma_start3A_89] : memref<32x5x25x80xi32, #tpu.memory_space<hbm>> -> memref<1x1x25x80xi32, #tpu.memory_space<hbm>>
        %dma_start3A_91 = tpu.memref_squeeze %dma_start3A_90 : memref<1x1x25x80xi32, #tpu.memory_space<hbm>> -> memref<25x80xi32, #tpu.memory_space<hbm>>
        tpu.enqueue_dma source(%dma_start3A_91 : memref<25x80xi32, #tpu.memory_space<hbm>>) target(%arg8 : memref<25x80xi32, #tpu.memory_space<vmem>>) target_semaphore(%run_scoped3A_83 : memref<!tpu.dma_semaphore, #tpu.memory_space<semaphore_mem>>)
        %dma_wait3A_92 = arith.constant 0 : i32
        %dma_wait3A_93 = arith.constant 0 : i32
        %dma_wait3A_94 = tpu.memref_slice %arg4[%add3A, %scan3A_47, %dma_wait3A_92, %dma_wait3A_93] : memref<32x5x25x80xi32, #tpu.memory_space<hbm>> -> memref<1x1x25x80xi32, #tpu.memory_space<hbm>>
        %dma_wait3A_95 = tpu.memref_squeeze %dma_wait3A_94 : memref<1x1x25x80xi32, #tpu.memory_space<hbm>> -> memref<25x80xi32, #tpu.memory_space<hbm>>
        %dma_wait3A_96 = arith.constant 0 : i32
        %dma_wait3A_97 = arith.constant 0 : i32
        %dma_wait3A_98 = tpu.memref_slice %arg4[%add3A, %scan3A_47, %dma_wait3A_96, %dma_wait3A_97] : memref<32x5x25x80xi32, #tpu.memory_space<hbm>> -> memref<1x1x25x80xi32, #tpu.memory_space<hbm>>
        %dma_wait3A_99 = tpu.memref_squeeze %dma_wait3A_98 : memref<1x1x25x80xi32, #tpu.memory_space<hbm>> -> memref<25x80xi32, #tpu.memory_space<hbm>>
        tpu.wait_dma2 semaphore(%run_scoped3A_83 : memref<!tpu.dma_semaphore, #tpu.memory_space<semaphore_mem>>) src(%dma_wait3A_99 : memref<25x80xi32, #tpu.memory_space<hbm>>) dst(%arg8 : memref<25x80xi32, #tpu.memory_space<vmem>>)
        tpu.yield
      }) : () -> ()
      %dma_start3A_48 = arith.constant 0 : i32
      %dma_start3A_49 = arith.constant 0 : i32
      %dma_start3A_50 = tpu.memref_slice %arg7[%dma_start3A_48, %dma_start3A_49] : memref<25x80xi32, #tpu.memory_space<vmem>> -> memref<1x80xi32, #tpu.memory_space<vmem>>
      %dma_start3A_51 = tpu.memref_squeeze %dma_start3A_50 : memref<1x80xi32, #tpu.memory_space<vmem>> -> memref<80xi32, #tpu.memory_space<vmem>>
      %dma_start3A_52 = arith.constant 0 : i32
      %dma_start3A_53 = arith.constant 0 : i32
      %dma_start3A_54 = tpu.memref_slice %arg2[%dma_start3A_52, %dma_start3A_53] : memref<10000x128xf32, #tpu.memory_space<hbm>> -> memref<10000x128xf32, #tpu.memory_space<hbm>>
      tpu.enqueue_indirect_dma source(%dma_start3A_54 : memref<10000x128xf32, #tpu.memory_space<hbm>>) target(%arg9 : memref<80x128xf32, #tpu.memory_space<vmem>>) offsets(%dma_start3A_51 : memref<80xi32, #tpu.memory_space<vmem>>) semaphore(%arg13 : memref<!tpu.dma_semaphore, #tpu.memory_space<semaphore_mem>>)
      %dma_start3A_55 = arith.constant 1 : i32
      %dma_start3A_56 = arith.constant 0 : i32
      %dma_start3A_57 = tpu.memref_slice %arg7[%dma_start3A_55, %dma_start3A_56] : memref<25x80xi32, #tpu.memory_space<vmem>> -> memref<1x80xi32, #tpu.memory_space<vmem>>
      %dma_start3A_58 = tpu.memref_squeeze %dma_start3A_57 : memref<1x80xi32, #tpu.memory_space<vmem>> -> memref<80xi32, #tpu.memory_space<vmem>>
      %dma_start3A_59 = arith.constant 0 : i32
      %dma_start3A_60 = arith.constant 0 : i32
      %dma_start3A_61 = tpu.memref_slice %arg2[%dma_start3A_59, %dma_start3A_60] : memref<10000x128xf32, #tpu.memory_space<hbm>> -> memref<10000x128xf32, #tpu.memory_space<hbm>>
      tpu.enqueue_indirect_dma source(%dma_start3A_61 : memref<10000x128xf32, #tpu.memory_space<hbm>>) target(%arg10 : memref<80x128xf32, #tpu.memory_space<vmem>>) offsets(%dma_start3A_58 : memref<80xi32, #tpu.memory_space<vmem>>) semaphore(%arg14 : memref<!tpu.dma_semaphore, #tpu.memory_space<semaphore_mem>>)
      %dma_start3A_62 = arith.constant 2 : i32
      %dma_start3A_63 = arith.constant 0 : i32
      %dma_start3A_64 = tpu.memref_slice %arg7[%dma_start3A_62, %dma_start3A_63] : memref<25x80xi32, #tpu.memory_space<vmem>> -> memref<1x80xi32, #tpu.memory_space<vmem>>
      %dma_start3A_65 = tpu.memref_squeeze %dma_start3A_64 : memref<1x80xi32, #tpu.memory_space<vmem>> -> memref<80xi32, #tpu.memory_space<vmem>>
      %dma_start3A_66 = arith.constant 0 : i32
      %dma_start3A_67 = arith.constant 0 : i32
      %dma_start3A_68 = tpu.memref_slice %arg2[%dma_start3A_66, %dma_start3A_67] : memref<10000x128xf32, #tpu.memory_space<hbm>> -> memref<10000x128xf32, #tpu.memory_space<hbm>>
      tpu.enqueue_indirect_dma source(%dma_start3A_68 : memref<10000x128xf32, #tpu.memory_space<hbm>>) target(%arg11 : memref<80x128xf32, #tpu.memory_space<vmem>>) offsets(%dma_start3A_65 : memref<80xi32, #tpu.memory_space<vmem>>) semaphore(%arg15 : memref<!tpu.dma_semaphore, #tpu.memory_space<semaphore_mem>>)
      %scan3A_69 = arith.constant 0 : i32
      %scan3A_70 = arith.constant 0 : i32
      %scan3A_71 = arith.constant 8 : i32
      %scan3A_72 = arith.addi %scan3A_70, %scan3A_71 : i32
      %scan3A_73 = arith.constant 1 : i32
      scf.for %scan3A_83 = %scan3A_70 to %scan3A_72 step %scan3A_73  : i32 {
        %mul3A_84 = arith.constant 3 : i32
        %mul3A_85 = arith.muli %mul3A_84, %scan3A_83 : i32
        %dma_wait3A_86 = arith.constant 0 : i32
        %dma_wait3A_87 = arith.constant 0 : i32
        %dma_wait3A_88 = tpu.memref_slice %arg7[%dma_wait3A_86, %dma_wait3A_87] : memref<25x80xi32, #tpu.memory_space<vmem>> -> memref<1x80xi32, #tpu.memory_space<vmem>>
        %dma_wait3A_89 = tpu.memref_squeeze %dma_wait3A_88 : memref<1x80xi32, #tpu.memory_space<vmem>> -> memref<80xi32, #tpu.memory_space<vmem>>
        %dma_wait3A_90 = arith.constant 0 : i32
        %dma_wait3A_91 = arith.constant 0 : i32
        %dma_wait3A_92 = tpu.memref_slice %arg2[%dma_wait3A_90, %dma_wait3A_91] : memref<10000x128xf32, #tpu.memory_space<hbm>> -> memref<10000x128xf32, #tpu.memory_space<hbm>>
        tpu.wait_indirect_dma semaphore(%arg13 : memref<!tpu.dma_semaphore, #tpu.memory_space<semaphore_mem>>) src(%dma_wait3A_92 : memref<10000x128xf32, #tpu.memory_space<hbm>>) dst(%arg9 : memref<80x128xf32, #tpu.memory_space<vmem>>)
        "tpu.region"() ({
          %run_scoped3A_129 = tpu.sem_alloc : memref<!tpu.dma_semaphore, #tpu.memory_space<semaphore_mem>>
          %dma_start3A_130 = arith.constant 0 : i32
          %dma_start3A_131 = tpu.memref_slice %arg8[%mul3A_85, %dma_start3A_130] : memref<25x80xi32, #tpu.memory_space<vmem>> -> memref<1x80xi32, #tpu.memory_space<vmem>>
          %dma_start3A_132 = tpu.memref_squeeze %dma_start3A_131 : memref<1x80xi32, #tpu.memory_space<vmem>> -> memref<80xi32, #tpu.memory_space<vmem>>
          %dma_start3A_133 = arith.constant 0 : i32
          %dma_start3A_134 = arith.constant 0 : i32
          %dma_start3A_135 = tpu.memref_slice %arg12[%dma_start3A_133, %dma_start3A_134] : memref<10112x128xf32, #tpu.memory_space<vmem_shared>> -> memref<10112x128xf32, #tpu.memory_space<vmem_shared>>
          tpu.enqueue_indirect_dma source(%arg9 : memref<80x128xf32, #tpu.memory_space<vmem>>) target(%dma_start3A_135 : memref<10112x128xf32, #tpu.memory_space<vmem_shared>>) offsets(%dma_start3A_132 : memref<80xi32, #tpu.memory_space<vmem>>) semaphore(%run_scoped3A_129 : memref<!tpu.dma_semaphore, #tpu.memory_space<semaphore_mem>>) {add = true}
          %dma_wait3A_136 = arith.constant 0 : i32
          %dma_wait3A_137 = tpu.memref_slice %arg8[%mul3A_85, %dma_wait3A_136] : memref<25x80xi32, #tpu.memory_space<vmem>> -> memref<1x80xi32, #tpu.memory_space<vmem>>
          %dma_wait3A_138 = tpu.memref_squeeze %dma_wait3A_137 : memref<1x80xi32, #tpu.memory_space<vmem>> -> memref<80xi32, #tpu.memory_space<vmem>>
          %dma_wait3A_139 = arith.constant 0 : i32
          %dma_wait3A_140 = arith.constant 0 : i32
          %dma_wait3A_141 = tpu.memref_slice %arg12[%dma_wait3A_139, %dma_wait3A_140] : memref<10112x128xf32, #tpu.memory_space<vmem_shared>> -> memref<10112x128xf32, #tpu.memory_space<vmem_shared>>
          tpu.wait_indirect_dma semaphore(%run_scoped3A_129 : memref<!tpu.dma_semaphore, #tpu.memory_space<semaphore_mem>>) src(%arg9 : memref<80x128xf32, #tpu.memory_space<vmem>>) dst(%dma_wait3A_141 : memref<10112x128xf32, #tpu.memory_space<vmem_shared>>)
          tpu.yield
        }) : () -> ()
        %add3A_93 = arith.constant 3 : i32
        %add3A_94 = arith.addi %mul3A_85, %add3A_93 : i32
        %lt3A = arith.constant 25 : i32
        %lt3A_95 = arith.cmpi slt, %add3A_94, %lt3A : i32
        %convert_element_type3A = arith.extui %lt3A_95 : i1 to i32
        %cond3A = arith.constant 0 : i32
        %cond3A_96 = arith.cmpi ne, %convert_element_type3A, %cond3A : i32
        scf.if %cond3A_96 {
          %add3A_129 = arith.constant 3 : i32
          %add3A_130 = arith.addi %mul3A_85, %add3A_129 : i32
          %dma_start3A_131 = arith.constant 0 : i32
          %dma_start3A_132 = tpu.memref_slice %arg7[%add3A_130, %dma_start3A_131] : memref<25x80xi32, #tpu.memory_space<vmem>> -> memref<1x80xi32, #tpu.memory_space<vmem>>
          %dma_start3A_133 = tpu.memref_squeeze %dma_start3A_132 : memref<1x80xi32, #tpu.memory_space<vmem>> -> memref<80xi32, #tpu.memory_space<vmem>>
          %dma_start3A_134 = arith.constant 0 : i32
          %dma_start3A_135 = arith.constant 0 : i32
          %dma_start3A_136 = tpu.memref_slice %arg2[%dma_start3A_134, %dma_start3A_135] : memref<10000x128xf32, #tpu.memory_space<hbm>> -> memref<10000x128xf32, #tpu.memory_space<hbm>>
          tpu.enqueue_indirect_dma source(%dma_start3A_136 : memref<10000x128xf32, #tpu.memory_space<hbm>>) target(%arg9 : memref<80x128xf32, #tpu.memory_space<vmem>>) offsets(%dma_start3A_133 : memref<80xi32, #tpu.memory_space<vmem>>) semaphore(%arg13 : memref<!tpu.dma_semaphore, #tpu.memory_space<semaphore_mem>>)
        } else {
        }
        %add3A_97 = arith.constant 1 : i32
        %add3A_98 = arith.addi %mul3A_85, %add3A_97 : i32
        %dma_wait3A_99 = arith.constant 0 : i32
        %dma_wait3A_100 = arith.constant 0 : i32
        %dma_wait3A_101 = tpu.memref_slice %arg7[%dma_wait3A_99, %dma_wait3A_100] : memref<25x80xi32, #tpu.memory_space<vmem>> -> memref<1x80xi32, #tpu.memory_space<vmem>>
        %dma_wait3A_102 = tpu.memref_squeeze %dma_wait3A_101 : memref<1x80xi32, #tpu.memory_space<vmem>> -> memref<80xi32, #tpu.memory_space<vmem>>
        %dma_wait3A_103 = arith.constant 0 : i32
        %dma_wait3A_104 = arith.constant 0 : i32
        %dma_wait3A_105 = tpu.memref_slice %arg2[%dma_wait3A_103, %dma_wait3A_104] : memref<10000x128xf32, #tpu.memory_space<hbm>> -> memref<10000x128xf32, #tpu.memory_space<hbm>>
        tpu.wait_indirect_dma semaphore(%arg14 : memref<!tpu.dma_semaphore, #tpu.memory_space<semaphore_mem>>) src(%dma_wait3A_105 : memref<10000x128xf32, #tpu.memory_space<hbm>>) dst(%arg10 : memref<80x128xf32, #tpu.memory_space<vmem>>)
        "tpu.region"() ({
          %run_scoped3A_129 = tpu.sem_alloc : memref<!tpu.dma_semaphore, #tpu.memory_space<semaphore_mem>>
          %dma_start3A_130 = arith.constant 0 : i32
          %dma_start3A_131 = tpu.memref_slice %arg8[%add3A_98, %dma_start3A_130] : memref<25x80xi32, #tpu.memory_space<vmem>> -> memref<1x80xi32, #tpu.memory_space<vmem>>
          %dma_start3A_132 = tpu.memref_squeeze %dma_start3A_131 : memref<1x80xi32, #tpu.memory_space<vmem>> -> memref<80xi32, #tpu.memory_space<vmem>>
          %dma_start3A_133 = arith.constant 0 : i32
          %dma_start3A_134 = arith.constant 0 : i32
          %dma_start3A_135 = tpu.memref_slice %arg12[%dma_start3A_133, %dma_start3A_134] : memref<10112x128xf32, #tpu.memory_space<vmem_shared>> -> memref<10112x128xf32, #tpu.memory_space<vmem_shared>>
          tpu.enqueue_indirect_dma source(%arg10 : memref<80x128xf32, #tpu.memory_space<vmem>>) target(%dma_start3A_135 : memref<10112x128xf32, #tpu.memory_space<vmem_shared>>) offsets(%dma_start3A_132 : memref<80xi32, #tpu.memory_space<vmem>>) semaphore(%run_scoped3A_129 : memref<!tpu.dma_semaphore, #tpu.memory_space<semaphore_mem>>) {add = true}
          %dma_wait3A_136 = arith.constant 0 : i32
          %dma_wait3A_137 = tpu.memref_slice %arg8[%add3A_98, %dma_wait3A_136] : memref<25x80xi32, #tpu.memory_space<vmem>> -> memref<1x80xi32, #tpu.memory_space<vmem>>
          %dma_wait3A_138 = tpu.memref_squeeze %dma_wait3A_137 : memref<1x80xi32, #tpu.memory_space<vmem>> -> memref<80xi32, #tpu.memory_space<vmem>>
          %dma_wait3A_139 = arith.constant 0 : i32
          %dma_wait3A_140 = arith.constant 0 : i32
          %dma_wait3A_141 = tpu.memref_slice %arg12[%dma_wait3A_139, %dma_wait3A_140] : memref<10112x128xf32, #tpu.memory_space<vmem_shared>> -> memref<10112x128xf32, #tpu.memory_space<vmem_shared>>
          tpu.wait_indirect_dma semaphore(%run_scoped3A_129 : memref<!tpu.dma_semaphore, #tpu.memory_space<semaphore_mem>>) src(%arg10 : memref<80x128xf32, #tpu.memory_space<vmem>>) dst(%dma_wait3A_141 : memref<10112x128xf32, #tpu.memory_space<vmem_shared>>)
          tpu.yield
        }) : () -> ()
        %add3A_106 = arith.constant 3 : i32
        %add3A_107 = arith.addi %add3A_98, %add3A_106 : i32
        %lt3A_108 = arith.constant 25 : i32
        %lt3A_109 = arith.cmpi slt, %add3A_107, %lt3A_108 : i32
        %convert_element_type3A_110 = arith.extui %lt3A_109 : i1 to i32
        %cond3A_111 = arith.constant 0 : i32
        %cond3A_112 = arith.cmpi ne, %convert_element_type3A_110, %cond3A_111 : i32
        scf.if %cond3A_112 {
          %add3A_129 = arith.constant 3 : i32
          %add3A_130 = arith.addi %add3A_98, %add3A_129 : i32
          %dma_start3A_131 = arith.constant 0 : i32
          %dma_start3A_132 = tpu.memref_slice %arg7[%add3A_130, %dma_start3A_131] : memref<25x80xi32, #tpu.memory_space<vmem>> -> memref<1x80xi32, #tpu.memory_space<vmem>>
          %dma_start3A_133 = tpu.memref_squeeze %dma_start3A_132 : memref<1x80xi32, #tpu.memory_space<vmem>> -> memref<80xi32, #tpu.memory_space<vmem>>
          %dma_start3A_134 = arith.constant 0 : i32
          %dma_start3A_135 = arith.constant 0 : i32
          %dma_start3A_136 = tpu.memref_slice %arg2[%dma_start3A_134, %dma_start3A_135] : memref<10000x128xf32, #tpu.memory_space<hbm>> -> memref<10000x128xf32, #tpu.memory_space<hbm>>
          tpu.enqueue_indirect_dma source(%dma_start3A_136 : memref<10000x128xf32, #tpu.memory_space<hbm>>) target(%arg10 : memref<80x128xf32, #tpu.memory_space<vmem>>) offsets(%dma_start3A_133 : memref<80xi32, #tpu.memory_space<vmem>>) semaphore(%arg14 : memref<!tpu.dma_semaphore, #tpu.memory_space<semaphore_mem>>)
        } else {
        }
        %add3A_113 = arith.constant 2 : i32
        %add3A_114 = arith.addi %mul3A_85, %add3A_113 : i32
        %dma_wait3A_115 = arith.constant 0 : i32
        %dma_wait3A_116 = arith.constant 0 : i32
        %dma_wait3A_117 = tpu.memref_slice %arg7[%dma_wait3A_115, %dma_wait3A_116] : memref<25x80xi32, #tpu.memory_space<vmem>> -> memref<1x80xi32, #tpu.memory_space<vmem>>
        %dma_wait3A_118 = tpu.memref_squeeze %dma_wait3A_117 : memref<1x80xi32, #tpu.memory_space<vmem>> -> memref<80xi32, #tpu.memory_space<vmem>>
        %dma_wait3A_119 = arith.constant 0 : i32
        %dma_wait3A_120 = arith.constant 0 : i32
        %dma_wait3A_121 = tpu.memref_slice %arg2[%dma_wait3A_119, %dma_wait3A_120] : memref<10000x128xf32, #tpu.memory_space<hbm>> -> memref<10000x128xf32, #tpu.memory_space<hbm>>
        tpu.wait_indirect_dma semaphore(%arg15 : memref<!tpu.dma_semaphore, #tpu.memory_space<semaphore_mem>>) src(%dma_wait3A_121 : memref<10000x128xf32, #tpu.memory_space<hbm>>) dst(%arg11 : memref<80x128xf32, #tpu.memory_space<vmem>>)
        "tpu.region"() ({
          %run_scoped3A_129 = tpu.sem_alloc : memref<!tpu.dma_semaphore, #tpu.memory_space<semaphore_mem>>
          %dma_start3A_130 = arith.constant 0 : i32
          %dma_start3A_131 = tpu.memref_slice %arg8[%add3A_114, %dma_start3A_130] : memref<25x80xi32, #tpu.memory_space<vmem>> -> memref<1x80xi32, #tpu.memory_space<vmem>>
          %dma_start3A_132 = tpu.memref_squeeze %dma_start3A_131 : memref<1x80xi32, #tpu.memory_space<vmem>> -> memref<80xi32, #tpu.memory_space<vmem>>
          %dma_start3A_133 = arith.constant 0 : i32
          %dma_start3A_134 = arith.constant 0 : i32
          %dma_start3A_135 = tpu.memref_slice %arg12[%dma_start3A_133, %dma_start3A_134] : memref<10112x128xf32, #tpu.memory_space<vmem_shared>> -> memref<10112x128xf32, #tpu.memory_space<vmem_shared>>
          tpu.enqueue_indirect_dma source(%arg11 : memref<80x128xf32, #tpu.memory_space<vmem>>) target(%dma_start3A_135 : memref<10112x128xf32, #tpu.memory_space<vmem_shared>>) offsets(%dma_start3A_132 : memref<80xi32, #tpu.memory_space<vmem>>) semaphore(%run_scoped3A_129 : memref<!tpu.dma_semaphore, #tpu.memory_space<semaphore_mem>>) {add = true}
          %dma_wait3A_136 = arith.constant 0 : i32
          %dma_wait3A_137 = tpu.memref_slice %arg8[%add3A_114, %dma_wait3A_136] : memref<25x80xi32, #tpu.memory_space<vmem>> -> memref<1x80xi32, #tpu.memory_space<vmem>>
          %dma_wait3A_138 = tpu.memref_squeeze %dma_wait3A_137 : memref<1x80xi32, #tpu.memory_space<vmem>> -> memref<80xi32, #tpu.memory_space<vmem>>
          %dma_wait3A_139 = arith.constant 0 : i32
          %dma_wait3A_140 = arith.constant 0 : i32
          %dma_wait3A_141 = tpu.memref_slice %arg12[%dma_wait3A_139, %dma_wait3A_140] : memref<10112x128xf32, #tpu.memory_space<vmem_shared>> -> memref<10112x128xf32, #tpu.memory_space<vmem_shared>>
          tpu.wait_indirect_dma semaphore(%run_scoped3A_129 : memref<!tpu.dma_semaphore, #tpu.memory_space<semaphore_mem>>) src(%arg11 : memref<80x128xf32, #tpu.memory_space<vmem>>) dst(%dma_wait3A_141 : memref<10112x128xf32, #tpu.memory_space<vmem_shared>>)
          tpu.yield
        }) : () -> ()
        %add3A_122 = arith.constant 3 : i32
        %add3A_123 = arith.addi %add3A_114, %add3A_122 : i32
        %lt3A_124 = arith.constant 25 : i32
        %lt3A_125 = arith.cmpi slt, %add3A_123, %lt3A_124 : i32
        %convert_element_type3A_126 = arith.extui %lt3A_125 : i1 to i32
        %cond3A_127 = arith.constant 0 : i32
        %cond3A_128 = arith.cmpi ne, %convert_element_type3A_126, %cond3A_127 : i32
        scf.if %cond3A_128 {
          %add3A_129 = arith.constant 3 : i32
          %add3A_130 = arith.addi %add3A_114, %add3A_129 : i32
          %dma_start3A_131 = arith.constant 0 : i32
          %dma_start3A_132 = tpu.memref_slice %arg7[%add3A_130, %dma_start3A_131] : memref<25x80xi32, #tpu.memory_space<vmem>> -> memref<1x80xi32, #tpu.memory_space<vmem>>
          %dma_start3A_133 = tpu.memref_squeeze %dma_start3A_132 : memref<1x80xi32, #tpu.memory_space<vmem>> -> memref<80xi32, #tpu.memory_space<vmem>>
          %dma_start3A_134 = arith.constant 0 : i32
          %dma_start3A_135 = arith.constant 0 : i32
          %dma_start3A_136 = tpu.memref_slice %arg2[%dma_start3A_134, %dma_start3A_135] : memref<10000x128xf32, #tpu.memory_space<hbm>> -> memref<10000x128xf32, #tpu.memory_space<hbm>>
          tpu.enqueue_indirect_dma source(%dma_start3A_136 : memref<10000x128xf32, #tpu.memory_space<hbm>>) target(%arg11 : memref<80x128xf32, #tpu.memory_space<vmem>>) offsets(%dma_start3A_133 : memref<80xi32, #tpu.memory_space<vmem>>) semaphore(%arg15 : memref<!tpu.dma_semaphore, #tpu.memory_space<semaphore_mem>>)
        } else {
        }
      }
      %scan3A_74 = arith.constant 8 : i32
      %dma_wait3A_75 = arith.constant 0 : i32
      %dma_wait3A_76 = arith.constant 0 : i32
      %dma_wait3A_77 = tpu.memref_slice %arg7[%dma_wait3A_75, %dma_wait3A_76] : memref<25x80xi32, #tpu.memory_space<vmem>> -> memref<1x80xi32, #tpu.memory_space<vmem>>
      %dma_wait3A_78 = tpu.memref_squeeze %dma_wait3A_77 : memref<1x80xi32, #tpu.memory_space<vmem>> -> memref<80xi32, #tpu.memory_space<vmem>>
      %dma_wait3A_79 = arith.constant 0 : i32
      %dma_wait3A_80 = arith.constant 0 : i32
      %dma_wait3A_81 = tpu.memref_slice %arg2[%dma_wait3A_79, %dma_wait3A_80] : memref<10000x128xf32, #tpu.memory_space<hbm>> -> memref<10000x128xf32, #tpu.memory_space<hbm>>
      tpu.wait_indirect_dma semaphore(%arg13 : memref<!tpu.dma_semaphore, #tpu.memory_space<semaphore_mem>>) src(%dma_wait3A_81 : memref<10000x128xf32, #tpu.memory_space<hbm>>) dst(%arg9 : memref<80x128xf32, #tpu.memory_space<vmem>>)
      %run_scoped3A_82 = arith.constant 24 : i32
      "tpu.region"() ({
        %run_scoped3A_83 = tpu.sem_alloc : memref<!tpu.dma_semaphore, #tpu.memory_space<semaphore_mem>>
        %dma_start3A_84 = arith.constant 0 : i32
        %dma_start3A_85 = tpu.memref_slice %arg8[%run_scoped3A_82, %dma_start3A_84] : memref<25x80xi32, #tpu.memory_space<vmem>> -> memref<1x80xi32, #tpu.memory_space<vmem>>
        %dma_start3A_86 = tpu.memref_squeeze %dma_start3A_85 : memref<1x80xi32, #tpu.memory_space<vmem>> -> memref<80xi32, #tpu.memory_space<vmem>>
        %dma_start3A_87 = arith.constant 0 : i32
        %dma_start3A_88 = arith.constant 0 : i32
        %dma_start3A_89 = tpu.memref_slice %arg12[%dma_start3A_87, %dma_start3A_88] : memref<10112x128xf32, #tpu.memory_space<vmem_shared>> -> memref<10112x128xf32, #tpu.memory_space<vmem_shared>>
        tpu.enqueue_indirect_dma source(%arg9 : memref<80x128xf32, #tpu.memory_space<vmem>>) target(%dma_start3A_89 : memref<10112x128xf32, #tpu.memory_space<vmem_shared>>) offsets(%dma_start3A_86 : memref<80xi32, #tpu.memory_space<vmem>>) semaphore(%run_scoped3A_83 : memref<!tpu.dma_semaphore, #tpu.memory_space<semaphore_mem>>) {add = true}
        %dma_wait3A_90 = arith.constant 0 : i32
        %dma_wait3A_91 = tpu.memref_slice %arg8[%run_scoped3A_82, %dma_wait3A_90] : memref<25x80xi32, #tpu.memory_space<vmem>> -> memref<1x80xi32, #tpu.memory_space<vmem>>
        %dma_wait3A_92 = tpu.memref_squeeze %dma_wait3A_91 : memref<1x80xi32, #tpu.memory_space<vmem>> -> memref<80xi32, #tpu.memory_space<vmem>>
        %dma_wait3A_93 = arith.constant 0 : i32
        %dma_wait3A_94 = arith.constant 0 : i32
        %dma_wait3A_95 = tpu.memref_slice %arg12[%dma_wait3A_93, %dma_wait3A_94] : memref<10112x128xf32, #tpu.memory_space<vmem_shared>> -> memref<10112x128xf32, #tpu.memory_space<vmem_shared>>
        tpu.wait_indirect_dma semaphore(%run_scoped3A_83 : memref<!tpu.dma_semaphore, #tpu.memory_space<semaphore_mem>>) src(%arg9 : memref<80x128xf32, #tpu.memory_space<vmem>>) dst(%dma_wait3A_95 : memref<10112x128xf32, #tpu.memory_space<vmem_shared>>)
        tpu.yield
      }) : () -> ()
    }
    %scan3A_45 = arith.constant 4 : i32
    %barrier3A_46 = arith.constant 0 : index
    tpu.barrier barrier_id(%barrier3A_46)
    "tpu.region"() ({
      %run_scoped3A_47 = tpu.sem_alloc : memref<!tpu.dma_semaphore, #tpu.memory_space<semaphore_mem>>
      %dma_start3A_48 = arith.constant 0 : i32
      %dma_start3A_49 = tpu.memref_slice %arg6[%arg0, %mul3A_2, %dma_start3A_48] : memref<2x10112x128xf32, #tpu.memory_space<hbm>> -> memref<1x632x128xf32, #tpu.memory_space<hbm>>
      %dma_start3A_50 = tpu.memref_squeeze %dma_start3A_49 : memref<1x632x128xf32, #tpu.memory_space<hbm>> -> memref<632x128xf32, #tpu.memory_space<hbm>>
      %dma_start3A_51 = arith.constant 0 : i32
      %dma_start3A_52 = tpu.memref_slice %arg12[%mul3A_2, %dma_start3A_51] : memref<10112x128xf32, #tpu.memory_space<vmem_shared>> -> memref<632x128xf32, #tpu.memory_space<vmem_shared>>
      tpu.enqueue_dma source(%dma_start3A_52 : memref<632x128xf32, #tpu.memory_space<vmem_shared>>) target(%dma_start3A_50 : memref<632x128xf32, #tpu.memory_space<hbm>>) target_semaphore(%run_scoped3A_47 : memref<!tpu.dma_semaphore, #tpu.memory_space<semaphore_mem>>)
      %dma_wait3A_53 = arith.constant 0 : i32
      %dma_wait3A_54 = tpu.memref_slice %arg6[%arg0, %mul3A_2, %dma_wait3A_53] : memref<2x10112x128xf32, #tpu.memory_space<hbm>> -> memref<1x632x128xf32, #tpu.memory_space<hbm>>
      %dma_wait3A_55 = tpu.memref_squeeze %dma_wait3A_54 : memref<1x632x128xf32, #tpu.memory_space<hbm>> -> memref<632x128xf32, #tpu.memory_space<hbm>>
      %dma_wait3A_56 = arith.constant 0 : i32
      %dma_wait3A_57 = tpu.memref_slice %arg12[%mul3A_2, %dma_wait3A_56] : memref<10112x128xf32, #tpu.memory_space<vmem_shared>> -> memref<632x128xf32, #tpu.memory_space<vmem_shared>>
      tpu.wait_dma2 semaphore(%run_scoped3A_47 : memref<!tpu.dma_semaphore, #tpu.memory_space<semaphore_mem>>) src(%dma_wait3A_57 : memref<632x128xf32, #tpu.memory_space<vmem_shared>>) dst(%dma_wait3A_55 : memref<632x128xf32, #tpu.memory_space<hbm>>)
      tpu.yield
    }) : () -> ()
    return
  }
}

#map = affine_map<(d0, d1) -> (0, 0)>
#map1 = affine_map<(d0, d1) -> (0, 0, 0, 0)>
#map2 = affine_map<(d0, d1) -> (0, 0, 0)>
module attributes {stable_mosaic.version = 14 : i64} {
  func.func @agg_kernel(%arg0: i32, %arg1: i32, %arg2: memref<10000x128xf32, #tpu.memory_space<hbm>>, %arg3: memref<32x5x25x80xi32, #tpu.memory_space<hbm>>, %arg4: memref<32x5x25x80xi32, #tpu.memory_space<hbm>>, %arg5: memref<632x128xf32, #tpu.memory_space<hbm>>, %arg6: memref<2x10112x128xf32, #tpu.memory_space<hbm>>, %arg7: memref<25x80xi32, #tpu.memory_space<vmem>>, %arg8: memref<25x80xi32, #tpu.memory_space<vmem>>, %arg9: memref<80x128xf32, #tpu.memory_space<vmem>>, %arg10: memref<80x128xf32, #tpu.memory_space<vmem>>, %arg11: memref<80x128xf32, #tpu.memory_space<vmem>>, %arg12: memref<10112x128xf32, #tpu.memory_space<vmem_shared>>, %arg13: memref<!tpu.dma_semaphore, #tpu.memory_space<semaphore_mem>>, %arg14: memref<!tpu.dma_semaphore, #tpu.memory_space<semaphore_mem>>, %arg15: memref<!tpu.dma_semaphore, #tpu.memory_space<semaphore_mem>>, %arg16: memref<!tpu.dma_semaphore, #tpu.memory_space<semaphore_mem>>) attributes {dimension_semantics = [#tpu.dimension_semantics<core_parallel>, #tpu.dimension_semantics<subcore_parallel>], iteration_bounds = array<i64: 2, 16>, scalar_prefetch = 0 : i64, scratch_operands = 10 : i64, tpu.core_type = #tpu.core_type<sc_vector_subcore>, window_params = [{transform_indices = #map}, {transform_indices = #map1}, {transform_indices = #map1}, {transform_indices = #map}, {transform_indices = #map2}]} {
    %mul3A = arith.constant 16 : i32
    %mul3A_0 = arith.muli %arg0, %mul3A : i32
    %add3A = arith.addi %mul3A_0, %arg1 : i32
    %mul3A_1 = arith.constant 632 : i32
    %mul3A_2 = arith.muli %arg1, %mul3A_1 : i32
    %dma_start3A = arith.constant 0 : i32
    %dma_start3A_3 = tpu.memref_slice %arg12[%mul3A_2, %dma_start3A] : memref<10112x128xf32, #tpu.memory_space<vmem_shared>> -> memref<632x128xf32, #tpu.memory_space<vmem_shared>>
    tpu.enqueue_dma source(%arg5 : memref<632x128xf32, #tpu.memory_space<hbm>>) target(%dma_start3A_3 : memref<632x128xf32, #tpu.memory_space<vmem_shared>>) target_semaphore(%arg16 : memref<!tpu.dma_semaphore, #tpu.memory_space<semaphore_mem>>)
    %run_scoped3A = arith.constant 0 : i32
    "tpu.region"() ({
      %run_scoped3A_47 = tpu.sem_alloc : memref<!tpu.dma_semaphore, #tpu.memory_space<semaphore_mem>>
      %dma_start3A_48 = arith.constant 0 : i32
      %dma_start3A_49 = arith.constant 0 : i32
      %dma_start3A_50 = tpu.memref_slice %arg3[%add3A, %run_scoped3A, %dma_start3A_48, %dma_start3A_49] : memref<32x5x25x80xi32, #tpu.memory_space<hbm>> -> memref<1x1x25x80xi32, #tpu.memory_space<hbm>>
      %dma_start3A_51 = tpu.memref_squeeze %dma_start3A_50 : memref<1x1x25x80xi32, #tpu.memory_space<hbm>> -> memref<25x80xi32, #tpu.memory_space<hbm>>
      %dma_start3A_52 = arith.constant 0 : i32
      %dma_start3A_53 = arith.constant 0 : i32
      %dma_start3A_54 = tpu.memref_slice %arg3[%add3A, %run_scoped3A, %dma_start3A_52, %dma_start3A_53] : memref<32x5x25x80xi32, #tpu.memory_space<hbm>> -> memref<1x1x25x80xi32, #tpu.memory_space<hbm>>
      %dma_start3A_55 = tpu.memref_squeeze %dma_start3A_54 : memref<1x1x25x80xi32, #tpu.memory_space<hbm>> -> memref<25x80xi32, #tpu.memory_space<hbm>>
      tpu.enqueue_dma source(%dma_start3A_55 : memref<25x80xi32, #tpu.memory_space<hbm>>) target(%arg7 : memref<25x80xi32, #tpu.memory_space<vmem>>) target_semaphore(%run_scoped3A_47 : memref<!tpu.dma_semaphore, #tpu.memory_space<semaphore_mem>>)
      %dma_wait3A_56 = arith.constant 0 : i32
      %dma_wait3A_57 = arith.constant 0 : i32
      %dma_wait3A_58 = tpu.memref_slice %arg3[%add3A, %run_scoped3A, %dma_wait3A_56, %dma_wait3A_57] : memref<32x5x25x80xi32, #tpu.memory_space<hbm>> -> memref<1x1x25x80xi32, #tpu.memory_space<hbm>>
      %dma_wait3A_59 = tpu.memref_squeeze %dma_wait3A_58 : memref<1x1x25x80xi32, #tpu.memory_space<hbm>> -> memref<25x80xi32, #tpu.memory_space<hbm>>
      %dma_wait3A_60 = arith.constant 0 : i32
      %dma_wait3A_61 = arith.constant 0 : i32
      %dma_wait3A_62 = tpu.memref_slice %arg3[%add3A, %run_scoped3A, %dma_wait3A_60, %dma_wait3A_61] : memref<32x5x25x80xi32, #tpu.memory_space<hbm>> -> memref<1x1x25x80xi32, #tpu.memory_space<hbm>>
      %dma_wait3A_63 = tpu.memref_squeeze %dma_wait3A_62 : memref<1x1x25x80xi32, #tpu.memory_space<hbm>> -> memref<25x80xi32, #tpu.memory_space<hbm>>
      tpu.wait_dma2 semaphore(%run_scoped3A_47 : memref<!tpu.dma_semaphore, #tpu.memory_space<semaphore_mem>>) src(%dma_wait3A_63 : memref<25x80xi32, #tpu.memory_space<hbm>>) dst(%arg7 : memref<25x80xi32, #tpu.memory_space<vmem>>)
      tpu.yield
    }) : () -> ()
    %run_scoped3A_4 = arith.constant 0 : i32
    "tpu.region"() ({
      %run_scoped3A_47 = tpu.sem_alloc : memref<!tpu.dma_semaphore, #tpu.memory_space<semaphore_mem>>
      %dma_start3A_48 = arith.constant 0 : i32
      %dma_start3A_49 = arith.constant 0 : i32
      %dma_start3A_50 = tpu.memref_slice %arg4[%add3A, %run_scoped3A_4, %dma_start3A_48, %dma_start3A_49] : memref<32x5x25x80xi32, #tpu.memory_space<hbm>> -> memref<1x1x25x80xi32, #tpu.memory_space<hbm>>
      %dma_start3A_51 = tpu.memref_squeeze %dma_start3A_50 : memref<1x1x25x80xi32, #tpu.memory_space<hbm>> -> memref<25x80xi32, #tpu.memory_space<hbm>>
      %dma_start3A_52 = arith.constant 0 : i32
      %dma_start3A_53 = arith.constant 0 : i32
      %dma_start3A_54 = tpu.memref_slice %arg4[%add3A, %run_scoped3A_4, %dma_start3A_52, %dma_start3A_53] : memref<32x5x25x80xi32, #tpu.memory_space<hbm>> -> memref<1x1x25x80xi32, #tpu.memory_space<hbm>>
      %dma_start3A_55 = tpu.memref_squeeze %dma_start3A_54 : memref<1x1x25x80xi32, #tpu.memory_space<hbm>> -> memref<25x80xi32, #tpu.memory_space<hbm>>
      tpu.enqueue_dma source(%dma_start3A_55 : memref<25x80xi32, #tpu.memory_space<hbm>>) target(%arg8 : memref<25x80xi32, #tpu.memory_space<vmem>>) target_semaphore(%run_scoped3A_47 : memref<!tpu.dma_semaphore, #tpu.memory_space<semaphore_mem>>)
      %dma_wait3A_56 = arith.constant 0 : i32
      %dma_wait3A_57 = arith.constant 0 : i32
      %dma_wait3A_58 = tpu.memref_slice %arg4[%add3A, %run_scoped3A_4, %dma_wait3A_56, %dma_wait3A_57] : memref<32x5x25x80xi32, #tpu.memory_space<hbm>> -> memref<1x1x25x80xi32, #tpu.memory_space<hbm>>
      %dma_wait3A_59 = tpu.memref_squeeze %dma_wait3A_58 : memref<1x1x25x80xi32, #tpu.memory_space<hbm>> -> memref<25x80xi32, #tpu.memory_space<hbm>>
      %dma_wait3A_60 = arith.constant 0 : i32
      %dma_wait3A_61 = arith.constant 0 : i32
      %dma_wait3A_62 = tpu.memref_slice %arg4[%add3A, %run_scoped3A_4, %dma_wait3A_60, %dma_wait3A_61] : memref<32x5x25x80xi32, #tpu.memory_space<hbm>> -> memref<1x1x25x80xi32, #tpu.memory_space<hbm>>
      %dma_wait3A_63 = tpu.memref_squeeze %dma_wait3A_62 : memref<1x1x25x80xi32, #tpu.memory_space<hbm>> -> memref<25x80xi32, #tpu.memory_space<hbm>>
      tpu.wait_dma2 semaphore(%run_scoped3A_47 : memref<!tpu.dma_semaphore, #tpu.memory_space<semaphore_mem>>) src(%dma_wait3A_63 : memref<25x80xi32, #tpu.memory_space<hbm>>) dst(%arg8 : memref<25x80xi32, #tpu.memory_space<vmem>>)
      tpu.yield
    }) : () -> ()
    %dma_start3A_5 = arith.constant 0 : i32
    %dma_start3A_6 = arith.constant 0 : i32
    %dma_start3A_7 = tpu.memref_slice %arg7[%dma_start3A_5, %dma_start3A_6] : memref<25x80xi32, #tpu.memory_space<vmem>> -> memref<1x80xi32, #tpu.memory_space<vmem>>
    %dma_start3A_8 = tpu.memref_squeeze %dma_start3A_7 : memref<1x80xi32, #tpu.memory_space<vmem>> -> memref<80xi32, #tpu.memory_space<vmem>>
    %dma_start3A_9 = arith.constant 0 : i32
    %dma_start3A_10 = arith.constant 0 : i32
    %dma_start3A_11 = tpu.memref_slice %arg2[%dma_start3A_9, %dma_start3A_10] : memref<10000x128xf32, #tpu.memory_space<hbm>> -> memref<10000x128xf32, #tpu.memory_space<hbm>>
    tpu.enqueue_indirect_dma source(%dma_start3A_11 : memref<10000x128xf32, #tpu.memory_space<hbm>>) target(%arg9 : memref<80x128xf32, #tpu.memory_space<vmem>>) offsets(%dma_start3A_8 : memref<80xi32, #tpu.memory_space<vmem>>) semaphore(%arg13 : memref<!tpu.dma_semaphore, #tpu.memory_space<semaphore_mem>>)
    %dma_start3A_12 = arith.constant 1 : i32
    %dma_start3A_13 = arith.constant 0 : i32
    %dma_start3A_14 = tpu.memref_slice %arg7[%dma_start3A_12, %dma_start3A_13] : memref<25x80xi32, #tpu.memory_space<vmem>> -> memref<1x80xi32, #tpu.memory_space<vmem>>
    %dma_start3A_15 = tpu.memref_squeeze %dma_start3A_14 : memref<1x80xi32, #tpu.memory_space<vmem>> -> memref<80xi32, #tpu.memory_space<vmem>>
    %dma_start3A_16 = arith.constant 0 : i32
    %dma_start3A_17 = arith.constant 0 : i32
    %dma_start3A_18 = tpu.memref_slice %arg2[%dma_start3A_16, %dma_start3A_17] : memref<10000x128xf32, #tpu.memory_space<hbm>> -> memref<10000x128xf32, #tpu.memory_space<hbm>>
    tpu.enqueue_indirect_dma source(%dma_start3A_18 : memref<10000x128xf32, #tpu.memory_space<hbm>>) target(%arg10 : memref<80x128xf32, #tpu.memory_space<vmem>>) offsets(%dma_start3A_15 : memref<80xi32, #tpu.memory_space<vmem>>) semaphore(%arg14 : memref<!tpu.dma_semaphore, #tpu.memory_space<semaphore_mem>>)
    %dma_start3A_19 = arith.constant 2 : i32
    %dma_start3A_20 = arith.constant 0 : i32
    %dma_start3A_21 = tpu.memref_slice %arg7[%dma_start3A_19, %dma_start3A_20] : memref<25x80xi32, #tpu.memory_space<vmem>> -> memref<1x80xi32, #tpu.memory_space<vmem>>
    %dma_start3A_22 = tpu.memref_squeeze %dma_start3A_21 : memref<1x80xi32, #tpu.memory_space<vmem>> -> memref<80xi32, #tpu.memory_space<vmem>>
    %dma_start3A_23 = arith.constant 0 : i32
    %dma_start3A_24 = arith.constant 0 : i32
    %dma_start3A_25 = tpu.memref_slice %arg2[%dma_start3A_23, %dma_start3A_24] : memref<10000x128xf32, #tpu.memory_space<hbm>> -> memref<10000x128xf32, #tpu.memory_space<hbm>>
    tpu.enqueue_indirect_dma source(%dma_start3A_25 : memref<10000x128xf32, #tpu.memory_space<hbm>>) target(%arg11 : memref<80x128xf32, #tpu.memory_space<vmem>>) offsets(%dma_start3A_22 : memref<80xi32, #tpu.memory_space<vmem>>) semaphore(%arg15 : memref<!tpu.dma_semaphore, #tpu.memory_space<semaphore_mem>>)
    %dma_wait3A = arith.constant 0 : i32
    %dma_wait3A_26 = tpu.memref_slice %arg12[%mul3A_2, %dma_wait3A] : memref<10112x128xf32, #tpu.memory_space<vmem_shared>> -> memref<632x128xf32, #tpu.memory_space<vmem_shared>>
    tpu.wait_dma2 semaphore(%arg16 : memref<!tpu.dma_semaphore, #tpu.memory_space<semaphore_mem>>) src(%arg5 : memref<632x128xf32, #tpu.memory_space<hbm>>) dst(%dma_wait3A_26 : memref<632x128xf32, #tpu.memory_space<vmem_shared>>)
    %barrier3A = arith.constant 0 : index
    tpu.barrier barrier_id(%barrier3A)
    %scan3A = arith.constant 0 : i32
    %scan3A_27 = arith.constant 0 : i32
    %scan3A_28 = arith.constant 8 : i32
    %scan3A_29 = arith.addi %scan3A_27, %scan3A_28 : i32
    %scan3A_30 = arith.constant 1 : i32
    scf.for %scan3A_47 = %scan3A_27 to %scan3A_29 step %scan3A_30  : i32 {
      %mul3A_48 = arith.constant 3 : i32
      %mul3A_49 = arith.muli %mul3A_48, %scan3A_47 : i32
      %dma_wait3A_50 = arith.constant 0 : i32
      %dma_wait3A_51 = arith.constant 0 : i32
      %dma_wait3A_52 = tpu.memref_slice %arg7[%dma_wait3A_50, %dma_wait3A_51] : memref<25x80xi32, #tpu.memory_space<vmem>> -> memref<1x80xi32, #tpu.memory_space<vmem>>
      %dma_wait3A_53 = tpu.memref_squeeze %dma_wait3A_52 : memref<1x80xi32, #tpu.memory_space<vmem>> -> memref<80xi32, #tpu.memory_space<vmem>>
      %dma_wait3A_54 = arith.constant 0 : i32
      %dma_wait3A_55 = arith.constant 0 : i32
      %dma_wait3A_56 = tpu.memref_slice %arg2[%dma_wait3A_54, %dma_wait3A_55] : memref<10000x128xf32, #tpu.memory_space<hbm>> -> memref<10000x128xf32, #tpu.memory_space<hbm>>
      tpu.wait_indirect_dma semaphore(%arg13 : memref<!tpu.dma_semaphore, #tpu.memory_space<semaphore_mem>>) src(%dma_wait3A_56 : memref<10000x128xf32, #tpu.memory_space<hbm>>) dst(%arg9 : memref<80x128xf32, #tpu.memory_space<vmem>>)
      "tpu.region"() ({
        %run_scoped3A_93 = tpu.sem_alloc : memref<!tpu.dma_semaphore, #tpu.memory_space<semaphore_mem>>
        %dma_start3A_94 = arith.constant 0 : i32
        %dma_start3A_95 = tpu.memref_slice %arg8[%mul3A_49, %dma_start3A_94] : memref<25x80xi32, #tpu.memory_space<vmem>> -> memref<1x80xi32, #tpu.memory_space<vmem>>
        %dma_start3A_96 = tpu.memref_squeeze %dma_start3A_95 : memref<1x80xi32, #tpu.memory_space<vmem>> -> memref<80xi32, #tpu.memory_space<vmem>>
        %dma_start3A_97 = arith.constant 0 : i32
        %dma_start3A_98 = arith.constant 0 : i32
        %dma_start3A_99 = tpu.memref_slice %arg12[%dma_start3A_97, %dma_start3A_98] : memref<10112x128xf32, #tpu.memory_space<vmem_shared>> -> memref<10112x128xf32, #tpu.memory_space<vmem_shared>>
        tpu.enqueue_indirect_dma source(%arg9 : memref<80x128xf32, #tpu.memory_space<vmem>>) target(%dma_start3A_99 : memref<10112x128xf32, #tpu.memory_space<vmem_shared>>) offsets(%dma_start3A_96 : memref<80xi32, #tpu.memory_space<vmem>>) semaphore(%run_scoped3A_93 : memref<!tpu.dma_semaphore, #tpu.memory_space<semaphore_mem>>) {add = true}
        %dma_wait3A_100 = arith.constant 0 : i32
        %dma_wait3A_101 = tpu.memref_slice %arg8[%mul3A_49, %dma_wait3A_100] : memref<25x80xi32, #tpu.memory_space<vmem>> -> memref<1x80xi32, #tpu.memory_space<vmem>>
        %dma_wait3A_102 = tpu.memref_squeeze %dma_wait3A_101 : memref<1x80xi32, #tpu.memory_space<vmem>> -> memref<80xi32, #tpu.memory_space<vmem>>
        %dma_wait3A_103 = arith.constant 0 : i32
        %dma_wait3A_104 = arith.constant 0 : i32
        %dma_wait3A_105 = tpu.memref_slice %arg12[%dma_wait3A_103, %dma_wait3A_104] : memref<10112x128xf32, #tpu.memory_space<vmem_shared>> -> memref<10112x128xf32, #tpu.memory_space<vmem_shared>>
        tpu.wait_indirect_dma semaphore(%run_scoped3A_93 : memref<!tpu.dma_semaphore, #tpu.memory_space<semaphore_mem>>) src(%arg9 : memref<80x128xf32, #tpu.memory_space<vmem>>) dst(%dma_wait3A_105 : memref<10112x128xf32, #tpu.memory_space<vmem_shared>>)
        tpu.yield
      }) : () -> ()
      %add3A_57 = arith.constant 3 : i32
      %add3A_58 = arith.addi %mul3A_49, %add3A_57 : i32
      %lt3A = arith.constant 25 : i32
      %lt3A_59 = arith.cmpi slt, %add3A_58, %lt3A : i32
      %convert_element_type3A = arith.extui %lt3A_59 : i1 to i32
      %cond3A = arith.constant 0 : i32
      %cond3A_60 = arith.cmpi ne, %convert_element_type3A, %cond3A : i32
      scf.if %cond3A_60 {
        %add3A_93 = arith.constant 3 : i32
        %add3A_94 = arith.addi %mul3A_49, %add3A_93 : i32
        %dma_start3A_95 = arith.constant 0 : i32
        %dma_start3A_96 = tpu.memref_slice %arg7[%add3A_94, %dma_start3A_95] : memref<25x80xi32, #tpu.memory_space<vmem>> -> memref<1x80xi32, #tpu.memory_space<vmem>>
        %dma_start3A_97 = tpu.memref_squeeze %dma_start3A_96 : memref<1x80xi32, #tpu.memory_space<vmem>> -> memref<80xi32, #tpu.memory_space<vmem>>
        %dma_start3A_98 = arith.constant 0 : i32
        %dma_start3A_99 = arith.constant 0 : i32
        %dma_start3A_100 = tpu.memref_slice %arg2[%dma_start3A_98, %dma_start3A_99] : memref<10000x128xf32, #tpu.memory_space<hbm>> -> memref<10000x128xf32, #tpu.memory_space<hbm>>
        tpu.enqueue_indirect_dma source(%dma_start3A_100 : memref<10000x128xf32, #tpu.memory_space<hbm>>) target(%arg9 : memref<80x128xf32, #tpu.memory_space<vmem>>) offsets(%dma_start3A_97 : memref<80xi32, #tpu.memory_space<vmem>>) semaphore(%arg13 : memref<!tpu.dma_semaphore, #tpu.memory_space<semaphore_mem>>)
      } else {
      }
      %add3A_61 = arith.constant 1 : i32
      %add3A_62 = arith.addi %mul3A_49, %add3A_61 : i32
      %dma_wait3A_63 = arith.constant 0 : i32
      %dma_wait3A_64 = arith.constant 0 : i32
      %dma_wait3A_65 = tpu.memref_slice %arg7[%dma_wait3A_63, %dma_wait3A_64] : memref<25x80xi32, #tpu.memory_space<vmem>> -> memref<1x80xi32, #tpu.memory_space<vmem>>
      %dma_wait3A_66 = tpu.memref_squeeze %dma_wait3A_65 : memref<1x80xi32, #tpu.memory_space<vmem>> -> memref<80xi32, #tpu.memory_space<vmem>>
      %dma_wait3A_67 = arith.constant 0 : i32
      %dma_wait3A_68 = arith.constant 0 : i32
      %dma_wait3A_69 = tpu.memref_slice %arg2[%dma_wait3A_67, %dma_wait3A_68] : memref<10000x128xf32, #tpu.memory_space<hbm>> -> memref<10000x128xf32, #tpu.memory_space<hbm>>
      tpu.wait_indirect_dma semaphore(%arg14 : memref<!tpu.dma_semaphore, #tpu.memory_space<semaphore_mem>>) src(%dma_wait3A_69 : memref<10000x128xf32, #tpu.memory_space<hbm>>) dst(%arg10 : memref<80x128xf32, #tpu.memory_space<vmem>>)
      "tpu.region"() ({
        %run_scoped3A_93 = tpu.sem_alloc : memref<!tpu.dma_semaphore, #tpu.memory_space<semaphore_mem>>
        %dma_start3A_94 = arith.constant 0 : i32
        %dma_start3A_95 = tpu.memref_slice %arg8[%add3A_62, %dma_start3A_94] : memref<25x80xi32, #tpu.memory_space<vmem>> -> memref<1x80xi32, #tpu.memory_space<vmem>>
        %dma_start3A_96 = tpu.memref_squeeze %dma_start3A_95 : memref<1x80xi32, #tpu.memory_space<vmem>> -> memref<80xi32, #tpu.memory_space<vmem>>
        %dma_start3A_97 = arith.constant 0 : i32
        %dma_start3A_98 = arith.constant 0 : i32
        %dma_start3A_99 = tpu.memref_slice %arg12[%dma_start3A_97, %dma_start3A_98] : memref<10112x128xf32, #tpu.memory_space<vmem_shared>> -> memref<10112x128xf32, #tpu.memory_space<vmem_shared>>
        tpu.enqueue_indirect_dma source(%arg10 : memref<80x128xf32, #tpu.memory_space<vmem>>) target(%dma_start3A_99 : memref<10112x128xf32, #tpu.memory_space<vmem_shared>>) offsets(%dma_start3A_96 : memref<80xi32, #tpu.memory_space<vmem>>) semaphore(%run_scoped3A_93 : memref<!tpu.dma_semaphore, #tpu.memory_space<semaphore_mem>>) {add = true}
        %dma_wait3A_100 = arith.constant 0 : i32
        %dma_wait3A_101 = tpu.memref_slice %arg8[%add3A_62, %dma_wait3A_100] : memref<25x80xi32, #tpu.memory_space<vmem>> -> memref<1x80xi32, #tpu.memory_space<vmem>>
        %dma_wait3A_102 = tpu.memref_squeeze %dma_wait3A_101 : memref<1x80xi32, #tpu.memory_space<vmem>> -> memref<80xi32, #tpu.memory_space<vmem>>
        %dma_wait3A_103 = arith.constant 0 : i32
        %dma_wait3A_104 = arith.constant 0 : i32
        %dma_wait3A_105 = tpu.memref_slice %arg12[%dma_wait3A_103, %dma_wait3A_104] : memref<10112x128xf32, #tpu.memory_space<vmem_shared>> -> memref<10112x128xf32, #tpu.memory_space<vmem_shared>>
        tpu.wait_indirect_dma semaphore(%run_scoped3A_93 : memref<!tpu.dma_semaphore, #tpu.memory_space<semaphore_mem>>) src(%arg10 : memref<80x128xf32, #tpu.memory_space<vmem>>) dst(%dma_wait3A_105 : memref<10112x128xf32, #tpu.memory_space<vmem_shared>>)
        tpu.yield
      }) : () -> ()
      %add3A_70 = arith.constant 3 : i32
      %add3A_71 = arith.addi %add3A_62, %add3A_70 : i32
      %lt3A_72 = arith.constant 25 : i32
      %lt3A_73 = arith.cmpi slt, %add3A_71, %lt3A_72 : i32
      %convert_element_type3A_74 = arith.extui %lt3A_73 : i1 to i32
      %cond3A_75 = arith.constant 0 : i32
      %cond3A_76 = arith.cmpi ne, %convert_element_type3A_74, %cond3A_75 : i32
      scf.if %cond3A_76 {
        %add3A_93 = arith.constant 3 : i32
        %add3A_94 = arith.addi %add3A_62, %add3A_93 : i32
        %dma_start3A_95 = arith.constant 0 : i32
        %dma_start3A_96 = tpu.memref_slice %arg7[%add3A_94, %dma_start3A_95] : memref<25x80xi32, #tpu.memory_space<vmem>> -> memref<1x80xi32, #tpu.memory_space<vmem>>
        %dma_start3A_97 = tpu.memref_squeeze %dma_start3A_96 : memref<1x80xi32, #tpu.memory_space<vmem>> -> memref<80xi32, #tpu.memory_space<vmem>>
        %dma_start3A_98 = arith.constant 0 : i32
        %dma_start3A_99 = arith.constant 0 : i32
        %dma_start3A_100 = tpu.memref_slice %arg2[%dma_start3A_98, %dma_start3A_99] : memref<10000x128xf32, #tpu.memory_space<hbm>> -> memref<10000x128xf32, #tpu.memory_space<hbm>>
        tpu.enqueue_indirect_dma source(%dma_start3A_100 : memref<10000x128xf32, #tpu.memory_space<hbm>>) target(%arg10 : memref<80x128xf32, #tpu.memory_space<vmem>>) offsets(%dma_start3A_97 : memref<80xi32, #tpu.memory_space<vmem>>) semaphore(%arg14 : memref<!tpu.dma_semaphore, #tpu.memory_space<semaphore_mem>>)
      } else {
      }
      %add3A_77 = arith.constant 2 : i32
      %add3A_78 = arith.addi %mul3A_49, %add3A_77 : i32
      %dma_wait3A_79 = arith.constant 0 : i32
      %dma_wait3A_80 = arith.constant 0 : i32
      %dma_wait3A_81 = tpu.memref_slice %arg7[%dma_wait3A_79, %dma_wait3A_80] : memref<25x80xi32, #tpu.memory_space<vmem>> -> memref<1x80xi32, #tpu.memory_space<vmem>>
      %dma_wait3A_82 = tpu.memref_squeeze %dma_wait3A_81 : memref<1x80xi32, #tpu.memory_space<vmem>> -> memref<80xi32, #tpu.memory_space<vmem>>
      %dma_wait3A_83 = arith.constant 0 : i32
      %dma_wait3A_84 = arith.constant 0 : i32
      %dma_wait3A_85 = tpu.memref_slice %arg2[%dma_wait3A_83, %dma_wait3A_84] : memref<10000x128xf32, #tpu.memory_space<hbm>> -> memref<10000x128xf32, #tpu.memory_space<hbm>>
      tpu.wait_indirect_dma semaphore(%arg15 : memref<!tpu.dma_semaphore, #tpu.memory_space<semaphore_mem>>) src(%dma_wait3A_85 : memref<10000x128xf32, #tpu.memory_space<hbm>>) dst(%arg11 : memref<80x128xf32, #tpu.memory_space<vmem>>)
      "tpu.region"() ({
        %run_scoped3A_93 = tpu.sem_alloc : memref<!tpu.dma_semaphore, #tpu.memory_space<semaphore_mem>>
        %dma_start3A_94 = arith.constant 0 : i32
        %dma_start3A_95 = tpu.memref_slice %arg8[%add3A_78, %dma_start3A_94] : memref<25x80xi32, #tpu.memory_space<vmem>> -> memref<1x80xi32, #tpu.memory_space<vmem>>
        %dma_start3A_96 = tpu.memref_squeeze %dma_start3A_95 : memref<1x80xi32, #tpu.memory_space<vmem>> -> memref<80xi32, #tpu.memory_space<vmem>>
        %dma_start3A_97 = arith.constant 0 : i32
        %dma_start3A_98 = arith.constant 0 : i32
        %dma_start3A_99 = tpu.memref_slice %arg12[%dma_start3A_97, %dma_start3A_98] : memref<10112x128xf32, #tpu.memory_space<vmem_shared>> -> memref<10112x128xf32, #tpu.memory_space<vmem_shared>>
        tpu.enqueue_indirect_dma source(%arg11 : memref<80x128xf32, #tpu.memory_space<vmem>>) target(%dma_start3A_99 : memref<10112x128xf32, #tpu.memory_space<vmem_shared>>) offsets(%dma_start3A_96 : memref<80xi32, #tpu.memory_space<vmem>>) semaphore(%run_scoped3A_93 : memref<!tpu.dma_semaphore, #tpu.memory_space<semaphore_mem>>) {add = true}
        %dma_wait3A_100 = arith.constant 0 : i32
        %dma_wait3A_101 = tpu.memref_slice %arg8[%add3A_78, %dma_wait3A_100] : memref<25x80xi32, #tpu.memory_space<vmem>> -> memref<1x80xi32, #tpu.memory_space<vmem>>
        %dma_wait3A_102 = tpu.memref_squeeze %dma_wait3A_101 : memref<1x80xi32, #tpu.memory_space<vmem>> -> memref<80xi32, #tpu.memory_space<vmem>>
        %dma_wait3A_103 = arith.constant 0 : i32
        %dma_wait3A_104 = arith.constant 0 : i32
        %dma_wait3A_105 = tpu.memref_slice %arg12[%dma_wait3A_103, %dma_wait3A_104] : memref<10112x128xf32, #tpu.memory_space<vmem_shared>> -> memref<10112x128xf32, #tpu.memory_space<vmem_shared>>
        tpu.wait_indirect_dma semaphore(%run_scoped3A_93 : memref<!tpu.dma_semaphore, #tpu.memory_space<semaphore_mem>>) src(%arg11 : memref<80x128xf32, #tpu.memory_space<vmem>>) dst(%dma_wait3A_105 : memref<10112x128xf32, #tpu.memory_space<vmem_shared>>)
        tpu.yield
      }) : () -> ()
      %add3A_86 = arith.constant 3 : i32
      %add3A_87 = arith.addi %add3A_78, %add3A_86 : i32
      %lt3A_88 = arith.constant 25 : i32
      %lt3A_89 = arith.cmpi slt, %add3A_87, %lt3A_88 : i32
      %convert_element_type3A_90 = arith.extui %lt3A_89 : i1 to i32
      %cond3A_91 = arith.constant 0 : i32
      %cond3A_92 = arith.cmpi ne, %convert_element_type3A_90, %cond3A_91 : i32
      scf.if %cond3A_92 {
        %add3A_93 = arith.constant 3 : i32
        %add3A_94 = arith.addi %add3A_78, %add3A_93 : i32
        %dma_start3A_95 = arith.constant 0 : i32
        %dma_start3A_96 = tpu.memref_slice %arg7[%add3A_94, %dma_start3A_95] : memref<25x80xi32, #tpu.memory_space<vmem>> -> memref<1x80xi32, #tpu.memory_space<vmem>>
        %dma_start3A_97 = tpu.memref_squeeze %dma_start3A_96 : memref<1x80xi32, #tpu.memory_space<vmem>> -> memref<80xi32, #tpu.memory_space<vmem>>
        %dma_start3A_98 = arith.constant 0 : i32
        %dma_start3A_99 = arith.constant 0 : i32
        %dma_start3A_100 = tpu.memref_slice %arg2[%dma_start3A_98, %dma_start3A_99] : memref<10000x128xf32, #tpu.memory_space<hbm>> -> memref<10000x128xf32, #tpu.memory_space<hbm>>
        tpu.enqueue_indirect_dma source(%dma_start3A_100 : memref<10000x128xf32, #tpu.memory_space<hbm>>) target(%arg11 : memref<80x128xf32, #tpu.memory_space<vmem>>) offsets(%dma_start3A_97 : memref<80xi32, #tpu.memory_space<vmem>>) semaphore(%arg15 : memref<!tpu.dma_semaphore, #tpu.memory_space<semaphore_mem>>)
      } else {
      }
    }
    %scan3A_31 = arith.constant 8 : i32
    %dma_wait3A_32 = arith.constant 0 : i32
    %dma_wait3A_33 = arith.constant 0 : i32
    %dma_wait3A_34 = tpu.memref_slice %arg7[%dma_wait3A_32, %dma_wait3A_33] : memref<25x80xi32, #tpu.memory_space<vmem>> -> memref<1x80xi32, #tpu.memory_space<vmem>>
    %dma_wait3A_35 = tpu.memref_squeeze %dma_wait3A_34 : memref<1x80xi32, #tpu.memory_space<vmem>> -> memref<80xi32, #tpu.memory_space<vmem>>
    %dma_wait3A_36 = arith.constant 0 : i32
    %dma_wait3A_37 = arith.constant 0 : i32
    %dma_wait3A_38 = tpu.memref_slice %arg2[%dma_wait3A_36, %dma_wait3A_37] : memref<10000x128xf32, #tpu.memory_space<hbm>> -> memref<10000x128xf32, #tpu.memory_space<hbm>>
    tpu.wait_indirect_dma semaphore(%arg13 : memref<!tpu.dma_semaphore, #tpu.memory_space<semaphore_mem>>) src(%dma_wait3A_38 : memref<10000x128xf32, #tpu.memory_space<hbm>>) dst(%arg9 : memref<80x128xf32, #tpu.memory_space<vmem>>)
    %run_scoped3A_39 = arith.constant 24 : i32
    "tpu.region"() ({
      %run_scoped3A_47 = tpu.sem_alloc : memref<!tpu.dma_semaphore, #tpu.memory_space<semaphore_mem>>
      %dma_start3A_48 = arith.constant 0 : i32
      %dma_start3A_49 = tpu.memref_slice %arg8[%run_scoped3A_39, %dma_start3A_48] : memref<25x80xi32, #tpu.memory_space<vmem>> -> memref<1x80xi32, #tpu.memory_space<vmem>>
      %dma_start3A_50 = tpu.memref_squeeze %dma_start3A_49 : memref<1x80xi32, #tpu.memory_space<vmem>> -> memref<80xi32, #tpu.memory_space<vmem>>
      %dma_start3A_51 = arith.constant 0 : i32
      %dma_start3A_52 = arith.constant 0 : i32
      %dma_start3A_53 = tpu.memref_slice %arg12[%dma_start3A_51, %dma_start3A_52] : memref<10112x128xf32, #tpu.memory_space<vmem_shared>> -> memref<10112x128xf32, #tpu.memory_space<vmem_shared>>
      tpu.enqueue_indirect_dma source(%arg9 : memref<80x128xf32, #tpu.memory_space<vmem>>) target(%dma_start3A_53 : memref<10112x128xf32, #tpu.memory_space<vmem_shared>>) offsets(%dma_start3A_50 : memref<80xi32, #tpu.memory_space<vmem>>) semaphore(%run_scoped3A_47 : memref<!tpu.dma_semaphore, #tpu.memory_space<semaphore_mem>>) {add = true}
      %dma_wait3A_54 = arith.constant 0 : i32
      %dma_wait3A_55 = tpu.memref_slice %arg8[%run_scoped3A_39, %dma_wait3A_54] : memref<25x80xi32, #tpu.memory_space<vmem>> -> memref<1x80xi32, #tpu.memory_space<vmem>>
      %dma_wait3A_56 = tpu.memref_squeeze %dma_wait3A_55 : memref<1x80xi32, #tpu.memory_space<vmem>> -> memref<80xi32, #tpu.memory_space<vmem>>
      %dma_wait3A_57 = arith.constant 0 : i32
      %dma_wait3A_58 = arith.constant 0 : i32
      %dma_wait3A_59 = tpu.memref_slice %arg12[%dma_wait3A_57, %dma_wait3A_58] : memref<10112x128xf32, #tpu.memory_space<vmem_shared>> -> memref<10112x128xf32, #tpu.memory_space<vmem_shared>>
      tpu.wait_indirect_dma semaphore(%run_scoped3A_47 : memref<!tpu.dma_semaphore, #tpu.memory_space<semaphore_mem>>) src(%arg9 : memref<80x128xf32, #tpu.memory_space<vmem>>) dst(%dma_wait3A_59 : memref<10112x128xf32, #tpu.memory_space<vmem_shared>>)
      tpu.yield
    }) : () -> ()
    %scan3A_40 = arith.constant 0 : i32
    %scan3A_41 = arith.constant 1 : i32
    %scan3A_42 = arith.constant 4 : i32
    %scan3A_43 = arith.addi %scan3A_41, %scan3A_42 : i32
    %scan3A_44 = arith.constant 1 : i32
    scf.for %scan3A_47 = %scan3A_41 to %scan3A_43 step %scan3A_44  : i32 {
      "tpu.region"() ({
        %run_scoped3A_83 = tpu.sem_alloc : memref<!tpu.dma_semaphore, #tpu.memory_space<semaphore_mem>>
        %dma_start3A_84 = arith.constant 0 : i32
        %dma_start3A_85 = arith.constant 0 : i32
        %dma_start3A_86 = tpu.memref_slice %arg3[%add3A, %scan3A_47, %dma_start3A_84, %dma_start3A_85] : memref<32x5x25x80xi32, #tpu.memory_space<hbm>> -> memref<1x1x25x80xi32, #tpu.memory_space<hbm>>
        %dma_start3A_87 = tpu.memref_squeeze %dma_start3A_86 : memref<1x1x25x80xi32, #tpu.memory_space<hbm>> -> memref<25x80xi32, #tpu.memory_space<hbm>>
        %dma_start3A_88 = arith.constant 0 : i32
        %dma_start3A_89 = arith.constant 0 : i32
        %dma_start3A_90 = tpu.memref_slice %arg3[%add3A, %scan3A_47, %dma_start3A_88, %dma_start3A_89] : memref<32x5x25x80xi32, #tpu.memory_space<hbm>> -> memref<1x1x25x80xi32, #tpu.memory_space<hbm>>
        %dma_start3A_91 = tpu.memref_squeeze %dma_start3A_90 : memref<1x1x25x80xi32, #tpu.memory_space<hbm>> -> memref<25x80xi32, #tpu.memory_space<hbm>>
        tpu.enqueue_dma source(%dma_start3A_91 : memref<25x80xi32, #tpu.memory_space<hbm>>) target(%arg7 : memref<25x80xi32, #tpu.memory_space<vmem>>) target_semaphore(%run_scoped3A_83 : memref<!tpu.dma_semaphore, #tpu.memory_space<semaphore_mem>>)
        %dma_wait3A_92 = arith.constant 0 : i32
        %dma_wait3A_93 = arith.constant 0 : i32
        %dma_wait3A_94 = tpu.memref_slice %arg3[%add3A, %scan3A_47, %dma_wait3A_92, %dma_wait3A_93] : memref<32x5x25x80xi32, #tpu.memory_space<hbm>> -> memref<1x1x25x80xi32, #tpu.memory_space<hbm>>
        %dma_wait3A_95 = tpu.memref_squeeze %dma_wait3A_94 : memref<1x1x25x80xi32, #tpu.memory_space<hbm>> -> memref<25x80xi32, #tpu.memory_space<hbm>>
        %dma_wait3A_96 = arith.constant 0 : i32
        %dma_wait3A_97 = arith.constant 0 : i32
        %dma_wait3A_98 = tpu.memref_slice %arg3[%add3A, %scan3A_47, %dma_wait3A_96, %dma_wait3A_97] : memref<32x5x25x80xi32, #tpu.memory_space<hbm>> -> memref<1x1x25x80xi32, #tpu.memory_space<hbm>>
        %dma_wait3A_99 = tpu.memref_squeeze %dma_wait3A_98 : memref<1x1x25x80xi32, #tpu.memory_space<hbm>> -> memref<25x80xi32, #tpu.memory_space<hbm>>
        tpu.wait_dma2 semaphore(%run_scoped3A_83 : memref<!tpu.dma_semaphore, #tpu.memory_space<semaphore_mem>>) src(%dma_wait3A_99 : memref<25x80xi32, #tpu.memory_space<hbm>>) dst(%arg7 : memref<25x80xi32, #tpu.memory_space<vmem>>)
        tpu.yield
      }) : () -> ()
      "tpu.region"() ({
        %run_scoped3A_83 = tpu.sem_alloc : memref<!tpu.dma_semaphore, #tpu.memory_space<semaphore_mem>>
        %dma_start3A_84 = arith.constant 0 : i32
        %dma_start3A_85 = arith.constant 0 : i32
        %dma_start3A_86 = tpu.memref_slice %arg4[%add3A, %scan3A_47, %dma_start3A_84, %dma_start3A_85] : memref<32x5x25x80xi32, #tpu.memory_space<hbm>> -> memref<1x1x25x80xi32, #tpu.memory_space<hbm>>
        %dma_start3A_87 = tpu.memref_squeeze %dma_start3A_86 : memref<1x1x25x80xi32, #tpu.memory_space<hbm>> -> memref<25x80xi32, #tpu.memory_space<hbm>>
        %dma_start3A_88 = arith.constant 0 : i32
        %dma_start3A_89 = arith.constant 0 : i32
        %dma_start3A_90 = tpu.memref_slice %arg4[%add3A, %scan3A_47, %dma_start3A_88, %dma_start3A_89] : memref<32x5x25x80xi32, #tpu.memory_space<hbm>> -> memref<1x1x25x80xi32, #tpu.memory_space<hbm>>
        %dma_start3A_91 = tpu.memref_squeeze %dma_start3A_90 : memref<1x1x25x80xi32, #tpu.memory_space<hbm>> -> memref<25x80xi32, #tpu.memory_space<hbm>>
        tpu.enqueue_dma source(%dma_start3A_91 : memref<25x80xi32, #tpu.memory_space<hbm>>) target(%arg8 : memref<25x80xi32, #tpu.memory_space<vmem>>) target_semaphore(%run_scoped3A_83 : memref<!tpu.dma_semaphore, #tpu.memory_space<semaphore_mem>>)
        %dma_wait3A_92 = arith.constant 0 : i32
        %dma_wait3A_93 = arith.constant 0 : i32
        %dma_wait3A_94 = tpu.memref_slice %arg4[%add3A, %scan3A_47, %dma_wait3A_92, %dma_wait3A_93] : memref<32x5x25x80xi32, #tpu.memory_space<hbm>> -> memref<1x1x25x80xi32, #tpu.memory_space<hbm>>
        %dma_wait3A_95 = tpu.memref_squeeze %dma_wait3A_94 : memref<1x1x25x80xi32, #tpu.memory_space<hbm>> -> memref<25x80xi32, #tpu.memory_space<hbm>>
        %dma_wait3A_96 = arith.constant 0 : i32
        %dma_wait3A_97 = arith.constant 0 : i32
        %dma_wait3A_98 = tpu.memref_slice %arg4[%add3A, %scan3A_47, %dma_wait3A_96, %dma_wait3A_97] : memref<32x5x25x80xi32, #tpu.memory_space<hbm>> -> memref<1x1x25x80xi32, #tpu.memory_space<hbm>>
        %dma_wait3A_99 = tpu.memref_squeeze %dma_wait3A_98 : memref<1x1x25x80xi32, #tpu.memory_space<hbm>> -> memref<25x80xi32, #tpu.memory_space<hbm>>
        tpu.wait_dma2 semaphore(%run_scoped3A_83 : memref<!tpu.dma_semaphore, #tpu.memory_space<semaphore_mem>>) src(%dma_wait3A_99 : memref<25x80xi32, #tpu.memory_space<hbm>>) dst(%arg8 : memref<25x80xi32, #tpu.memory_space<vmem>>)
        tpu.yield
      }) : () -> ()
      %dma_start3A_48 = arith.constant 0 : i32
      %dma_start3A_49 = arith.constant 0 : i32
      %dma_start3A_50 = tpu.memref_slice %arg7[%dma_start3A_48, %dma_start3A_49] : memref<25x80xi32, #tpu.memory_space<vmem>> -> memref<1x80xi32, #tpu.memory_space<vmem>>
      %dma_start3A_51 = tpu.memref_squeeze %dma_start3A_50 : memref<1x80xi32, #tpu.memory_space<vmem>> -> memref<80xi32, #tpu.memory_space<vmem>>
      %dma_start3A_52 = arith.constant 0 : i32
      %dma_start3A_53 = arith.constant 0 : i32
      %dma_start3A_54 = tpu.memref_slice %arg2[%dma_start3A_52, %dma_start3A_53] : memref<10000x128xf32, #tpu.memory_space<hbm>> -> memref<10000x128xf32, #tpu.memory_space<hbm>>
      tpu.enqueue_indirect_dma source(%dma_start3A_54 : memref<10000x128xf32, #tpu.memory_space<hbm>>) target(%arg9 : memref<80x128xf32, #tpu.memory_space<vmem>>) offsets(%dma_start3A_51 : memref<80xi32, #tpu.memory_space<vmem>>) semaphore(%arg13 : memref<!tpu.dma_semaphore, #tpu.memory_space<semaphore_mem>>)
      %dma_start3A_55 = arith.constant 1 : i32
      %dma_start3A_56 = arith.constant 0 : i32
      %dma_start3A_57 = tpu.memref_slice %arg7[%dma_start3A_55, %dma_start3A_56] : memref<25x80xi32, #tpu.memory_space<vmem>> -> memref<1x80xi32, #tpu.memory_space<vmem>>
      %dma_start3A_58 = tpu.memref_squeeze %dma_start3A_57 : memref<1x80xi32, #tpu.memory_space<vmem>> -> memref<80xi32, #tpu.memory_space<vmem>>
      %dma_start3A_59 = arith.constant 0 : i32
      %dma_start3A_60 = arith.constant 0 : i32
      %dma_start3A_61 = tpu.memref_slice %arg2[%dma_start3A_59, %dma_start3A_60] : memref<10000x128xf32, #tpu.memory_space<hbm>> -> memref<10000x128xf32, #tpu.memory_space<hbm>>
      tpu.enqueue_indirect_dma source(%dma_start3A_61 : memref<10000x128xf32, #tpu.memory_space<hbm>>) target(%arg10 : memref<80x128xf32, #tpu.memory_space<vmem>>) offsets(%dma_start3A_58 : memref<80xi32, #tpu.memory_space<vmem>>) semaphore(%arg14 : memref<!tpu.dma_semaphore, #tpu.memory_space<semaphore_mem>>)
      %dma_start3A_62 = arith.constant 2 : i32
      %dma_start3A_63 = arith.constant 0 : i32
      %dma_start3A_64 = tpu.memref_slice %arg7[%dma_start3A_62, %dma_start3A_63] : memref<25x80xi32, #tpu.memory_space<vmem>> -> memref<1x80xi32, #tpu.memory_space<vmem>>
      %dma_start3A_65 = tpu.memref_squeeze %dma_start3A_64 : memref<1x80xi32, #tpu.memory_space<vmem>> -> memref<80xi32, #tpu.memory_space<vmem>>
      %dma_start3A_66 = arith.constant 0 : i32
      %dma_start3A_67 = arith.constant 0 : i32
      %dma_start3A_68 = tpu.memref_slice %arg2[%dma_start3A_66, %dma_start3A_67] : memref<10000x128xf32, #tpu.memory_space<hbm>> -> memref<10000x128xf32, #tpu.memory_space<hbm>>
      tpu.enqueue_indirect_dma source(%dma_start3A_68 : memref<10000x128xf32, #tpu.memory_space<hbm>>) target(%arg11 : memref<80x128xf32, #tpu.memory_space<vmem>>) offsets(%dma_start3A_65 : memref<80xi32, #tpu.memory_space<vmem>>) semaphore(%arg15 : memref<!tpu.dma_semaphore, #tpu.memory_space<semaphore_mem>>)
      %scan3A_69 = arith.constant 0 : i32
      %scan3A_70 = arith.constant 0 : i32
      %scan3A_71 = arith.constant 8 : i32
      %scan3A_72 = arith.addi %scan3A_70, %scan3A_71 : i32
      %scan3A_73 = arith.constant 1 : i32
      scf.for %scan3A_83 = %scan3A_70 to %scan3A_72 step %scan3A_73  : i32 {
        %mul3A_84 = arith.constant 3 : i32
        %mul3A_85 = arith.muli %mul3A_84, %scan3A_83 : i32
        %dma_wait3A_86 = arith.constant 0 : i32
        %dma_wait3A_87 = arith.constant 0 : i32
        %dma_wait3A_88 = tpu.memref_slice %arg7[%dma_wait3A_86, %dma_wait3A_87] : memref<25x80xi32, #tpu.memory_space<vmem>> -> memref<1x80xi32, #tpu.memory_space<vmem>>
        %dma_wait3A_89 = tpu.memref_squeeze %dma_wait3A_88 : memref<1x80xi32, #tpu.memory_space<vmem>> -> memref<80xi32, #tpu.memory_space<vmem>>
        %dma_wait3A_90 = arith.constant 0 : i32
        %dma_wait3A_91 = arith.constant 0 : i32
        %dma_wait3A_92 = tpu.memref_slice %arg2[%dma_wait3A_90, %dma_wait3A_91] : memref<10000x128xf32, #tpu.memory_space<hbm>> -> memref<10000x128xf32, #tpu.memory_space<hbm>>
        tpu.wait_indirect_dma semaphore(%arg13 : memref<!tpu.dma_semaphore, #tpu.memory_space<semaphore_mem>>) src(%dma_wait3A_92 : memref<10000x128xf32, #tpu.memory_space<hbm>>) dst(%arg9 : memref<80x128xf32, #tpu.memory_space<vmem>>)
        "tpu.region"() ({
          %run_scoped3A_129 = tpu.sem_alloc : memref<!tpu.dma_semaphore, #tpu.memory_space<semaphore_mem>>
          %dma_start3A_130 = arith.constant 0 : i32
          %dma_start3A_131 = tpu.memref_slice %arg8[%mul3A_85, %dma_start3A_130] : memref<25x80xi32, #tpu.memory_space<vmem>> -> memref<1x80xi32, #tpu.memory_space<vmem>>
          %dma_start3A_132 = tpu.memref_squeeze %dma_start3A_131 : memref<1x80xi32, #tpu.memory_space<vmem>> -> memref<80xi32, #tpu.memory_space<vmem>>
          %dma_start3A_133 = arith.constant 0 : i32
          %dma_start3A_134 = arith.constant 0 : i32
          %dma_start3A_135 = tpu.memref_slice %arg12[%dma_start3A_133, %dma_start3A_134] : memref<10112x128xf32, #tpu.memory_space<vmem_shared>> -> memref<10112x128xf32, #tpu.memory_space<vmem_shared>>
          tpu.enqueue_indirect_dma source(%arg9 : memref<80x128xf32, #tpu.memory_space<vmem>>) target(%dma_start3A_135 : memref<10112x128xf32, #tpu.memory_space<vmem_shared>>) offsets(%dma_start3A_132 : memref<80xi32, #tpu.memory_space<vmem>>) semaphore(%run_scoped3A_129 : memref<!tpu.dma_semaphore, #tpu.memory_space<semaphore_mem>>) {add = true}
          %dma_wait3A_136 = arith.constant 0 : i32
          %dma_wait3A_137 = tpu.memref_slice %arg8[%mul3A_85, %dma_wait3A_136] : memref<25x80xi32, #tpu.memory_space<vmem>> -> memref<1x80xi32, #tpu.memory_space<vmem>>
          %dma_wait3A_138 = tpu.memref_squeeze %dma_wait3A_137 : memref<1x80xi32, #tpu.memory_space<vmem>> -> memref<80xi32, #tpu.memory_space<vmem>>
          %dma_wait3A_139 = arith.constant 0 : i32
          %dma_wait3A_140 = arith.constant 0 : i32
          %dma_wait3A_141 = tpu.memref_slice %arg12[%dma_wait3A_139, %dma_wait3A_140] : memref<10112x128xf32, #tpu.memory_space<vmem_shared>> -> memref<10112x128xf32, #tpu.memory_space<vmem_shared>>
          tpu.wait_indirect_dma semaphore(%run_scoped3A_129 : memref<!tpu.dma_semaphore, #tpu.memory_space<semaphore_mem>>) src(%arg9 : memref<80x128xf32, #tpu.memory_space<vmem>>) dst(%dma_wait3A_141 : memref<10112x128xf32, #tpu.memory_space<vmem_shared>>)
          tpu.yield
        }) : () -> ()
        %add3A_93 = arith.constant 3 : i32
        %add3A_94 = arith.addi %mul3A_85, %add3A_93 : i32
        %lt3A = arith.constant 25 : i32
        %lt3A_95 = arith.cmpi slt, %add3A_94, %lt3A : i32
        %convert_element_type3A = arith.extui %lt3A_95 : i1 to i32
        %cond3A = arith.constant 0 : i32
        %cond3A_96 = arith.cmpi ne, %convert_element_type3A, %cond3A : i32
        scf.if %cond3A_96 {
          %add3A_129 = arith.constant 3 : i32
          %add3A_130 = arith.addi %mul3A_85, %add3A_129 : i32
          %dma_start3A_131 = arith.constant 0 : i32
          %dma_start3A_132 = tpu.memref_slice %arg7[%add3A_130, %dma_start3A_131] : memref<25x80xi32, #tpu.memory_space<vmem>> -> memref<1x80xi32, #tpu.memory_space<vmem>>
          %dma_start3A_133 = tpu.memref_squeeze %dma_start3A_132 : memref<1x80xi32, #tpu.memory_space<vmem>> -> memref<80xi32, #tpu.memory_space<vmem>>
          %dma_start3A_134 = arith.constant 0 : i32
          %dma_start3A_135 = arith.constant 0 : i32
          %dma_start3A_136 = tpu.memref_slice %arg2[%dma_start3A_134, %dma_start3A_135] : memref<10000x128xf32, #tpu.memory_space<hbm>> -> memref<10000x128xf32, #tpu.memory_space<hbm>>
          tpu.enqueue_indirect_dma source(%dma_start3A_136 : memref<10000x128xf32, #tpu.memory_space<hbm>>) target(%arg9 : memref<80x128xf32, #tpu.memory_space<vmem>>) offsets(%dma_start3A_133 : memref<80xi32, #tpu.memory_space<vmem>>) semaphore(%arg13 : memref<!tpu.dma_semaphore, #tpu.memory_space<semaphore_mem>>)
        } else {
        }
        %add3A_97 = arith.constant 1 : i32
        %add3A_98 = arith.addi %mul3A_85, %add3A_97 : i32
        %dma_wait3A_99 = arith.constant 0 : i32
        %dma_wait3A_100 = arith.constant 0 : i32
        %dma_wait3A_101 = tpu.memref_slice %arg7[%dma_wait3A_99, %dma_wait3A_100] : memref<25x80xi32, #tpu.memory_space<vmem>> -> memref<1x80xi32, #tpu.memory_space<vmem>>
        %dma_wait3A_102 = tpu.memref_squeeze %dma_wait3A_101 : memref<1x80xi32, #tpu.memory_space<vmem>> -> memref<80xi32, #tpu.memory_space<vmem>>
        %dma_wait3A_103 = arith.constant 0 : i32
        %dma_wait3A_104 = arith.constant 0 : i32
        %dma_wait3A_105 = tpu.memref_slice %arg2[%dma_wait3A_103, %dma_wait3A_104] : memref<10000x128xf32, #tpu.memory_space<hbm>> -> memref<10000x128xf32, #tpu.memory_space<hbm>>
        tpu.wait_indirect_dma semaphore(%arg14 : memref<!tpu.dma_semaphore, #tpu.memory_space<semaphore_mem>>) src(%dma_wait3A_105 : memref<10000x128xf32, #tpu.memory_space<hbm>>) dst(%arg10 : memref<80x128xf32, #tpu.memory_space<vmem>>)
        "tpu.region"() ({
          %run_scoped3A_129 = tpu.sem_alloc : memref<!tpu.dma_semaphore, #tpu.memory_space<semaphore_mem>>
          %dma_start3A_130 = arith.constant 0 : i32
          %dma_start3A_131 = tpu.memref_slice %arg8[%add3A_98, %dma_start3A_130] : memref<25x80xi32, #tpu.memory_space<vmem>> -> memref<1x80xi32, #tpu.memory_space<vmem>>
          %dma_start3A_132 = tpu.memref_squeeze %dma_start3A_131 : memref<1x80xi32, #tpu.memory_space<vmem>> -> memref<80xi32, #tpu.memory_space<vmem>>
          %dma_start3A_133 = arith.constant 0 : i32
          %dma_start3A_134 = arith.constant 0 : i32
          %dma_start3A_135 = tpu.memref_slice %arg12[%dma_start3A_133, %dma_start3A_134] : memref<10112x128xf32, #tpu.memory_space<vmem_shared>> -> memref<10112x128xf32, #tpu.memory_space<vmem_shared>>
          tpu.enqueue_indirect_dma source(%arg10 : memref<80x128xf32, #tpu.memory_space<vmem>>) target(%dma_start3A_135 : memref<10112x128xf32, #tpu.memory_space<vmem_shared>>) offsets(%dma_start3A_132 : memref<80xi32, #tpu.memory_space<vmem>>) semaphore(%run_scoped3A_129 : memref<!tpu.dma_semaphore, #tpu.memory_space<semaphore_mem>>) {add = true}
          %dma_wait3A_136 = arith.constant 0 : i32
          %dma_wait3A_137 = tpu.memref_slice %arg8[%add3A_98, %dma_wait3A_136] : memref<25x80xi32, #tpu.memory_space<vmem>> -> memref<1x80xi32, #tpu.memory_space<vmem>>
          %dma_wait3A_138 = tpu.memref_squeeze %dma_wait3A_137 : memref<1x80xi32, #tpu.memory_space<vmem>> -> memref<80xi32, #tpu.memory_space<vmem>>
          %dma_wait3A_139 = arith.constant 0 : i32
          %dma_wait3A_140 = arith.constant 0 : i32
          %dma_wait3A_141 = tpu.memref_slice %arg12[%dma_wait3A_139, %dma_wait3A_140] : memref<10112x128xf32, #tpu.memory_space<vmem_shared>> -> memref<10112x128xf32, #tpu.memory_space<vmem_shared>>
          tpu.wait_indirect_dma semaphore(%run_scoped3A_129 : memref<!tpu.dma_semaphore, #tpu.memory_space<semaphore_mem>>) src(%arg10 : memref<80x128xf32, #tpu.memory_space<vmem>>) dst(%dma_wait3A_141 : memref<10112x128xf32, #tpu.memory_space<vmem_shared>>)
          tpu.yield
        }) : () -> ()
        %add3A_106 = arith.constant 3 : i32
        %add3A_107 = arith.addi %add3A_98, %add3A_106 : i32
        %lt3A_108 = arith.constant 25 : i32
        %lt3A_109 = arith.cmpi slt, %add3A_107, %lt3A_108 : i32
        %convert_element_type3A_110 = arith.extui %lt3A_109 : i1 to i32
        %cond3A_111 = arith.constant 0 : i32
        %cond3A_112 = arith.cmpi ne, %convert_element_type3A_110, %cond3A_111 : i32
        scf.if %cond3A_112 {
          %add3A_129 = arith.constant 3 : i32
          %add3A_130 = arith.addi %add3A_98, %add3A_129 : i32
          %dma_start3A_131 = arith.constant 0 : i32
          %dma_start3A_132 = tpu.memref_slice %arg7[%add3A_130, %dma_start3A_131] : memref<25x80xi32, #tpu.memory_space<vmem>> -> memref<1x80xi32, #tpu.memory_space<vmem>>
          %dma_start3A_133 = tpu.memref_squeeze %dma_start3A_132 : memref<1x80xi32, #tpu.memory_space<vmem>> -> memref<80xi32, #tpu.memory_space<vmem>>
          %dma_start3A_134 = arith.constant 0 : i32
          %dma_start3A_135 = arith.constant 0 : i32
          %dma_start3A_136 = tpu.memref_slice %arg2[%dma_start3A_134, %dma_start3A_135] : memref<10000x128xf32, #tpu.memory_space<hbm>> -> memref<10000x128xf32, #tpu.memory_space<hbm>>
          tpu.enqueue_indirect_dma source(%dma_start3A_136 : memref<10000x128xf32, #tpu.memory_space<hbm>>) target(%arg10 : memref<80x128xf32, #tpu.memory_space<vmem>>) offsets(%dma_start3A_133 : memref<80xi32, #tpu.memory_space<vmem>>) semaphore(%arg14 : memref<!tpu.dma_semaphore, #tpu.memory_space<semaphore_mem>>)
        } else {
        }
        %add3A_113 = arith.constant 2 : i32
        %add3A_114 = arith.addi %mul3A_85, %add3A_113 : i32
        %dma_wait3A_115 = arith.constant 0 : i32
        %dma_wait3A_116 = arith.constant 0 : i32
        %dma_wait3A_117 = tpu.memref_slice %arg7[%dma_wait3A_115, %dma_wait3A_116] : memref<25x80xi32, #tpu.memory_space<vmem>> -> memref<1x80xi32, #tpu.memory_space<vmem>>
        %dma_wait3A_118 = tpu.memref_squeeze %dma_wait3A_117 : memref<1x80xi32, #tpu.memory_space<vmem>> -> memref<80xi32, #tpu.memory_space<vmem>>
        %dma_wait3A_119 = arith.constant 0 : i32
        %dma_wait3A_120 = arith.constant 0 : i32
        %dma_wait3A_121 = tpu.memref_slice %arg2[%dma_wait3A_119, %dma_wait3A_120] : memref<10000x128xf32, #tpu.memory_space<hbm>> -> memref<10000x128xf32, #tpu.memory_space<hbm>>
        tpu.wait_indirect_dma semaphore(%arg15 : memref<!tpu.dma_semaphore, #tpu.memory_space<semaphore_mem>>) src(%dma_wait3A_121 : memref<10000x128xf32, #tpu.memory_space<hbm>>) dst(%arg11 : memref<80x128xf32, #tpu.memory_space<vmem>>)
        "tpu.region"() ({
          %run_scoped3A_129 = tpu.sem_alloc : memref<!tpu.dma_semaphore, #tpu.memory_space<semaphore_mem>>
          %dma_start3A_130 = arith.constant 0 : i32
          %dma_start3A_131 = tpu.memref_slice %arg8[%add3A_114, %dma_start3A_130] : memref<25x80xi32, #tpu.memory_space<vmem>> -> memref<1x80xi32, #tpu.memory_space<vmem>>
          %dma_start3A_132 = tpu.memref_squeeze %dma_start3A_131 : memref<1x80xi32, #tpu.memory_space<vmem>> -> memref<80xi32, #tpu.memory_space<vmem>>
          %dma_start3A_133 = arith.constant 0 : i32
          %dma_start3A_134 = arith.constant 0 : i32
          %dma_start3A_135 = tpu.memref_slice %arg12[%dma_start3A_133, %dma_start3A_134] : memref<10112x128xf32, #tpu.memory_space<vmem_shared>> -> memref<10112x128xf32, #tpu.memory_space<vmem_shared>>
          tpu.enqueue_indirect_dma source(%arg11 : memref<80x128xf32, #tpu.memory_space<vmem>>) target(%dma_start3A_135 : memref<10112x128xf32, #tpu.memory_space<vmem_shared>>) offsets(%dma_start3A_132 : memref<80xi32, #tpu.memory_space<vmem>>) semaphore(%run_scoped3A_129 : memref<!tpu.dma_semaphore, #tpu.memory_space<semaphore_mem>>) {add = true}
          %dma_wait3A_136 = arith.constant 0 : i32
          %dma_wait3A_137 = tpu.memref_slice %arg8[%add3A_114, %dma_wait3A_136] : memref<25x80xi32, #tpu.memory_space<vmem>> -> memref<1x80xi32, #tpu.memory_space<vmem>>
          %dma_wait3A_138 = tpu.memref_squeeze %dma_wait3A_137 : memref<1x80xi32, #tpu.memory_space<vmem>> -> memref<80xi32, #tpu.memory_space<vmem>>
          %dma_wait3A_139 = arith.constant 0 : i32
          %dma_wait3A_140 = arith.constant 0 : i32
          %dma_wait3A_141 = tpu.memref_slice %arg12[%dma_wait3A_139, %dma_wait3A_140] : memref<10112x128xf32, #tpu.memory_space<vmem_shared>> -> memref<10112x128xf32, #tpu.memory_space<vmem_shared>>
          tpu.wait_indirect_dma semaphore(%run_scoped3A_129 : memref<!tpu.dma_semaphore, #tpu.memory_space<semaphore_mem>>) src(%arg11 : memref<80x128xf32, #tpu.memory_space<vmem>>) dst(%dma_wait3A_141 : memref<10112x128xf32, #tpu.memory_space<vmem_shared>>)
          tpu.yield
        }) : () -> ()
        %add3A_122 = arith.constant 3 : i32
        %add3A_123 = arith.addi %add3A_114, %add3A_122 : i32
        %lt3A_124 = arith.constant 25 : i32
        %lt3A_125 = arith.cmpi slt, %add3A_123, %lt3A_124 : i32
        %convert_element_type3A_126 = arith.extui %lt3A_125 : i1 to i32
        %cond3A_127 = arith.constant 0 : i32
        %cond3A_128 = arith.cmpi ne, %convert_element_type3A_126, %cond3A_127 : i32
        scf.if %cond3A_128 {
          %add3A_129 = arith.constant 3 : i32
          %add3A_130 = arith.addi %add3A_114, %add3A_129 : i32
          %dma_start3A_131 = arith.constant 0 : i32
          %dma_start3A_132 = tpu.memref_slice %arg7[%add3A_130, %dma_start3A_131] : memref<25x80xi32, #tpu.memory_space<vmem>> -> memref<1x80xi32, #tpu.memory_space<vmem>>
          %dma_start3A_133 = tpu.memref_squeeze %dma_start3A_132 : memref<1x80xi32, #tpu.memory_space<vmem>> -> memref<80xi32, #tpu.memory_space<vmem>>
          %dma_start3A_134 = arith.constant 0 : i32
          %dma_start3A_135 = arith.constant 0 : i32
          %dma_start3A_136 = tpu.memref_slice %arg2[%dma_start3A_134, %dma_start3A_135] : memref<10000x128xf32, #tpu.memory_space<hbm>> -> memref<10000x128xf32, #tpu.memory_space<hbm>>
          tpu.enqueue_indirect_dma source(%dma_start3A_136 : memref<10000x128xf32, #tpu.memory_space<hbm>>) target(%arg11 : memref<80x128xf32, #tpu.memory_space<vmem>>) offsets(%dma_start3A_133 : memref<80xi32, #tpu.memory_space<vmem>>) semaphore(%arg15 : memref<!tpu.dma_semaphore, #tpu.memory_space<semaphore_mem>>)
        } else {
        }
      }
      %scan3A_74 = arith.constant 8 : i32
      %dma_wait3A_75 = arith.constant 0 : i32
      %dma_wait3A_76 = arith.constant 0 : i32
      %dma_wait3A_77 = tpu.memref_slice %arg7[%dma_wait3A_75, %dma_wait3A_76] : memref<25x80xi32, #tpu.memory_space<vmem>> -> memref<1x80xi32, #tpu.memory_space<vmem>>
      %dma_wait3A_78 = tpu.memref_squeeze %dma_wait3A_77 : memref<1x80xi32, #tpu.memory_space<vmem>> -> memref<80xi32, #tpu.memory_space<vmem>>
      %dma_wait3A_79 = arith.constant 0 : i32
      %dma_wait3A_80 = arith.constant 0 : i32
      %dma_wait3A_81 = tpu.memref_slice %arg2[%dma_wait3A_79, %dma_wait3A_80] : memref<10000x128xf32, #tpu.memory_space<hbm>> -> memref<10000x128xf32, #tpu.memory_space<hbm>>
      tpu.wait_indirect_dma semaphore(%arg13 : memref<!tpu.dma_semaphore, #tpu.memory_space<semaphore_mem>>) src(%dma_wait3A_81 : memref<10000x128xf32, #tpu.memory_space<hbm>>) dst(%arg9 : memref<80x128xf32, #tpu.memory_space<vmem>>)
      %run_scoped3A_82 = arith.constant 24 : i32
      "tpu.region"() ({
        %run_scoped3A_83 = tpu.sem_alloc : memref<!tpu.dma_semaphore, #tpu.memory_space<semaphore_mem>>
        %dma_start3A_84 = arith.constant 0 : i32
        %dma_start3A_85 = tpu.memref_slice %arg8[%run_scoped3A_82, %dma_start3A_84] : memref<25x80xi32, #tpu.memory_space<vmem>> -> memref<1x80xi32, #tpu.memory_space<vmem>>
        %dma_start3A_86 = tpu.memref_squeeze %dma_start3A_85 : memref<1x80xi32, #tpu.memory_space<vmem>> -> memref<80xi32, #tpu.memory_space<vmem>>
        %dma_start3A_87 = arith.constant 0 : i32
        %dma_start3A_88 = arith.constant 0 : i32
        %dma_start3A_89 = tpu.memref_slice %arg12[%dma_start3A_87, %dma_start3A_88] : memref<10112x128xf32, #tpu.memory_space<vmem_shared>> -> memref<10112x128xf32, #tpu.memory_space<vmem_shared>>
        tpu.enqueue_indirect_dma source(%arg9 : memref<80x128xf32, #tpu.memory_space<vmem>>) target(%dma_start3A_89 : memref<10112x128xf32, #tpu.memory_space<vmem_shared>>) offsets(%dma_start3A_86 : memref<80xi32, #tpu.memory_space<vmem>>) semaphore(%run_scoped3A_83 : memref<!tpu.dma_semaphore, #tpu.memory_space<semaphore_mem>>) {add = true}
        %dma_wait3A_90 = arith.constant 0 : i32
        %dma_wait3A_91 = tpu.memref_slice %arg8[%run_scoped3A_82, %dma_wait3A_90] : memref<25x80xi32, #tpu.memory_space<vmem>> -> memref<1x80xi32, #tpu.memory_space<vmem>>
        %dma_wait3A_92 = tpu.memref_squeeze %dma_wait3A_91 : memref<1x80xi32, #tpu.memory_space<vmem>> -> memref<80xi32, #tpu.memory_space<vmem>>
        %dma_wait3A_93 = arith.constant 0 : i32
        %dma_wait3A_94 = arith.constant 0 : i32
        %dma_wait3A_95 = tpu.memref_slice %arg12[%dma_wait3A_93, %dma_wait3A_94] : memref<10112x128xf32, #tpu.memory_space<vmem_shared>> -> memref<10112x128xf32, #tpu.memory_space<vmem_shared>>
        tpu.wait_indirect_dma semaphore(%run_scoped3A_83 : memref<!tpu.dma_semaphore, #tpu.memory_space<semaphore_mem>>) src(%arg9 : memref<80x128xf32, #tpu.memory_space<vmem>>) dst(%dma_wait3A_95 : memref<10112x128xf32, #tpu.memory_space<vmem_shared>>)
        tpu.yield
      }) : () -> ()
    }
    %scan3A_45 = arith.constant 4 : i32
    %barrier3A_46 = arith.constant 0 : index
    tpu.barrier barrier_id(%barrier3A_46)
    "tpu.region"() ({
      %run_scoped3A_47 = tpu.sem_alloc : memref<!tpu.dma_semaphore, #tpu.memory_space<semaphore_mem>>
      %dma_start3A_48 = arith.constant 0 : i32
      %dma_start3A_49 = tpu.memref_slice %arg6[%arg0, %mul3A_2, %dma_start3A_48] : memref<2x10112x128xf32, #tpu.memory_space<hbm>> -> memref<1x632x128xf32, #tpu.memory_space<hbm>>
      %dma_start3A_50 = tpu.memref_squeeze %dma_start3A_49 : memref<1x632x128xf32, #tpu.memory_space<hbm>> -> memref<632x128xf32, #tpu.memory_space<hbm>>
      %dma_start3A_51 = arith.constant 0 : i32
      %dma_start3A_52 = tpu.memref_slice %arg12[%mul3A_2, %dma_start3A_51] : memref<10112x128xf32, #tpu.memory_space<vmem_shared>> -> memref<632x128xf32, #tpu.memory_space<vmem_shared>>
      tpu.enqueue_dma source(%dma_start3A_52 : memref<632x128xf32, #tpu.memory_space<vmem_shared>>) target(%dma_start3A_50 : memref<632x128xf32, #tpu.memory_space<hbm>>) target_semaphore(%run_scoped3A_47 : memref<!tpu.dma_semaphore, #tpu.memory_space<semaphore_mem>>)
      %dma_wait3A_53 = arith.constant 0 : i32
      %dma_wait3A_54 = tpu.memref_slice %arg6[%arg0, %mul3A_2, %dma_wait3A_53] : memref<2x10112x128xf32, #tpu.memory_space<hbm>> -> memref<1x632x128xf32, #tpu.memory_space<hbm>>
      %dma_wait3A_55 = tpu.memref_squeeze %dma_wait3A_54 : memref<1x632x128xf32, #tpu.memory_space<hbm>> -> memref<632x128xf32, #tpu.memory_space<hbm>>
      %dma_wait3A_56 = arith.constant 0 : i32
      %dma_wait3A_57 = tpu.memref_slice %arg12[%mul3A_2, %dma_wait3A_56] : memref<10112x128xf32, #tpu.memory_space<vmem_shared>> -> memref<632x128xf32, #tpu.memory_space<vmem_shared>>
      tpu.wait_dma2 semaphore(%run_scoped3A_47 : memref<!tpu.dma_semaphore, #tpu.memory_space<semaphore_mem>>) src(%dma_wait3A_57 : memref<632x128xf32, #tpu.memory_space<vmem_shared>>) dst(%dma_wait3A_55 : memref<632x128xf32, #tpu.memory_space<hbm>>)
      tpu.yield
    }) : () -> ()
    return
  }
}

module attributes {stable_mosaic.version = 14 : i64} {
  func.func @_layer1_body(%arg0: i32, %arg1: memref<1x1xf32, #tpu.memory_space<smem>>, %arg2: memref<2000x128xf32, #tpu.memory_space<vmem>>, %arg3: memref<2000x128xf32, #tpu.memory_space<vmem>>, %arg4: memref<2000x128xf32, #tpu.memory_space<vmem>>, %arg5: memref<128x128xf32, #tpu.memory_space<vmem>>, %arg6: memref<1x128xf32, #tpu.memory_space<vmem>>, %arg7: memref<128x128xf32, #tpu.memory_space<vmem>>, %arg8: memref<1x128xf32, #tpu.memory_space<vmem>>, %arg9: memref<128x128xf32, #tpu.memory_space<vmem>>, %arg10: memref<1x128xf32, #tpu.memory_space<vmem>>, %arg11: memref<2000x128xf32, #tpu.memory_space<vmem>>, %arg12: memref<2000x128xf32, #tpu.memory_space<vmem>>) attributes {dimension_semantics = [#tpu.dimension_semantics<arbitrary>], iteration_bounds = array<i64: 5>, scalar_prefetch = 0 : i64, scratch_operands = 0 : i64, tpu.core_type = #tpu.core_type<tc>, window_params = [{transform_indices = @transform_0, window_bounds = array<i64: 1, 1>}, {transform_indices = @transform_1, window_bounds = array<i64: 2000, 128>}, {transform_indices = @transform_2, window_bounds = array<i64: 2000, 128>}, {transform_indices = @transform_3, window_bounds = array<i64: 2000, 128>}, {pipeline_mode = #tpu.pipeline_mode<synchronous>, transform_indices = @transform_4, window_bounds = array<i64: 128, 128>}, {pipeline_mode = #tpu.pipeline_mode<synchronous>, transform_indices = @transform_5, window_bounds = array<i64: 1, 128>}, {pipeline_mode = #tpu.pipeline_mode<synchronous>, transform_indices = @transform_6, window_bounds = array<i64: 128, 128>}, {pipeline_mode = #tpu.pipeline_mode<synchronous>, transform_indices = @transform_7, window_bounds = array<i64: 1, 128>}, {pipeline_mode = #tpu.pipeline_mode<synchronous>, transform_indices = @transform_8, window_bounds = array<i64: 128, 128>}, {pipeline_mode = #tpu.pipeline_mode<synchronous>, transform_indices = @transform_9, window_bounds = array<i64: 1, 128>}, {transform_indices = @transform_10, window_bounds = array<i64: 2000, 128>}, {transform_indices = @transform_11, window_bounds = array<i64: 2000, 128>}]} {
    %get3A = arith.constant 0 : index
    %get3A_0 = arith.constant 0 : index
    %get3A_1 = vector.load %arg2[%get3A, %get3A_0] : memref<2000x128xf32, #tpu.memory_space<vmem>>, vector<2000x128xf32>
    %get3A_2 = arith.constant 0 : index
    %get3A_3 = arith.constant 0 : index
    %get3A_4 = memref.load %arg1[%get3A_2, %get3A_3] : memref<1x1xf32, #tpu.memory_space<smem>>
    %get3A_5 = arith.constant 0 : index
    %get3A_6 = arith.constant 0 : index
    %get3A_7 = vector.load %arg3[%get3A_5, %get3A_6] : memref<2000x128xf32, #tpu.memory_space<vmem>>, vector<2000x128xf32>
    %get3A_8 = arith.constant 0 : index
    %get3A_9 = arith.constant 0 : index
    %get3A_10 = vector.load %arg4[%get3A_8, %get3A_9] : memref<2000x128xf32, #tpu.memory_space<vmem>>, vector<2000x128xf32>
    %get3A_11 = arith.constant 0 : index
    %get3A_12 = arith.constant 0 : index
    %get3A_13 = vector.load %arg5[%get3A_11, %get3A_12] : memref<128x128xf32, #tpu.memory_space<vmem>>, vector<128x128xf32>
    %get3A_14 = arith.constant 0 : index
    %get3A_15 = arith.constant 0 : index
    %get3A_16 = vector.load %arg6[%get3A_14, %get3A_15] : memref<1x128xf32, #tpu.memory_space<vmem>>, vector<1x128xf32>
    %get3A_17 = arith.constant 0 : index
    %get3A_18 = arith.constant 0 : index
    %get3A_19 = vector.load %arg7[%get3A_17, %get3A_18] : memref<128x128xf32, #tpu.memory_space<vmem>>, vector<128x128xf32>
    %get3A_20 = arith.constant 0 : index
    %get3A_21 = arith.constant 0 : index
    %get3A_22 = vector.load %arg8[%get3A_20, %get3A_21] : memref<1x128xf32, #tpu.memory_space<vmem>>, vector<1x128xf32>
    %add3A = arith.constant 1.000000e+00 : f32
    %add3A_23 = arith.addf %add3A, %get3A_4 : f32
    %mul3A = vector.broadcast %add3A_23 : f32 to vector<2000x128xf32>
    %mul3A_24 = arith.mulf %get3A_1, %mul3A : vector<2000x128xf32>
    %add3A_25 = arith.addf %mul3A_24, %get3A_7 : vector<2000x128xf32>
    %add3A_26 = arith.addf %add3A_25, %get3A_10 : vector<2000x128xf32>
    %dot_general3A = arith.constant dense<0.000000e+00> : vector<2000x128xf32>
    %dot_general3A_27 = tpu.matmul %add3A_26, %get3A_13, %dot_general3A {dimension_numbers = #tpu.dot_dimension_numbers<[1], [0], [0], [1], [0, 0, 1, 1], [], []>, transpose_lhs_hint = false} : vector<2000x128xf32>, vector<128x128xf32>, vector<2000x128xf32> -> vector<2000x128xf32>
    %add3A_28 = vector.broadcast %get3A_16 : vector<1x128xf32> to vector<2000x128xf32>
    %add3A_29 = arith.addf %dot_general3A_27, %add3A_28 : vector<2000x128xf32>
    %max3A = arith.constant 0.000000e+00 : f32
    %max3A_30 = vector.broadcast %max3A : f32 to vector<2000x128xf32>
    %max3A_31 = arith.maximumf %add3A_29, %max3A_30 : vector<2000x128xf32>
    %dot_general3A_32 = arith.constant dense<0.000000e+00> : vector<2000x128xf32>
    %dot_general3A_33 = tpu.matmul %max3A_31, %get3A_19, %dot_general3A_32 {dimension_numbers = #tpu.dot_dimension_numbers<[1], [0], [0], [1], [0, 0, 1, 1], [], []>, transpose_lhs_hint = false} : vector<2000x128xf32>, vector<128x128xf32>, vector<2000x128xf32> -> vector<2000x128xf32>
    %add3A_34 = vector.broadcast %get3A_22 : vector<1x128xf32> to vector<2000x128xf32>
    %add3A_35 = arith.addf %dot_general3A_33, %add3A_34 : vector<2000x128xf32>
    %swap3A = arith.constant 0 : index
    %swap3A_36 = arith.constant 0 : index
    %swap3A_37 = vector.load %arg11[%swap3A, %swap3A_36] : memref<2000x128xf32, #tpu.memory_space<vmem>>, vector<2000x128xf32>
    tpu.vector_store %arg11[%swap3A, %swap3A_36], %add3A_35 {strides = array<i32>} : memref<2000x128xf32, #tpu.memory_space<vmem>>, vector<2000x128xf32>,
    %get3A_38 = arith.constant 0 : index
    %get3A_39 = arith.constant 0 : index
    %get3A_40 = vector.load %arg9[%get3A_38, %get3A_39] : memref<128x128xf32, #tpu.memory_space<vmem>>, vector<128x128xf32>
    %dot_general3A_41 = arith.constant dense<0.000000e+00> : vector<2000x128xf32>
    %dot_general3A_42 = tpu.matmul %get3A_1, %get3A_40, %dot_general3A_41 {dimension_numbers = #tpu.dot_dimension_numbers<[1], [0], [0], [1], [0, 0, 1, 1], [], []>, transpose_lhs_hint = false} : vector<2000x128xf32>, vector<128x128xf32>, vector<2000x128xf32> -> vector<2000x128xf32>
    %get3A_43 = arith.constant 0 : index
    %get3A_44 = arith.constant 0 : index
    %get3A_45 = vector.load %arg10[%get3A_43, %get3A_44] : memref<1x128xf32, #tpu.memory_space<vmem>>, vector<1x128xf32>
    %add3A_46 = vector.broadcast %get3A_45 : vector<1x128xf32> to vector<2000x128xf32>
    %add3A_47 = arith.addf %dot_general3A_42, %add3A_46 : vector<2000x128xf32>
    %swap3A_48 = arith.constant 0 : index
    %swap3A_49 = arith.constant 0 : index
    %swap3A_50 = vector.load %arg12[%swap3A_48, %swap3A_49] : memref<2000x128xf32, #tpu.memory_space<vmem>>, vector<2000x128xf32>
    tpu.vector_store %arg12[%swap3A_48, %swap3A_49], %add3A_47 {strides = array<i32>} : memref<2000x128xf32, #tpu.memory_space<vmem>>, vector<2000x128xf32>,
    return
  }
  func.func @transform_0(%arg0: i32) -> (i32, i32) {
    %c0_i32 = arith.constant 0 : i32
    %c0_i32_0 = arith.constant 0 : i32
    %c0_i32_1 = arith.constant 0 : i32
    return %c0_i32, %c0_i32_0 : i32, i32
  }
  func.func @transform_1(%arg0: i32) -> (i32, i32) {
    %c0_i32 = arith.constant 0 : i32
    %c0_i32_0 = arith.constant 0 : i32
    return %arg0, %c0_i32 : i32, i32
  }
  func.func @transform_2(%arg0: i32) -> (i32, i32) {
    %c0_i32 = arith.constant 0 : i32
    %c0_i32_0 = arith.constant 0 : i32
    return %arg0, %c0_i32 : i32, i32
  }
  func.func @transform_3(%arg0: i32) -> (i32, i32) {
    %c0_i32 = arith.constant 0 : i32
    %c0_i32_0 = arith.constant 0 : i32
    return %arg0, %c0_i32 : i32, i32
  }
  func.func @transform_4(%arg0: i32) -> (i32, i32) {
    %c0_i32 = arith.constant 0 : i32
    %c0_i32_0 = arith.constant 0 : i32
    %c0_i32_1 = arith.constant 0 : i32
    return %c0_i32, %c0_i32_0 : i32, i32
  }
  func.func @transform_5(%arg0: i32) -> (i32, i32) {
    %c0_i32 = arith.constant 0 : i32
    %c0_i32_0 = arith.constant 0 : i32
    %c0_i32_1 = arith.constant 0 : i32
    return %c0_i32, %c0_i32_0 : i32, i32
  }
  func.func @transform_6(%arg0: i32) -> (i32, i32) {
    %c0_i32 = arith.constant 0 : i32
    %c0_i32_0 = arith.constant 0 : i32
    %c0_i32_1 = arith.constant 0 : i32
    return %c0_i32, %c0_i32_0 : i32, i32
  }
  func.func @transform_7(%arg0: i32) -> (i32, i32) {
    %c0_i32 = arith.constant 0 : i32
    %c0_i32_0 = arith.constant 0 : i32
    %c0_i32_1 = arith.constant 0 : i32
    return %c0_i32, %c0_i32_0 : i32, i32
  }
  func.func @transform_8(%arg0: i32) -> (i32, i32) {
    %c0_i32 = arith.constant 0 : i32
    %c0_i32_0 = arith.constant 0 : i32
    %c0_i32_1 = arith.constant 0 : i32
    return %c0_i32, %c0_i32_0 : i32, i32
  }
  func.func @transform_9(%arg0: i32) -> (i32, i32) {
    %c0_i32 = arith.constant 0 : i32
    %c0_i32_0 = arith.constant 0 : i32
    %c0_i32_1 = arith.constant 0 : i32
    return %c0_i32, %c0_i32_0 : i32, i32
  }
  func.func @transform_10(%arg0: i32) -> (i32, i32) {
    %c0_i32 = arith.constant 0 : i32
    %c0_i32_0 = arith.constant 0 : i32
    return %arg0, %c0_i32 : i32, i32
  }
  func.func @transform_11(%arg0: i32) -> (i32, i32) {
    %c0_i32 = arith.constant 0 : i32
    %c0_i32_0 = arith.constant 0 : i32
    return %arg0, %c0_i32 : i32, i32
  }
}

module attributes {stable_mosaic.version = 14 : i64} {
  func.func @_layer2_body(%arg0: i32, %arg1: memref<1x1xf32, #tpu.memory_space<smem>>, %arg2: memref<2000x128xf32, #tpu.memory_space<vmem>>, %arg3: memref<2000x128xf32, #tpu.memory_space<vmem>>, %arg4: memref<2000x128xf32, #tpu.memory_space<vmem>>, %arg5: memref<128x128xf32, #tpu.memory_space<vmem>>, %arg6: memref<1x128xf32, #tpu.memory_space<vmem>>, %arg7: memref<128x128xf32, #tpu.memory_space<vmem>>, %arg8: memref<1x128xf32, #tpu.memory_space<vmem>>, %arg9: memref<128x128xf32, #tpu.memory_space<vmem>>, %arg10: memref<2000x128xf32, #tpu.memory_space<vmem>>, %arg11: memref<2000x128xf32, #tpu.memory_space<vmem>>, %arg12: memref<2000x128xf32, #tpu.memory_space<vmem>>) attributes {dimension_semantics = [#tpu.dimension_semantics<arbitrary>], iteration_bounds = array<i64: 5>, scalar_prefetch = 0 : i64, scratch_operands = 0 : i64, tpu.core_type = #tpu.core_type<tc>, window_params = [{transform_indices = @transform_0, window_bounds = array<i64: 1, 1>}, {transform_indices = @transform_1, window_bounds = array<i64: 2000, 128>}, {transform_indices = @transform_2, window_bounds = array<i64: 2000, 128>}, {transform_indices = @transform_3, window_bounds = array<i64: 2000, 128>}, {pipeline_mode = #tpu.pipeline_mode<synchronous>, transform_indices = @transform_4, window_bounds = array<i64: 128, 128>}, {pipeline_mode = #tpu.pipeline_mode<synchronous>, transform_indices = @transform_5, window_bounds = array<i64: 1, 128>}, {pipeline_mode = #tpu.pipeline_mode<synchronous>, transform_indices = @transform_6, window_bounds = array<i64: 128, 128>}, {pipeline_mode = #tpu.pipeline_mode<synchronous>, transform_indices = @transform_7, window_bounds = array<i64: 1, 128>}, {pipeline_mode = #tpu.pipeline_mode<synchronous>, transform_indices = @transform_8, window_bounds = array<i64: 128, 128>}, {transform_indices = @transform_9, window_bounds = array<i64: 2000, 128>}, {transform_indices = @transform_10, window_bounds = array<i64: 2000, 128>}, {transform_indices = @transform_11, window_bounds = array<i64: 2000, 128>}]} {
    %get3A = arith.constant 0 : index
    %get3A_0 = arith.constant 0 : index
    %get3A_1 = vector.load %arg2[%get3A, %get3A_0] : memref<2000x128xf32, #tpu.memory_space<vmem>>, vector<2000x128xf32>
    %get3A_2 = arith.constant 0 : index
    %get3A_3 = arith.constant 0 : index
    %get3A_4 = memref.load %arg1[%get3A_2, %get3A_3] : memref<1x1xf32, #tpu.memory_space<smem>>
    %get3A_5 = arith.constant 0 : index
    %get3A_6 = arith.constant 0 : index
    %get3A_7 = vector.load %arg3[%get3A_5, %get3A_6] : memref<2000x128xf32, #tpu.memory_space<vmem>>, vector<2000x128xf32>
    %get3A_8 = arith.constant 0 : index
    %get3A_9 = arith.constant 0 : index
    %get3A_10 = vector.load %arg4[%get3A_8, %get3A_9] : memref<2000x128xf32, #tpu.memory_space<vmem>>, vector<2000x128xf32>
    %get3A_11 = arith.constant 0 : index
    %get3A_12 = arith.constant 0 : index
    %get3A_13 = vector.load %arg5[%get3A_11, %get3A_12] : memref<128x128xf32, #tpu.memory_space<vmem>>, vector<128x128xf32>
    %get3A_14 = arith.constant 0 : index
    %get3A_15 = arith.constant 0 : index
    %get3A_16 = vector.load %arg6[%get3A_14, %get3A_15] : memref<1x128xf32, #tpu.memory_space<vmem>>, vector<1x128xf32>
    %get3A_17 = arith.constant 0 : index
    %get3A_18 = arith.constant 0 : index
    %get3A_19 = vector.load %arg7[%get3A_17, %get3A_18] : memref<128x128xf32, #tpu.memory_space<vmem>>, vector<128x128xf32>
    %get3A_20 = arith.constant 0 : index
    %get3A_21 = arith.constant 0 : index
    %get3A_22 = vector.load %arg8[%get3A_20, %get3A_21] : memref<1x128xf32, #tpu.memory_space<vmem>>, vector<1x128xf32>
    %add3A = arith.constant 1.000000e+00 : f32
    %add3A_23 = arith.addf %add3A, %get3A_4 : f32
    %mul3A = vector.broadcast %add3A_23 : f32 to vector<2000x128xf32>
    %mul3A_24 = arith.mulf %get3A_1, %mul3A : vector<2000x128xf32>
    %add3A_25 = arith.addf %mul3A_24, %get3A_7 : vector<2000x128xf32>
    %add3A_26 = arith.addf %add3A_25, %get3A_10 : vector<2000x128xf32>
    %dot_general3A = arith.constant dense<0.000000e+00> : vector<2000x128xf32>
    %dot_general3A_27 = tpu.matmul %add3A_26, %get3A_13, %dot_general3A {dimension_numbers = #tpu.dot_dimension_numbers<[1], [0], [0], [1], [0, 0, 1, 1], [], []>, transpose_lhs_hint = false} : vector<2000x128xf32>, vector<128x128xf32>, vector<2000x128xf32> -> vector<2000x128xf32>
    %add3A_28 = vector.broadcast %get3A_16 : vector<1x128xf32> to vector<2000x128xf32>
    %add3A_29 = arith.addf %dot_general3A_27, %add3A_28 : vector<2000x128xf32>
    %max3A = arith.constant 0.000000e+00 : f32
    %max3A_30 = vector.broadcast %max3A : f32 to vector<2000x128xf32>
    %max3A_31 = arith.maximumf %add3A_29, %max3A_30 : vector<2000x128xf32>
    %dot_general3A_32 = arith.constant dense<0.000000e+00> : vector<2000x128xf32>
    %dot_general3A_33 = tpu.matmul %max3A_31, %get3A_19, %dot_general3A_32 {dimension_numbers = #tpu.dot_dimension_numbers<[1], [0], [0], [1], [0, 0, 1, 1], [], []>, transpose_lhs_hint = false} : vector<2000x128xf32>, vector<128x128xf32>, vector<2000x128xf32> -> vector<2000x128xf32>
    %add3A_34 = vector.broadcast %get3A_22 : vector<1x128xf32> to vector<2000x128xf32>
    %add3A_35 = arith.addf %dot_general3A_33, %add3A_34 : vector<2000x128xf32>
    %swap3A = arith.constant 0 : index
    %swap3A_36 = arith.constant 0 : index
    %swap3A_37 = vector.load %arg11[%swap3A, %swap3A_36] : memref<2000x128xf32, #tpu.memory_space<vmem>>, vector<2000x128xf32>
    tpu.vector_store %arg11[%swap3A, %swap3A_36], %add3A_35 {strides = array<i32>} : memref<2000x128xf32, #tpu.memory_space<vmem>>, vector<2000x128xf32>,
    %get3A_38 = arith.constant 0 : index
    %get3A_39 = arith.constant 0 : index
    %get3A_40 = vector.load %arg10[%get3A_38, %get3A_39] : memref<2000x128xf32, #tpu.memory_space<vmem>>, vector<2000x128xf32>
    %get3A_41 = arith.constant 0 : index
    %get3A_42 = arith.constant 0 : index
    %get3A_43 = vector.load %arg9[%get3A_41, %get3A_42] : memref<128x128xf32, #tpu.memory_space<vmem>>, vector<128x128xf32>
    %dot_general3A_44 = arith.constant dense<0.000000e+00> : vector<2000x128xf32>
    %dot_general3A_45 = tpu.matmul %get3A_1, %get3A_43, %dot_general3A_44 {dimension_numbers = #tpu.dot_dimension_numbers<[1], [0], [0], [1], [0, 0, 1, 1], [], []>, transpose_lhs_hint = false} : vector<2000x128xf32>, vector<128x128xf32>, vector<2000x128xf32> -> vector<2000x128xf32>
    %add3A_46 = arith.addf %get3A_40, %dot_general3A_45 : vector<2000x128xf32>
    %swap3A_47 = arith.constant 0 : index
    %swap3A_48 = arith.constant 0 : index
    %swap3A_49 = vector.load %arg12[%swap3A_47, %swap3A_48] : memref<2000x128xf32, #tpu.memory_space<vmem>>, vector<2000x128xf32>
    tpu.vector_store %arg12[%swap3A_47, %swap3A_48], %add3A_46 {strides = array<i32>} : memref<2000x128xf32, #tpu.memory_space<vmem>>, vector<2000x128xf32>,
    return
  }
  func.func @transform_0(%arg0: i32) -> (i32, i32) {
    %c0_i32 = arith.constant 0 : i32
    %c0_i32_0 = arith.constant 0 : i32
    %c0_i32_1 = arith.constant 0 : i32
    return %c0_i32, %c0_i32_0 : i32, i32
  }
  func.func @transform_1(%arg0: i32) -> (i32, i32) {
    %c0_i32 = arith.constant 0 : i32
    %c0_i32_0 = arith.constant 0 : i32
    return %arg0, %c0_i32 : i32, i32
  }
  func.func @transform_2(%arg0: i32) -> (i32, i32) {
    %c0_i32 = arith.constant 0 : i32
    %c0_i32_0 = arith.constant 0 : i32
    return %arg0, %c0_i32 : i32, i32
  }
  func.func @transform_3(%arg0: i32) -> (i32, i32) {
    %c0_i32 = arith.constant 0 : i32
    %c0_i32_0 = arith.constant 0 : i32
    return %arg0, %c0_i32 : i32, i32
  }
  func.func @transform_4(%arg0: i32) -> (i32, i32) {
    %c0_i32 = arith.constant 0 : i32
    %c0_i32_0 = arith.constant 0 : i32
    %c0_i32_1 = arith.constant 0 : i32
    return %c0_i32, %c0_i32_0 : i32, i32
  }
  func.func @transform_5(%arg0: i32) -> (i32, i32) {
    %c0_i32 = arith.constant 0 : i32
    %c0_i32_0 = arith.constant 0 : i32
    %c0_i32_1 = arith.constant 0 : i32
    return %c0_i32, %c0_i32_0 : i32, i32
  }
  func.func @transform_6(%arg0: i32) -> (i32, i32) {
    %c0_i32 = arith.constant 0 : i32
    %c0_i32_0 = arith.constant 0 : i32
    %c0_i32_1 = arith.constant 0 : i32
    return %c0_i32, %c0_i32_0 : i32, i32
  }
  func.func @transform_7(%arg0: i32) -> (i32, i32) {
    %c0_i32 = arith.constant 0 : i32
    %c0_i32_0 = arith.constant 0 : i32
    %c0_i32_1 = arith.constant 0 : i32
    return %c0_i32, %c0_i32_0 : i32, i32
  }
  func.func @transform_8(%arg0: i32) -> (i32, i32) {
    %c0_i32 = arith.constant 0 : i32
    %c0_i32_0 = arith.constant 0 : i32
    %c0_i32_1 = arith.constant 0 : i32
    return %c0_i32, %c0_i32_0 : i32, i32
  }
  func.func @transform_9(%arg0: i32) -> (i32, i32) {
    %c0_i32 = arith.constant 0 : i32
    %c0_i32_0 = arith.constant 0 : i32
    return %arg0, %c0_i32 : i32, i32
  }
  func.func @transform_10(%arg0: i32) -> (i32, i32) {
    %c0_i32 = arith.constant 0 : i32
    %c0_i32_0 = arith.constant 0 : i32
    return %arg0, %c0_i32 : i32, i32
  }
  func.func @transform_11(%arg0: i32) -> (i32, i32) {
    %c0_i32 = arith.constant 0 : i32
    %c0_i32_0 = arith.constant 0 : i32
    return %arg0, %c0_i32 : i32, i32
  }
}

module attributes {stable_mosaic.version = 14 : i64} {
  func.func @_layer3_body(%arg0: i32, %arg1: memref<1x1xf32, #tpu.memory_space<smem>>, %arg2: memref<2000x128xf32, #tpu.memory_space<vmem>>, %arg3: memref<2000x128xf32, #tpu.memory_space<vmem>>, %arg4: memref<2000x128xf32, #tpu.memory_space<vmem>>, %arg5: memref<128x128xf32, #tpu.memory_space<vmem>>, %arg6: memref<1x128xf32, #tpu.memory_space<vmem>>, %arg7: memref<128x128xf32, #tpu.memory_space<vmem>>, %arg8: memref<1x128xf32, #tpu.memory_space<vmem>>, %arg9: memref<128x128xf32, #tpu.memory_space<vmem>>, %arg10: memref<128x128xf32, #tpu.memory_space<vmem>>, %arg11: memref<2000x128xf32, #tpu.memory_space<vmem>>, %arg12: memref<2000x128xf32, #tpu.memory_space<vmem>>) attributes {dimension_semantics = [#tpu.dimension_semantics<arbitrary>], iteration_bounds = array<i64: 5>, scalar_prefetch = 0 : i64, scratch_operands = 0 : i64, tpu.core_type = #tpu.core_type<tc>, window_params = [{transform_indices = @transform_0, window_bounds = array<i64: 1, 1>}, {transform_indices = @transform_1, window_bounds = array<i64: 2000, 128>}, {transform_indices = @transform_2, window_bounds = array<i64: 2000, 128>}, {transform_indices = @transform_3, window_bounds = array<i64: 2000, 128>}, {pipeline_mode = #tpu.pipeline_mode<synchronous>, transform_indices = @transform_4, window_bounds = array<i64: 128, 128>}, {pipeline_mode = #tpu.pipeline_mode<synchronous>, transform_indices = @transform_5, window_bounds = array<i64: 1, 128>}, {pipeline_mode = #tpu.pipeline_mode<synchronous>, transform_indices = @transform_6, window_bounds = array<i64: 128, 128>}, {pipeline_mode = #tpu.pipeline_mode<synchronous>, transform_indices = @transform_7, window_bounds = array<i64: 1, 128>}, {pipeline_mode = #tpu.pipeline_mode<synchronous>, transform_indices = @transform_8, window_bounds = array<i64: 128, 128>}, {pipeline_mode = #tpu.pipeline_mode<synchronous>, transform_indices = @transform_9, window_bounds = array<i64: 128, 128>}, {transform_indices = @transform_10, window_bounds = array<i64: 2000, 128>}, {transform_indices = @transform_11, window_bounds = array<i64: 2000, 128>}]} {
    %get3A = arith.constant 0 : index
    %get3A_0 = arith.constant 0 : index
    %get3A_1 = vector.load %arg2[%get3A, %get3A_0] : memref<2000x128xf32, #tpu.memory_space<vmem>>, vector<2000x128xf32>
    %get3A_2 = arith.constant 0 : index
    %get3A_3 = arith.constant 0 : index
    %get3A_4 = memref.load %arg1[%get3A_2, %get3A_3] : memref<1x1xf32, #tpu.memory_space<smem>>
    %get3A_5 = arith.constant 0 : index
    %get3A_6 = arith.constant 0 : index
    %get3A_7 = vector.load %arg3[%get3A_5, %get3A_6] : memref<2000x128xf32, #tpu.memory_space<vmem>>, vector<2000x128xf32>
    %get3A_8 = arith.constant 0 : index
    %get3A_9 = arith.constant 0 : index
    %get3A_10 = vector.load %arg4[%get3A_8, %get3A_9] : memref<2000x128xf32, #tpu.memory_space<vmem>>, vector<2000x128xf32>
    %get3A_11 = arith.constant 0 : index
    %get3A_12 = arith.constant 0 : index
    %get3A_13 = vector.load %arg5[%get3A_11, %get3A_12] : memref<128x128xf32, #tpu.memory_space<vmem>>, vector<128x128xf32>
    %get3A_14 = arith.constant 0 : index
    %get3A_15 = arith.constant 0 : index
    %get3A_16 = vector.load %arg6[%get3A_14, %get3A_15] : memref<1x128xf32, #tpu.memory_space<vmem>>, vector<1x128xf32>
    %get3A_17 = arith.constant 0 : index
    %get3A_18 = arith.constant 0 : index
    %get3A_19 = vector.load %arg7[%get3A_17, %get3A_18] : memref<128x128xf32, #tpu.memory_space<vmem>>, vector<128x128xf32>
    %get3A_20 = arith.constant 0 : index
    %get3A_21 = arith.constant 0 : index
    %get3A_22 = vector.load %arg8[%get3A_20, %get3A_21] : memref<1x128xf32, #tpu.memory_space<vmem>>, vector<1x128xf32>
    %add3A = arith.constant 1.000000e+00 : f32
    %add3A_23 = arith.addf %add3A, %get3A_4 : f32
    %mul3A = vector.broadcast %add3A_23 : f32 to vector<2000x128xf32>
    %mul3A_24 = arith.mulf %get3A_1, %mul3A : vector<2000x128xf32>
    %add3A_25 = arith.addf %mul3A_24, %get3A_7 : vector<2000x128xf32>
    %add3A_26 = arith.addf %add3A_25, %get3A_10 : vector<2000x128xf32>
    %dot_general3A = arith.constant dense<0.000000e+00> : vector<2000x128xf32>
    %dot_general3A_27 = tpu.matmul %add3A_26, %get3A_13, %dot_general3A {dimension_numbers = #tpu.dot_dimension_numbers<[1], [0], [0], [1], [0, 0, 1, 1], [], []>, transpose_lhs_hint = false} : vector<2000x128xf32>, vector<128x128xf32>, vector<2000x128xf32> -> vector<2000x128xf32>
    %add3A_28 = vector.broadcast %get3A_16 : vector<1x128xf32> to vector<2000x128xf32>
    %add3A_29 = arith.addf %dot_general3A_27, %add3A_28 : vector<2000x128xf32>
    %max3A = arith.constant 0.000000e+00 : f32
    %max3A_30 = vector.broadcast %max3A : f32 to vector<2000x128xf32>
    %max3A_31 = arith.maximumf %add3A_29, %max3A_30 : vector<2000x128xf32>
    %dot_general3A_32 = arith.constant dense<0.000000e+00> : vector<2000x128xf32>
    %dot_general3A_33 = tpu.matmul %max3A_31, %get3A_19, %dot_general3A_32 {dimension_numbers = #tpu.dot_dimension_numbers<[1], [0], [0], [1], [0, 0, 1, 1], [], []>, transpose_lhs_hint = false} : vector<2000x128xf32>, vector<128x128xf32>, vector<2000x128xf32> -> vector<2000x128xf32>
    %add3A_34 = vector.broadcast %get3A_22 : vector<1x128xf32> to vector<2000x128xf32>
    %add3A_35 = arith.addf %dot_general3A_33, %add3A_34 : vector<2000x128xf32>
    %get3A_36 = arith.constant 0 : index
    %get3A_37 = arith.constant 0 : index
    %get3A_38 = vector.load %arg11[%get3A_36, %get3A_37] : memref<2000x128xf32, #tpu.memory_space<vmem>>, vector<2000x128xf32>
    %get3A_39 = arith.constant 0 : index
    %get3A_40 = arith.constant 0 : index
    %get3A_41 = vector.load %arg9[%get3A_39, %get3A_40] : memref<128x128xf32, #tpu.memory_space<vmem>>, vector<128x128xf32>
    %dot_general3A_42 = arith.constant dense<0.000000e+00> : vector<2000x128xf32>
    %dot_general3A_43 = tpu.matmul %get3A_1, %get3A_41, %dot_general3A_42 {dimension_numbers = #tpu.dot_dimension_numbers<[1], [0], [0], [1], [0, 0, 1, 1], [], []>, transpose_lhs_hint = false} : vector<2000x128xf32>, vector<128x128xf32>, vector<2000x128xf32> -> vector<2000x128xf32>
    %add3A_44 = arith.addf %get3A_38, %dot_general3A_43 : vector<2000x128xf32>
    %get3A_45 = arith.constant 0 : index
    %get3A_46 = arith.constant 0 : index
    %get3A_47 = vector.load %arg10[%get3A_45, %get3A_46] : memref<128x128xf32, #tpu.memory_space<vmem>>, vector<128x128xf32>
    %dot_general3A_48 = arith.constant dense<0.000000e+00> : vector<2000x128xf32>
    %dot_general3A_49 = tpu.matmul %add3A_35, %get3A_47, %dot_general3A_48 {dimension_numbers = #tpu.dot_dimension_numbers<[1], [0], [0], [1], [0, 0, 1, 1], [], []>, transpose_lhs_hint = false} : vector<2000x128xf32>, vector<128x128xf32>, vector<2000x128xf32> -> vector<2000x128xf32>
    %add3A_50 = arith.addf %add3A_44, %dot_general3A_49 : vector<2000x128xf32>
    %swap3A = arith.constant 0 : index
    %swap3A_51 = arith.constant 0 : index
    %swap3A_52 = vector.load %arg12[%swap3A, %swap3A_51] : memref<2000x128xf32, #tpu.memory_space<vmem>>, vector<2000x128xf32>
    tpu.vector_store %arg12[%swap3A, %swap3A_51], %add3A_50 {strides = array<i32>} : memref<2000x128xf32, #tpu.memory_space<vmem>>, vector<2000x128xf32>,
    return
  }
  func.func @transform_0(%arg0: i32) -> (i32, i32) {
    %c0_i32 = arith.constant 0 : i32
    %c0_i32_0 = arith.constant 0 : i32
    %c0_i32_1 = arith.constant 0 : i32
    return %c0_i32, %c0_i32_0 : i32, i32
  }
  func.func @transform_1(%arg0: i32) -> (i32, i32) {
    %c0_i32 = arith.constant 0 : i32
    %c0_i32_0 = arith.constant 0 : i32
    return %arg0, %c0_i32 : i32, i32
  }
  func.func @transform_2(%arg0: i32) -> (i32, i32) {
    %c0_i32 = arith.constant 0 : i32
    %c0_i32_0 = arith.constant 0 : i32
    return %arg0, %c0_i32 : i32, i32
  }
  func.func @transform_3(%arg0: i32) -> (i32, i32) {
    %c0_i32 = arith.constant 0 : i32
    %c0_i32_0 = arith.constant 0 : i32
    return %arg0, %c0_i32 : i32, i32
  }
  func.func @transform_4(%arg0: i32) -> (i32, i32) {
    %c0_i32 = arith.constant 0 : i32
    %c0_i32_0 = arith.constant 0 : i32
    %c0_i32_1 = arith.constant 0 : i32
    return %c0_i32, %c0_i32_0 : i32, i32
  }
  func.func @transform_5(%arg0: i32) -> (i32, i32) {
    %c0_i32 = arith.constant 0 : i32
    %c0_i32_0 = arith.constant 0 : i32
    %c0_i32_1 = arith.constant 0 : i32
    return %c0_i32, %c0_i32_0 : i32, i32
  }
  func.func @transform_6(%arg0: i32) -> (i32, i32) {
    %c0_i32 = arith.constant 0 : i32
    %c0_i32_0 = arith.constant 0 : i32
    %c0_i32_1 = arith.constant 0 : i32
    return %c0_i32, %c0_i32_0 : i32, i32
  }
  func.func @transform_7(%arg0: i32) -> (i32, i32) {
    %c0_i32 = arith.constant 0 : i32
    %c0_i32_0 = arith.constant 0 : i32
    %c0_i32_1 = arith.constant 0 : i32
    return %c0_i32, %c0_i32_0 : i32, i32
  }
  func.func @transform_8(%arg0: i32) -> (i32, i32) {
    %c0_i32 = arith.constant 0 : i32
    %c0_i32_0 = arith.constant 0 : i32
    %c0_i32_1 = arith.constant 0 : i32
    return %c0_i32, %c0_i32_0 : i32, i32
  }
  func.func @transform_9(%arg0: i32) -> (i32, i32) {
    %c0_i32 = arith.constant 0 : i32
    %c0_i32_0 = arith.constant 0 : i32
    %c0_i32_1 = arith.constant 0 : i32
    return %c0_i32, %c0_i32_0 : i32, i32
  }
  func.func @transform_10(%arg0: i32) -> (i32, i32) {
    %c0_i32 = arith.constant 0 : i32
    %c0_i32_0 = arith.constant 0 : i32
    return %arg0, %c0_i32 : i32, i32
  }
  func.func @transform_11(%arg0: i32) -> (i32, i32) {
    %c0_i32 = arith.constant 0 : i32
    %c0_i32_0 = arith.constant 0 : i32
    return %arg0, %c0_i32 : i32, i32
  }
}

</mosaic_0001>

<sc_bundles>
// kernel: kernel.11.cloned.1.call-start
scs
__scs_entry_jumppad:
0x0: {  	(pc) =	sbr.rel $0x88, $3  }
0x1: {  	(tag) =	ssettag $0x0;
	lr =	simm.s32 $0x1  }
0x2: {  	[smem:$0x3F8E] =	sst lr;
	_ =	strace $0xD0000000  }
0x3: {  	_ = 	snop  }
0x4: {  	_ = 	snop  }
0x5: {  	_ = 	snop  }
0x6: {  	_ = 	snop  }
0x7: {  	_ = 	snop  }
__scs_overlays_trampoline_lowered:
0x8: {  	[smem:$0x3F9D] =	sst s0  }
0x9: {  	[smem:$0x3F9E] =	sst s1  }
0xa: {  	[smem:$0x3F9F] =	sst s2  }
0xb: {  	[smem:$0x3FA0] =	sst s3  }
0xc: {  	[smem:$0x3FA1] =	sst s4  }
0xd: {  	[smem:$0x3FA2] =	sst s5  }
0xe: {  	[smem:$0x3FA3] =	sst s6  }
0xf: {  	[smem:$0x3FA4] =	sst s7  }
0x10: {  	[smem:$0x3FA5] =	sst s8  }
0x11: {  	[smem:$0x3FA6] =	sst s9;
	s0 =	simm.s32 @!p0 $0x0  }
0x12: {  	s1 =	sld [smem:$0x3F8C];
	s0 =	simm.s32 @p0 $0x1  }
0x13: {  	[smem:$0x3FA7] =	sst s0;
	s0 =	simm.s32 @!p1 $0x0  }
0x14: {  	s2 =	sld [smem:$0x3F8B];
	s0 =	simm.s32 @p1 $0x1  }
0x15: {  	[smem:$0x3FA8] =	sst s0;
	s0 =	simm.s32 @!p2 $0x0  }
0x16: {  	s3 =	sld [smem:$0x3FDB];
	s0 =	simm.s32 @p2 $0x1  }
0x17: {  	s4 =	simm.s32 $0x1BF5;
	[smem:$0x3FAA] =	sst s0  }
0x18: {  	s0 =	sld [smem:$0x3F8D];
	_ =	swait.ge [sflag:s4], $0x0  }
0x19: {  	s7 =	sld [smem:$0x3F8E]  }
0x1a: {  	s8 =	sadd.s32 $0xFFFFE003, lr  }
0x1b: {  	s9 =	sadd.s32 $0xFFFFFEF7, lr;
	s5 =	simm.s32 $0xFFFFFFFF;
	p2 =	slt.u32 s8, $0xFFFFF086  }
0x1c: {  	p1 =	slt.u32 s9, $0xF7A;
	s5 =	simm.s32 @!p2 $0x0  }
0x1d: {  	s5 =	simm.s32 @p1 $0x1;
	p0 =	seq.s32 s7, s2  }
0x1e: {  	s7 =	smul.u32 @!p0 $0xF7A, s2;
	p2 =	seq.s32 @!p0 s5, $0x0  }
0x1f: {  	s9 =	smul.u32 $0xF7A, s1;
	s8 =	simm.s32 @!p0 $0x1BF5;
	p2 =	por !p2, p0  }
0x20: {  	[sflag:s8] =	ssyncset.s32 @!p0 $0xFFFFF086;
	s6 =	sadd.s32 @!p0 s3, s7;
	s7 =	simm.s32 @!p0 $0x108  }
0x21: {  	s3 =	sadd.s32 s3, s9;
	s6 =	sadd.s32 @!p0 $0x88, s6;
	s7 =	simm.s32 @p2 $0x1082  }
0x22: {  	[simem:s7], [sflag:s8] =	dma.local @!p0 [hbm:s6], $0xF7A  }
0x23: {  	s9 =	sor.u32 $0xD0000000, s2;
	s6 =	simm.s32 $0x108;
	_ =	swait.ge @!p0 [sflag:s8], $0x0  }
0x24: {  	s3 =	sadd.s32 $0x88, s3;
	s6 =	simm.s32 @!p1 $0x1082;
	[sflag:s4] =	ssyncset.s32 $0xFFFFF086  }
0x25: {  	[simem:s6], [sflag:s4] =	dma.local [hbm:s3], $0xF7A  }
0x26: {  	[smem:$0x3F8E] =	sst s1;
	(tag) =	ssettag s2;
	_ =	strace s9  }
0x27: {  	s1 =	sld [smem:$0x3F9E]  }
0x28: {  	s2 =	sld [smem:$0x3F9F]  }
0x29: {  	s4 =	sld [smem:$0x3FA1]  }
0x2a: {  	p0 =	seq.s32 s5, $0x0;
	s5 =	sld [smem:$0x3FA2]  }
0x2b: {  	s6 =	sld [smem:$0x3FA3]  }
0x2c: {  	s7 =	sld [smem:$0x3FA4]  }
0x2d: {  	s3 =	simm.s32 $0x108;
	s8 =	sld [smem:$0x3FA5]  }
0x2e: {  	s3 =	simm.s32 @!p0 $0x1082;
	s9 =	sld [smem:$0x3FA6]  }
0x2f: {  	lr =	sadd.s32 s0, s3;
	s0 =	sld [smem:$0x3F9D]  }
0x30: {  	s3 =	sld [smem:$0x3FA0]  }
0x31: {  	[smem:$0x3FA9] =	sst s10  }
0x32: {  	s10 =	sld [smem:$0x3FA7];
	_ =	sdelay $0x3  }
0x33: {  	p0 =	seq.s32 s10, $0x1;
	s10 =	sld [smem:$0x3FA9];
	_ =	sdelay $0x3  }
0x34: {  	[smem:$0x3FA9] =	sst s10  }
0x35: {  	s10 =	sld [smem:$0x3FA8];
	_ =	sdelay $0x3  }
0x36: {  	p1 =	seq.s32 s10, $0x1;
	s10 =	sld [smem:$0x3FA9];
	_ =	sdelay $0x3  }
0x37: {  	[smem:$0x3FA9] =	sst s10  }
0x38: {  	s10 =	sld [smem:$0x3FAA]  }
0x39: {  	_ = 	snop;
	(pc) =	sbr.ind lr, $3  }
0x3a: {  	_ = 	snop  }
0x3b: {  	_ = 	snop  }
0x3c: {  	p2 =	seq.s32 s10, $0x1;
	s10 =	sld [smem:$0x3FA9]  }
0x3d: {  	_ =	shalt  }
0x3e: {  	_ =	shalt  }
0x3f: {  	_ =	shalt  }
0x40: {  	_ =	shalt  }
0x41: {  	_ =	shalt  }
0x42: {  	_ =	shalt  }
0x43: {  	_ =	shalt  }
0x44: {  	_ =	shalt  }
0x45: {  	_ =	shalt  }
0x46: {  	_ =	shalt  }
0x47: {  	_ =	shalt  }
0x48: {  	_ =	shalt  }
0x49: {  	_ =	shalt  }
0x4a: {  	_ =	shalt  }
0x4b: {  	_ =	shalt  }
0x4c: {  	_ =	shalt  }
0x4d: {  	_ =	shalt  }
0x4e: {  	_ =	shalt  }
0x4f: {  	_ =	shalt  }
0x50: {  	_ =	shalt  }
0x51: {  	_ =	shalt  }
0x52: {  	_ =	shalt  }
0x53: {  	_ =	shalt  }
0x54: {  	_ =	shalt  }
0x55: {  	_ =	shalt  }
0x56: {  	_ =	shalt  }
0x57: {  	_ =	shalt  }
0x58: {  	_ =	shalt  }
0x59: {  	_ =	shalt  }
0x5a: {  	_ =	shalt  }
0x5b: {  	_ =	shalt  }
0x5c: {  	_ =	shalt  }
0x5d: {  	_ =	shalt  }
0x5e: {  	_ =	shalt  }
0x5f: {  	_ =	shalt  }
0x60: {  	_ =	shalt  }
0x61: {  	_ =	shalt  }
0x62: {  	_ =	shalt  }
0x63: {  	_ =	shalt  }
0x64: {  	_ =	shalt  }
0x65: {  	_ =	shalt  }
0x66: {  	_ =	shalt  }
0x67: {  	_ =	shalt  }
0x68: {  	_ =	shalt  }
0x69: {  	_ =	shalt  }
0x6a: {  	_ =	shalt  }
0x6b: {  	_ =	shalt  }
0x6c: {  	_ =	shalt  }
0x6d: {  	_ =	shalt  }
0x6e: {  	_ =	shalt  }
0x6f: {  	_ =	shalt  }
0x70: {  	_ =	shalt  }
0x71: {  	_ =	shalt  }
0x72: {  	_ =	shalt  }
0x73: {  	_ =	shalt  }
0x74: {  	_ =	shalt  }
0x75: {  	_ =	shalt  }
0x76: {  	_ =	shalt  }
0x77: {  	_ =	shalt  }
0x78: {  	_ =	shalt  }
0x79: {  	_ =	shalt  }
0x7a: {  	_ =	shalt  }
0x7b: {  	_ =	shalt  }
0x7c: {  	_ =	shalt  }
0x7d: {  	_ =	shalt  }
0x7e: {  	_ =	shalt  }
0x7f: {  	_ =	shalt  }
0x80: {  	_ =	shalt  }
0x81: {  	_ =	shalt  }
0x82: {  	_ =	shalt  }
0x83: {  	_ =	shalt  }
0x84: {  	_ =	shalt  }
0x85: {  	_ =	shalt  }
0x86: {  	_ =	shalt  }
0x87: {  	_ =	shalt  }
.Lfunc_end0:
.L_simem_size_0:
called_computation.1_lowered:
.L_overlay_start_0:
0x88: {  	s2 =	sld [smem:$0x3FD9]  }
0x89: {  	s3 =	sld [smem:$0x3FFE];
	_ =	sdelay $0x1  }
0x8a: {  	s1 =	srdreg.scid  }
0x8b: {  	s0 =	sand.u32 $0x1, s1  }
0x8c: {  	s17 =	sshll.u32 s0, $0xA;
	s2 =	sadd.s32 s3, s2  }
0x8d: {  	s2 =	sadd.s32 s2, s17  }
0x8e: {  	[smem:$0x3FB5] =	sst s2  }
0x8f: {  	_ = 	snop  }
0x90: {  	s2 =	sld [smem:$0x3FD0];
	(tm) =	ssettm $0x1  }
0x91: {  	s18 =	sld [smem:$0x3FFB];
	_ =	sdelay $0x3  }
0x92: {  	_ =	strace s18  }
0x93: {  	s3 =	sld [smem:$0x3FFC];
	_ =	sdelay $0x3  }
0x94: {  	_ =	strace s3  }
0x95: {  	s3 =	sld [smem:$0x3FFD];
	_ =	sdelay $0x3  }
0x96: {  	_ =	strace s3  }
0x97: {  	_ =	strace $0x8FFFFFFF  }
0x98: {  	s19 =	sld [smem:$0x3FDB];
	_ =	sdelay $0x1  }
0x99: {  	s4 =	simm.s32 $_scs_section_size  }
0x9a: {  	s5 =	simm.s32 $_size__tile_overlayer_lowered;
	s6 =	simm.s32 $_tile_overlayer_lowered  }
0x9b: {  	s22 =	simm.s32 $0x1BFF;
	s21 =	sshll.u32 s6, $0x1;
	s3 =	sadd.s32 s4, s19  }
0x9c: {  	s7 =	simm.s32 $0x0;
	s20 =	sshll.u32 s5, $0x1;
	s5 =	sadd.s32 s21, s3  }
0x9d: {  	[timem:s7], [sflag:s22] =	dma.local [hbm:s5], s20  }
0x9e: {  	_ =	swait.ge [sflag:s22], s20  }
0x9f: {  	s4 =	ssub.s32 $0x0, s20;
	[sflag:s22] =	ssyncset.done $0x0  }
0xa0: {  	[sflag:s22] =	ssyncadd.s32 s4;
	_ =	sdelay $0x1  }
0xa1: {  	s23 =	simm.s32 $0x1B8B  }
0xa2: {  	_ =	swait.ge [sflag:s23], $0x1  }
0xa3: {  	[sflag:s23] =	ssyncset.done $0x0  }
0xa4: {  	s25 =	simm.s32 $0x1B8E;
	s24 =	sld [smem:$0x3FFE];
	[sflag:s23] =	ssyncadd.s32 $0xFFFFFFFF  }
0xa5: {  	s26 =	simm.s32 $execute0_lowered;
	[smem:$0x3FD2] =	sst s25  }
0xa6: {  	s5 =	sshll.u32 s26, $0x1;
	_ =	strace $0x80000049;
	[dreg:$0x1] =	wrdreg $0xFFFFFFFF  }
0xa7: {  	s28 =	simm.s32 $_size_execute0_lowered;
	s3 =	sadd.s32 s3, s5;
	[dreg:$0x0] =	wrdreg $0x0  }
0xa8: {  	s5 =	sshll.u32 s28, $0x1;
	[dreg:$0x2] =	wrdreg s3  }
0xa9: {  	[dreg:$0x3] =	wrdreg s5  }
0xaa: {  	[dreg:$0x4] =	wrdreg $0xC0  }
0xab: {  	_ =	task [dreg:s7], $0x5FFFF  }
0xac: {  	[dreg:$0x1] =	wrdreg $0xFFFFFFFF  }
0xad: {  	[dreg:$0x0] =	wrdreg $0x60  }
0xae: {  	[dreg:$0x2] =	wrdreg s2  }
0xaf: {  	[dreg:$0x3] =	wrdreg s24  }
0xb0: {  	[dreg:$0x4] =	wrdreg $0x98000  }
0xb1: {  	[dreg:$0x5] =	wrdreg $0x9  }
0xb2: {  	_ =	task.clear_ibuf [dreg:s7], $0x6FFFF;
	_ =	strace $0x90000049  }
0xb3: {  	s29 =	simm.s32 $0x9;
	_ =	strace $0x8000004B  }
0xb4: {  	_ =	swait.ge [sflag:s29], $0x1  }
0xb5: {  	[sflag:s29] =	ssyncadd.s32 $0xFFFFFFFF  }
0xb6: {  	_ =	strace $0x9000004B  }
0xb7: {  	_ =	sfence  }
0xb8: {  	s30 =	sld [smem:$0x0];
	_ =	sdelay $0x2  }
0xb9: {  	s31 =	sshll.u32 s1, $0xD;
	s1 =	sshrl.u32 s1, $0x2  }
0xba: {  	s3 =	sand.u32 $0x4000, s31;
	s1 =	sadd.s32 s1, s30  }
0xbb: {  	s0 =	sor.u32 s3, s0;
	s1 =	sshll.u32 s1, $0x11  }
0xbc: {  	s0 =	sor.u32 s1, s0  }
0xbd: {  	s0 =	sadd.s32 $0x8F2B, s0  }
0xbe: {  	[sflag:s0] =	ssyncadd.remote.s32 $0x1  }
0xbf: {  	_ =	sfence.sel $0xFFFF  }
0xc0: {  	[dreg:$0x0] =	wrdreg $0xFFFFFFFF;
	(pc) =	sbr.abs _section_cstart, $3  }
0xc1: {  	[dreg:$0x1] =	wrdreg $0xFFFFFFFF  }
0xc2: {  	_ =	task.clear_ibuf [dreg:s7], $0x2FFFF;
	_ =	strace $0x9FFFFFFF  }
0xc3: {  	(tm) =	ssettm $0x7FFFFFFF  }
tec
execute0_lowered:
.L_overlay_start_1:
0x0: {  	(tag) =	ssettag $0x1  }
0x1: {  	s1 =	rddreg [dreg:$0x0]  }
0x2: {  	s0 =	rddreg [dreg:$0x1]  }
0x3: {  	s2 =	rddreg [dreg:$0x2]  }
0x4: {  	s4 =	simm.s32 $0x0;
	s3 =	srdreg.scid;
	s12 =	stileid.u32  }
0x5: {  	s15 =	simm.s32 $0x5;
	s16 =	simm.s32 $0x1000;
	s17 =	simm.s32 $0x50  }
0x6: {  	s18 =	simm.s32 $0x2000;
	s20 =	simm.s32 $0x4800;
	s22 =	simm.s32 $0x7000  }
0x7: {  	s30 =	simm.s32 $0x3;
	[smem:$0x7FF] =	sst s4;
	s8 =	smul.u32 $0x13C00, s12  }
0x8: {  	s3 =	sand.u32 $0x1, s3;
	s5 =	sadd.s32 $0x4A00, s0;
	s24 =	smul.u32 $0x4F000, s12  }
0x9: {  	s6 =	sadd.s32 $0x18A00, s0;
	s10 =	sadd.s32 $0x2CA00, s0;
	s11 =	smul.u32 $0x5000, s12  }
0xa: {  	s28 =	sshll.u32 s12, $0x6;
	s7 =	smul.u32 $0x13C000, s3;
	_ =	strace $0x8000004A  }
0xb: {  	s9 =	sshll.u32 s3, $0x4;
	[dreg:$0x5] =	wrdreg s10;
	s25 =	ssub.s32 $0x2, s3  }
0xc: {  	s3 =	smul.u32 $0x50000, s3;
	[dreg:$0x6] =	wrdreg s28;
	s10 =	sor.u32 $0x1C04, s28  }
0xd: {  	s23 =	sor.u32 s12, s9;
	s26 =	sshrl.u32 s25, $0x1;
	s9 =	sshrl.u32 s24, $0x2  }
0xe: {  	s7 =	sadd.s32 s8, s7;
	s8 =	smul.u32 $0x5000, s23;
	s3 =	sadd.s32 s11, s3  }
0xf: {  	[dreg:$0x7] =	wrdreg s10;
	s9 =	sadd.s32 s9, s2;
	s3 =	sadd.s32 $0x1000, s3  }
0x10: {  	s23 =	sshrl.u32 s9, $0x3;
	s8 =	sshrl.u32 s8, $0x3;
	[dreg:$0x4] =	wrdreg s3  }
0x11: {  	s7 =	sshrl.u32 s7, $0x3;
	[dreg:$0xc] =	wrdreg s23;
	s29 =	sadd.s32 s5, s8  }
0x12: {  	s0 =	sadd.s32 s7, s0;
	s8 =	sadd.s32 s6, s8;
	[dreg:$0x8] =	wrdreg s29  }
0x13: {  	s7 =	ssub.s32 s25, s26;
	s0 =	sadd.s32 $0x56400, s0;
	[dreg:$0x9] =	wrdreg s8  }
0x14: {  	s24 =	simm.s32 $0x1;
	s31 =	smax.u32 s7, $0x1;
	[dreg:$0xa] =	wrdreg s0  }
0x15: {  	s26 =	simm.s32 $0x2;
	[dreg:$0xb] =	wrdreg s31;
	s0 =	simm.s32 $0x0  }
.LBB2_1:
0x16: {  	[dreg:$0xd] =	wrdreg s0  }
0x17: {  	s8 =	rddreg [dreg:$0x5]  }
0x18: {  	s14 =	rddreg [dreg:$0x7]  }
0x19: {  	[spmem:s23], [sflag:s14] =	dma.local [hbm:s8], $0x2780  }
0x1a: {  	s8 =	rddreg [dreg:$0x8]  }
0x1b: {  	[tilespmem:s4], [sflag:$0x5] =	stream.linear.gather [hbm4b:s8+s4], $0xC80, $0x38;
	[tilespmem:$0x1D400] =	vst v63  }
0x1c: {  	_ =	swait.ge [sflag:s15], $0xC80  }
0x1d: {  	[sflag:s15] =	ssyncset.done $0x0  }
0x1e: {  	s21 =	rddreg [dreg:$0x9];
	[sflag:s15] =	ssyncadd.s32 $0xFFFFF380  }
0x1f: {  	[tilespmem:s16], [sflag:$0x5] =	stream.linear.gather [hbm4b:s21+s4], $0xC80, $0x38;
	[tilespmem:$0x1D400] =	vst v63  }
0x20: {  	_ =	swait.ge [sflag:s15], $0xC80  }
0x21: {  	[sflag:s15] =	ssyncset.done $0x0  }
0x22: {  	[sflag:s15] =	ssyncadd.s32 $0xFFFFF380  }
0x23: {  	[tilespmem:s18], [sflag:$0x1] =	stream.indirect.gather [hbm4b:s1+s17], $0x80, s4, s17, $0xb8;
	[tilespmem:$0x1D400] =	vst v63  }
0x24: {  	s3 =	simm.s32 $0x80  }
0x25: {  	[tilespmem:s20], [sflag:$0x2] =	stream.indirect.gather [hbm4b:s1+s17], $0x80, s3, s17, $0xb8;
	[tilespmem:$0x1D400] =	vst v63  }
0x26: {  	s7 =	simm.s32 $0x100;
	s23 =	simm.s32 $0x4  }
0x27: {  	[tilespmem:s22], [sflag:$0x3] =	stream.indirect.gather [hbm4b:s1+s17], $0x80, s7, s17, $0xb8;
	[tilespmem:$0x1D400] =	vst v63  }
0x28: {  	_ =	swait.ge [sflag:s23], $0x2780  }
0x29: {  	[sflag:s23] =	ssyncset.done $0x0  }
0x2a: {  	[sflag:s23] =	ssyncadd.s32 $0xFFFFD880  }
0x2b: {  	[bflag:$0x0] =	sbarrier.arrive $0xFFFF  }
0x2c: {  	_ =	swait.ge [sflag:s24], $0x2800  }
0x2d: {  	[sflag:s24] =	ssyncset.done $0x0  }
0x2e: {  	[sflag:s24] =	ssyncadd.s32 $0xFFFFD800  }
0x2f: {  	[spmem:s2] =	stream.indirect.scatter.add.f32 [tilespmem:s18], [sflag:$0x5], $0x80, s16, s17, $0xb8;
	[tilespmem:$0x1D400] =	vst v63  }
0x30: {  	_ =	swait.ge [sflag:s15], $0x2800  }
0x31: {  	[sflag:s15] =	ssyncset.done $0x0  }
0x32: {  	s14 =	simm.s32 $0x180;
	[sflag:s15] =	ssyncadd.s32 $0xFFFFD800  }
0x33: {  	[tilespmem:s18], [sflag:$0x1] =	stream.indirect.gather [hbm4b:s1+s17], $0x80, s14, s17, $0xb8;
	[tilespmem:$0x1D400] =	vst v63  }
0x34: {  	_ =	swait.ge [sflag:s26], $0x2800  }
0x35: {  	[sflag:s26] =	ssyncset.done $0x0  }
0x36: {  	s23 =	simm.s32 $0x1080;
	[sflag:s26] =	ssyncadd.s32 $0xFFFFD800  }
0x37: {  	[spmem:s2] =	stream.indirect.scatter.add.f32 [tilespmem:s20], [sflag:$0x5], $0x80, s23, s17, $0xb8;
	[tilespmem:$0x1D400] =	vst v63  }
0x38: {  	_ =	swait.ge [sflag:s15], $0x2800  }
0x39: {  	[sflag:s15] =	ssyncset.done $0x0  }
0x3a: {  	s25 =	simm.s32 $0x200;
	[sflag:s15] =	ssyncadd.s32 $0xFFFFD800  }
0x3b: {  	[tilespmem:s20], [sflag:$0x2] =	stream.indirect.gather [hbm4b:s1+s17], $0x80, s25, s17, $0xb8;
	[tilespmem:$0x1D400] =	vst v63  }
0x3c: {  	_ =	swait.ge [sflag:s30], $0x2800  }
0x3d: {  	[sflag:s30] =	ssyncset.done $0x0  }
0x3e: {  	s9 =	simm.s32 $0x1100;
	[sflag:s30] =	ssyncadd.s32 $0xFFFFD800  }
0x3f: {  	[spmem:s2] =	stream.indirect.scatter.add.f32 [tilespmem:s22], [sflag:$0x5], $0x80, s9, s17, $0xb8;
	[tilespmem:$0x1D400] =	vst v63  }
0x40: {  	_ =	swait.ge [sflag:s15], $0x2800  }
0x41: {  	[sflag:s15] =	ssyncset.done $0x0  }
0x42: {  	s10 =	simm.s32 $0x280;
	[sflag:s15] =	ssyncadd.s32 $0xFFFFD800  }
0x43: {  	[tilespmem:s22], [sflag:$0x3] =	stream.indirect.gather [hbm4b:s1+s17], $0x80, s10, s17, $0xb8;
	[tilespmem:$0x1D400] =	vst v63  }
0x44: {  	_ =	swait.ge [sflag:s24], $0x2800  }
0x45: {  	[sflag:s24] =	ssyncset.done $0x0  }
0x46: {  	s11 =	simm.s32 $0x1180;
	[sflag:s24] =	ssyncadd.s32 $0xFFFFD800  }
0x47: {  	[spmem:s2] =	stream.indirect.scatter.add.f32 [tilespmem:s18], [sflag:$0x5], $0x80, s11, s17, $0xb8;
	[tilespmem:$0x1D400] =	vst v63  }
0x48: {  	_ =	swait.ge [sflag:s15], $0x2800  }
0x49: {  	[sflag:s15] =	ssyncset.done $0x0  }
0x4a: {  	s12 =	simm.s32 $0x300;
	[sflag:s15] =	ssyncadd.s32 $0xFFFFD800  }
0x4b: {  	[tilespmem:s18], [sflag:$0x1] =	stream.indirect.gather [hbm4b:s1+s17], $0x80, s12, s17, $0xb8;
	[tilespmem:$0x1D400] =	vst v63  }
0x4c: {  	_ =	swait.ge [sflag:s26], $0x2800  }
0x4d: {  	[sflag:s26] =	ssyncset.done $0x0  }
0x4e: {  	s13 =	simm.s32 $0x1200;
	[sflag:s26] =	ssyncadd.s32 $0xFFFFD800  }
0x4f: {  	[spmem:s2] =	stream.indirect.scatter.add.f32 [tilespmem:s20], [sflag:$0x5], $0x80, s13, s17, $0xb8;
	[tilespmem:$0x1D400] =	vst v63  }
0x50: {  	_ =	swait.ge [sflag:s15], $0x2800  }
0x51: {  	[sflag:s15] =	ssyncset.done $0x0  }
0x52: {  	s19 =	simm.s32 $0x380;
	[sflag:s15] =	ssyncadd.s32 $0xFFFFD800  }
0x53: {  	[tilespmem:s20], [sflag:$0x2] =	stream.indirect.gather [hbm4b:s1+s17], $0x80, s19, s17, $0xb8;
	[tilespmem:$0x1D400] =	vst v63  }
0x54: {  	_ =	swait.ge [sflag:s30], $0x2800  }
0x55: {  	[sflag:s30] =	ssyncset.done $0x0  }
0x56: {  	s21 =	simm.s32 $0x1280;
	[sflag:s30] =	ssyncadd.s32 $0xFFFFD800  }
0x57: {  	[spmem:s2] =	stream.indirect.scatter.add.f32 [tilespmem:s22], [sflag:$0x5], $0x80, s21, s17, $0xb8;
	[tilespmem:$0x1D400] =	vst v63  }
0x58: {  	_ =	swait.ge [sflag:s15], $0x2800  }
0x59: {  	[sflag:s15] =	ssyncset.done $0x0  }
0x5a: {  	s25 =	simm.s32 $0x400;
	[sflag:s15] =	ssyncadd.s32 $0xFFFFD800  }
0x5b: {  	[tilespmem:s22], [sflag:$0x3] =	stream.indirect.gather [hbm4b:s1+s17], $0x80, s25, s17, $0xb8;
	[tilespmem:$0x1D400] =	vst v63  }
0x5c: {  	_ =	swait.ge [sflag:s24], $0x2800  }
0x5d: {  	[sflag:s24] =	ssyncset.done $0x0  }
0x5e: {  	s28 =	simm.s32 $0x1300;
	[sflag:s24] =	ssyncadd.s32 $0xFFFFD800  }
0x5f: {  	[spmem:s2] =	stream.indirect.scatter.add.f32 [tilespmem:s18], [sflag:$0x5], $0x80, s28, s17, $0xb8;
	[tilespmem:$0x1D400] =	vst v63  }
0x60: {  	_ =	swait.ge [sflag:s15], $0x2800  }
0x61: {  	[sflag:s15] =	ssyncset.done $0x0  }
0x62: {  	s29 =	simm.s32 $0x480;
	[sflag:s15] =	ssyncadd.s32 $0xFFFFD800  }
0x63: {  	[tilespmem:s18], [sflag:$0x1] =	stream.indirect.gather [hbm4b:s1+s17], $0x80, s29, s17, $0xb8;
	[tilespmem:$0x1D400] =	vst v63  }
0x64: {  	_ =	swait.ge [sflag:s26], $0x2800  }
0x65: {  	[sflag:s26] =	ssyncset.done $0x0  }
0x66: {  	s31 =	simm.s32 $0x1380;
	[sflag:s26] =	ssyncadd.s32 $0xFFFFD800  }
0x67: {  	[spmem:s2] =	stream.indirect.scatter.add.f32 [tilespmem:s20], [sflag:$0x5], $0x80, s31, s17, $0xb8;
	[tilespmem:$0x1D400] =	vst v63  }
0x68: {  	_ =	swait.ge [sflag:s15], $0x2800  }
0x69: {  	[sflag:s15] =	ssyncset.done $0x0  }
0x6a: {  	s0 =	simm.s32 $0x500;
	[sflag:s15] =	ssyncadd.s32 $0xFFFFD800  }
0x6b: {  	[tilespmem:s20], [sflag:$0x2] =	stream.indirect.gather [hbm4b:s1+s17], $0x80, s0, s17, $0xb8;
	[tilespmem:$0x1D400] =	vst v63  }
0x6c: {  	_ =	swait.ge [sflag:s30], $0x2800  }
0x6d: {  	[sflag:s30] =	ssyncset.done $0x0  }
0x6e: {  	s0 =	simm.s32 $0x1400;
	[sflag:s30] =	ssyncadd.s32 $0xFFFFD800  }
0x6f: {  	[spmem:s2] =	stream.indirect.scatter.add.f32 [tilespmem:s22], [sflag:$0x5], $0x80, s0, s17, $0xb8;
	[tilespmem:$0x1D400] =	vst v63  }
0x70: {  	_ =	swait.ge [sflag:s15], $0x2800  }
0x71: {  	[sflag:s15] =	ssyncset.done $0x0  }
0x72: {  	s0 =	simm.s32 $0x580;
	[sflag:s15] =	ssyncadd.s32 $0xFFFFD800  }
0x73: {  	[tilespmem:s22], [sflag:$0x3] =	stream.indirect.gather [hbm4b:s1+s17], $0x80, s0, s17, $0xb8;
	[tilespmem:$0x1D400] =	vst v63  }
0x74: {  	_ =	swait.ge [sflag:s24], $0x2800  }
0x75: {  	[sflag:s24] =	ssyncset.done $0x0  }
0x76: {  	s0 =	simm.s32 $0x1480;
	[sflag:s24] =	ssyncadd.s32 $0xFFFFD800  }
0x77: {  	[spmem:s2] =	stream.indirect.scatter.add.f32 [tilespmem:s18], [sflag:$0x5], $0x80, s0, s17, $0xb8;
	[tilespmem:$0x1D400] =	vst v63  }
0x78: {  	_ =	swait.ge [sflag:s15], $0x2800  }
0x79: {  	[sflag:s15] =	ssyncset.done $0x0  }
0x7a: {  	s0 =	simm.s32 $0x600;
	[sflag:s15] =	ssyncadd.s32 $0xFFFFD800  }
0x7b: {  	[tilespmem:s18], [sflag:$0x1] =	stream.indirect.gather [hbm4b:s1+s17], $0x80, s0, s17, $0xb8;
	[tilespmem:$0x1D400] =	vst v63  }
0x7c: {  	_ =	swait.ge [sflag:s26], $0x2800  }
0x7d: {  	[sflag:s26] =	ssyncset.done $0x0  }
0x7e: {  	s0 =	simm.s32 $0x1500;
	[sflag:s26] =	ssyncadd.s32 $0xFFFFD800  }
0x7f: {  	[spmem:s2] =	stream.indirect.scatter.add.f32 [tilespmem:s20], [sflag:$0x5], $0x80, s0, s17, $0xb8;
	[tilespmem:$0x1D400] =	vst v63  }
0x80: {  	_ =	swait.ge [sflag:s15], $0x2800  }
0x81: {  	[sflag:s15] =	ssyncset.done $0x0  }
0x82: {  	s0 =	simm.s32 $0x680;
	[sflag:s15] =	ssyncadd.s32 $0xFFFFD800  }
0x83: {  	[tilespmem:s20], [sflag:$0x2] =	stream.indirect.gather [hbm4b:s1+s17], $0x80, s0, s17, $0xb8;
	[tilespmem:$0x1D400] =	vst v63  }
0x84: {  	_ =	swait.ge [sflag:s30], $0x2800  }
0x85: {  	[sflag:s30] =	ssyncset.done $0x0  }
0x86: {  	s0 =	simm.s32 $0x1580;
	[sflag:s30] =	ssyncadd.s32 $0xFFFFD800  }
0x87: {  	[spmem:s2] =	stream.indirect.scatter.add.f32 [tilespmem:s22], [sflag:$0x5], $0x80, s0, s17, $0xb8;
	[tilespmem:$0x1D400] =	vst v63  }
0x88: {  	_ =	swait.ge [sflag:s15], $0x2800  }
0x89: {  	[sflag:s15] =	ssyncset.done $0x0  }
0x8a: {  	s0 =	simm.s32 $0x700;
	[sflag:s15] =	ssyncadd.s32 $0xFFFFD800  }
0x8b: {  	[tilespmem:s22], [sflag:$0x3] =	stream.indirect.gather [hbm4b:s1+s17], $0x80, s0, s17, $0xb8;
	[tilespmem:$0x1D400] =	vst v63  }
0x8c: {  	_ =	swait.ge [sflag:s24], $0x2800  }
0x8d: {  	[sflag:s24] =	ssyncset.done $0x0  }
0x8e: {  	s0 =	simm.s32 $0x1600;
	[sflag:s24] =	ssyncadd.s32 $0xFFFFD800  }
0x8f: {  	[spmem:s2] =	stream.indirect.scatter.add.f32 [tilespmem:s18], [sflag:$0x5], $0x80, s0, s17, $0xb8;
	[tilespmem:$0x1D400] =	vst v63  }
0x90: {  	_ =	swait.ge [sflag:s15], $0x2800  }
0x91: {  	[sflag:s15] =	ssyncset.done $0x0  }
0x92: {  	s0 =	simm.s32 $0x780;
	[sflag:s15] =	ssyncadd.s32 $0xFFFFD800  }
0x93: {  	[tilespmem:s18], [sflag:$0x1] =	stream.indirect.gather [hbm4b:s1+s17], $0x80, s0, s17, $0xb8;
	[tilespmem:$0x1D400] =	vst v63  }
0x94: {  	_ =	swait.ge [sflag:s26], $0x2800  }
0x95: {  	[sflag:s26] =	ssyncset.done $0x0  }
0x96: {  	s0 =	simm.s32 $0x1680;
	[sflag:s26] =	ssyncadd.s32 $0xFFFFD800  }
0x97: {  	[spmem:s2] =	stream.indirect.scatter.add.f32 [tilespmem:s20], [sflag:$0x5], $0x80, s0, s17, $0xb8;
	[tilespmem:$0x1D400] =	vst v63  }
0x98: {  	_ =	swait.ge [sflag:s15], $0x2800  }
0x99: {  	[sflag:s15] =	ssyncset.done $0x0  }
0x9a: {  	s0 =	simm.s32 $0x800;
	[sflag:s15] =	ssyncadd.s32 $0xFFFFD800  }
0x9b: {  	[tilespmem:s20], [sflag:$0x2] =	stream.indirect.gather [hbm4b:s1+s17], $0x80, s0, s17, $0xb8;
	[tilespmem:$0x1D400] =	vst v63  }
0x9c: {  	_ =	swait.ge [sflag:s30], $0x2800  }
0x9d: {  	[sflag:s30] =	ssyncset.done $0x0  }
0x9e: {  	s0 =	simm.s32 $0x1700;
	[sflag:s30] =	ssyncadd.s32 $0xFFFFD800  }
0x9f: {  	[spmem:s2] =	stream.indirect.scatter.add.f32 [tilespmem:s22], [sflag:$0x5], $0x80, s0, s17, $0xb8;
	[tilespmem:$0x1D400] =	vst v63  }
0xa0: {  	_ =	swait.ge [sflag:s15], $0x2800  }
0xa1: {  	[sflag:s15] =	ssyncset.done $0x0  }
0xa2: {  	s0 =	simm.s32 $0x880;
	[sflag:s15] =	ssyncadd.s32 $0xFFFFD800  }
0xa3: {  	[tilespmem:s22], [sflag:$0x3] =	stream.indirect.gather [hbm4b:s1+s17], $0x80, s0, s17, $0xb8;
	[tilespmem:$0x1D400] =	vst v63  }
0xa4: {  	_ =	swait.ge [sflag:s24], $0x2800  }
0xa5: {  	[sflag:s24] =	ssyncset.done $0x0  }
0xa6: {  	s0 =	simm.s32 $0x1780;
	[sflag:s24] =	ssyncadd.s32 $0xFFFFD800  }
0xa7: {  	[spmem:s2] =	stream.indirect.scatter.add.f32 [tilespmem:s18], [sflag:$0x5], $0x80, s0, s17, $0xb8;
	[tilespmem:$0x1D400] =	vst v63  }
0xa8: {  	_ =	swait.ge [sflag:s15], $0x2800  }
0xa9: {  	[sflag:s15] =	ssyncset.done $0x0  }
0xaa: {  	s0 =	simm.s32 $0x900;
	[sflag:s15] =	ssyncadd.s32 $0xFFFFD800  }
0xab: {  	[tilespmem:s18], [sflag:$0x1] =	stream.indirect.gather [hbm4b:s1+s17], $0x80, s0, s17, $0xb8;
	[tilespmem:$0x1D400] =	vst v63  }
0xac: {  	_ =	swait.ge [sflag:s26], $0x2800  }
0xad: {  	[sflag:s26] =	ssyncset.done $0x0  }
0xae: {  	s0 =	simm.s32 $0x1800;
	[sflag:s26] =	ssyncadd.s32 $0xFFFFD800  }
0xaf: {  	[spmem:s2] =	stream.indirect.scatter.add.f32 [tilespmem:s20], [sflag:$0x5], $0x80, s0, s17, $0xb8;
	[tilespmem:$0x1D400] =	vst v63  }
0xb0: {  	_ =	swait.ge [sflag:s15], $0x2800  }
0xb1: {  	[sflag:s15] =	ssyncset.done $0x0  }
0xb2: {  	s0 =	simm.s32 $0x980;
	[sflag:s15] =	ssyncadd.s32 $0xFFFFD800  }
0xb3: {  	[tilespmem:s20], [sflag:$0x2] =	stream.indirect.gather [hbm4b:s1+s17], $0x80, s0, s17, $0xb8;
	[tilespmem:$0x1D400] =	vst v63  }
0xb4: {  	_ =	swait.ge [sflag:s30], $0x2800  }
0xb5: {  	[sflag:s30] =	ssyncset.done $0x0  }
0xb6: {  	s0 =	simm.s32 $0x1880;
	[sflag:s30] =	ssyncadd.s32 $0xFFFFD800  }
0xb7: {  	[spmem:s2] =	stream.indirect.scatter.add.f32 [tilespmem:s22], [sflag:$0x5], $0x80, s0, s17, $0xb8;
	[tilespmem:$0x1D400] =	vst v63  }
0xb8: {  	_ =	swait.ge [sflag:s15], $0x2800  }
0xb9: {  	[sflag:s15] =	ssyncset.done $0x0  }
0xba: {  	s0 =	simm.s32 $0xA00;
	[sflag:s15] =	ssyncadd.s32 $0xFFFFD800  }
0xbb: {  	[tilespmem:s22], [sflag:$0x3] =	stream.indirect.gather [hbm4b:s1+s17], $0x80, s0, s17, $0xb8;
	[tilespmem:$0x1D400] =	vst v63  }
0xbc: {  	_ =	swait.ge [sflag:s24], $0x2800  }
0xbd: {  	[sflag:s24] =	ssyncset.done $0x0  }
0xbe: {  	s0 =	simm.s32 $0x1900;
	[sflag:s24] =	ssyncadd.s32 $0xFFFFD800  }
0xbf: {  	[spmem:s2] =	stream.indirect.scatter.add.f32 [tilespmem:s18], [sflag:$0x5], $0x80, s0, s17, $0xb8;
	[tilespmem:$0x1D400] =	vst v63  }
0xc0: {  	_ =	swait.ge [sflag:s15], $0x2800  }
0xc1: {  	[sflag:s15] =	ssyncset.done $0x0  }
0xc2: {  	s0 =	simm.s32 $0xA80;
	[sflag:s15] =	ssyncadd.s32 $0xFFFFD800  }
0xc3: {  	[tilespmem:s18], [sflag:$0x1] =	stream.indirect.gather [hbm4b:s1+s17], $0x80, s0, s17, $0xb8;
	[tilespmem:$0x1D400] =	vst v63  }
0xc4: {  	_ =	swait.ge [sflag:s26], $0x2800  }
0xc5: {  	[sflag:s26] =	ssyncset.done $0x0  }
0xc6: {  	s0 =	simm.s32 $0x1980;
	[sflag:s26] =	ssyncadd.s32 $0xFFFFD800  }
0xc7: {  	[spmem:s2] =	stream.indirect.scatter.add.f32 [tilespmem:s20], [sflag:$0x5], $0x80, s0, s17, $0xb8;
	[tilespmem:$0x1D400] =	vst v63  }
0xc8: {  	_ =	swait.ge [sflag:s15], $0x2800  }
0xc9: {  	[sflag:s15] =	ssyncset.done $0x0  }
0xca: {  	s0 =	simm.s32 $0xB00;
	[sflag:s15] =	ssyncadd.s32 $0xFFFFD800  }
0xcb: {  	[tilespmem:s20], [sflag:$0x2] =	stream.indirect.gather [hbm4b:s1+s17], $0x80, s0, s17, $0xb8;
	[tilespmem:$0x1D400] =	vst v63  }
0xcc: {  	_ =	swait.ge [sflag:s30], $0x2800  }
0xcd: {  	[sflag:s30] =	ssyncset.done $0x0  }
0xce: {  	s0 =	simm.s32 $0x1A00;
	[sflag:s30] =	ssyncadd.s32 $0xFFFFD800  }
0xcf: {  	[spmem:s2] =	stream.indirect.scatter.add.f32 [tilespmem:s22], [sflag:$0x5], $0x80, s0, s17, $0xb8;
	[tilespmem:$0x1D400] =	vst v63  }
0xd0: {  	_ =	swait.ge [sflag:s15], $0x2800  }
0xd1: {  	[sflag:s15] =	ssyncset.done $0x0  }
0xd2: {  	s0 =	simm.s32 $0xB80;
	[sflag:s15] =	ssyncadd.s32 $0xFFFFD800  }
0xd3: {  	[tilespmem:s22], [sflag:$0x3] =	stream.indirect.gather [hbm4b:s1+s17], $0x80, s0, s17, $0xb8;
	[tilespmem:$0x1D400] =	vst v63  }
0xd4: {  	_ =	swait.ge [sflag:s24], $0x2800  }
0xd5: {  	[sflag:s24] =	ssyncset.done $0x0  }
0xd6: {  	s0 =	simm.s32 $0x1A80;
	[sflag:s24] =	ssyncadd.s32 $0xFFFFD800  }
0xd7: {  	[spmem:s2] =	stream.indirect.scatter.add.f32 [tilespmem:s18], [sflag:$0x5], $0x80, s0, s17, $0xb8;
	[tilespmem:$0x1D400] =	vst v63  }
0xd8: {  	_ =	swait.ge [sflag:s15], $0x2800  }
0xd9: {  	[sflag:s15] =	ssyncset.done $0x0  }
0xda: {  	s0 =	simm.s32 $0xC00;
	[sflag:s15] =	ssyncadd.s32 $0xFFFFD800  }
0xdb: {  	[tilespmem:s18], [sflag:$0x1] =	stream.indirect.gather [hbm4b:s1+s17], $0x80, s0, s17, $0xb8;
	[tilespmem:$0x1D400] =	vst v63  }
0xdc: {  	_ =	swait.ge [sflag:s26], $0x2800  }
0xdd: {  	[sflag:s26] =	ssyncset.done $0x0  }
0xde: {  	s0 =	simm.s32 $0x1B00;
	[sflag:s26] =	ssyncadd.s32 $0xFFFFD800  }
0xdf: {  	[spmem:s2] =	stream.indirect.scatter.add.f32 [tilespmem:s20], [sflag:$0x5], $0x80, s0, s17, $0xb8;
	[tilespmem:$0x1D400] =	vst v63  }
0xe0: {  	_ =	swait.ge [sflag:s15], $0x2800  }
0xe1: {  	[sflag:s15] =	ssyncset.done $0x0  }
0xe2: {  	[sflag:s15] =	ssyncadd.s32 $0xFFFFD800  }
0xe3: {  	_ =	swait.ge [sflag:s30], $0x2800  }
0xe4: {  	[sflag:s30] =	ssyncset.done $0x0  }
0xe5: {  	s0 =	simm.s32 $0x1B80;
	[sflag:s30] =	ssyncadd.s32 $0xFFFFD800  }
0xe6: {  	[spmem:s2] =	stream.indirect.scatter.add.f32 [tilespmem:s22], [sflag:$0x5], $0x80, s0, s17, $0xb8;
	[tilespmem:$0x1D400] =	vst v63  }
0xe7: {  	_ =	swait.ge [sflag:s15], $0x2800  }
0xe8: {  	[sflag:s15] =	ssyncset.done $0x0  }
0xe9: {  	[sflag:s15] =	ssyncadd.s32 $0xFFFFD800  }
0xea: {  	_ =	swait.ge [sflag:s24], $0x2800  }
0xeb: {  	[sflag:s24] =	ssyncset.done $0x0  }
0xec: {  	s0 =	simm.s32 $0x1C00;
	[sflag:s24] =	ssyncadd.s32 $0xFFFFD800  }
0xed: {  	[spmem:s2] =	stream.indirect.scatter.add.f32 [tilespmem:s18], [sflag:$0x5], $0x80, s0, s17, $0xb8;
	[tilespmem:$0x1D400] =	vst v63  }
0xee: {  	_ =	swait.ge [sflag:s15], $0x2800  }
0xef: {  	s0 =	rddreg [dreg:$0x4]  }
0xf0: {  	s8 =	sadd.s32 $0x0, s0  }
0xf1: {  	[sflag:s15] =	ssyncset.done $0x0;
	s0 =	sshrl.u32 s8, $0x3  }
0xf2: {  	[sflag:s15] =	ssyncadd.s32 $0xFFFFD800;
	s8 =	sadd.s32 s5, s0  }
0xf3: {  	[tilespmem:s4], [sflag:$0x5] =	stream.linear.gather [hbm4b:s8+s4], $0xC80, $0x38;
	[tilespmem:$0x1D400] =	vst v63  }
0xf4: {  	_ =	swait.ge [sflag:s15], $0xC80  }
0xf5: {  	[sflag:s15] =	ssyncset.done $0x0  }
0xf6: {  	s0 =	sadd.s32 s6, s0;
	[sflag:s15] =	ssyncadd.s32 $0xFFFFF380  }
0xf7: {  	[tilespmem:s16], [sflag:$0x5] =	stream.linear.gather [hbm4b:s0+s4], $0xC80, $0x38;
	[tilespmem:$0x1D400] =	vst v63  }
0xf8: {  	_ =	swait.ge [sflag:s15], $0xC80  }
0xf9: {  	[sflag:s15] =	ssyncset.done $0x0  }
0xfa: {  	[sflag:s15] =	ssyncadd.s32 $0xFFFFF380  }
0xfb: {  	[tilespmem:s18], [sflag:$0x1] =	stream.indirect.gather [hbm4b:s1+s17], $0x80, s4, s17, $0xb8;
	[tilespmem:$0x1D400] =	vst v63  }
0xfc: {  	_ = 	snop  }
0xfd: {  	[tilespmem:s20], [sflag:$0x2] =	stream.indirect.gather [hbm4b:s1+s17], $0x80, s3, s17, $0xb8;
	[tilespmem:$0x1D400] =	vst v63  }
0xfe: {  	_ = 	snop  }
0xff: {  	[tilespmem:s22], [sflag:$0x3] =	stream.indirect.gather [hbm4b:s1+s17], $0x80, s7, s17, $0xb8;
	[tilespmem:$0x1D400] =	vst v63  }
0x100: {  	_ =	swait.ge [sflag:s24], $0x2800  }
0x101: {  	[sflag:s24] =	ssyncset.done $0x0  }
0x102: {  	[sflag:s24] =	ssyncadd.s32 $0xFFFFD800  }
0x103: {  	[spmem:s2] =	stream.indirect.scatter.add.f32 [tilespmem:s18], [sflag:$0x5], $0x80, s16, s17, $0xb8;
	[tilespmem:$0x1D400] =	vst v63  }
0x104: {  	_ =	swait.ge [sflag:s15], $0x2800  }
0x105: {  	[sflag:s15] =	ssyncset.done $0x0  }
0x106: {  	[sflag:s15] =	ssyncadd.s32 $0xFFFFD800  }
0x107: {  	[tilespmem:s18], [sflag:$0x1] =	stream.indirect.gather [hbm4b:s1+s17], $0x80, s14, s17, $0xb8;
	[tilespmem:$0x1D400] =	vst v63  }
0x108: {  	_ =	swait.ge [sflag:s26], $0x2800  }
0x109: {  	[sflag:s26] =	ssyncset.done $0x0  }
0x10a: {  	[sflag:s26] =	ssyncadd.s32 $0xFFFFD800  }
0x10b: {  	[spmem:s2] =	stream.indirect.scatter.add.f32 [tilespmem:s20], [sflag:$0x5], $0x80, s23, s17, $0xb8;
	[tilespmem:$0x1D400] =	vst v63  }
0x10c: {  	_ =	swait.ge [sflag:s15], $0x2800  }
0x10d: {  	[sflag:s15] =	ssyncset.done $0x0  }
0x10e: {  	s14 =	simm.s32 $0x200;
	[sflag:s15] =	ssyncadd.s32 $0xFFFFD800  }
0x10f: {  	[tilespmem:s20], [sflag:$0x2] =	stream.indirect.gather [hbm4b:s1+s17], $0x80, s14, s17, $0xb8;
	[tilespmem:$0x1D400] =	vst v63  }
0x110: {  	_ =	swait.ge [sflag:s30], $0x2800  }
0x111: {  	[sflag:s30] =	ssyncset.done $0x0  }
0x112: {  	[sflag:s30] =	ssyncadd.s32 $0xFFFFD800  }
0x113: {  	[spmem:s2] =	stream.indirect.scatter.add.f32 [tilespmem:s22], [sflag:$0x5], $0x80, s9, s17, $0xb8;
	[tilespmem:$0x1D400] =	vst v63  }
0x114: {  	_ =	swait.ge [sflag:s15], $0x2800  }
0x115: {  	[sflag:s15] =	ssyncset.done $0x0  }
0x116: {  	[sflag:s15] =	ssyncadd.s32 $0xFFFFD800  }
0x117: {  	[tilespmem:s22], [sflag:$0x3] =	stream.indirect.gather [hbm4b:s1+s17], $0x80, s10, s17, $0xb8;
	[tilespmem:$0x1D400] =	vst v63  }
0x118: {  	_ =	swait.ge [sflag:s24], $0x2800  }
0x119: {  	[sflag:s24] =	ssyncset.done $0x0  }
0x11a: {  	[sflag:s24] =	ssyncadd.s32 $0xFFFFD800  }
0x11b: {  	[spmem:s2] =	stream.indirect.scatter.add.f32 [tilespmem:s18], [sflag:$0x5], $0x80, s11, s17, $0xb8;
	[tilespmem:$0x1D400] =	vst v63  }
0x11c: {  	_ =	swait.ge [sflag:s15], $0x2800  }
0x11d: {  	[sflag:s15] =	ssyncset.done $0x0  }
0x11e: {  	[sflag:s15] =	ssyncadd.s32 $0xFFFFD800  }
0x11f: {  	[tilespmem:s18], [sflag:$0x1] =	stream.indirect.gather [hbm4b:s1+s17], $0x80, s12, s17, $0xb8;
	[tilespmem:$0x1D400] =	vst v63  }
0x120: {  	_ =	swait.ge [sflag:s26], $0x2800  }
0x121: {  	[sflag:s26] =	ssyncset.done $0x0  }
0x122: {  	[sflag:s26] =	ssyncadd.s32 $0xFFFFD800  }
0x123: {  	[spmem:s2] =	stream.indirect.scatter.add.f32 [tilespmem:s20], [sflag:$0x5], $0x80, s13, s17, $0xb8;
	[tilespmem:$0x1D400] =	vst v63  }
0x124: {  	_ =	swait.ge [sflag:s15], $0x2800  }
0x125: {  	[sflag:s15] =	ssyncset.done $0x0  }
0x126: {  	[sflag:s15] =	ssyncadd.s32 $0xFFFFD800  }
0x127: {  	[tilespmem:s20], [sflag:$0x2] =	stream.indirect.gather [hbm4b:s1+s17], $0x80, s19, s17, $0xb8;
	[tilespmem:$0x1D400] =	vst v63  }
0x128: {  	_ =	swait.ge [sflag:s30], $0x2800  }
0x129: {  	[sflag:s30] =	ssyncset.done $0x0  }
0x12a: {  	[sflag:s30] =	ssyncadd.s32 $0xFFFFD800  }
0x12b: {  	[spmem:s2] =	stream.indirect.scatter.add.f32 [tilespmem:s22], [sflag:$0x5], $0x80, s21, s17, $0xb8;
	[tilespmem:$0x1D400] =	vst v63  }
0x12c: {  	_ =	swait.ge [sflag:s15], $0x2800  }
0x12d: {  	[sflag:s15] =	ssyncset.done $0x0  }
0x12e: {  	[sflag:s15] =	ssyncadd.s32 $0xFFFFD800  }
0x12f: {  	[tilespmem:s22], [sflag:$0x3] =	stream.indirect.gather [hbm4b:s1+s17], $0x80, s25, s17, $0xb8;
	[tilespmem:$0x1D400] =	vst v63  }
0x130: {  	_ =	swait.ge [sflag:s24], $0x2800  }
0x131: {  	[sflag:s24] =	ssyncset.done $0x0  }
0x132: {  	[sflag:s24] =	ssyncadd.s32 $0xFFFFD800  }
0x133: {  	[spmem:s2] =	stream.indirect.scatter.add.f32 [tilespmem:s18], [sflag:$0x5], $0x80, s28, s17, $0xb8;
	[tilespmem:$0x1D400] =	vst v63  }
0x134: {  	_ =	swait.ge [sflag:s15], $0x2800  }
0x135: {  	[sflag:s15] =	ssyncset.done $0x0  }
0x136: {  	[sflag:s15] =	ssyncadd.s32 $0xFFFFD800  }
0x137: {  	[tilespmem:s18], [sflag:$0x1] =	stream.indirect.gather [hbm4b:s1+s17], $0x80, s29, s17, $0xb8;
	[tilespmem:$0x1D400] =	vst v63  }
0x138: {  	_ =	swait.ge [sflag:s26], $0x2800  }
0x139: {  	[sflag:s26] =	ssyncset.done $0x0  }
0x13a: {  	[sflag:s26] =	ssyncadd.s32 $0xFFFFD800  }
0x13b: {  	[spmem:s2] =	stream.indirect.scatter.add.f32 [tilespmem:s20], [sflag:$0x5], $0x80, s31, s17, $0xb8;
	[tilespmem:$0x1D400] =	vst v63  }
0x13c: {  	_ =	swait.ge [sflag:s15], $0x2800  }
0x13d: {  	[sflag:s15] =	ssyncset.done $0x0  }
0x13e: {  	s21 =	simm.s32 $0x500;
	[sflag:s15] =	ssyncadd.s32 $0xFFFFD800  }
0x13f: {  	[tilespmem:s20], [sflag:$0x2] =	stream.indirect.gather [hbm4b:s1+s17], $0x80, s21, s17, $0xb8;
	[tilespmem:$0x1D400] =	vst v63  }
0x140: {  	_ =	swait.ge [sflag:s30], $0x2800  }
0x141: {  	[sflag:s30] =	ssyncset.done $0x0  }
0x142: {  	s23 =	simm.s32 $0x1400;
	[sflag:s30] =	ssyncadd.s32 $0xFFFFD800  }
0x143: {  	[spmem:s2] =	stream.indirect.scatter.add.f32 [tilespmem:s22], [sflag:$0x5], $0x80, s23, s17, $0xb8;
	[tilespmem:$0x1D400] =	vst v63  }
0x144: {  	_ =	swait.ge [sflag:s15], $0x2800  }
0x145: {  	[sflag:s15] =	ssyncset.done $0x0  }
0x146: {  	s25 =	simm.s32 $0x580;
	[sflag:s15] =	ssyncadd.s32 $0xFFFFD800  }
0x147: {  	[tilespmem:s22], [sflag:$0x3] =	stream.indirect.gather [hbm4b:s1+s17], $0x80, s25, s17, $0xb8;
	[tilespmem:$0x1D400] =	vst v63  }
0x148: {  	_ =	swait.ge [sflag:s24], $0x2800  }
0x149: {  	[sflag:s24] =	ssyncset.done $0x0  }
0x14a: {  	s3 =	simm.s32 $0x1480;
	[sflag:s24] =	ssyncadd.s32 $0xFFFFD800  }
0x14b: {  	[spmem:s2] =	stream.indirect.scatter.add.f32 [tilespmem:s18], [sflag:$0x5], $0x80, s3, s17, $0xb8;
	[tilespmem:$0x1D400] =	vst v63  }
0x14c: {  	_ =	swait.ge [sflag:s15], $0x2800  }
0x14d: {  	[sflag:s15] =	ssyncset.done $0x0  }
0x14e: {  	s7 =	simm.s32 $0x600;
	[sflag:s15] =	ssyncadd.s32 $0xFFFFD800  }
0x14f: {  	[tilespmem:s18], [sflag:$0x1] =	stream.indirect.gather [hbm4b:s1+s17], $0x80, s7, s17, $0xb8;
	[tilespmem:$0x1D400] =	vst v63  }
0x150: {  	_ =	swait.ge [sflag:s26], $0x2800  }
0x151: {  	[sflag:s26] =	ssyncset.done $0x0  }
0x152: {  	s8 =	simm.s32 $0x1500;
	[sflag:s26] =	ssyncadd.s32 $0xFFFFD800  }
0x153: {  	[spmem:s2] =	stream.indirect.scatter.add.f32 [tilespmem:s20], [sflag:$0x5], $0x80, s8, s17, $0xb8;
	[tilespmem:$0x1D400] =	vst v63  }
0x154: {  	_ =	swait.ge [sflag:s15], $0x2800  }
0x155: {  	[sflag:s15] =	ssyncset.done $0x0  }
0x156: {  	s9 =	simm.s32 $0x680;
	[sflag:s15] =	ssyncadd.s32 $0xFFFFD800  }
0x157: {  	[tilespmem:s20], [sflag:$0x2] =	stream.indirect.gather [hbm4b:s1+s17], $0x80, s9, s17, $0xb8;
	[tilespmem:$0x1D400] =	vst v63  }
0x158: {  	_ =	swait.ge [sflag:s30], $0x2800  }
0x159: {  	[sflag:s30] =	ssyncset.done $0x0  }
0x15a: {  	s10 =	simm.s32 $0x1580;
	[sflag:s30] =	ssyncadd.s32 $0xFFFFD800  }
0x15b: {  	[spmem:s2] =	stream.indirect.scatter.add.f32 [tilespmem:s22], [sflag:$0x5], $0x80, s10, s17, $0xb8;
	[tilespmem:$0x1D400] =	vst v63  }
0x15c: {  	_ =	swait.ge [sflag:s15], $0x2800  }
0x15d: {  	[sflag:s15] =	ssyncset.done $0x0  }
0x15e: {  	s11 =	simm.s32 $0x700;
	[sflag:s15] =	ssyncadd.s32 $0xFFFFD800  }
0x15f: {  	[tilespmem:s22], [sflag:$0x3] =	stream.indirect.gather [hbm4b:s1+s17], $0x80, s11, s17, $0xb8;
	[tilespmem:$0x1D400] =	vst v63  }
0x160: {  	_ =	swait.ge [sflag:s24], $0x2800  }
0x161: {  	[sflag:s24] =	ssyncset.done $0x0  }
0x162: {  	s12 =	simm.s32 $0x1600;
	[sflag:s24] =	ssyncadd.s32 $0xFFFFD800  }
0x163: {  	[spmem:s2] =	stream.indirect.scatter.add.f32 [tilespmem:s18], [sflag:$0x5], $0x80, s12, s17, $0xb8;
	[tilespmem:$0x1D400] =	vst v63  }
0x164: {  	_ =	swait.ge [sflag:s15], $0x2800  }
0x165: {  	[sflag:s15] =	ssyncset.done $0x0  }
0x166: {  	s13 =	simm.s32 $0x780;
	[sflag:s15] =	ssyncadd.s32 $0xFFFFD800  }
0x167: {  	[tilespmem:s18], [sflag:$0x1] =	stream.indirect.gather [hbm4b:s1+s17], $0x80, s13, s17, $0xb8;
	[tilespmem:$0x1D400] =	vst v63  }
0x168: {  	_ =	swait.ge [sflag:s26], $0x2800  }
0x169: {  	[sflag:s26] =	ssyncset.done $0x0  }
0x16a: {  	s14 =	simm.s32 $0x1680;
	[sflag:s26] =	ssyncadd.s32 $0xFFFFD800  }
0x16b: {  	[spmem:s2] =	stream.indirect.scatter.add.f32 [tilespmem:s20], [sflag:$0x5], $0x80, s14, s17, $0xb8;
	[tilespmem:$0x1D400] =	vst v63  }
0x16c: {  	_ =	swait.ge [sflag:s15], $0x2800  }
0x16d: {  	[sflag:s15] =	ssyncset.done $0x0  }
0x16e: {  	s19 =	simm.s32 $0x800;
	[sflag:s15] =	ssyncadd.s32 $0xFFFFD800  }
0x16f: {  	[tilespmem:s20], [sflag:$0x2] =	stream.indirect.gather [hbm4b:s1+s17], $0x80, s19, s17, $0xb8;
	[tilespmem:$0x1D400] =	vst v63  }
0x170: {  	_ =	swait.ge [sflag:s30], $0x2800  }
0x171: {  	[sflag:s30] =	ssyncset.done $0x0  }
0x172: {  	s21 =	simm.s32 $0x1700;
	[sflag:s30] =	ssyncadd.s32 $0xFFFFD800  }
0x173: {  	[spmem:s2] =	stream.indirect.scatter.add.f32 [tilespmem:s22], [sflag:$0x5], $0x80, s21, s17, $0xb8;
	[tilespmem:$0x1D400] =	vst v63  }
0x174: {  	_ =	swait.ge [sflag:s15], $0x2800  }
0x175: {  	[sflag:s15] =	ssyncset.done $0x0  }
0x176: {  	s23 =	simm.s32 $0x880;
	[sflag:s15] =	ssyncadd.s32 $0xFFFFD800  }
0x177: {  	[tilespmem:s22], [sflag:$0x3] =	stream.indirect.gather [hbm4b:s1+s17], $0x80, s23, s17, $0xb8;
	[tilespmem:$0x1D400] =	vst v63  }
0x178: {  	_ =	swait.ge [sflag:s24], $0x2800  }
0x179: {  	[sflag:s24] =	ssyncset.done $0x0  }
0x17a: {  	s25 =	simm.s32 $0x1780;
	[sflag:s24] =	ssyncadd.s32 $0xFFFFD800  }
0x17b: {  	[spmem:s2] =	stream.indirect.scatter.add.f32 [tilespmem:s18], [sflag:$0x5], $0x80, s25, s17, $0xb8;
	[tilespmem:$0x1D400] =	vst v63  }
0x17c: {  	_ =	swait.ge [sflag:s15], $0x2800  }
0x17d: {  	[sflag:s15] =	ssyncset.done $0x0  }
0x17e: {  	s3 =	simm.s32 $0x900;
	[sflag:s15] =	ssyncadd.s32 $0xFFFFD800  }
0x17f: {  	[tilespmem:s18], [sflag:$0x1] =	stream.indirect.gather [hbm4b:s1+s17], $0x80, s3, s17, $0xb8;
	[tilespmem:$0x1D400] =	vst v63  }
0x180: {  	_ =	swait.ge [sflag:s26], $0x2800  }
0x181: {  	[sflag:s26] =	ssyncset.done $0x0  }
0x182: {  	s7 =	simm.s32 $0x1800;
	[sflag:s26] =	ssyncadd.s32 $0xFFFFD800  }
0x183: {  	[spmem:s2] =	stream.indirect.scatter.add.f32 [tilespmem:s20], [sflag:$0x5], $0x80, s7, s17, $0xb8;
	[tilespmem:$0x1D400] =	vst v63  }
0x184: {  	_ =	swait.ge [sflag:s15], $0x2800  }
0x185: {  	[sflag:s15] =	ssyncset.done $0x0  }
0x186: {  	s8 =	simm.s32 $0x980;
	[sflag:s15] =	ssyncadd.s32 $0xFFFFD800  }
0x187: {  	[tilespmem:s20], [sflag:$0x2] =	stream.indirect.gather [hbm4b:s1+s17], $0x80, s8, s17, $0xb8;
	[tilespmem:$0x1D400] =	vst v63  }
0x188: {  	_ =	swait.ge [sflag:s30], $0x2800  }
0x189: {  	[sflag:s30] =	ssyncset.done $0x0  }
0x18a: {  	s9 =	simm.s32 $0x1880;
	[sflag:s30] =	ssyncadd.s32 $0xFFFFD800  }
0x18b: {  	[spmem:s2] =	stream.indirect.scatter.add.f32 [tilespmem:s22], [sflag:$0x5], $0x80, s9, s17, $0xb8;
	[tilespmem:$0x1D400] =	vst v63  }
0x18c: {  	_ =	swait.ge [sflag:s15], $0x2800  }
0x18d: {  	[sflag:s15] =	ssyncset.done $0x0  }
0x18e: {  	s10 =	simm.s32 $0xA00;
	[sflag:s15] =	ssyncadd.s32 $0xFFFFD800  }
0x18f: {  	[tilespmem:s22], [sflag:$0x3] =	stream.indirect.gather [hbm4b:s1+s17], $0x80, s10, s17, $0xb8;
	[tilespmem:$0x1D400] =	vst v63  }
0x190: {  	_ =	swait.ge [sflag:s24], $0x2800  }
0x191: {  	[sflag:s24] =	ssyncset.done $0x0  }
0x192: {  	s11 =	simm.s32 $0x1900;
	[sflag:s24] =	ssyncadd.s32 $0xFFFFD800  }
0x193: {  	[spmem:s2] =	stream.indirect.scatter.add.f32 [tilespmem:s18], [sflag:$0x5], $0x80, s11, s17, $0xb8;
	[tilespmem:$0x1D400] =	vst v63  }
0x194: {  	_ =	swait.ge [sflag:s15], $0x2800  }
0x195: {  	[sflag:s15] =	ssyncset.done $0x0  }
0x196: {  	s14 =	simm.s32 $0xA80;
	[sflag:s15] =	ssyncadd.s32 $0xFFFFD800  }
0x197: {  	[tilespmem:s18], [sflag:$0x1] =	stream.indirect.gather [hbm4b:s1+s17], $0x80, s14, s17, $0xb8;
	[tilespmem:$0x1D400] =	vst v63  }
0x198: {  	_ =	swait.ge [sflag:s26], $0x2800  }
0x199: {  	[sflag:s26] =	ssyncset.done $0x0  }
0x19a: {  	s23 =	simm.s32 $0x1980;
	[sflag:s26] =	ssyncadd.s32 $0xFFFFD800  }
0x19b: {  	[spmem:s2] =	stream.indirect.scatter.add.f32 [tilespmem:s20], [sflag:$0x5], $0x80, s23, s17, $0xb8;
	[tilespmem:$0x1D400] =	vst v63  }
0x19c: {  	_ =	swait.ge [sflag:s15], $0x2800  }
0x19d: {  	[sflag:s15] =	ssyncset.done $0x0  }
0x19e: {  	s3 =	simm.s32 $0xB00;
	[sflag:s15] =	ssyncadd.s32 $0xFFFFD800  }
0x19f: {  	[tilespmem:s20], [sflag:$0x2] =	stream.indirect.gather [hbm4b:s1+s17], $0x80, s3, s17, $0xb8;
	[tilespmem:$0x1D400] =	vst v63  }
0x1a0: {  	_ =	swait.ge [sflag:s30], $0x2800  }
0x1a1: {  	[sflag:s30] =	ssyncset.done $0x0  }
0x1a2: {  	s7 =	simm.s32 $0x1A00;
	[sflag:s30] =	ssyncadd.s32 $0xFFFFD800  }
0x1a3: {  	[spmem:s2] =	stream.indirect.scatter.add.f32 [tilespmem:s22], [sflag:$0x5], $0x80, s7, s17, $0xb8;
	[tilespmem:$0x1D400] =	vst v63  }
0x1a4: {  	_ =	swait.ge [sflag:s15], $0x2800  }
0x1a5: {  	[sflag:s15] =	ssyncset.done $0x0  }
0x1a6: {  	s8 =	simm.s32 $0xB80;
	[sflag:s15] =	ssyncadd.s32 $0xFFFFD800  }
0x1a7: {  	[tilespmem:s22], [sflag:$0x3] =	stream.indirect.gather [hbm4b:s1+s17], $0x80, s8, s17, $0xb8;
	[tilespmem:$0x1D400] =	vst v63  }
0x1a8: {  	_ =	swait.ge [sflag:s24], $0x2800  }
0x1a9: {  	[sflag:s24] =	ssyncset.done $0x0  }
0x1aa: {  	s9 =	simm.s32 $0x1A80;
	[sflag:s24] =	ssyncadd.s32 $0xFFFFD800  }
0x1ab: {  	[spmem:s2] =	stream.indirect.scatter.add.f32 [tilespmem:s18], [sflag:$0x5], $0x80, s9, s17, $0xb8;
	[tilespmem:$0x1D400] =	vst v63  }
0x1ac: {  	_ =	swait.ge [sflag:s15], $0x2800  }
0x1ad: {  	[sflag:s15] =	ssyncset.done $0x0  }
0x1ae: {  	s10 =	simm.s32 $0xC00;
	[sflag:s15] =	ssyncadd.s32 $0xFFFFD800  }
0x1af: {  	[tilespmem:s18], [sflag:$0x1] =	stream.indirect.gather [hbm4b:s1+s17], $0x80, s10, s17, $0xb8;
	[tilespmem:$0x1D400] =	vst v63  }
0x1b0: {  	_ =	swait.ge [sflag:s26], $0x2800  }
0x1b1: {  	[sflag:s26] =	ssyncset.done $0x0  }
0x1b2: {  	s11 =	simm.s32 $0x1B00;
	[sflag:s26] =	ssyncadd.s32 $0xFFFFD800  }
0x1b3: {  	[spmem:s2] =	stream.indirect.scatter.add.f32 [tilespmem:s20], [sflag:$0x5], $0x80, s11, s17, $0xb8;
	[tilespmem:$0x1D400] =	vst v63  }
0x1b4: {  	_ =	swait.ge [sflag:s15], $0x2800  }
0x1b5: {  	[sflag:s15] =	ssyncset.done $0x0  }
0x1b6: {  	[sflag:s15] =	ssyncadd.s32 $0xFFFFD800  }
0x1b7: {  	_ =	swait.ge [sflag:s30], $0x2800  }
0x1b8: {  	s0 =	simm.s32 $0xB80;
	[sflag:s30] =	ssyncset.done $0x0  }
0x1b9: {  	s28 =	simm.s32 $0x1980;
	s14 =	simm.s32 $0x1B80;
	[sflag:s30] =	ssyncadd.s32 $0xFFFFD800  }
0x1ba: {  	[spmem:s2] =	stream.indirect.scatter.add.f32 [tilespmem:s22], [sflag:$0x5], $0x80, s14, s17, $0xb8;
	[tilespmem:$0x1D400] =	vst v63  }
0x1bb: {  	s29 =	simm.s32 $0xB00;
	s31 =	simm.s32 $0x1A00;
	_ =	swait.ge [sflag:s15], $0x2800  }
0x1bc: {  	s12 =	simm.s32 $0x980;
	s13 =	simm.s32 $0x1880;
	[sflag:s15] =	ssyncset.done $0x0  }
0x1bd: {  	s19 =	simm.s32 $0xA00;
	s21 =	simm.s32 $0x1900;
	[sflag:s15] =	ssyncadd.s32 $0xFFFFD800  }
0x1be: {  	s25 =	simm.s32 $0xA80;
	s23 =	simm.s32 $0x1C00;
	_ =	swait.ge [sflag:s24], $0x2800  }
0x1bf: {  	s3 =	simm.s32 $0x1A80;
	s7 =	simm.s32 $0xC00;
	[sflag:s24] =	ssyncset.done $0x0  }
0x1c0: {  	s8 =	simm.s32 $0x1000;
	s9 =	simm.s32 $0x1B00;
	[sflag:s24] =	ssyncadd.s32 $0xFFFFD800  }
0x1c1: {  	[spmem:s2] =	stream.indirect.scatter.add.f32 [tilespmem:s18], [sflag:$0x5], $0x80, s23, s17, $0xb8;
	[tilespmem:$0x1D400] =	vst v63  }
0x1c2: {  	s10 =	simm.s32 $0x1B80;
	s11 =	simm.s32 $0x1C00;
	_ =	swait.ge [sflag:s15], $0x2800  }
.LBB2_2:
0x1c3: {  	s23 =	rddreg [dreg:$0x4];
	s14 =	smov.u32 s8  }
0x1c4: {  	s14 =	sadd.s32 s14, s23  }
0x1c5: {  	[sflag:s15] =	ssyncset.done $0x0;
	s14 =	sshrl.u32 s14, $0x3  }
0x1c6: {  	[sflag:s15] =	ssyncadd.s32 $0xFFFFD800;
	s23 =	sadd.s32 s5, s14  }
0x1c7: {  	[tilespmem:s4], [sflag:$0x5] =	stream.linear.gather [hbm4b:s23+s4], $0xC80, $0x38;
	[tilespmem:$0x1D400] =	vst v63  }
0x1c8: {  	_ =	swait.ge [sflag:s15], $0xC80  }
0x1c9: {  	[sflag:s15] =	ssyncset.done $0x0  }
0x1ca: {  	s14 =	sadd.s32 s6, s14;
	[sflag:s15] =	ssyncadd.s32 $0xFFFFF380  }
0x1cb: {  	[tilespmem:s16], [sflag:$0x5] =	stream.linear.gather [hbm4b:s14+s4], $0xC80, $0x38;
	[tilespmem:$0x1D400] =	vst v63  }
0x1cc: {  	_ =	swait.ge [sflag:s15], $0xC80  }
0x1cd: {  	[sflag:s15] =	ssyncset.done $0x0  }
0x1ce: {  	[sflag:s15] =	ssyncadd.s32 $0xFFFFF380  }
0x1cf: {  	[tilespmem:s18], [sflag:$0x1] =	stream.indirect.gather [hbm4b:s1+s17], $0x80, s4, s17, $0xb8;
	[tilespmem:$0x1D400] =	vst v63  }
0x1d0: {  	s23 =	simm.s32 $0x80  }
0x1d1: {  	[tilespmem:s20], [sflag:$0x2] =	stream.indirect.gather [hbm4b:s1+s17], $0x80, s23, s17, $0xb8;
	[tilespmem:$0x1D400] =	vst v63  }
0x1d2: {  	s23 =	simm.s32 $0x100  }
0x1d3: {  	[tilespmem:s22], [sflag:$0x3] =	stream.indirect.gather [hbm4b:s1+s17], $0x80, s23, s17, $0xb8;
	[tilespmem:$0x1D400] =	vst v63  }
0x1d4: {  	_ =	swait.ge [sflag:s24], $0x2800  }
0x1d5: {  	[sflag:s24] =	ssyncset.done $0x0  }
0x1d6: {  	[sflag:s24] =	ssyncadd.s32 $0xFFFFD800  }
0x1d7: {  	[spmem:s2] =	stream.indirect.scatter.add.f32 [tilespmem:s18], [sflag:$0x5], $0x80, s16, s17, $0xb8;
	[tilespmem:$0x1D400] =	vst v63  }
0x1d8: {  	_ =	swait.ge [sflag:s15], $0x2800  }
0x1d9: {  	[sflag:s15] =	ssyncset.done $0x0  }
0x1da: {  	s23 =	simm.s32 $0x180;
	[sflag:s15] =	ssyncadd.s32 $0xFFFFD800  }
0x1db: {  	[tilespmem:s18], [sflag:$0x1] =	stream.indirect.gather [hbm4b:s1+s17], $0x80, s23, s17, $0xb8;
	[tilespmem:$0x1D400] =	vst v63  }
0x1dc: {  	_ =	swait.ge [sflag:s26], $0x2800  }
0x1dd: {  	[sflag:s26] =	ssyncset.done $0x0  }
0x1de: {  	s23 =	simm.s32 $0x1080;
	[sflag:s26] =	ssyncadd.s32 $0xFFFFD800  }
0x1df: {  	[spmem:s2] =	stream.indirect.scatter.add.f32 [tilespmem:s20], [sflag:$0x5], $0x80, s23, s17, $0xb8;
	[tilespmem:$0x1D400] =	vst v63  }
0x1e0: {  	_ =	swait.ge [sflag:s15], $0x2800  }
0x1e1: {  	[sflag:s15] =	ssyncset.done $0x0  }
0x1e2: {  	s23 =	simm.s32 $0x200;
	[sflag:s15] =	ssyncadd.s32 $0xFFFFD800  }
0x1e3: {  	[tilespmem:s20], [sflag:$0x2] =	stream.indirect.gather [hbm4b:s1+s17], $0x80, s23, s17, $0xb8;
	[tilespmem:$0x1D400] =	vst v63  }
0x1e4: {  	_ =	swait.ge [sflag:s30], $0x2800  }
0x1e5: {  	[sflag:s30] =	ssyncset.done $0x0  }
0x1e6: {  	s23 =	simm.s32 $0x1100;
	[sflag:s30] =	ssyncadd.s32 $0xFFFFD800  }
0x1e7: {  	[spmem:s2] =	stream.indirect.scatter.add.f32 [tilespmem:s22], [sflag:$0x5], $0x80, s23, s17, $0xb8;
	[tilespmem:$0x1D400] =	vst v63  }
0x1e8: {  	_ =	swait.ge [sflag:s15], $0x2800  }
0x1e9: {  	[sflag:s15] =	ssyncset.done $0x0  }
0x1ea: {  	s23 =	simm.s32 $0x280;
	[sflag:s15] =	ssyncadd.s32 $0xFFFFD800  }
0x1eb: {  	[tilespmem:s22], [sflag:$0x3] =	stream.indirect.gather [hbm4b:s1+s17], $0x80, s23, s17, $0xb8;
	[tilespmem:$0x1D400] =	vst v63  }
0x1ec: {  	_ =	swait.ge [sflag:s24], $0x2800  }
0x1ed: {  	[sflag:s24] =	ssyncset.done $0x0  }
0x1ee: {  	s23 =	simm.s32 $0x1180;
	[sflag:s24] =	ssyncadd.s32 $0xFFFFD800  }
0x1ef: {  	[spmem:s2] =	stream.indirect.scatter.add.f32 [tilespmem:s18], [sflag:$0x5], $0x80, s23, s17, $0xb8;
	[tilespmem:$0x1D400] =	vst v63  }
0x1f0: {  	_ =	swait.ge [sflag:s15], $0x2800  }
0x1f1: {  	[sflag:s15] =	ssyncset.done $0x0  }
0x1f2: {  	s23 =	simm.s32 $0x300;
	[sflag:s15] =	ssyncadd.s32 $0xFFFFD800  }
0x1f3: {  	[tilespmem:s18], [sflag:$0x1] =	stream.indirect.gather [hbm4b:s1+s17], $0x80, s23, s17, $0xb8;
	[tilespmem:$0x1D400] =	vst v63  }
0x1f4: {  	_ =	swait.ge [sflag:s26], $0x2800  }
0x1f5: {  	[sflag:s26] =	ssyncset.done $0x0  }
0x1f6: {  	s23 =	simm.s32 $0x1200;
	[sflag:s26] =	ssyncadd.s32 $0xFFFFD800  }
0x1f7: {  	[spmem:s2] =	stream.indirect.scatter.add.f32 [tilespmem:s20], [sflag:$0x5], $0x80, s23, s17, $0xb8;
	[tilespmem:$0x1D400] =	vst v63  }
0x1f8: {  	_ =	swait.ge [sflag:s15], $0x2800  }
0x1f9: {  	[sflag:s15] =	ssyncset.done $0x0  }
0x1fa: {  	s23 =	simm.s32 $0x380;
	[sflag:s15] =	ssyncadd.s32 $0xFFFFD800  }
0x1fb: {  	[tilespmem:s20], [sflag:$0x2] =	stream.indirect.gather [hbm4b:s1+s17], $0x80, s23, s17, $0xb8;
	[tilespmem:$0x1D400] =	vst v63  }
0x1fc: {  	_ =	swait.ge [sflag:s30], $0x2800  }
0x1fd: {  	[sflag:s30] =	ssyncset.done $0x0  }
0x1fe: {  	s23 =	simm.s32 $0x1280;
	[sflag:s30] =	ssyncadd.s32 $0xFFFFD800  }
0x1ff: {  	[spmem:s2] =	stream.indirect.scatter.add.f32 [tilespmem:s22], [sflag:$0x5], $0x80, s23, s17, $0xb8;
	[tilespmem:$0x1D400] =	vst v63  }
0x200: {  	_ =	swait.ge [sflag:s15], $0x2800  }
0x201: {  	[sflag:s15] =	ssyncset.done $0x0  }
0x202: {  	s23 =	simm.s32 $0x400;
	[sflag:s15] =	ssyncadd.s32 $0xFFFFD800  }
0x203: {  	[tilespmem:s22], [sflag:$0x3] =	stream.indirect.gather [hbm4b:s1+s17], $0x80, s23, s17, $0xb8;
	[tilespmem:$0x1D400] =	vst v63  }
0x204: {  	_ =	swait.ge [sflag:s24], $0x2800  }
0x205: {  	[sflag:s24] =	ssyncset.done $0x0  }
0x206: {  	s23 =	simm.s32 $0x1300;
	[sflag:s24] =	ssyncadd.s32 $0xFFFFD800  }
0x207: {  	[spmem:s2] =	stream.indirect.scatter.add.f32 [tilespmem:s18], [sflag:$0x5], $0x80, s23, s17, $0xb8;
	[tilespmem:$0x1D400] =	vst v63  }
0x208: {  	_ =	swait.ge [sflag:s15], $0x2800  }
0x209: {  	[sflag:s15] =	ssyncset.done $0x0  }
0x20a: {  	s23 =	simm.s32 $0x480;
	[sflag:s15] =	ssyncadd.s32 $0xFFFFD800  }
0x20b: {  	[tilespmem:s18], [sflag:$0x1] =	stream.indirect.gather [hbm4b:s1+s17], $0x80, s23, s17, $0xb8;
	[tilespmem:$0x1D400] =	vst v63  }
0x20c: {  	_ =	swait.ge [sflag:s26], $0x2800  }
0x20d: {  	[sflag:s26] =	ssyncset.done $0x0  }
0x20e: {  	s23 =	simm.s32 $0x1380;
	[sflag:s26] =	ssyncadd.s32 $0xFFFFD800  }
0x20f: {  	[spmem:s2] =	stream.indirect.scatter.add.f32 [tilespmem:s20], [sflag:$0x5], $0x80, s23, s17, $0xb8;
	[tilespmem:$0x1D400] =	vst v63  }
0x210: {  	_ =	swait.ge [sflag:s15], $0x2800  }
0x211: {  	[sflag:s15] =	ssyncset.done $0x0  }
0x212: {  	s23 =	simm.s32 $0x500;
	[sflag:s15] =	ssyncadd.s32 $0xFFFFD800  }
0x213: {  	[tilespmem:s20], [sflag:$0x2] =	stream.indirect.gather [hbm4b:s1+s17], $0x80, s23, s17, $0xb8;
	[tilespmem:$0x1D400] =	vst v63  }
0x214: {  	_ =	swait.ge [sflag:s30], $0x2800  }
0x215: {  	[sflag:s30] =	ssyncset.done $0x0  }
0x216: {  	s23 =	simm.s32 $0x1400;
	[sflag:s30] =	ssyncadd.s32 $0xFFFFD800  }
0x217: {  	[spmem:s2] =	stream.indirect.scatter.add.f32 [tilespmem:s22], [sflag:$0x5], $0x80, s23, s17, $0xb8;
	[tilespmem:$0x1D400] =	vst v63  }
0x218: {  	_ =	swait.ge [sflag:s15], $0x2800  }
0x219: {  	[sflag:s15] =	ssyncset.done $0x0  }
0x21a: {  	s23 =	simm.s32 $0x580;
	[sflag:s15] =	ssyncadd.s32 $0xFFFFD800  }
0x21b: {  	[tilespmem:s22], [sflag:$0x3] =	stream.indirect.gather [hbm4b:s1+s17], $0x80, s23, s17, $0xb8;
	[tilespmem:$0x1D400] =	vst v63  }
0x21c: {  	_ =	swait.ge [sflag:s24], $0x2800  }
0x21d: {  	[sflag:s24] =	ssyncset.done $0x0  }
0x21e: {  	s23 =	simm.s32 $0x1480;
	[sflag:s24] =	ssyncadd.s32 $0xFFFFD800  }
0x21f: {  	[spmem:s2] =	stream.indirect.scatter.add.f32 [tilespmem:s18], [sflag:$0x5], $0x80, s23, s17, $0xb8;
	[tilespmem:$0x1D400] =	vst v63  }
0x220: {  	_ =	swait.ge [sflag:s15], $0x2800  }
0x221: {  	[sflag:s15] =	ssyncset.done $0x0  }
0x222: {  	s23 =	simm.s32 $0x600;
	[sflag:s15] =	ssyncadd.s32 $0xFFFFD800  }
0x223: {  	[tilespmem:s18], [sflag:$0x1] =	stream.indirect.gather [hbm4b:s1+s17], $0x80, s23, s17, $0xb8;
	[tilespmem:$0x1D400] =	vst v63  }
0x224: {  	_ =	swait.ge [sflag:s26], $0x2800  }
0x225: {  	[sflag:s26] =	ssyncset.done $0x0  }
0x226: {  	s23 =	simm.s32 $0x1500;
	[sflag:s26] =	ssyncadd.s32 $0xFFFFD800  }
0x227: {  	[spmem:s2] =	stream.indirect.scatter.add.f32 [tilespmem:s20], [sflag:$0x5], $0x80, s23, s17, $0xb8;
	[tilespmem:$0x1D400] =	vst v63  }
0x228: {  	_ =	swait.ge [sflag:s15], $0x2800  }
0x229: {  	[sflag:s15] =	ssyncset.done $0x0  }
0x22a: {  	s23 =	simm.s32 $0x680;
	[sflag:s15] =	ssyncadd.s32 $0xFFFFD800  }
0x22b: {  	[tilespmem:s20], [sflag:$0x2] =	stream.indirect.gather [hbm4b:s1+s17], $0x80, s23, s17, $0xb8;
	[tilespmem:$0x1D400] =	vst v63  }
0x22c: {  	_ =	swait.ge [sflag:s30], $0x2800  }
0x22d: {  	[sflag:s30] =	ssyncset.done $0x0  }
0x22e: {  	s23 =	simm.s32 $0x1580;
	[sflag:s30] =	ssyncadd.s32 $0xFFFFD800  }
0x22f: {  	[spmem:s2] =	stream.indirect.scatter.add.f32 [tilespmem:s22], [sflag:$0x5], $0x80, s23, s17, $0xb8;
	[tilespmem:$0x1D400] =	vst v63  }
0x230: {  	_ =	swait.ge [sflag:s15], $0x2800  }
0x231: {  	[sflag:s15] =	ssyncset.done $0x0  }
0x232: {  	s23 =	simm.s32 $0x700;
	[sflag:s15] =	ssyncadd.s32 $0xFFFFD800  }
0x233: {  	[tilespmem:s22], [sflag:$0x3] =	stream.indirect.gather [hbm4b:s1+s17], $0x80, s23, s17, $0xb8;
	[tilespmem:$0x1D400] =	vst v63  }
0x234: {  	_ =	swait.ge [sflag:s24], $0x2800  }
0x235: {  	[sflag:s24] =	ssyncset.done $0x0  }
0x236: {  	s23 =	simm.s32 $0x1600;
	[sflag:s24] =	ssyncadd.s32 $0xFFFFD800  }
0x237: {  	[spmem:s2] =	stream.indirect.scatter.add.f32 [tilespmem:s18], [sflag:$0x5], $0x80, s23, s17, $0xb8;
	[tilespmem:$0x1D400] =	vst v63  }
0x238: {  	_ =	swait.ge [sflag:s15], $0x2800  }
0x239: {  	[sflag:s15] =	ssyncset.done $0x0  }
0x23a: {  	s23 =	simm.s32 $0x780;
	[sflag:s15] =	ssyncadd.s32 $0xFFFFD800  }
0x23b: {  	[tilespmem:s18], [sflag:$0x1] =	stream.indirect.gather [hbm4b:s1+s17], $0x80, s23, s17, $0xb8;
	[tilespmem:$0x1D400] =	vst v63  }
0x23c: {  	_ =	swait.ge [sflag:s26], $0x2800  }
0x23d: {  	[sflag:s26] =	ssyncset.done $0x0  }
0x23e: {  	s23 =	simm.s32 $0x1680;
	[sflag:s26] =	ssyncadd.s32 $0xFFFFD800  }
0x23f: {  	[spmem:s2] =	stream.indirect.scatter.add.f32 [tilespmem:s20], [sflag:$0x5], $0x80, s23, s17, $0xb8;
	[tilespmem:$0x1D400] =	vst v63  }
0x240: {  	_ =	swait.ge [sflag:s15], $0x2800  }
0x241: {  	[sflag:s15] =	ssyncset.done $0x0  }
0x242: {  	s23 =	simm.s32 $0x800;
	[sflag:s15] =	ssyncadd.s32 $0xFFFFD800  }
0x243: {  	[tilespmem:s20], [sflag:$0x2] =	stream.indirect.gather [hbm4b:s1+s17], $0x80, s23, s17, $0xb8;
	[tilespmem:$0x1D400] =	vst v63  }
0x244: {  	_ =	swait.ge [sflag:s30], $0x2800  }
0x245: {  	[sflag:s30] =	ssyncset.done $0x0  }
0x246: {  	s23 =	simm.s32 $0x1700;
	[sflag:s30] =	ssyncadd.s32 $0xFFFFD800  }
0x247: {  	[spmem:s2] =	stream.indirect.scatter.add.f32 [tilespmem:s22], [sflag:$0x5], $0x80, s23, s17, $0xb8;
	[tilespmem:$0x1D400] =	vst v63  }
0x248: {  	_ =	swait.ge [sflag:s15], $0x2800  }
0x249: {  	[sflag:s15] =	ssyncset.done $0x0  }
0x24a: {  	s23 =	simm.s32 $0x880;
	[sflag:s15] =	ssyncadd.s32 $0xFFFFD800  }
0x24b: {  	[tilespmem:s22], [sflag:$0x3] =	stream.indirect.gather [hbm4b:s1+s17], $0x80, s23, s17, $0xb8;
	[tilespmem:$0x1D400] =	vst v63  }
0x24c: {  	_ =	swait.ge [sflag:s24], $0x2800  }
0x24d: {  	[sflag:s24] =	ssyncset.done $0x0  }
0x24e: {  	s23 =	simm.s32 $0x1780;
	[sflag:s24] =	ssyncadd.s32 $0xFFFFD800  }
0x24f: {  	[spmem:s2] =	stream.indirect.scatter.add.f32 [tilespmem:s18], [sflag:$0x5], $0x80, s23, s17, $0xb8;
	[tilespmem:$0x1D400] =	vst v63  }
0x250: {  	_ =	swait.ge [sflag:s15], $0x2800  }
0x251: {  	[sflag:s15] =	ssyncset.done $0x0  }
0x252: {  	s23 =	simm.s32 $0x900;
	[sflag:s15] =	ssyncadd.s32 $0xFFFFD800  }
0x253: {  	[tilespmem:s18], [sflag:$0x1] =	stream.indirect.gather [hbm4b:s1+s17], $0x80, s23, s17, $0xb8;
	[tilespmem:$0x1D400] =	vst v63  }
0x254: {  	_ =	swait.ge [sflag:s26], $0x2800  }
0x255: {  	[sflag:s26] =	ssyncset.done $0x0  }
0x256: {  	s23 =	simm.s32 $0x1800;
	[sflag:s26] =	ssyncadd.s32 $0xFFFFD800  }
0x257: {  	[spmem:s2] =	stream.indirect.scatter.add.f32 [tilespmem:s20], [sflag:$0x5], $0x80, s23, s17, $0xb8;
	[tilespmem:$0x1D400] =	vst v63  }
0x258: {  	_ =	swait.ge [sflag:s15], $0x2800  }
0x259: {  	[sflag:s15] =	ssyncset.done $0x0  }
0x25a: {  	[sflag:s15] =	ssyncadd.s32 $0xFFFFD800  }
0x25b: {  	[tilespmem:s20], [sflag:$0x2] =	stream.indirect.gather [hbm4b:s1+s17], $0x80, s12, s17, $0xb8;
	[tilespmem:$0x1D400] =	vst v63  }
0x25c: {  	_ =	swait.ge [sflag:s30], $0x2800  }
0x25d: {  	[sflag:s30] =	ssyncset.done $0x0  }
0x25e: {  	[sflag:s30] =	ssyncadd.s32 $0xFFFFD800  }
0x25f: {  	[spmem:s2] =	stream.indirect.scatter.add.f32 [tilespmem:s22], [sflag:$0x5], $0x80, s13, s17, $0xb8;
	[tilespmem:$0x1D400] =	vst v63  }
0x260: {  	_ =	swait.ge [sflag:s15], $0x2800  }
0x261: {  	[sflag:s15] =	ssyncset.done $0x0  }
0x262: {  	[sflag:s15] =	ssyncadd.s32 $0xFFFFD800  }
0x263: {  	[tilespmem:s22], [sflag:$0x3] =	stream.indirect.gather [hbm4b:s1+s17], $0x80, s19, s17, $0xb8;
	[tilespmem:$0x1D400] =	vst v63  }
0x264: {  	_ =	swait.ge [sflag:s24], $0x2800  }
0x265: {  	[sflag:s24] =	ssyncset.done $0x0  }
0x266: {  	[sflag:s24] =	ssyncadd.s32 $0xFFFFD800  }
0x267: {  	[spmem:s2] =	stream.indirect.scatter.add.f32 [tilespmem:s18], [sflag:$0x5], $0x80, s21, s17, $0xb8;
	[tilespmem:$0x1D400] =	vst v63  }
0x268: {  	_ =	swait.ge [sflag:s15], $0x2800  }
0x269: {  	[sflag:s15] =	ssyncset.done $0x0  }
0x26a: {  	[sflag:s15] =	ssyncadd.s32 $0xFFFFD800  }
0x26b: {  	[tilespmem:s18], [sflag:$0x1] =	stream.indirect.gather [hbm4b:s1+s17], $0x80, s25, s17, $0xb8;
	[tilespmem:$0x1D400] =	vst v63  }
0x26c: {  	_ =	swait.ge [sflag:s26], $0x2800  }
0x26d: {  	[sflag:s26] =	ssyncset.done $0x0  }
0x26e: {  	[sflag:s26] =	ssyncadd.s32 $0xFFFFD800  }
0x26f: {  	[spmem:s2] =	stream.indirect.scatter.add.f32 [tilespmem:s20], [sflag:$0x5], $0x80, s28, s17, $0xb8;
	[tilespmem:$0x1D400] =	vst v63  }
0x270: {  	_ =	swait.ge [sflag:s15], $0x2800  }
0x271: {  	[sflag:s15] =	ssyncset.done $0x0  }
0x272: {  	[sflag:s15] =	ssyncadd.s32 $0xFFFFD800  }
0x273: {  	[tilespmem:s20], [sflag:$0x2] =	stream.indirect.gather [hbm4b:s1+s17], $0x80, s29, s17, $0xb8;
	[tilespmem:$0x1D400] =	vst v63  }
0x274: {  	_ =	swait.ge [sflag:s30], $0x2800  }
0x275: {  	[sflag:s30] =	ssyncset.done $0x0  }
0x276: {  	[sflag:s30] =	ssyncadd.s32 $0xFFFFD800  }
0x277: {  	[spmem:s2] =	stream.indirect.scatter.add.f32 [tilespmem:s22], [sflag:$0x5], $0x80, s31, s17, $0xb8;
	[tilespmem:$0x1D400] =	vst v63  }
0x278: {  	_ =	swait.ge [sflag:s15], $0x2800  }
0x279: {  	[sflag:s15] =	ssyncset.done $0x0  }
0x27a: {  	[sflag:s15] =	ssyncadd.s32 $0xFFFFD800  }
0x27b: {  	[tilespmem:s22], [sflag:$0x3] =	stream.indirect.gather [hbm4b:s1+s17], $0x80, s0, s17, $0xb8;
	[tilespmem:$0x1D400] =	vst v63  }
0x27c: {  	_ =	swait.ge [sflag:s24], $0x2800  }
0x27d: {  	[sflag:s24] =	ssyncset.done $0x0  }
0x27e: {  	[sflag:s24] =	ssyncadd.s32 $0xFFFFD800  }
0x27f: {  	[spmem:s2] =	stream.indirect.scatter.add.f32 [tilespmem:s18], [sflag:$0x5], $0x80, s3, s17, $0xb8;
	[tilespmem:$0x1D400] =	vst v63  }
0x280: {  	_ =	swait.ge [sflag:s15], $0x2800  }
0x281: {  	[sflag:s15] =	ssyncset.done $0x0  }
0x282: {  	[sflag:s15] =	ssyncadd.s32 $0xFFFFD800  }
0x283: {  	[tilespmem:s18], [sflag:$0x1] =	stream.indirect.gather [hbm4b:s1+s17], $0x80, s7, s17, $0xb8;
	[tilespmem:$0x1D400] =	vst v63  }
0x284: {  	_ =	swait.ge [sflag:s26], $0x2800  }
0x285: {  	[sflag:s26] =	ssyncset.done $0x0  }
0x286: {  	[sflag:s26] =	ssyncadd.s32 $0xFFFFD800  }
0x287: {  	[spmem:s2] =	stream.indirect.scatter.add.f32 [tilespmem:s20], [sflag:$0x5], $0x80, s9, s17, $0xb8;
	[tilespmem:$0x1D400] =	vst v63  }
0x288: {  	_ =	swait.ge [sflag:s15], $0x2800  }
0x289: {  	[sflag:s15] =	ssyncset.done $0x0  }
0x28a: {  	[sflag:s15] =	ssyncadd.s32 $0xFFFFD800  }
0x28b: {  	_ =	swait.ge [sflag:s30], $0x2800  }
0x28c: {  	[sflag:s30] =	ssyncset.done $0x0  }
0x28d: {  	[sflag:s30] =	ssyncadd.s32 $0xFFFFD800  }
0x28e: {  	[spmem:s2] =	stream.indirect.scatter.add.f32 [tilespmem:s22], [sflag:$0x5], $0x80, s10, s17, $0xb8;
	[tilespmem:$0x1D400] =	vst v63  }
0x28f: {  	_ =	swait.ge [sflag:s15], $0x2800  }
0x290: {  	[sflag:s15] =	ssyncset.done $0x0  }
0x291: {  	p0 =	sne.s32 s8, $0x3000;
	[sflag:s15] =	ssyncadd.s32 $0xFFFFD800  }
.Ltmp0:
0x292: {  	_ =	swait.ge [sflag:s24], $0x2800;
	(pc) =	sbr.rel @p0 .LBB2_2-.Ltmp0, $4  }
0x293: {  	[sflag:s24] =	ssyncset.done $0x0  }
0x294: {  	[sflag:s24] =	ssyncadd.s32 $0xFFFFD800  }
0x295: {  	[spmem:s2] =	stream.indirect.scatter.add.f32 [tilespmem:s18], [sflag:$0x5], $0x80, s11, s17, $0xb8;
	[tilespmem:$0x1D400] =	vst v63  }
0x296: {  	s8 =	sadd.s32 $0x1000, s8;
	_ =	swait.ge [sflag:s15], $0x2800  }
0x297: {  	[sflag:s15] =	ssyncset.done $0x0  }
0x298: {  	[sflag:s15] =	ssyncadd.s32 $0xFFFFD800  }
0x299: {  	[bflag:$0x0] =	sbarrier.arrive $0xFFFF  }
0x29a: {  	s8 =	rddreg [dreg:$0x6]  }
0x29b: {  	s14 =	rddreg [dreg:$0xa]  }
0x29c: {  	s23 =	rddreg [dreg:$0xc];
	s8 =	sor.u32 $0x1C05, s8  }
0x29d: {  	[hbm:s14], [sflag:s8] =	dma.local [spmem:s23], $0x2780  }
0x29e: {  	_ =	swait.ge [sflag:s15], $0x2780  }
0x29f: {  	s0 =	rddreg [dreg:$0xd]  }
0x2a0: {  	s31 =	rddreg [dreg:$0xb];
	s0 =	sadd.s32 $0x1, s0  }
0x2a1: {  	p0 =	sne.s32 s0, s31  }
.Ltmp1:
0x2a2: {  	_ = 	snop;
	(pc) =	sbr.rel @p0 .LBB2_1-.Ltmp1, $3  }
0x2a3: {  	_ =	sdelay $0x1  }
0x2a4: {  	[sflag:s15] =	ssyncset.done $0x0  }
0x2a5: {  	[sflag:s15] =	ssyncadd.s32 $0xFFFFD880  }
0x2a6: {  	_ =	sfence.sel $0x180000  }
0x2a7: {  	[bflag:$0x0] =	sbarrier.arrive $0xFFFF  }
0x2a8: {  	_ =	strace $0x9000004A  }
0x2a9: {  	s0 =	stileid.u32;
	[bflag:$0x2] =	sbarrier.arrive $0xFFFF  }
0x2aa: {  	p0 =	sne.s32 s0, $0x0;
	s0 =	rddreg [dreg:$0x3]  }
0x2ab: {  	s0 =	sadd.s32 @!p0 $0x100000, s0  }
0x2ac: {  	[sflag:s0] =	ssyncadd.tile.s32 @!p0 $0x1;
	_ =	shalt  }
.Lfunc_end2:
_tile_overlayer_lowered:
.L_overlay_start_2:
0x2ad: {  	(tag) =	ssettag $0x2  }
0x2ae: {  	s0 =	rddreg [dreg:$0x0];
	s2 =	stileid.u32  }
0x2af: {  	s1 =	rddreg [dreg:$0x1];
	p0 =	sne.s32 s2, $0x0  }
0x2b0: {  	s3 =	rddreg [dreg:$0x2];
	[bflag:$0x3] =	sbarrier.arrive $0xFFFF;
	s2 =	simm.s32 @!p0 $0x1C05  }
0x2b1: {  	[timem:s3], [sflag:s2] =	dma.local @!p0 [hbm:s0], s1  }
0x2b2: {  	s0 =	simm.s32 @!p0 $0x5  }
0x2b3: {  	_ =	swait.ge @!p0 [sflag:s0], s1  }
0x2b4: {  	s1 =	ssub.s32 @!p0 $0x0, s1;
	[sflag:s0] =	ssyncset.done @!p0 $0x0  }
0x2b5: {  	[sflag:s0] =	ssyncadd.s32 @!p0 s1  }
0x2b6: {  	[bflag:$0x3] =	sbarrier.arrive $0xFFFF  }
0x2b7: {  	_ =	shalt  }

// kernel: kernel.14.cloned.1.call-start
scs
__scs_entry_jumppad:
0x0: {  	(pc) =	sbr.rel $0x88, $3  }
0x1: {  	(tag) =	ssettag $0x0;
	lr =	simm.s32 $0x1  }
0x2: {  	[smem:$0x3F8E] =	sst lr;
	_ =	strace $0xD0000000  }
0x3: {  	_ = 	snop  }
0x4: {  	_ = 	snop  }
0x5: {  	_ = 	snop  }
0x6: {  	_ = 	snop  }
0x7: {  	_ = 	snop  }
__scs_overlays_trampoline_lowered:
0x8: {  	[smem:$0x3F9D] =	sst s0  }
0x9: {  	[smem:$0x3F9E] =	sst s1  }
0xa: {  	[smem:$0x3F9F] =	sst s2  }
0xb: {  	[smem:$0x3FA0] =	sst s3  }
0xc: {  	[smem:$0x3FA1] =	sst s4  }
0xd: {  	[smem:$0x3FA2] =	sst s5  }
0xe: {  	[smem:$0x3FA3] =	sst s6  }
0xf: {  	[smem:$0x3FA4] =	sst s7  }
0x10: {  	[smem:$0x3FA5] =	sst s8  }
0x11: {  	[smem:$0x3FA6] =	sst s9;
	s0 =	simm.s32 @!p0 $0x0  }
0x12: {  	s1 =	sld [smem:$0x3F8C];
	s0 =	simm.s32 @p0 $0x1  }
0x13: {  	[smem:$0x3FA7] =	sst s0;
	s0 =	simm.s32 @!p1 $0x0  }
0x14: {  	s2 =	sld [smem:$0x3F8B];
	s0 =	simm.s32 @p1 $0x1  }
0x15: {  	[smem:$0x3FA8] =	sst s0;
	s0 =	simm.s32 @!p2 $0x0  }
0x16: {  	s3 =	sld [smem:$0x3FDB];
	s0 =	simm.s32 @p2 $0x1  }
0x17: {  	s4 =	simm.s32 $0x1BF5;
	[smem:$0x3FAA] =	sst s0  }
0x18: {  	s0 =	sld [smem:$0x3F8D];
	_ =	swait.ge [sflag:s4], $0x0  }
0x19: {  	s7 =	sld [smem:$0x3F8E]  }
0x1a: {  	s8 =	sadd.s32 $0xFFFFE003, lr  }
0x1b: {  	s9 =	sadd.s32 $0xFFFFFEF7, lr;
	s5 =	simm.s32 $0xFFFFFFFF;
	p2 =	slt.u32 s8, $0xFFFFF086  }
0x1c: {  	p1 =	slt.u32 s9, $0xF7A;
	s5 =	simm.s32 @!p2 $0x0  }
0x1d: {  	s5 =	simm.s32 @p1 $0x1;
	p0 =	seq.s32 s7, s2  }
0x1e: {  	s7 =	smul.u32 @!p0 $0xF7A, s2;
	p2 =	seq.s32 @!p0 s5, $0x0  }
0x1f: {  	s9 =	smul.u32 $0xF7A, s1;
	s8 =	simm.s32 @!p0 $0x1BF5;
	p2 =	por !p2, p0  }
0x20: {  	[sflag:s8] =	ssyncset.s32 @!p0 $0xFFFFF086;
	s6 =	sadd.s32 @!p0 s3, s7;
	s7 =	simm.s32 @!p0 $0x108  }
0x21: {  	s3 =	sadd.s32 s3, s9;
	s6 =	sadd.s32 @!p0 $0x88, s6;
	s7 =	simm.s32 @p2 $0x1082  }
0x22: {  	[simem:s7], [sflag:s8] =	dma.local @!p0 [hbm:s6], $0xF7A  }
0x23: {  	s9 =	sor.u32 $0xD0000000, s2;
	s6 =	simm.s32 $0x108;
	_ =	swait.ge @!p0 [sflag:s8], $0x0  }
0x24: {  	s3 =	sadd.s32 $0x88, s3;
	s6 =	simm.s32 @!p1 $0x1082;
	[sflag:s4] =	ssyncset.s32 $0xFFFFF086  }
0x25: {  	[simem:s6], [sflag:s4] =	dma.local [hbm:s3], $0xF7A  }
0x26: {  	[smem:$0x3F8E] =	sst s1;
	(tag) =	ssettag s2;
	_ =	strace s9  }
0x27: {  	s1 =	sld [smem:$0x3F9E]  }
0x28: {  	s2 =	sld [smem:$0x3F9F]  }
0x29: {  	s4 =	sld [smem:$0x3FA1]  }
0x2a: {  	p0 =	seq.s32 s5, $0x0;
	s5 =	sld [smem:$0x3FA2]  }
0x2b: {  	s6 =	sld [smem:$0x3FA3]  }
0x2c: {  	s7 =	sld [smem:$0x3FA4]  }
0x2d: {  	s3 =	simm.s32 $0x108;
	s8 =	sld [smem:$0x3FA5]  }
0x2e: {  	s3 =	simm.s32 @!p0 $0x1082;
	s9 =	sld [smem:$0x3FA6]  }
0x2f: {  	lr =	sadd.s32 s0, s3;
	s0 =	sld [smem:$0x3F9D]  }
0x30: {  	s3 =	sld [smem:$0x3FA0]  }
0x31: {  	[smem:$0x3FA9] =	sst s10  }
0x32: {  	s10 =	sld [smem:$0x3FA7];
	_ =	sdelay $0x3  }
0x33: {  	p0 =	seq.s32 s10, $0x1;
	s10 =	sld [smem:$0x3FA9];
	_ =	sdelay $0x3  }
0x34: {  	[smem:$0x3FA9] =	sst s10  }
0x35: {  	s10 =	sld [smem:$0x3FA8];
	_ =	sdelay $0x3  }
0x36: {  	p1 =	seq.s32 s10, $0x1;
	s10 =	sld [smem:$0x3FA9];
	_ =	sdelay $0x3  }
0x37: {  	[smem:$0x3FA9] =	sst s10  }
0x38: {  	s10 =	sld [smem:$0x3FAA]  }
0x39: {  	_ = 	snop;
	(pc) =	sbr.ind lr, $3  }
0x3a: {  	_ = 	snop  }
0x3b: {  	_ = 	snop  }
0x3c: {  	p2 =	seq.s32 s10, $0x1;
	s10 =	sld [smem:$0x3FA9]  }
0x3d: {  	_ =	shalt  }
0x3e: {  	_ =	shalt  }
0x3f: {  	_ =	shalt  }
0x40: {  	_ =	shalt  }
0x41: {  	_ =	shalt  }
0x42: {  	_ =	shalt  }
0x43: {  	_ =	shalt  }
0x44: {  	_ =	shalt  }
0x45: {  	_ =	shalt  }
0x46: {  	_ =	shalt  }
0x47: {  	_ =	shalt  }
0x48: {  	_ =	shalt  }
0x49: {  	_ =	shalt  }
0x4a: {  	_ =	shalt  }
0x4b: {  	_ =	shalt  }
0x4c: {  	_ =	shalt  }
0x4d: {  	_ =	shalt  }
0x4e: {  	_ =	shalt  }
0x4f: {  	_ =	shalt  }
0x50: {  	_ =	shalt  }
0x51: {  	_ =	shalt  }
0x52: {  	_ =	shalt  }
0x53: {  	_ =	shalt  }
0x54: {  	_ =	shalt  }
0x55: {  	_ =	shalt  }
0x56: {  	_ =	shalt  }
0x57: {  	_ =	shalt  }
0x58: {  	_ =	shalt  }
0x59: {  	_ =	shalt  }
0x5a: {  	_ =	shalt  }
0x5b: {  	_ =	shalt  }
0x5c: {  	_ =	shalt  }
0x5d: {  	_ =	shalt  }
0x5e: {  	_ =	shalt  }
0x5f: {  	_ =	shalt  }
0x60: {  	_ =	shalt  }
0x61: {  	_ =	shalt  }
0x62: {  	_ =	shalt  }
0x63: {  	_ =	shalt  }
0x64: {  	_ =	shalt  }
0x65: {  	_ =	shalt  }
0x66: {  	_ =	shalt  }
0x67: {  	_ =	shalt  }
0x68: {  	_ =	shalt  }
0x69: {  	_ =	shalt  }
0x6a: {  	_ =	shalt  }
0x6b: {  	_ =	shalt  }
0x6c: {  	_ =	shalt  }
0x6d: {  	_ =	shalt  }
0x6e: {  	_ =	shalt  }
0x6f: {  	_ =	shalt  }
0x70: {  	_ =	shalt  }
0x71: {  	_ =	shalt  }
0x72: {  	_ =	shalt  }
0x73: {  	_ =	shalt  }
0x74: {  	_ =	shalt  }
0x75: {  	_ =	shalt  }
0x76: {  	_ =	shalt  }
0x77: {  	_ =	shalt  }
0x78: {  	_ =	shalt  }
0x79: {  	_ =	shalt  }
0x7a: {  	_ =	shalt  }
0x7b: {  	_ =	shalt  }
0x7c: {  	_ =	shalt  }
0x7d: {  	_ =	shalt  }
0x7e: {  	_ =	shalt  }
0x7f: {  	_ =	shalt  }
0x80: {  	_ =	shalt  }
0x81: {  	_ =	shalt  }
0x82: {  	_ =	shalt  }
0x83: {  	_ =	shalt  }
0x84: {  	_ =	shalt  }
0x85: {  	_ =	shalt  }
0x86: {  	_ =	shalt  }
0x87: {  	_ =	shalt  }
.Lfunc_end0:
.L_simem_size_0:
called_computation.2_lowered:
.L_overlay_start_0:
0x88: {  	s2 =	sld [smem:$0x3FD9]  }
0x89: {  	s3 =	sld [smem:$0x3FFE];
	_ =	sdelay $0x1  }
0x8a: {  	s1 =	srdreg.scid  }
0x8b: {  	s0 =	sand.u32 $0x1, s1  }
0x8c: {  	s17 =	sshll.u32 s0, $0xA;
	s2 =	sadd.s32 s3, s2  }
0x8d: {  	s2 =	sadd.s32 s2, s17  }
0x8e: {  	[smem:$0x3FB5] =	sst s2  }
0x8f: {  	_ = 	snop  }
0x90: {  	s2 =	sld [smem:$0x3FD0];
	(tm) =	ssettm $0x1  }
0x91: {  	s18 =	sld [smem:$0x3FFB];
	_ =	sdelay $0x3  }
0x92: {  	_ =	strace s18  }
0x93: {  	s3 =	sld [smem:$0x3FFC];
	_ =	sdelay $0x3  }
0x94: {  	_ =	strace s3  }
0x95: {  	s3 =	sld [smem:$0x3FFD];
	_ =	sdelay $0x3  }
0x96: {  	_ =	strace s3  }
0x97: {  	_ =	strace $0x8FFFFFFF  }
0x98: {  	s19 =	sld [smem:$0x3FDB];
	_ =	sdelay $0x1  }
0x99: {  	s4 =	simm.s32 $_scs_section_size  }
0x9a: {  	s5 =	simm.s32 $_size__tile_overlayer_lowered;
	s6 =	simm.s32 $_tile_overlayer_lowered  }
0x9b: {  	s22 =	simm.s32 $0x1BFF;
	s21 =	sshll.u32 s6, $0x1;
	s3 =	sadd.s32 s4, s19  }
0x9c: {  	s7 =	simm.s32 $0x0;
	s20 =	sshll.u32 s5, $0x1;
	s5 =	sadd.s32 s21, s3  }
0x9d: {  	[timem:s7], [sflag:s22] =	dma.local [hbm:s5], s20  }
0x9e: {  	_ =	swait.ge [sflag:s22], s20  }
0x9f: {  	s4 =	ssub.s32 $0x0, s20;
	[sflag:s22] =	ssyncset.done $0x0  }
0xa0: {  	[sflag:s22] =	ssyncadd.s32 s4;
	_ =	sdelay $0x1  }
0xa1: {  	s23 =	simm.s32 $0x1B8B  }
0xa2: {  	_ =	swait.ge [sflag:s23], $0x1  }
0xa3: {  	[sflag:s23] =	ssyncset.done $0x0  }
0xa4: {  	s25 =	simm.s32 $0x1B8E;
	s24 =	sld [smem:$0x3FFE];
	[sflag:s23] =	ssyncadd.s32 $0xFFFFFFFF  }
0xa5: {  	s26 =	simm.s32 $execute0_lowered;
	[smem:$0x3FD2] =	sst s25  }
0xa6: {  	s5 =	sshll.u32 s26, $0x1;
	_ =	strace $0x8000004C;
	[dreg:$0x1] =	wrdreg $0xFFFFFFFF  }
0xa7: {  	s28 =	simm.s32 $_size_execute0_lowered;
	s3 =	sadd.s32 s3, s5;
	[dreg:$0x0] =	wrdreg $0x0  }
0xa8: {  	s5 =	sshll.u32 s28, $0x1;
	[dreg:$0x2] =	wrdreg s3  }
0xa9: {  	[dreg:$0x3] =	wrdreg s5  }
0xaa: {  	[dreg:$0x4] =	wrdreg $0xC0  }
0xab: {  	_ =	task [dreg:s7], $0x5FFFF  }
0xac: {  	[dreg:$0x1] =	wrdreg $0xFFFFFFFF  }
0xad: {  	[dreg:$0x0] =	wrdreg $0x60  }
0xae: {  	[dreg:$0x2] =	wrdreg s2  }
0xaf: {  	[dreg:$0x3] =	wrdreg s24  }
0xb0: {  	[dreg:$0x4] =	wrdreg $0x98000  }
0xb1: {  	[dreg:$0x5] =	wrdreg $0x9  }
0xb2: {  	_ =	task.clear_ibuf [dreg:s7], $0x6FFFF;
	_ =	strace $0x9000004C  }
0xb3: {  	s29 =	simm.s32 $0x9;
	_ =	strace $0x8000004E  }
0xb4: {  	_ =	swait.ge [sflag:s29], $0x1  }
0xb5: {  	[sflag:s29] =	ssyncadd.s32 $0xFFFFFFFF  }
0xb6: {  	_ =	strace $0x9000004E  }
0xb7: {  	_ =	sfence  }
0xb8: {  	s30 =	sld [smem:$0x0];
	_ =	sdelay $0x2  }
0xb9: {  	s31 =	sshll.u32 s1, $0xD;
	s1 =	sshrl.u32 s1, $0x2  }
0xba: {  	s3 =	sand.u32 $0x4000, s31;
	s1 =	sadd.s32 s1, s30  }
0xbb: {  	s0 =	sor.u32 s3, s0;
	s1 =	sshll.u32 s1, $0x11  }
0xbc: {  	s0 =	sor.u32 s1, s0  }
0xbd: {  	s0 =	sadd.s32 $0x8F2B, s0  }
0xbe: {  	[sflag:s0] =	ssyncadd.remote.s32 $0x1  }
0xbf: {  	_ =	sfence.sel $0xFFFF  }
0xc0: {  	[dreg:$0x0] =	wrdreg $0xFFFFFFFF;
	(pc) =	sbr.abs _section_cstart, $3  }
0xc1: {  	[dreg:$0x1] =	wrdreg $0xFFFFFFFF  }
0xc2: {  	_ =	task.clear_ibuf [dreg:s7], $0x2FFFF;
	_ =	strace $0x9FFFFFFF  }
0xc3: {  	(tm) =	ssettm $0x7FFFFFFF  }
tec
execute0_lowered:
.L_overlay_start_1:
0x0: {  	(tag) =	ssettag $0x1  }
0x1: {  	s1 =	rddreg [dreg:$0x0]  }
0x2: {  	s0 =	rddreg [dreg:$0x1]  }
0x3: {  	s2 =	rddreg [dreg:$0x2]  }
0x4: {  	s4 =	simm.s32 $0x0;
	s3 =	srdreg.scid;
	s12 =	stileid.u32  }
0x5: {  	s15 =	simm.s32 $0x5;
	s16 =	simm.s32 $0x1000;
	s17 =	simm.s32 $0x50  }
0x6: {  	s18 =	simm.s32 $0x2000;
	s20 =	simm.s32 $0x4800;
	s22 =	simm.s32 $0x7000  }
0x7: {  	s30 =	simm.s32 $0x3;
	[smem:$0x7FF] =	sst s4;
	s8 =	smul.u32 $0x13C00, s12  }
0x8: {  	s3 =	sand.u32 $0x1, s3;
	s5 =	sadd.s32 $0x4A00, s0;
	s24 =	smul.u32 $0x4F000, s12  }
0x9: {  	s6 =	sadd.s32 $0x18A00, s0;
	s10 =	sadd.s32 $0x2CA00, s0;
	s11 =	smul.u32 $0x5000, s12  }
0xa: {  	s28 =	sshll.u32 s12, $0x6;
	s7 =	smul.u32 $0x13C000, s3;
	_ =	strace $0x8000004D  }
0xb: {  	s9 =	sshll.u32 s3, $0x4;
	[dreg:$0x5] =	wrdreg s10;
	s25 =	ssub.s32 $0x2, s3  }
0xc: {  	s3 =	smul.u32 $0x50000, s3;
	[dreg:$0x6] =	wrdreg s28;
	s10 =	sor.u32 $0x1C04, s28  }
0xd: {  	s23 =	sor.u32 s12, s9;
	s26 =	sshrl.u32 s25, $0x1;
	s9 =	sshrl.u32 s24, $0x2  }
0xe: {  	s7 =	sadd.s32 s8, s7;
	s8 =	smul.u32 $0x5000, s23;
	s3 =	sadd.s32 s11, s3  }
0xf: {  	[dreg:$0x7] =	wrdreg s10;
	s9 =	sadd.s32 s9, s2;
	s3 =	sadd.s32 $0x1000, s3  }
0x10: {  	s23 =	sshrl.u32 s9, $0x3;
	s8 =	sshrl.u32 s8, $0x3;
	[dreg:$0x4] =	wrdreg s3  }
0x11: {  	s7 =	sshrl.u32 s7, $0x3;
	[dreg:$0xc] =	wrdreg s23;
	s29 =	sadd.s32 s5, s8  }
0x12: {  	s0 =	sadd.s32 s7, s0;
	s8 =	sadd.s32 s6, s8;
	[dreg:$0x8] =	wrdreg s29  }
0x13: {  	s7 =	ssub.s32 s25, s26;
	s0 =	sadd.s32 $0x2F200, s0;
	[dreg:$0x9] =	wrdreg s8  }
0x14: {  	s24 =	simm.s32 $0x1;
	s31 =	smax.u32 s7, $0x1;
	[dreg:$0xa] =	wrdreg s0  }
0x15: {  	s26 =	simm.s32 $0x2;
	[dreg:$0xb] =	wrdreg s31;
	s0 =	simm.s32 $0x0  }
.LBB2_1:
0x16: {  	[dreg:$0xd] =	wrdreg s0  }
0x17: {  	s8 =	rddreg [dreg:$0x5]  }
0x18: {  	s14 =	rddreg [dreg:$0x7]  }
0x19: {  	[spmem:s23], [sflag:s14] =	dma.local [hbm:s8], $0x2780  }
0x1a: {  	s8 =	rddreg [dreg:$0x8]  }
0x1b: {  	[tilespmem:s4], [sflag:$0x5] =	stream.linear.gather [hbm4b:s8+s4], $0xC80, $0x38;
	[tilespmem:$0x1D400] =	vst v63  }
0x1c: {  	_ =	swait.ge [sflag:s15], $0xC80  }
0x1d: {  	[sflag:s15] =	ssyncset.done $0x0  }
0x1e: {  	s21 =	rddreg [dreg:$0x9];
	[sflag:s15] =	ssyncadd.s32 $0xFFFFF380  }
0x1f: {  	[tilespmem:s16], [sflag:$0x5] =	stream.linear.gather [hbm4b:s21+s4], $0xC80, $0x38;
	[tilespmem:$0x1D400] =	vst v63  }
0x20: {  	_ =	swait.ge [sflag:s15], $0xC80  }
0x21: {  	[sflag:s15] =	ssyncset.done $0x0  }
0x22: {  	[sflag:s15] =	ssyncadd.s32 $0xFFFFF380  }
0x23: {  	[tilespmem:s18], [sflag:$0x1] =	stream.indirect.gather [hbm4b:s1+s17], $0x80, s4, s17, $0xb8;
	[tilespmem:$0x1D400] =	vst v63  }
0x24: {  	s3 =	simm.s32 $0x80  }
0x25: {  	[tilespmem:s20], [sflag:$0x2] =	stream.indirect.gather [hbm4b:s1+s17], $0x80, s3, s17, $0xb8;
	[tilespmem:$0x1D400] =	vst v63  }
0x26: {  	s7 =	simm.s32 $0x100;
	s23 =	simm.s32 $0x4  }
0x27: {  	[tilespmem:s22], [sflag:$0x3] =	stream.indirect.gather [hbm4b:s1+s17], $0x80, s7, s17, $0xb8;
	[tilespmem:$0x1D400] =	vst v63  }
0x28: {  	_ =	swait.ge [sflag:s23], $0x2780  }
0x29: {  	[sflag:s23] =	ssyncset.done $0x0  }
0x2a: {  	[sflag:s23] =	ssyncadd.s32 $0xFFFFD880  }
0x2b: {  	[bflag:$0x0] =	sbarrier.arrive $0xFFFF  }
0x2c: {  	_ =	swait.ge [sflag:s24], $0x2800  }
0x2d: {  	[sflag:s24] =	ssyncset.done $0x0  }
0x2e: {  	[sflag:s24] =	ssyncadd.s32 $0xFFFFD800  }
0x2f: {  	[spmem:s2] =	stream.indirect.scatter.add.f32 [tilespmem:s18], [sflag:$0x5], $0x80, s16, s17, $0xb8;
	[tilespmem:$0x1D400] =	vst v63  }
0x30: {  	_ =	swait.ge [sflag:s15], $0x2800  }
0x31: {  	[sflag:s15] =	ssyncset.done $0x0  }
0x32: {  	s14 =	simm.s32 $0x180;
	[sflag:s15] =	ssyncadd.s32 $0xFFFFD800  }
0x33: {  	[tilespmem:s18], [sflag:$0x1] =	stream.indirect.gather [hbm4b:s1+s17], $0x80, s14, s17, $0xb8;
	[tilespmem:$0x1D400] =	vst v63  }
0x34: {  	_ =	swait.ge [sflag:s26], $0x2800  }
0x35: {  	[sflag:s26] =	ssyncset.done $0x0  }
0x36: {  	s23 =	simm.s32 $0x1080;
	[sflag:s26] =	ssyncadd.s32 $0xFFFFD800  }
0x37: {  	[spmem:s2] =	stream.indirect.scatter.add.f32 [tilespmem:s20], [sflag:$0x5], $0x80, s23, s17, $0xb8;
	[tilespmem:$0x1D400] =	vst v63  }
0x38: {  	_ =	swait.ge [sflag:s15], $0x2800  }
0x39: {  	[sflag:s15] =	ssyncset.done $0x0  }
0x3a: {  	s25 =	simm.s32 $0x200;
	[sflag:s15] =	ssyncadd.s32 $0xFFFFD800  }
0x3b: {  	[tilespmem:s20], [sflag:$0x2] =	stream.indirect.gather [hbm4b:s1+s17], $0x80, s25, s17, $0xb8;
	[tilespmem:$0x1D400] =	vst v63  }
0x3c: {  	_ =	swait.ge [sflag:s30], $0x2800  }
0x3d: {  	[sflag:s30] =	ssyncset.done $0x0  }
0x3e: {  	s9 =	simm.s32 $0x1100;
	[sflag:s30] =	ssyncadd.s32 $0xFFFFD800  }
0x3f: {  	[spmem:s2] =	stream.indirect.scatter.add.f32 [tilespmem:s22], [sflag:$0x5], $0x80, s9, s17, $0xb8;
	[tilespmem:$0x1D400] =	vst v63  }
0x40: {  	_ =	swait.ge [sflag:s15], $0x2800  }
0x41: {  	[sflag:s15] =	ssyncset.done $0x0  }
0x42: {  	s10 =	simm.s32 $0x280;
	[sflag:s15] =	ssyncadd.s32 $0xFFFFD800  }
0x43: {  	[tilespmem:s22], [sflag:$0x3] =	stream.indirect.gather [hbm4b:s1+s17], $0x80, s10, s17, $0xb8;
	[tilespmem:$0x1D400] =	vst v63  }
0x44: {  	_ =	swait.ge [sflag:s24], $0x2800  }
0x45: {  	[sflag:s24] =	ssyncset.done $0x0  }
0x46: {  	s11 =	simm.s32 $0x1180;
	[sflag:s24] =	ssyncadd.s32 $0xFFFFD800  }
0x47: {  	[spmem:s2] =	stream.indirect.scatter.add.f32 [tilespmem:s18], [sflag:$0x5], $0x80, s11, s17, $0xb8;
	[tilespmem:$0x1D400] =	vst v63  }
0x48: {  	_ =	swait.ge [sflag:s15], $0x2800  }
0x49: {  	[sflag:s15] =	ssyncset.done $0x0  }
0x4a: {  	s12 =	simm.s32 $0x300;
	[sflag:s15] =	ssyncadd.s32 $0xFFFFD800  }
0x4b: {  	[tilespmem:s18], [sflag:$0x1] =	stream.indirect.gather [hbm4b:s1+s17], $0x80, s12, s17, $0xb8;
	[tilespmem:$0x1D400] =	vst v63  }
0x4c: {  	_ =	swait.ge [sflag:s26], $0x2800  }
0x4d: {  	[sflag:s26] =	ssyncset.done $0x0  }
0x4e: {  	s13 =	simm.s32 $0x1200;
	[sflag:s26] =	ssyncadd.s32 $0xFFFFD800  }
0x4f: {  	[spmem:s2] =	stream.indirect.scatter.add.f32 [tilespmem:s20], [sflag:$0x5], $0x80, s13, s17, $0xb8;
	[tilespmem:$0x1D400] =	vst v63  }
0x50: {  	_ =	swait.ge [sflag:s15], $0x2800  }
0x51: {  	[sflag:s15] =	ssyncset.done $0x0  }
0x52: {  	s19 =	simm.s32 $0x380;
	[sflag:s15] =	ssyncadd.s32 $0xFFFFD800  }
0x53: {  	[tilespmem:s20], [sflag:$0x2] =	stream.indirect.gather [hbm4b:s1+s17], $0x80, s19, s17, $0xb8;
	[tilespmem:$0x1D400] =	vst v63  }
0x54: {  	_ =	swait.ge [sflag:s30], $0x2800  }
0x55: {  	[sflag:s30] =	ssyncset.done $0x0  }
0x56: {  	s21 =	simm.s32 $0x1280;
	[sflag:s30] =	ssyncadd.s32 $0xFFFFD800  }
0x57: {  	[spmem:s2] =	stream.indirect.scatter.add.f32 [tilespmem:s22], [sflag:$0x5], $0x80, s21, s17, $0xb8;
	[tilespmem:$0x1D400] =	vst v63  }
0x58: {  	_ =	swait.ge [sflag:s15], $0x2800  }
0x59: {  	[sflag:s15] =	ssyncset.done $0x0  }
0x5a: {  	s25 =	simm.s32 $0x400;
	[sflag:s15] =	ssyncadd.s32 $0xFFFFD800  }
0x5b: {  	[tilespmem:s22], [sflag:$0x3] =	stream.indirect.gather [hbm4b:s1+s17], $0x80, s25, s17, $0xb8;
	[tilespmem:$0x1D400] =	vst v63  }
0x5c: {  	_ =	swait.ge [sflag:s24], $0x2800  }
0x5d: {  	[sflag:s24] =	ssyncset.done $0x0  }
0x5e: {  	s28 =	simm.s32 $0x1300;
	[sflag:s24] =	ssyncadd.s32 $0xFFFFD800  }
0x5f: {  	[spmem:s2] =	stream.indirect.scatter.add.f32 [tilespmem:s18], [sflag:$0x5], $0x80, s28, s17, $0xb8;
	[tilespmem:$0x1D400] =	vst v63  }
0x60: {  	_ =	swait.ge [sflag:s15], $0x2800  }
0x61: {  	[sflag:s15] =	ssyncset.done $0x0  }
0x62: {  	s29 =	simm.s32 $0x480;
	[sflag:s15] =	ssyncadd.s32 $0xFFFFD800  }
0x63: {  	[tilespmem:s18], [sflag:$0x1] =	stream.indirect.gather [hbm4b:s1+s17], $0x80, s29, s17, $0xb8;
	[tilespmem:$0x1D400] =	vst v63  }
0x64: {  	_ =	swait.ge [sflag:s26], $0x2800  }
0x65: {  	[sflag:s26] =	ssyncset.done $0x0  }
0x66: {  	s31 =	simm.s32 $0x1380;
	[sflag:s26] =	ssyncadd.s32 $0xFFFFD800  }
0x67: {  	[spmem:s2] =	stream.indirect.scatter.add.f32 [tilespmem:s20], [sflag:$0x5], $0x80, s31, s17, $0xb8;
	[tilespmem:$0x1D400] =	vst v63  }
0x68: {  	_ =	swait.ge [sflag:s15], $0x2800  }
0x69: {  	[sflag:s15] =	ssyncset.done $0x0  }
0x6a: {  	s0 =	simm.s32 $0x500;
	[sflag:s15] =	ssyncadd.s32 $0xFFFFD800  }
0x6b: {  	[tilespmem:s20], [sflag:$0x2] =	stream.indirect.gather [hbm4b:s1+s17], $0x80, s0, s17, $0xb8;
	[tilespmem:$0x1D400] =	vst v63  }
0x6c: {  	_ =	swait.ge [sflag:s30], $0x2800  }
0x6d: {  	[sflag:s30] =	ssyncset.done $0x0  }
0x6e: {  	s0 =	simm.s32 $0x1400;
	[sflag:s30] =	ssyncadd.s32 $0xFFFFD800  }
0x6f: {  	[spmem:s2] =	stream.indirect.scatter.add.f32 [tilespmem:s22], [sflag:$0x5], $0x80, s0, s17, $0xb8;
	[tilespmem:$0x1D400] =	vst v63  }
0x70: {  	_ =	swait.ge [sflag:s15], $0x2800  }
0x71: {  	[sflag:s15] =	ssyncset.done $0x0  }
0x72: {  	s0 =	simm.s32 $0x580;
	[sflag:s15] =	ssyncadd.s32 $0xFFFFD800  }
0x73: {  	[tilespmem:s22], [sflag:$0x3] =	stream.indirect.gather [hbm4b:s1+s17], $0x80, s0, s17, $0xb8;
	[tilespmem:$0x1D400] =	vst v63  }
0x74: {  	_ =	swait.ge [sflag:s24], $0x2800  }
0x75: {  	[sflag:s24] =	ssyncset.done $0x0  }
0x76: {  	s0 =	simm.s32 $0x1480;
	[sflag:s24] =	ssyncadd.s32 $0xFFFFD800  }
0x77: {  	[spmem:s2] =	stream.indirect.scatter.add.f32 [tilespmem:s18], [sflag:$0x5], $0x80, s0, s17, $0xb8;
	[tilespmem:$0x1D400] =	vst v63  }
0x78: {  	_ =	swait.ge [sflag:s15], $0x2800  }
0x79: {  	[sflag:s15] =	ssyncset.done $0x0  }
0x7a: {  	s0 =	simm.s32 $0x600;
	[sflag:s15] =	ssyncadd.s32 $0xFFFFD800  }
0x7b: {  	[tilespmem:s18], [sflag:$0x1] =	stream.indirect.gather [hbm4b:s1+s17], $0x80, s0, s17, $0xb8;
	[tilespmem:$0x1D400] =	vst v63  }
0x7c: {  	_ =	swait.ge [sflag:s26], $0x2800  }
0x7d: {  	[sflag:s26] =	ssyncset.done $0x0  }
0x7e: {  	s0 =	simm.s32 $0x1500;
	[sflag:s26] =	ssyncadd.s32 $0xFFFFD800  }
0x7f: {  	[spmem:s2] =	stream.indirect.scatter.add.f32 [tilespmem:s20], [sflag:$0x5], $0x80, s0, s17, $0xb8;
	[tilespmem:$0x1D400] =	vst v63  }
0x80: {  	_ =	swait.ge [sflag:s15], $0x2800  }
0x81: {  	[sflag:s15] =	ssyncset.done $0x0  }
0x82: {  	s0 =	simm.s32 $0x680;
	[sflag:s15] =	ssyncadd.s32 $0xFFFFD800  }
0x83: {  	[tilespmem:s20], [sflag:$0x2] =	stream.indirect.gather [hbm4b:s1+s17], $0x80, s0, s17, $0xb8;
	[tilespmem:$0x1D400] =	vst v63  }
0x84: {  	_ =	swait.ge [sflag:s30], $0x2800  }
0x85: {  	[sflag:s30] =	ssyncset.done $0x0  }
0x86: {  	s0 =	simm.s32 $0x1580;
	[sflag:s30] =	ssyncadd.s32 $0xFFFFD800  }
0x87: {  	[spmem:s2] =	stream.indirect.scatter.add.f32 [tilespmem:s22], [sflag:$0x5], $0x80, s0, s17, $0xb8;
	[tilespmem:$0x1D400] =	vst v63  }
0x88: {  	_ =	swait.ge [sflag:s15], $0x2800  }
0x89: {  	[sflag:s15] =	ssyncset.done $0x0  }
0x8a: {  	s0 =	simm.s32 $0x700;
	[sflag:s15] =	ssyncadd.s32 $0xFFFFD800  }
0x8b: {  	[tilespmem:s22], [sflag:$0x3] =	stream.indirect.gather [hbm4b:s1+s17], $0x80, s0, s17, $0xb8;
	[tilespmem:$0x1D400] =	vst v63  }
0x8c: {  	_ =	swait.ge [sflag:s24], $0x2800  }
0x8d: {  	[sflag:s24] =	ssyncset.done $0x0  }
0x8e: {  	s0 =	simm.s32 $0x1600;
	[sflag:s24] =	ssyncadd.s32 $0xFFFFD800  }
0x8f: {  	[spmem:s2] =	stream.indirect.scatter.add.f32 [tilespmem:s18], [sflag:$0x5], $0x80, s0, s17, $0xb8;
	[tilespmem:$0x1D400] =	vst v63  }
0x90: {  	_ =	swait.ge [sflag:s15], $0x2800  }
0x91: {  	[sflag:s15] =	ssyncset.done $0x0  }
0x92: {  	s0 =	simm.s32 $0x780;
	[sflag:s15] =	ssyncadd.s32 $0xFFFFD800  }
0x93: {  	[tilespmem:s18], [sflag:$0x1] =	stream.indirect.gather [hbm4b:s1+s17], $0x80, s0, s17, $0xb8;
	[tilespmem:$0x1D400] =	vst v63  }
0x94: {  	_ =	swait.ge [sflag:s26], $0x2800  }
0x95: {  	[sflag:s26] =	ssyncset.done $0x0  }
0x96: {  	s0 =	simm.s32 $0x1680;
	[sflag:s26] =	ssyncadd.s32 $0xFFFFD800  }
0x97: {  	[spmem:s2] =	stream.indirect.scatter.add.f32 [tilespmem:s20], [sflag:$0x5], $0x80, s0, s17, $0xb8;
	[tilespmem:$0x1D400] =	vst v63  }
0x98: {  	_ =	swait.ge [sflag:s15], $0x2800  }
0x99: {  	[sflag:s15] =	ssyncset.done $0x0  }
0x9a: {  	s0 =	simm.s32 $0x800;
	[sflag:s15] =	ssyncadd.s32 $0xFFFFD800  }
0x9b: {  	[tilespmem:s20], [sflag:$0x2] =	stream.indirect.gather [hbm4b:s1+s17], $0x80, s0, s17, $0xb8;
	[tilespmem:$0x1D400] =	vst v63  }
0x9c: {  	_ =	swait.ge [sflag:s30], $0x2800  }
0x9d: {  	[sflag:s30] =	ssyncset.done $0x0  }
0x9e: {  	s0 =	simm.s32 $0x1700;
	[sflag:s30] =	ssyncadd.s32 $0xFFFFD800  }
0x9f: {  	[spmem:s2] =	stream.indirect.scatter.add.f32 [tilespmem:s22], [sflag:$0x5], $0x80, s0, s17, $0xb8;
	[tilespmem:$0x1D400] =	vst v63  }
0xa0: {  	_ =	swait.ge [sflag:s15], $0x2800  }
0xa1: {  	[sflag:s15] =	ssyncset.done $0x0  }
0xa2: {  	s0 =	simm.s32 $0x880;
	[sflag:s15] =	ssyncadd.s32 $0xFFFFD800  }
0xa3: {  	[tilespmem:s22], [sflag:$0x3] =	stream.indirect.gather [hbm4b:s1+s17], $0x80, s0, s17, $0xb8;
	[tilespmem:$0x1D400] =	vst v63  }
0xa4: {  	_ =	swait.ge [sflag:s24], $0x2800  }
0xa5: {  	[sflag:s24] =	ssyncset.done $0x0  }
0xa6: {  	s0 =	simm.s32 $0x1780;
	[sflag:s24] =	ssyncadd.s32 $0xFFFFD800  }
0xa7: {  	[spmem:s2] =	stream.indirect.scatter.add.f32 [tilespmem:s18], [sflag:$0x5], $0x80, s0, s17, $0xb8;
	[tilespmem:$0x1D400] =	vst v63  }
0xa8: {  	_ =	swait.ge [sflag:s15], $0x2800  }
0xa9: {  	[sflag:s15] =	ssyncset.done $0x0  }
0xaa: {  	s0 =	simm.s32 $0x900;
	[sflag:s15] =	ssyncadd.s32 $0xFFFFD800  }
0xab: {  	[tilespmem:s18], [sflag:$0x1] =	stream.indirect.gather [hbm4b:s1+s17], $0x80, s0, s17, $0xb8;
	[tilespmem:$0x1D400] =	vst v63  }
0xac: {  	_ =	swait.ge [sflag:s26], $0x2800  }
0xad: {  	[sflag:s26] =	ssyncset.done $0x0  }
0xae: {  	s0 =	simm.s32 $0x1800;
	[sflag:s26] =	ssyncadd.s32 $0xFFFFD800  }
0xaf: {  	[spmem:s2] =	stream.indirect.scatter.add.f32 [tilespmem:s20], [sflag:$0x5], $0x80, s0, s17, $0xb8;
	[tilespmem:$0x1D400] =	vst v63  }
0xb0: {  	_ =	swait.ge [sflag:s15], $0x2800  }
0xb1: {  	[sflag:s15] =	ssyncset.done $0x0  }
0xb2: {  	s0 =	simm.s32 $0x980;
	[sflag:s15] =	ssyncadd.s32 $0xFFFFD800  }
0xb3: {  	[tilespmem:s20], [sflag:$0x2] =	stream.indirect.gather [hbm4b:s1+s17], $0x80, s0, s17, $0xb8;
	[tilespmem:$0x1D400] =	vst v63  }
0xb4: {  	_ =	swait.ge [sflag:s30], $0x2800  }
0xb5: {  	[sflag:s30] =	ssyncset.done $0x0  }
0xb6: {  	s0 =	simm.s32 $0x1880;
	[sflag:s30] =	ssyncadd.s32 $0xFFFFD800  }
0xb7: {  	[spmem:s2] =	stream.indirect.scatter.add.f32 [tilespmem:s22], [sflag:$0x5], $0x80, s0, s17, $0xb8;
	[tilespmem:$0x1D400] =	vst v63  }
0xb8: {  	_ =	swait.ge [sflag:s15], $0x2800  }
0xb9: {  	[sflag:s15] =	ssyncset.done $0x0  }
0xba: {  	s0 =	simm.s32 $0xA00;
	[sflag:s15] =	ssyncadd.s32 $0xFFFFD800  }
0xbb: {  	[tilespmem:s22], [sflag:$0x3] =	stream.indirect.gather [hbm4b:s1+s17], $0x80, s0, s17, $0xb8;
	[tilespmem:$0x1D400] =	vst v63  }
0xbc: {  	_ =	swait.ge [sflag:s24], $0x2800  }
0xbd: {  	[sflag:s24] =	ssyncset.done $0x0  }
0xbe: {  	s0 =	simm.s32 $0x1900;
	[sflag:s24] =	ssyncadd.s32 $0xFFFFD800  }
0xbf: {  	[spmem:s2] =	stream.indirect.scatter.add.f32 [tilespmem:s18], [sflag:$0x5], $0x80, s0, s17, $0xb8;
	[tilespmem:$0x1D400] =	vst v63  }
0xc0: {  	_ =	swait.ge [sflag:s15], $0x2800  }
0xc1: {  	[sflag:s15] =	ssyncset.done $0x0  }
0xc2: {  	s0 =	simm.s32 $0xA80;
	[sflag:s15] =	ssyncadd.s32 $0xFFFFD800  }
0xc3: {  	[tilespmem:s18], [sflag:$0x1] =	stream.indirect.gather [hbm4b:s1+s17], $0x80, s0, s17, $0xb8;
	[tilespmem:$0x1D400] =	vst v63  }
0xc4: {  	_ =	swait.ge [sflag:s26], $0x2800  }
0xc5: {  	[sflag:s26] =	ssyncset.done $0x0  }
0xc6: {  	s0 =	simm.s32 $0x1980;
	[sflag:s26] =	ssyncadd.s32 $0xFFFFD800  }
0xc7: {  	[spmem:s2] =	stream.indirect.scatter.add.f32 [tilespmem:s20], [sflag:$0x5], $0x80, s0, s17, $0xb8;
	[tilespmem:$0x1D400] =	vst v63  }
0xc8: {  	_ =	swait.ge [sflag:s15], $0x2800  }
0xc9: {  	[sflag:s15] =	ssyncset.done $0x0  }
0xca: {  	s0 =	simm.s32 $0xB00;
	[sflag:s15] =	ssyncadd.s32 $0xFFFFD800  }
0xcb: {  	[tilespmem:s20], [sflag:$0x2] =	stream.indirect.gather [hbm4b:s1+s17], $0x80, s0, s17, $0xb8;
	[tilespmem:$0x1D400] =	vst v63  }
0xcc: {  	_ =	swait.ge [sflag:s30], $0x2800  }
0xcd: {  	[sflag:s30] =	ssyncset.done $0x0  }
0xce: {  	s0 =	simm.s32 $0x1A00;
	[sflag:s30] =	ssyncadd.s32 $0xFFFFD800  }
0xcf: {  	[spmem:s2] =	stream.indirect.scatter.add.f32 [tilespmem:s22], [sflag:$0x5], $0x80, s0, s17, $0xb8;
	[tilespmem:$0x1D400] =	vst v63  }
0xd0: {  	_ =	swait.ge [sflag:s15], $0x2800  }
0xd1: {  	[sflag:s15] =	ssyncset.done $0x0  }
0xd2: {  	s0 =	simm.s32 $0xB80;
	[sflag:s15] =	ssyncadd.s32 $0xFFFFD800  }
0xd3: {  	[tilespmem:s22], [sflag:$0x3] =	stream.indirect.gather [hbm4b:s1+s17], $0x80, s0, s17, $0xb8;
	[tilespmem:$0x1D400] =	vst v63  }
0xd4: {  	_ =	swait.ge [sflag:s24], $0x2800  }
0xd5: {  	[sflag:s24] =	ssyncset.done $0x0  }
0xd6: {  	s0 =	simm.s32 $0x1A80;
	[sflag:s24] =	ssyncadd.s32 $0xFFFFD800  }
0xd7: {  	[spmem:s2] =	stream.indirect.scatter.add.f32 [tilespmem:s18], [sflag:$0x5], $0x80, s0, s17, $0xb8;
	[tilespmem:$0x1D400] =	vst v63  }
0xd8: {  	_ =	swait.ge [sflag:s15], $0x2800  }
0xd9: {  	[sflag:s15] =	ssyncset.done $0x0  }
0xda: {  	s0 =	simm.s32 $0xC00;
	[sflag:s15] =	ssyncadd.s32 $0xFFFFD800  }
0xdb: {  	[tilespmem:s18], [sflag:$0x1] =	stream.indirect.gather [hbm4b:s1+s17], $0x80, s0, s17, $0xb8;
	[tilespmem:$0x1D400] =	vst v63  }
0xdc: {  	_ =	swait.ge [sflag:s26], $0x2800  }
0xdd: {  	[sflag:s26] =	ssyncset.done $0x0  }
0xde: {  	s0 =	simm.s32 $0x1B00;
	[sflag:s26] =	ssyncadd.s32 $0xFFFFD800  }
0xdf: {  	[spmem:s2] =	stream.indirect.scatter.add.f32 [tilespmem:s20], [sflag:$0x5], $0x80, s0, s17, $0xb8;
	[tilespmem:$0x1D400] =	vst v63  }
0xe0: {  	_ =	swait.ge [sflag:s15], $0x2800  }
0xe1: {  	[sflag:s15] =	ssyncset.done $0x0  }
0xe2: {  	[sflag:s15] =	ssyncadd.s32 $0xFFFFD800  }
0xe3: {  	_ =	swait.ge [sflag:s30], $0x2800  }
0xe4: {  	[sflag:s30] =	ssyncset.done $0x0  }
0xe5: {  	s0 =	simm.s32 $0x1B80;
	[sflag:s30] =	ssyncadd.s32 $0xFFFFD800  }
0xe6: {  	[spmem:s2] =	stream.indirect.scatter.add.f32 [tilespmem:s22], [sflag:$0x5], $0x80, s0, s17, $0xb8;
	[tilespmem:$0x1D400] =	vst v63  }
0xe7: {  	_ =	swait.ge [sflag:s15], $0x2800  }
0xe8: {  	[sflag:s15] =	ssyncset.done $0x0  }
0xe9: {  	[sflag:s15] =	ssyncadd.s32 $0xFFFFD800  }
0xea: {  	_ =	swait.ge [sflag:s24], $0x2800  }
0xeb: {  	[sflag:s24] =	ssyncset.done $0x0  }
0xec: {  	s0 =	simm.s32 $0x1C00;
	[sflag:s24] =	ssyncadd.s32 $0xFFFFD800  }
0xed: {  	[spmem:s2] =	stream.indirect.scatter.add.f32 [tilespmem:s18], [sflag:$0x5], $0x80, s0, s17, $0xb8;
	[tilespmem:$0x1D400] =	vst v63  }
0xee: {  	_ =	swait.ge [sflag:s15], $0x2800  }
0xef: {  	s0 =	rddreg [dreg:$0x4]  }
0xf0: {  	s8 =	sadd.s32 $0x0, s0  }
0xf1: {  	[sflag:s15] =	ssyncset.done $0x0;
	s0 =	sshrl.u32 s8, $0x3  }
0xf2: {  	[sflag:s15] =	ssyncadd.s32 $0xFFFFD800;
	s8 =	sadd.s32 s5, s0  }
0xf3: {  	[tilespmem:s4], [sflag:$0x5] =	stream.linear.gather [hbm4b:s8+s4], $0xC80, $0x38;
	[tilespmem:$0x1D400] =	vst v63  }
0xf4: {  	_ =	swait.ge [sflag:s15], $0xC80  }
0xf5: {  	[sflag:s15] =	ssyncset.done $0x0  }
0xf6: {  	s0 =	sadd.s32 s6, s0;
	[sflag:s15] =	ssyncadd.s32 $0xFFFFF380  }
0xf7: {  	[tilespmem:s16], [sflag:$0x5] =	stream.linear.gather [hbm4b:s0+s4], $0xC80, $0x38;
	[tilespmem:$0x1D400] =	vst v63  }
0xf8: {  	_ =	swait.ge [sflag:s15], $0xC80  }
0xf9: {  	[sflag:s15] =	ssyncset.done $0x0  }
0xfa: {  	[sflag:s15] =	ssyncadd.s32 $0xFFFFF380  }
0xfb: {  	[tilespmem:s18], [sflag:$0x1] =	stream.indirect.gather [hbm4b:s1+s17], $0x80, s4, s17, $0xb8;
	[tilespmem:$0x1D400] =	vst v63  }
0xfc: {  	_ = 	snop  }
0xfd: {  	[tilespmem:s20], [sflag:$0x2] =	stream.indirect.gather [hbm4b:s1+s17], $0x80, s3, s17, $0xb8;
	[tilespmem:$0x1D400] =	vst v63  }
0xfe: {  	_ = 	snop  }
0xff: {  	[tilespmem:s22], [sflag:$0x3] =	stream.indirect.gather [hbm4b:s1+s17], $0x80, s7, s17, $0xb8;
	[tilespmem:$0x1D400] =	vst v63  }
0x100: {  	_ =	swait.ge [sflag:s24], $0x2800  }
0x101: {  	[sflag:s24] =	ssyncset.done $0x0  }
0x102: {  	[sflag:s24] =	ssyncadd.s32 $0xFFFFD800  }
0x103: {  	[spmem:s2] =	stream.indirect.scatter.add.f32 [tilespmem:s18], [sflag:$0x5], $0x80, s16, s17, $0xb8;
	[tilespmem:$0x1D400] =	vst v63  }
0x104: {  	_ =	swait.ge [sflag:s15], $0x2800  }
0x105: {  	[sflag:s15] =	ssyncset.done $0x0  }
0x106: {  	[sflag:s15] =	ssyncadd.s32 $0xFFFFD800  }
0x107: {  	[tilespmem:s18], [sflag:$0x1] =	stream.indirect.gather [hbm4b:s1+s17], $0x80, s14, s17, $0xb8;
	[tilespmem:$0x1D400] =	vst v63  }
0x108: {  	_ =	swait.ge [sflag:s26], $0x2800  }
0x109: {  	[sflag:s26] =	ssyncset.done $0x0  }
0x10a: {  	[sflag:s26] =	ssyncadd.s32 $0xFFFFD800  }
0x10b: {  	[spmem:s2] =	stream.indirect.scatter.add.f32 [tilespmem:s20], [sflag:$0x5], $0x80, s23, s17, $0xb8;
	[tilespmem:$0x1D400] =	vst v63  }
0x10c: {  	_ =	swait.ge [sflag:s15], $0x2800  }
0x10d: {  	[sflag:s15] =	ssyncset.done $0x0  }
0x10e: {  	s14 =	simm.s32 $0x200;
	[sflag:s15] =	ssyncadd.s32 $0xFFFFD800  }
0x10f: {  	[tilespmem:s20], [sflag:$0x2] =	stream.indirect.gather [hbm4b:s1+s17], $0x80, s14, s17, $0xb8;
	[tilespmem:$0x1D400] =	vst v63  }
0x110: {  	_ =	swait.ge [sflag:s30], $0x2800  }
0x111: {  	[sflag:s30] =	ssyncset.done $0x0  }
0x112: {  	[sflag:s30] =	ssyncadd.s32 $0xFFFFD800  }
0x113: {  	[spmem:s2] =	stream.indirect.scatter.add.f32 [tilespmem:s22], [sflag:$0x5], $0x80, s9, s17, $0xb8;
	[tilespmem:$0x1D400] =	vst v63  }
0x114: {  	_ =	swait.ge [sflag:s15], $0x2800  }
0x115: {  	[sflag:s15] =	ssyncset.done $0x0  }
0x116: {  	[sflag:s15] =	ssyncadd.s32 $0xFFFFD800  }
0x117: {  	[tilespmem:s22], [sflag:$0x3] =	stream.indirect.gather [hbm4b:s1+s17], $0x80, s10, s17, $0xb8;
	[tilespmem:$0x1D400] =	vst v63  }
0x118: {  	_ =	swait.ge [sflag:s24], $0x2800  }
0x119: {  	[sflag:s24] =	ssyncset.done $0x0  }
0x11a: {  	[sflag:s24] =	ssyncadd.s32 $0xFFFFD800  }
0x11b: {  	[spmem:s2] =	stream.indirect.scatter.add.f32 [tilespmem:s18], [sflag:$0x5], $0x80, s11, s17, $0xb8;
	[tilespmem:$0x1D400] =	vst v63  }
0x11c: {  	_ =	swait.ge [sflag:s15], $0x2800  }
0x11d: {  	[sflag:s15] =	ssyncset.done $0x0  }
0x11e: {  	[sflag:s15] =	ssyncadd.s32 $0xFFFFD800  }
0x11f: {  	[tilespmem:s18], [sflag:$0x1] =	stream.indirect.gather [hbm4b:s1+s17], $0x80, s12, s17, $0xb8;
	[tilespmem:$0x1D400] =	vst v63  }
0x120: {  	_ =	swait.ge [sflag:s26], $0x2800  }
0x121: {  	[sflag:s26] =	ssyncset.done $0x0  }
0x122: {  	[sflag:s26] =	ssyncadd.s32 $0xFFFFD800  }
0x123: {  	[spmem:s2] =	stream.indirect.scatter.add.f32 [tilespmem:s20], [sflag:$0x5], $0x80, s13, s17, $0xb8;
	[tilespmem:$0x1D400] =	vst v63  }
0x124: {  	_ =	swait.ge [sflag:s15], $0x2800  }
0x125: {  	[sflag:s15] =	ssyncset.done $0x0  }
0x126: {  	[sflag:s15] =	ssyncadd.s32 $0xFFFFD800  }
0x127: {  	[tilespmem:s20], [sflag:$0x2] =	stream.indirect.gather [hbm4b:s1+s17], $0x80, s19, s17, $0xb8;
	[tilespmem:$0x1D400] =	vst v63  }
0x128: {  	_ =	swait.ge [sflag:s30], $0x2800  }
0x129: {  	[sflag:s30] =	ssyncset.done $0x0  }
0x12a: {  	[sflag:s30] =	ssyncadd.s32 $0xFFFFD800  }
0x12b: {  	[spmem:s2] =	stream.indirect.scatter.add.f32 [tilespmem:s22], [sflag:$0x5], $0x80, s21, s17, $0xb8;
	[tilespmem:$0x1D400] =	vst v63  }
0x12c: {  	_ =	swait.ge [sflag:s15], $0x2800  }
0x12d: {  	[sflag:s15] =	ssyncset.done $0x0  }
0x12e: {  	[sflag:s15] =	ssyncadd.s32 $0xFFFFD800  }
0x12f: {  	[tilespmem:s22], [sflag:$0x3] =	stream.indirect.gather [hbm4b:s1+s17], $0x80, s25, s17, $0xb8;
	[tilespmem:$0x1D400] =	vst v63  }
0x130: {  	_ =	swait.ge [sflag:s24], $0x2800  }
0x131: {  	[sflag:s24] =	ssyncset.done $0x0  }
0x132: {  	[sflag:s24] =	ssyncadd.s32 $0xFFFFD800  }
0x133: {  	[spmem:s2] =	stream.indirect.scatter.add.f32 [tilespmem:s18], [sflag:$0x5], $0x80, s28, s17, $0xb8;
	[tilespmem:$0x1D400] =	vst v63  }
0x134: {  	_ =	swait.ge [sflag:s15], $0x2800  }
0x135: {  	[sflag:s15] =	ssyncset.done $0x0  }
0x136: {  	[sflag:s15] =	ssyncadd.s32 $0xFFFFD800  }
0x137: {  	[tilespmem:s18], [sflag:$0x1] =	stream.indirect.gather [hbm4b:s1+s17], $0x80, s29, s17, $0xb8;
	[tilespmem:$0x1D400] =	vst v63  }
0x138: {  	_ =	swait.ge [sflag:s26], $0x2800  }
0x139: {  	[sflag:s26] =	ssyncset.done $0x0  }
0x13a: {  	[sflag:s26] =	ssyncadd.s32 $0xFFFFD800  }
0x13b: {  	[spmem:s2] =	stream.indirect.scatter.add.f32 [tilespmem:s20], [sflag:$0x5], $0x80, s31, s17, $0xb8;
	[tilespmem:$0x1D400] =	vst v63  }
0x13c: {  	_ =	swait.ge [sflag:s15], $0x2800  }
0x13d: {  	[sflag:s15] =	ssyncset.done $0x0  }
0x13e: {  	s21 =	simm.s32 $0x500;
	[sflag:s15] =	ssyncadd.s32 $0xFFFFD800  }
0x13f: {  	[tilespmem:s20], [sflag:$0x2] =	stream.indirect.gather [hbm4b:s1+s17], $0x80, s21, s17, $0xb8;
	[tilespmem:$0x1D400] =	vst v63  }
0x140: {  	_ =	swait.ge [sflag:s30], $0x2800  }
0x141: {  	[sflag:s30] =	ssyncset.done $0x0  }
0x142: {  	s23 =	simm.s32 $0x1400;
	[sflag:s30] =	ssyncadd.s32 $0xFFFFD800  }
0x143: {  	[spmem:s2] =	stream.indirect.scatter.add.f32 [tilespmem:s22], [sflag:$0x5], $0x80, s23, s17, $0xb8;
	[tilespmem:$0x1D400] =	vst v63  }
0x144: {  	_ =	swait.ge [sflag:s15], $0x2800  }
0x145: {  	[sflag:s15] =	ssyncset.done $0x0  }
0x146: {  	s25 =	simm.s32 $0x580;
	[sflag:s15] =	ssyncadd.s32 $0xFFFFD800  }
0x147: {  	[tilespmem:s22], [sflag:$0x3] =	stream.indirect.gather [hbm4b:s1+s17], $0x80, s25, s17, $0xb8;
	[tilespmem:$0x1D400] =	vst v63  }
0x148: {  	_ =	swait.ge [sflag:s24], $0x2800  }
0x149: {  	[sflag:s24] =	ssyncset.done $0x0  }
0x14a: {  	s3 =	simm.s32 $0x1480;
	[sflag:s24] =	ssyncadd.s32 $0xFFFFD800  }
0x14b: {  	[spmem:s2] =	stream.indirect.scatter.add.f32 [tilespmem:s18], [sflag:$0x5], $0x80, s3, s17, $0xb8;
	[tilespmem:$0x1D400] =	vst v63  }
0x14c: {  	_ =	swait.ge [sflag:s15], $0x2800  }
0x14d: {  	[sflag:s15] =	ssyncset.done $0x0  }
0x14e: {  	s7 =	simm.s32 $0x600;
	[sflag:s15] =	ssyncadd.s32 $0xFFFFD800  }
0x14f: {  	[tilespmem:s18], [sflag:$0x1] =	stream.indirect.gather [hbm4b:s1+s17], $0x80, s7, s17, $0xb8;
	[tilespmem:$0x1D400] =	vst v63  }
0x150: {  	_ =	swait.ge [sflag:s26], $0x2800  }
0x151: {  	[sflag:s26] =	ssyncset.done $0x0  }
0x152: {  	s8 =	simm.s32 $0x1500;
	[sflag:s26] =	ssyncadd.s32 $0xFFFFD800  }
0x153: {  	[spmem:s2] =	stream.indirect.scatter.add.f32 [tilespmem:s20], [sflag:$0x5], $0x80, s8, s17, $0xb8;
	[tilespmem:$0x1D400] =	vst v63  }
0x154: {  	_ =	swait.ge [sflag:s15], $0x2800  }
0x155: {  	[sflag:s15] =	ssyncset.done $0x0  }
0x156: {  	s9 =	simm.s32 $0x680;
	[sflag:s15] =	ssyncadd.s32 $0xFFFFD800  }
0x157: {  	[tilespmem:s20], [sflag:$0x2] =	stream.indirect.gather [hbm4b:s1+s17], $0x80, s9, s17, $0xb8;
	[tilespmem:$0x1D400] =	vst v63  }
0x158: {  	_ =	swait.ge [sflag:s30], $0x2800  }
0x159: {  	[sflag:s30] =	ssyncset.done $0x0  }
0x15a: {  	s10 =	simm.s32 $0x1580;
	[sflag:s30] =	ssyncadd.s32 $0xFFFFD800  }
0x15b: {  	[spmem:s2] =	stream.indirect.scatter.add.f32 [tilespmem:s22], [sflag:$0x5], $0x80, s10, s17, $0xb8;
	[tilespmem:$0x1D400] =	vst v63  }
0x15c: {  	_ =	swait.ge [sflag:s15], $0x2800  }
0x15d: {  	[sflag:s15] =	ssyncset.done $0x0  }
0x15e: {  	s11 =	simm.s32 $0x700;
	[sflag:s15] =	ssyncadd.s32 $0xFFFFD800  }
0x15f: {  	[tilespmem:s22], [sflag:$0x3] =	stream.indirect.gather [hbm4b:s1+s17], $0x80, s11, s17, $0xb8;
	[tilespmem:$0x1D400] =	vst v63  }
0x160: {  	_ =	swait.ge [sflag:s24], $0x2800  }
0x161: {  	[sflag:s24] =	ssyncset.done $0x0  }
0x162: {  	s12 =	simm.s32 $0x1600;
	[sflag:s24] =	ssyncadd.s32 $0xFFFFD800  }
0x163: {  	[spmem:s2] =	stream.indirect.scatter.add.f32 [tilespmem:s18], [sflag:$0x5], $0x80, s12, s17, $0xb8;
	[tilespmem:$0x1D400] =	vst v63  }
0x164: {  	_ =	swait.ge [sflag:s15], $0x2800  }
0x165: {  	[sflag:s15] =	ssyncset.done $0x0  }
0x166: {  	s13 =	simm.s32 $0x780;
	[sflag:s15] =	ssyncadd.s32 $0xFFFFD800  }
0x167: {  	[tilespmem:s18], [sflag:$0x1] =	stream.indirect.gather [hbm4b:s1+s17], $0x80, s13, s17, $0xb8;
	[tilespmem:$0x1D400] =	vst v63  }
0x168: {  	_ =	swait.ge [sflag:s26], $0x2800  }
0x169: {  	[sflag:s26] =	ssyncset.done $0x0  }
0x16a: {  	s14 =	simm.s32 $0x1680;
	[sflag:s26] =	ssyncadd.s32 $0xFFFFD800  }
0x16b: {  	[spmem:s2] =	stream.indirect.scatter.add.f32 [tilespmem:s20], [sflag:$0x5], $0x80, s14, s17, $0xb8;
	[tilespmem:$0x1D400] =	vst v63  }
0x16c: {  	_ =	swait.ge [sflag:s15], $0x2800  }
0x16d: {  	[sflag:s15] =	ssyncset.done $0x0  }
0x16e: {  	s19 =	simm.s32 $0x800;
	[sflag:s15] =	ssyncadd.s32 $0xFFFFD800  }
0x16f: {  	[tilespmem:s20], [sflag:$0x2] =	stream.indirect.gather [hbm4b:s1+s17], $0x80, s19, s17, $0xb8;
	[tilespmem:$0x1D400] =	vst v63  }
0x170: {  	_ =	swait.ge [sflag:s30], $0x2800  }
0x171: {  	[sflag:s30] =	ssyncset.done $0x0  }
0x172: {  	s21 =	simm.s32 $0x1700;
	[sflag:s30] =	ssyncadd.s32 $0xFFFFD800  }
0x173: {  	[spmem:s2] =	stream.indirect.scatter.add.f32 [tilespmem:s22], [sflag:$0x5], $0x80, s21, s17, $0xb8;
	[tilespmem:$0x1D400] =	vst v63  }
0x174: {  	_ =	swait.ge [sflag:s15], $0x2800  }
0x175: {  	[sflag:s15] =	ssyncset.done $0x0  }
0x176: {  	s23 =	simm.s32 $0x880;
	[sflag:s15] =	ssyncadd.s32 $0xFFFFD800  }
0x177: {  	[tilespmem:s22], [sflag:$0x3] =	stream.indirect.gather [hbm4b:s1+s17], $0x80, s23, s17, $0xb8;
	[tilespmem:$0x1D400] =	vst v63  }
0x178: {  	_ =	swait.ge [sflag:s24], $0x2800  }
0x179: {  	[sflag:s24] =	ssyncset.done $0x0  }
0x17a: {  	s25 =	simm.s32 $0x1780;
	[sflag:s24] =	ssyncadd.s32 $0xFFFFD800  }
0x17b: {  	[spmem:s2] =	stream.indirect.scatter.add.f32 [tilespmem:s18], [sflag:$0x5], $0x80, s25, s17, $0xb8;
	[tilespmem:$0x1D400] =	vst v63  }
0x17c: {  	_ =	swait.ge [sflag:s15], $0x2800  }
0x17d: {  	[sflag:s15] =	ssyncset.done $0x0  }
0x17e: {  	s3 =	simm.s32 $0x900;
	[sflag:s15] =	ssyncadd.s32 $0xFFFFD800  }
0x17f: {  	[tilespmem:s18], [sflag:$0x1] =	stream.indirect.gather [hbm4b:s1+s17], $0x80, s3, s17, $0xb8;
	[tilespmem:$0x1D400] =	vst v63  }
0x180: {  	_ =	swait.ge [sflag:s26], $0x2800  }
0x181: {  	[sflag:s26] =	ssyncset.done $0x0  }
0x182: {  	s7 =	simm.s32 $0x1800;
	[sflag:s26] =	ssyncadd.s32 $0xFFFFD800  }
0x183: {  	[spmem:s2] =	stream.indirect.scatter.add.f32 [tilespmem:s20], [sflag:$0x5], $0x80, s7, s17, $0xb8;
	[tilespmem:$0x1D400] =	vst v63  }
0x184: {  	_ =	swait.ge [sflag:s15], $0x2800  }
0x185: {  	[sflag:s15] =	ssyncset.done $0x0  }
0x186: {  	s8 =	simm.s32 $0x980;
	[sflag:s15] =	ssyncadd.s32 $0xFFFFD800  }
0x187: {  	[tilespmem:s20], [sflag:$0x2] =	stream.indirect.gather [hbm4b:s1+s17], $0x80, s8, s17, $0xb8;
	[tilespmem:$0x1D400] =	vst v63  }
0x188: {  	_ =	swait.ge [sflag:s30], $0x2800  }
0x189: {  	[sflag:s30] =	ssyncset.done $0x0  }
0x18a: {  	s9 =	simm.s32 $0x1880;
	[sflag:s30] =	ssyncadd.s32 $0xFFFFD800  }
0x18b: {  	[spmem:s2] =	stream.indirect.scatter.add.f32 [tilespmem:s22], [sflag:$0x5], $0x80, s9, s17, $0xb8;
	[tilespmem:$0x1D400] =	vst v63  }
0x18c: {  	_ =	swait.ge [sflag:s15], $0x2800  }
0x18d: {  	[sflag:s15] =	ssyncset.done $0x0  }
0x18e: {  	s10 =	simm.s32 $0xA00;
	[sflag:s15] =	ssyncadd.s32 $0xFFFFD800  }
0x18f: {  	[tilespmem:s22], [sflag:$0x3] =	stream.indirect.gather [hbm4b:s1+s17], $0x80, s10, s17, $0xb8;
	[tilespmem:$0x1D400] =	vst v63  }
0x190: {  	_ =	swait.ge [sflag:s24], $0x2800  }
0x191: {  	[sflag:s24] =	ssyncset.done $0x0  }
0x192: {  	s11 =	simm.s32 $0x1900;
	[sflag:s24] =	ssyncadd.s32 $0xFFFFD800  }
0x193: {  	[spmem:s2] =	stream.indirect.scatter.add.f32 [tilespmem:s18], [sflag:$0x5], $0x80, s11, s17, $0xb8;
	[tilespmem:$0x1D400] =	vst v63  }
0x194: {  	_ =	swait.ge [sflag:s15], $0x2800  }
0x195: {  	[sflag:s15] =	ssyncset.done $0x0  }
0x196: {  	s14 =	simm.s32 $0xA80;
	[sflag:s15] =	ssyncadd.s32 $0xFFFFD800  }
0x197: {  	[tilespmem:s18], [sflag:$0x1] =	stream.indirect.gather [hbm4b:s1+s17], $0x80, s14, s17, $0xb8;
	[tilespmem:$0x1D400] =	vst v63  }
0x198: {  	_ =	swait.ge [sflag:s26], $0x2800  }
0x199: {  	[sflag:s26] =	ssyncset.done $0x0  }
0x19a: {  	s23 =	simm.s32 $0x1980;
	[sflag:s26] =	ssyncadd.s32 $0xFFFFD800  }
0x19b: {  	[spmem:s2] =	stream.indirect.scatter.add.f32 [tilespmem:s20], [sflag:$0x5], $0x80, s23, s17, $0xb8;
	[tilespmem:$0x1D400] =	vst v63  }
0x19c: {  	_ =	swait.ge [sflag:s15], $0x2800  }
0x19d: {  	[sflag:s15] =	ssyncset.done $0x0  }
0x19e: {  	s3 =	simm.s32 $0xB00;
	[sflag:s15] =	ssyncadd.s32 $0xFFFFD800  }
0x19f: {  	[tilespmem:s20], [sflag:$0x2] =	stream.indirect.gather [hbm4b:s1+s17], $0x80, s3, s17, $0xb8;
	[tilespmem:$0x1D400] =	vst v63  }
0x1a0: {  	_ =	swait.ge [sflag:s30], $0x2800  }
0x1a1: {  	[sflag:s30] =	ssyncset.done $0x0  }
0x1a2: {  	s7 =	simm.s32 $0x1A00;
	[sflag:s30] =	ssyncadd.s32 $0xFFFFD800  }
0x1a3: {  	[spmem:s2] =	stream.indirect.scatter.add.f32 [tilespmem:s22], [sflag:$0x5], $0x80, s7, s17, $0xb8;
	[tilespmem:$0x1D400] =	vst v63  }
0x1a4: {  	_ =	swait.ge [sflag:s15], $0x2800  }
0x1a5: {  	[sflag:s15] =	ssyncset.done $0x0  }
0x1a6: {  	s8 =	simm.s32 $0xB80;
	[sflag:s15] =	ssyncadd.s32 $0xFFFFD800  }
0x1a7: {  	[tilespmem:s22], [sflag:$0x3] =	stream.indirect.gather [hbm4b:s1+s17], $0x80, s8, s17, $0xb8;
	[tilespmem:$0x1D400] =	vst v63  }
0x1a8: {  	_ =	swait.ge [sflag:s24], $0x2800  }
0x1a9: {  	[sflag:s24] =	ssyncset.done $0x0  }
0x1aa: {  	s9 =	simm.s32 $0x1A80;
	[sflag:s24] =	ssyncadd.s32 $0xFFFFD800  }
0x1ab: {  	[spmem:s2] =	stream.indirect.scatter.add.f32 [tilespmem:s18], [sflag:$0x5], $0x80, s9, s17, $0xb8;
	[tilespmem:$0x1D400] =	vst v63  }
0x1ac: {  	_ =	swait.ge [sflag:s15], $0x2800  }
0x1ad: {  	[sflag:s15] =	ssyncset.done $0x0  }
0x1ae: {  	s10 =	simm.s32 $0xC00;
	[sflag:s15] =	ssyncadd.s32 $0xFFFFD800  }
0x1af: {  	[tilespmem:s18], [sflag:$0x1] =	stream.indirect.gather [hbm4b:s1+s17], $0x80, s10, s17, $0xb8;
	[tilespmem:$0x1D400] =	vst v63  }
0x1b0: {  	_ =	swait.ge [sflag:s26], $0x2800  }
0x1b1: {  	[sflag:s26] =	ssyncset.done $0x0  }
0x1b2: {  	s11 =	simm.s32 $0x1B00;
	[sflag:s26] =	ssyncadd.s32 $0xFFFFD800  }
0x1b3: {  	[spmem:s2] =	stream.indirect.scatter.add.f32 [tilespmem:s20], [sflag:$0x5], $0x80, s11, s17, $0xb8;
	[tilespmem:$0x1D400] =	vst v63  }
0x1b4: {  	_ =	swait.ge [sflag:s15], $0x2800  }
0x1b5: {  	[sflag:s15] =	ssyncset.done $0x0  }
0x1b6: {  	[sflag:s15] =	ssyncadd.s32 $0xFFFFD800  }
0x1b7: {  	_ =	swait.ge [sflag:s30], $0x2800  }
0x1b8: {  	s0 =	simm.s32 $0xB80;
	[sflag:s30] =	ssyncset.done $0x0  }
0x1b9: {  	s28 =	simm.s32 $0x1980;
	s14 =	simm.s32 $0x1B80;
	[sflag:s30] =	ssyncadd.s32 $0xFFFFD800  }
0x1ba: {  	[spmem:s2] =	stream.indirect.scatter.add.f32 [tilespmem:s22], [sflag:$0x5], $0x80, s14, s17, $0xb8;
	[tilespmem:$0x1D400] =	vst v63  }
0x1bb: {  	s29 =	simm.s32 $0xB00;
	s31 =	simm.s32 $0x1A00;
	_ =	swait.ge [sflag:s15], $0x2800  }
0x1bc: {  	s12 =	simm.s32 $0x980;
	s13 =	simm.s32 $0x1880;
	[sflag:s15] =	ssyncset.done $0x0  }
0x1bd: {  	s19 =	simm.s32 $0xA00;
	s21 =	simm.s32 $0x1900;
	[sflag:s15] =	ssyncadd.s32 $0xFFFFD800  }
0x1be: {  	s25 =	simm.s32 $0xA80;
	s23 =	simm.s32 $0x1C00;
	_ =	swait.ge [sflag:s24], $0x2800  }
0x1bf: {  	s3 =	simm.s32 $0x1A80;
	s7 =	simm.s32 $0xC00;
	[sflag:s24] =	ssyncset.done $0x0  }
0x1c0: {  	s8 =	simm.s32 $0x1000;
	s9 =	simm.s32 $0x1B00;
	[sflag:s24] =	ssyncadd.s32 $0xFFFFD800  }
0x1c1: {  	[spmem:s2] =	stream.indirect.scatter.add.f32 [tilespmem:s18], [sflag:$0x5], $0x80, s23, s17, $0xb8;
	[tilespmem:$0x1D400] =	vst v63  }
0x1c2: {  	s10 =	simm.s32 $0x1B80;
	s11 =	simm.s32 $0x1C00;
	_ =	swait.ge [sflag:s15], $0x2800  }
.LBB2_2:
0x1c3: {  	s23 =	rddreg [dreg:$0x4];
	s14 =	smov.u32 s8  }
0x1c4: {  	s14 =	sadd.s32 s14, s23  }
0x1c5: {  	[sflag:s15] =	ssyncset.done $0x0;
	s14 =	sshrl.u32 s14, $0x3  }
0x1c6: {  	[sflag:s15] =	ssyncadd.s32 $0xFFFFD800;
	s23 =	sadd.s32 s5, s14  }
0x1c7: {  	[tilespmem:s4], [sflag:$0x5] =	stream.linear.gather [hbm4b:s23+s4], $0xC80, $0x38;
	[tilespmem:$0x1D400] =	vst v63  }
0x1c8: {  	_ =	swait.ge [sflag:s15], $0xC80  }
0x1c9: {  	[sflag:s15] =	ssyncset.done $0x0  }
0x1ca: {  	s14 =	sadd.s32 s6, s14;
	[sflag:s15] =	ssyncadd.s32 $0xFFFFF380  }
0x1cb: {  	[tilespmem:s16], [sflag:$0x5] =	stream.linear.gather [hbm4b:s14+s4], $0xC80, $0x38;
	[tilespmem:$0x1D400] =	vst v63  }
0x1cc: {  	_ =	swait.ge [sflag:s15], $0xC80  }
0x1cd: {  	[sflag:s15] =	ssyncset.done $0x0  }
0x1ce: {  	[sflag:s15] =	ssyncadd.s32 $0xFFFFF380  }
0x1cf: {  	[tilespmem:s18], [sflag:$0x1] =	stream.indirect.gather [hbm4b:s1+s17], $0x80, s4, s17, $0xb8;
	[tilespmem:$0x1D400] =	vst v63  }
0x1d0: {  	s23 =	simm.s32 $0x80  }
0x1d1: {  	[tilespmem:s20], [sflag:$0x2] =	stream.indirect.gather [hbm4b:s1+s17], $0x80, s23, s17, $0xb8;
	[tilespmem:$0x1D400] =	vst v63  }
0x1d2: {  	s23 =	simm.s32 $0x100  }
0x1d3: {  	[tilespmem:s22], [sflag:$0x3] =	stream.indirect.gather [hbm4b:s1+s17], $0x80, s23, s17, $0xb8;
	[tilespmem:$0x1D400] =	vst v63  }
0x1d4: {  	_ =	swait.ge [sflag:s24], $0x2800  }
0x1d5: {  	[sflag:s24] =	ssyncset.done $0x0  }
0x1d6: {  	[sflag:s24] =	ssyncadd.s32 $0xFFFFD800  }
0x1d7: {  	[spmem:s2] =	stream.indirect.scatter.add.f32 [tilespmem:s18], [sflag:$0x5], $0x80, s16, s17, $0xb8;
	[tilespmem:$0x1D400] =	vst v63  }
0x1d8: {  	_ =	swait.ge [sflag:s15], $0x2800  }
0x1d9: {  	[sflag:s15] =	ssyncset.done $0x0  }
0x1da: {  	s23 =	simm.s32 $0x180;
	[sflag:s15] =	ssyncadd.s32 $0xFFFFD800  }
0x1db: {  	[tilespmem:s18], [sflag:$0x1] =	stream.indirect.gather [hbm4b:s1+s17], $0x80, s23, s17, $0xb8;
	[tilespmem:$0x1D400] =	vst v63  }
0x1dc: {  	_ =	swait.ge [sflag:s26], $0x2800  }
0x1dd: {  	[sflag:s26] =	ssyncset.done $0x0  }
0x1de: {  	s23 =	simm.s32 $0x1080;
	[sflag:s26] =	ssyncadd.s32 $0xFFFFD800  }
0x1df: {  	[spmem:s2] =	stream.indirect.scatter.add.f32 [tilespmem:s20], [sflag:$0x5], $0x80, s23, s17, $0xb8;
	[tilespmem:$0x1D400] =	vst v63  }
0x1e0: {  	_ =	swait.ge [sflag:s15], $0x2800  }
0x1e1: {  	[sflag:s15] =	ssyncset.done $0x0  }
0x1e2: {  	s23 =	simm.s32 $0x200;
	[sflag:s15] =	ssyncadd.s32 $0xFFFFD800  }
0x1e3: {  	[tilespmem:s20], [sflag:$0x2] =	stream.indirect.gather [hbm4b:s1+s17], $0x80, s23, s17, $0xb8;
	[tilespmem:$0x1D400] =	vst v63  }
0x1e4: {  	_ =	swait.ge [sflag:s30], $0x2800  }
0x1e5: {  	[sflag:s30] =	ssyncset.done $0x0  }
0x1e6: {  	s23 =	simm.s32 $0x1100;
	[sflag:s30] =	ssyncadd.s32 $0xFFFFD800  }
0x1e7: {  	[spmem:s2] =	stream.indirect.scatter.add.f32 [tilespmem:s22], [sflag:$0x5], $0x80, s23, s17, $0xb8;
	[tilespmem:$0x1D400] =	vst v63  }
0x1e8: {  	_ =	swait.ge [sflag:s15], $0x2800  }
0x1e9: {  	[sflag:s15] =	ssyncset.done $0x0  }
0x1ea: {  	s23 =	simm.s32 $0x280;
	[sflag:s15] =	ssyncadd.s32 $0xFFFFD800  }
0x1eb: {  	[tilespmem:s22], [sflag:$0x3] =	stream.indirect.gather [hbm4b:s1+s17], $0x80, s23, s17, $0xb8;
	[tilespmem:$0x1D400] =	vst v63  }
0x1ec: {  	_ =	swait.ge [sflag:s24], $0x2800  }
0x1ed: {  	[sflag:s24] =	ssyncset.done $0x0  }
0x1ee: {  	s23 =	simm.s32 $0x1180;
	[sflag:s24] =	ssyncadd.s32 $0xFFFFD800  }
0x1ef: {  	[spmem:s2] =	stream.indirect.scatter.add.f32 [tilespmem:s18], [sflag:$0x5], $0x80, s23, s17, $0xb8;
	[tilespmem:$0x1D400] =	vst v63  }
0x1f0: {  	_ =	swait.ge [sflag:s15], $0x2800  }
0x1f1: {  	[sflag:s15] =	ssyncset.done $0x0  }
0x1f2: {  	s23 =	simm.s32 $0x300;
	[sflag:s15] =	ssyncadd.s32 $0xFFFFD800  }
0x1f3: {  	[tilespmem:s18], [sflag:$0x1] =	stream.indirect.gather [hbm4b:s1+s17], $0x80, s23, s17, $0xb8;
	[tilespmem:$0x1D400] =	vst v63  }
0x1f4: {  	_ =	swait.ge [sflag:s26], $0x2800  }
0x1f5: {  	[sflag:s26] =	ssyncset.done $0x0  }
0x1f6: {  	s23 =	simm.s32 $0x1200;
	[sflag:s26] =	ssyncadd.s32 $0xFFFFD800  }
0x1f7: {  	[spmem:s2] =	stream.indirect.scatter.add.f32 [tilespmem:s20], [sflag:$0x5], $0x80, s23, s17, $0xb8;
	[tilespmem:$0x1D400] =	vst v63  }
0x1f8: {  	_ =	swait.ge [sflag:s15], $0x2800  }
0x1f9: {  	[sflag:s15] =	ssyncset.done $0x0  }
0x1fa: {  	s23 =	simm.s32 $0x380;
	[sflag:s15] =	ssyncadd.s32 $0xFFFFD800  }
0x1fb: {  	[tilespmem:s20], [sflag:$0x2] =	stream.indirect.gather [hbm4b:s1+s17], $0x80, s23, s17, $0xb8;
	[tilespmem:$0x1D400] =	vst v63  }
0x1fc: {  	_ =	swait.ge [sflag:s30], $0x2800  }
0x1fd: {  	[sflag:s30] =	ssyncset.done $0x0  }
0x1fe: {  	s23 =	simm.s32 $0x1280;
	[sflag:s30] =	ssyncadd.s32 $0xFFFFD800  }
0x1ff: {  	[spmem:s2] =	stream.indirect.scatter.add.f32 [tilespmem:s22], [sflag:$0x5], $0x80, s23, s17, $0xb8;
	[tilespmem:$0x1D400] =	vst v63  }
0x200: {  	_ =	swait.ge [sflag:s15], $0x2800  }
0x201: {  	[sflag:s15] =	ssyncset.done $0x0  }
0x202: {  	s23 =	simm.s32 $0x400;
	[sflag:s15] =	ssyncadd.s32 $0xFFFFD800  }
0x203: {  	[tilespmem:s22], [sflag:$0x3] =	stream.indirect.gather [hbm4b:s1+s17], $0x80, s23, s17, $0xb8;
	[tilespmem:$0x1D400] =	vst v63  }
0x204: {  	_ =	swait.ge [sflag:s24], $0x2800  }
0x205: {  	[sflag:s24] =	ssyncset.done $0x0  }
0x206: {  	s23 =	simm.s32 $0x1300;
	[sflag:s24] =	ssyncadd.s32 $0xFFFFD800  }
0x207: {  	[spmem:s2] =	stream.indirect.scatter.add.f32 [tilespmem:s18], [sflag:$0x5], $0x80, s23, s17, $0xb8;
	[tilespmem:$0x1D400] =	vst v63  }
0x208: {  	_ =	swait.ge [sflag:s15], $0x2800  }
0x209: {  	[sflag:s15] =	ssyncset.done $0x0  }
0x20a: {  	s23 =	simm.s32 $0x480;
	[sflag:s15] =	ssyncadd.s32 $0xFFFFD800  }
0x20b: {  	[tilespmem:s18], [sflag:$0x1] =	stream.indirect.gather [hbm4b:s1+s17], $0x80, s23, s17, $0xb8;
	[tilespmem:$0x1D400] =	vst v63  }
0x20c: {  	_ =	swait.ge [sflag:s26], $0x2800  }
0x20d: {  	[sflag:s26] =	ssyncset.done $0x0  }
0x20e: {  	s23 =	simm.s32 $0x1380;
	[sflag:s26] =	ssyncadd.s32 $0xFFFFD800  }
0x20f: {  	[spmem:s2] =	stream.indirect.scatter.add.f32 [tilespmem:s20], [sflag:$0x5], $0x80, s23, s17, $0xb8;
	[tilespmem:$0x1D400] =	vst v63  }
0x210: {  	_ =	swait.ge [sflag:s15], $0x2800  }
0x211: {  	[sflag:s15] =	ssyncset.done $0x0  }
0x212: {  	s23 =	simm.s32 $0x500;
	[sflag:s15] =	ssyncadd.s32 $0xFFFFD800  }
0x213: {  	[tilespmem:s20], [sflag:$0x2] =	stream.indirect.gather [hbm4b:s1+s17], $0x80, s23, s17, $0xb8;
	[tilespmem:$0x1D400] =	vst v63  }
0x214: {  	_ =	swait.ge [sflag:s30], $0x2800  }
0x215: {  	[sflag:s30] =	ssyncset.done $0x0  }
0x216: {  	s23 =	simm.s32 $0x1400;
	[sflag:s30] =	ssyncadd.s32 $0xFFFFD800  }
0x217: {  	[spmem:s2] =	stream.indirect.scatter.add.f32 [tilespmem:s22], [sflag:$0x5], $0x80, s23, s17, $0xb8;
	[tilespmem:$0x1D400] =	vst v63  }
0x218: {  	_ =	swait.ge [sflag:s15], $0x2800  }
0x219: {  	[sflag:s15] =	ssyncset.done $0x0  }
0x21a: {  	s23 =	simm.s32 $0x580;
	[sflag:s15] =	ssyncadd.s32 $0xFFFFD800  }
0x21b: {  	[tilespmem:s22], [sflag:$0x3] =	stream.indirect.gather [hbm4b:s1+s17], $0x80, s23, s17, $0xb8;
	[tilespmem:$0x1D400] =	vst v63  }
0x21c: {  	_ =	swait.ge [sflag:s24], $0x2800  }
0x21d: {  	[sflag:s24] =	ssyncset.done $0x0  }
0x21e: {  	s23 =	simm.s32 $0x1480;
	[sflag:s24] =	ssyncadd.s32 $0xFFFFD800  }
0x21f: {  	[spmem:s2] =	stream.indirect.scatter.add.f32 [tilespmem:s18], [sflag:$0x5], $0x80, s23, s17, $0xb8;
	[tilespmem:$0x1D400] =	vst v63  }
0x220: {  	_ =	swait.ge [sflag:s15], $0x2800  }
0x221: {  	[sflag:s15] =	ssyncset.done $0x0  }
0x222: {  	s23 =	simm.s32 $0x600;
	[sflag:s15] =	ssyncadd.s32 $0xFFFFD800  }
0x223: {  	[tilespmem:s18], [sflag:$0x1] =	stream.indirect.gather [hbm4b:s1+s17], $0x80, s23, s17, $0xb8;
	[tilespmem:$0x1D400] =	vst v63  }
0x224: {  	_ =	swait.ge [sflag:s26], $0x2800  }
0x225: {  	[sflag:s26] =	ssyncset.done $0x0  }
0x226: {  	s23 =	simm.s32 $0x1500;
	[sflag:s26] =	ssyncadd.s32 $0xFFFFD800  }
0x227: {  	[spmem:s2] =	stream.indirect.scatter.add.f32 [tilespmem:s20], [sflag:$0x5], $0x80, s23, s17, $0xb8;
	[tilespmem:$0x1D400] =	vst v63  }
0x228: {  	_ =	swait.ge [sflag:s15], $0x2800  }
0x229: {  	[sflag:s15] =	ssyncset.done $0x0  }
0x22a: {  	s23 =	simm.s32 $0x680;
	[sflag:s15] =	ssyncadd.s32 $0xFFFFD800  }
0x22b: {  	[tilespmem:s20], [sflag:$0x2] =	stream.indirect.gather [hbm4b:s1+s17], $0x80, s23, s17, $0xb8;
	[tilespmem:$0x1D400] =	vst v63  }
0x22c: {  	_ =	swait.ge [sflag:s30], $0x2800  }
0x22d: {  	[sflag:s30] =	ssyncset.done $0x0  }
0x22e: {  	s23 =	simm.s32 $0x1580;
	[sflag:s30] =	ssyncadd.s32 $0xFFFFD800  }
0x22f: {  	[spmem:s2] =	stream.indirect.scatter.add.f32 [tilespmem:s22], [sflag:$0x5], $0x80, s23, s17, $0xb8;
	[tilespmem:$0x1D400] =	vst v63  }
0x230: {  	_ =	swait.ge [sflag:s15], $0x2800  }
0x231: {  	[sflag:s15] =	ssyncset.done $0x0  }
0x232: {  	s23 =	simm.s32 $0x700;
	[sflag:s15] =	ssyncadd.s32 $0xFFFFD800  }
0x233: {  	[tilespmem:s22], [sflag:$0x3] =	stream.indirect.gather [hbm4b:s1+s17], $0x80, s23, s17, $0xb8;
	[tilespmem:$0x1D400] =	vst v63  }
0x234: {  	_ =	swait.ge [sflag:s24], $0x2800  }
0x235: {  	[sflag:s24] =	ssyncset.done $0x0  }
0x236: {  	s23 =	simm.s32 $0x1600;
	[sflag:s24] =	ssyncadd.s32 $0xFFFFD800  }
0x237: {  	[spmem:s2] =	stream.indirect.scatter.add.f32 [tilespmem:s18], [sflag:$0x5], $0x80, s23, s17, $0xb8;
	[tilespmem:$0x1D400] =	vst v63  }
0x238: {  	_ =	swait.ge [sflag:s15], $0x2800  }
0x239: {  	[sflag:s15] =	ssyncset.done $0x0  }
0x23a: {  	s23 =	simm.s32 $0x780;
	[sflag:s15] =	ssyncadd.s32 $0xFFFFD800  }
0x23b: {  	[tilespmem:s18], [sflag:$0x1] =	stream.indirect.gather [hbm4b:s1+s17], $0x80, s23, s17, $0xb8;
	[tilespmem:$0x1D400] =	vst v63  }
0x23c: {  	_ =	swait.ge [sflag:s26], $0x2800  }
0x23d: {  	[sflag:s26] =	ssyncset.done $0x0  }
0x23e: {  	s23 =	simm.s32 $0x1680;
	[sflag:s26] =	ssyncadd.s32 $0xFFFFD800  }
0x23f: {  	[spmem:s2] =	stream.indirect.scatter.add.f32 [tilespmem:s20], [sflag:$0x5], $0x80, s23, s17, $0xb8;
	[tilespmem:$0x1D400] =	vst v63  }
0x240: {  	_ =	swait.ge [sflag:s15], $0x2800  }
0x241: {  	[sflag:s15] =	ssyncset.done $0x0  }
0x242: {  	s23 =	simm.s32 $0x800;
	[sflag:s15] =	ssyncadd.s32 $0xFFFFD800  }
0x243: {  	[tilespmem:s20], [sflag:$0x2] =	stream.indirect.gather [hbm4b:s1+s17], $0x80, s23, s17, $0xb8;
	[tilespmem:$0x1D400] =	vst v63  }
0x244: {  	_ =	swait.ge [sflag:s30], $0x2800  }
0x245: {  	[sflag:s30] =	ssyncset.done $0x0  }
0x246: {  	s23 =	simm.s32 $0x1700;
	[sflag:s30] =	ssyncadd.s32 $0xFFFFD800  }
0x247: {  	[spmem:s2] =	stream.indirect.scatter.add.f32 [tilespmem:s22], [sflag:$0x5], $0x80, s23, s17, $0xb8;
	[tilespmem:$0x1D400] =	vst v63  }
0x248: {  	_ =	swait.ge [sflag:s15], $0x2800  }
0x249: {  	[sflag:s15] =	ssyncset.done $0x0  }
0x24a: {  	s23 =	simm.s32 $0x880;
	[sflag:s15] =	ssyncadd.s32 $0xFFFFD800  }
0x24b: {  	[tilespmem:s22], [sflag:$0x3] =	stream.indirect.gather [hbm4b:s1+s17], $0x80, s23, s17, $0xb8;
	[tilespmem:$0x1D400] =	vst v63  }
0x24c: {  	_ =	swait.ge [sflag:s24], $0x2800  }
0x24d: {  	[sflag:s24] =	ssyncset.done $0x0  }
0x24e: {  	s23 =	simm.s32 $0x1780;
	[sflag:s24] =	ssyncadd.s32 $0xFFFFD800  }
0x24f: {  	[spmem:s2] =	stream.indirect.scatter.add.f32 [tilespmem:s18], [sflag:$0x5], $0x80, s23, s17, $0xb8;
	[tilespmem:$0x1D400] =	vst v63  }
0x250: {  	_ =	swait.ge [sflag:s15], $0x2800  }
0x251: {  	[sflag:s15] =	ssyncset.done $0x0  }
0x252: {  	s23 =	simm.s32 $0x900;
	[sflag:s15] =	ssyncadd.s32 $0xFFFFD800  }
0x253: {  	[tilespmem:s18], [sflag:$0x1] =	stream.indirect.gather [hbm4b:s1+s17], $0x80, s23, s17, $0xb8;
	[tilespmem:$0x1D400] =	vst v63  }
0x254: {  	_ =	swait.ge [sflag:s26], $0x2800  }
0x255: {  	[sflag:s26] =	ssyncset.done $0x0  }
0x256: {  	s23 =	simm.s32 $0x1800;
	[sflag:s26] =	ssyncadd.s32 $0xFFFFD800  }
0x257: {  	[spmem:s2] =	stream.indirect.scatter.add.f32 [tilespmem:s20], [sflag:$0x5], $0x80, s23, s17, $0xb8;
	[tilespmem:$0x1D400] =	vst v63  }
0x258: {  	_ =	swait.ge [sflag:s15], $0x2800  }
0x259: {  	[sflag:s15] =	ssyncset.done $0x0  }
0x25a: {  	[sflag:s15] =	ssyncadd.s32 $0xFFFFD800  }
0x25b: {  	[tilespmem:s20], [sflag:$0x2] =	stream.indirect.gather [hbm4b:s1+s17], $0x80, s12, s17, $0xb8;
	[tilespmem:$0x1D400] =	vst v63  }
0x25c: {  	_ =	swait.ge [sflag:s30], $0x2800  }
0x25d: {  	[sflag:s30] =	ssyncset.done $0x0  }
0x25e: {  	[sflag:s30] =	ssyncadd.s32 $0xFFFFD800  }
0x25f: {  	[spmem:s2] =	stream.indirect.scatter.add.f32 [tilespmem:s22], [sflag:$0x5], $0x80, s13, s17, $0xb8;
	[tilespmem:$0x1D400] =	vst v63  }
0x260: {  	_ =	swait.ge [sflag:s15], $0x2800  }
0x261: {  	[sflag:s15] =	ssyncset.done $0x0  }
0x262: {  	[sflag:s15] =	ssyncadd.s32 $0xFFFFD800  }
0x263: {  	[tilespmem:s22], [sflag:$0x3] =	stream.indirect.gather [hbm4b:s1+s17], $0x80, s19, s17, $0xb8;
	[tilespmem:$0x1D400] =	vst v63  }
0x264: {  	_ =	swait.ge [sflag:s24], $0x2800  }
0x265: {  	[sflag:s24] =	ssyncset.done $0x0  }
0x266: {  	[sflag:s24] =	ssyncadd.s32 $0xFFFFD800  }
0x267: {  	[spmem:s2] =	stream.indirect.scatter.add.f32 [tilespmem:s18], [sflag:$0x5], $0x80, s21, s17, $0xb8;
	[tilespmem:$0x1D400] =	vst v63  }
0x268: {  	_ =	swait.ge [sflag:s15], $0x2800  }
0x269: {  	[sflag:s15] =	ssyncset.done $0x0  }
0x26a: {  	[sflag:s15] =	ssyncadd.s32 $0xFFFFD800  }
0x26b: {  	[tilespmem:s18], [sflag:$0x1] =	stream.indirect.gather [hbm4b:s1+s17], $0x80, s25, s17, $0xb8;
	[tilespmem:$0x1D400] =	vst v63  }
0x26c: {  	_ =	swait.ge [sflag:s26], $0x2800  }
0x26d: {  	[sflag:s26] =	ssyncset.done $0x0  }
0x26e: {  	[sflag:s26] =	ssyncadd.s32 $0xFFFFD800  }
0x26f: {  	[spmem:s2] =	stream.indirect.scatter.add.f32 [tilespmem:s20], [sflag:$0x5], $0x80, s28, s17, $0xb8;
	[tilespmem:$0x1D400] =	vst v63  }
0x270: {  	_ =	swait.ge [sflag:s15], $0x2800  }
0x271: {  	[sflag:s15] =	ssyncset.done $0x0  }
0x272: {  	[sflag:s15] =	ssyncadd.s32 $0xFFFFD800  }
0x273: {  	[tilespmem:s20], [sflag:$0x2] =	stream.indirect.gather [hbm4b:s1+s17], $0x80, s29, s17, $0xb8;
	[tilespmem:$0x1D400] =	vst v63  }
0x274: {  	_ =	swait.ge [sflag:s30], $0x2800  }
0x275: {  	[sflag:s30] =	ssyncset.done $0x0  }
0x276: {  	[sflag:s30] =	ssyncadd.s32 $0xFFFFD800  }
0x277: {  	[spmem:s2] =	stream.indirect.scatter.add.f32 [tilespmem:s22], [sflag:$0x5], $0x80, s31, s17, $0xb8;
	[tilespmem:$0x1D400] =	vst v63  }
0x278: {  	_ =	swait.ge [sflag:s15], $0x2800  }
0x279: {  	[sflag:s15] =	ssyncset.done $0x0  }
0x27a: {  	[sflag:s15] =	ssyncadd.s32 $0xFFFFD800  }
0x27b: {  	[tilespmem:s22], [sflag:$0x3] =	stream.indirect.gather [hbm4b:s1+s17], $0x80, s0, s17, $0xb8;
	[tilespmem:$0x1D400] =	vst v63  }
0x27c: {  	_ =	swait.ge [sflag:s24], $0x2800  }
0x27d: {  	[sflag:s24] =	ssyncset.done $0x0  }
0x27e: {  	[sflag:s24] =	ssyncadd.s32 $0xFFFFD800  }
0x27f: {  	[spmem:s2] =	stream.indirect.scatter.add.f32 [tilespmem:s18], [sflag:$0x5], $0x80, s3, s17, $0xb8;
	[tilespmem:$0x1D400] =	vst v63  }
0x280: {  	_ =	swait.ge [sflag:s15], $0x2800  }
0x281: {  	[sflag:s15] =	ssyncset.done $0x0  }
0x282: {  	[sflag:s15] =	ssyncadd.s32 $0xFFFFD800  }
0x283: {  	[tilespmem:s18], [sflag:$0x1] =	stream.indirect.gather [hbm4b:s1+s17], $0x80, s7, s17, $0xb8;
	[tilespmem:$0x1D400] =	vst v63  }
0x284: {  	_ =	swait.ge [sflag:s26], $0x2800  }
0x285: {  	[sflag:s26] =	ssyncset.done $0x0  }
0x286: {  	[sflag:s26] =	ssyncadd.s32 $0xFFFFD800  }
0x287: {  	[spmem:s2] =	stream.indirect.scatter.add.f32 [tilespmem:s20], [sflag:$0x5], $0x80, s9, s17, $0xb8;
	[tilespmem:$0x1D400] =	vst v63  }
0x288: {  	_ =	swait.ge [sflag:s15], $0x2800  }
0x289: {  	[sflag:s15] =	ssyncset.done $0x0  }
0x28a: {  	[sflag:s15] =	ssyncadd.s32 $0xFFFFD800  }
0x28b: {  	_ =	swait.ge [sflag:s30], $0x2800  }
0x28c: {  	[sflag:s30] =	ssyncset.done $0x0  }
0x28d: {  	[sflag:s30] =	ssyncadd.s32 $0xFFFFD800  }
0x28e: {  	[spmem:s2] =	stream.indirect.scatter.add.f32 [tilespmem:s22], [sflag:$0x5], $0x80, s10, s17, $0xb8;
	[tilespmem:$0x1D400] =	vst v63  }
0x28f: {  	_ =	swait.ge [sflag:s15], $0x2800  }
0x290: {  	[sflag:s15] =	ssyncset.done $0x0  }
0x291: {  	p0 =	sne.s32 s8, $0x3000;
	[sflag:s15] =	ssyncadd.s32 $0xFFFFD800  }
.Ltmp0:
0x292: {  	_ =	swait.ge [sflag:s24], $0x2800;
	(pc) =	sbr.rel @p0 .LBB2_2-.Ltmp0, $4  }
0x293: {  	[sflag:s24] =	ssyncset.done $0x0  }
0x294: {  	[sflag:s24] =	ssyncadd.s32 $0xFFFFD800  }
0x295: {  	[spmem:s2] =	stream.indirect.scatter.add.f32 [tilespmem:s18], [sflag:$0x5], $0x80, s11, s17, $0xb8;
	[tilespmem:$0x1D400] =	vst v63  }
0x296: {  	s8 =	sadd.s32 $0x1000, s8;
	_ =	swait.ge [sflag:s15], $0x2800  }
0x297: {  	[sflag:s15] =	ssyncset.done $0x0  }
0x298: {  	[sflag:s15] =	ssyncadd.s32 $0xFFFFD800  }
0x299: {  	[bflag:$0x0] =	sbarrier.arrive $0xFFFF  }
0x29a: {  	s8 =	rddreg [dreg:$0x6]  }
0x29b: {  	s14 =	rddreg [dreg:$0xa]  }
0x29c: {  	s23 =	rddreg [dreg:$0xc];
	s8 =	sor.u32 $0x1C05, s8  }
0x29d: {  	[hbm:s14], [sflag:s8] =	dma.local [spmem:s23], $0x2780  }
0x29e: {  	_ =	swait.ge [sflag:s15], $0x2780  }
0x29f: {  	s0 =	rddreg [dreg:$0xd]  }
0x2a0: {  	s31 =	rddreg [dreg:$0xb];
	s0 =	sadd.s32 $0x1, s0  }
0x2a1: {  	p0 =	sne.s32 s0, s31  }
.Ltmp1:
0x2a2: {  	_ = 	snop;
	(pc) =	sbr.rel @p0 .LBB2_1-.Ltmp1, $3  }
0x2a3: {  	_ =	sdelay $0x1  }
0x2a4: {  	[sflag:s15] =	ssyncset.done $0x0  }
0x2a5: {  	[sflag:s15] =	ssyncadd.s32 $0xFFFFD880  }
0x2a6: {  	_ =	sfence.sel $0x180000  }
0x2a7: {  	[bflag:$0x0] =	sbarrier.arrive $0xFFFF  }
0x2a8: {  	_ =	strace $0x9000004D  }
0x2a9: {  	s0 =	stileid.u32;
	[bflag:$0x2] =	sbarrier.arrive $0xFFFF  }
0x2aa: {  	p0 =	sne.s32 s0, $0x0;
	s0 =	rddreg [dreg:$0x3]  }
0x2ab: {  	s0 =	sadd.s32 @!p0 $0x100000, s0  }
0x2ac: {  	[sflag:s0] =	ssyncadd.tile.s32 @!p0 $0x1;
	_ =	shalt  }
.Lfunc_end2:
_tile_overlayer_lowered:
.L_overlay_start_2:
0x2ad: {  	(tag) =	ssettag $0x2  }
0x2ae: {  	s0 =	rddreg [dreg:$0x0];
	s2 =	stileid.u32  }
0x2af: {  	s1 =	rddreg [dreg:$0x1];
	p0 =	sne.s32 s2, $0x0  }
0x2b0: {  	s3 =	rddreg [dreg:$0x2];
	[bflag:$0x3] =	sbarrier.arrive $0xFFFF;
	s2 =	simm.s32 @!p0 $0x1C05  }
0x2b1: {  	[timem:s3], [sflag:s2] =	dma.local @!p0 [hbm:s0], s1  }
0x2b2: {  	s0 =	simm.s32 @!p0 $0x5  }
0x2b3: {  	_ =	swait.ge @!p0 [sflag:s0], s1  }
0x2b4: {  	s1 =	ssub.s32 @!p0 $0x0, s1;
	[sflag:s0] =	ssyncset.done @!p0 $0x0  }
0x2b5: {  	[sflag:s0] =	ssyncadd.s32 @!p0 s1  }
0x2b6: {  	[bflag:$0x3] =	sbarrier.arrive $0xFFFF  }
0x2b7: {  	_ =	shalt  }

// kernel: kernel.8.cloned.1.call-start
scs
__scs_entry_jumppad:
0x0: {  	(pc) =	sbr.rel $0x88, $3  }
0x1: {  	(tag) =	ssettag $0x0;
	lr =	simm.s32 $0x1  }
0x2: {  	[smem:$0x3F8E] =	sst lr;
	_ =	strace $0xD0000000  }
0x3: {  	_ = 	snop  }
0x4: {  	_ = 	snop  }
0x5: {  	_ = 	snop  }
0x6: {  	_ = 	snop  }
0x7: {  	_ = 	snop  }
__scs_overlays_trampoline_lowered:
0x8: {  	[smem:$0x3F9D] =	sst s0  }
0x9: {  	[smem:$0x3F9E] =	sst s1  }
0xa: {  	[smem:$0x3F9F] =	sst s2  }
0xb: {  	[smem:$0x3FA0] =	sst s3  }
0xc: {  	[smem:$0x3FA1] =	sst s4  }
0xd: {  	[smem:$0x3FA2] =	sst s5  }
0xe: {  	[smem:$0x3FA3] =	sst s6  }
0xf: {  	[smem:$0x3FA4] =	sst s7  }
0x10: {  	[smem:$0x3FA5] =	sst s8  }
0x11: {  	[smem:$0x3FA6] =	sst s9;
	s0 =	simm.s32 @!p0 $0x0  }
0x12: {  	s1 =	sld [smem:$0x3F8C];
	s0 =	simm.s32 @p0 $0x1  }
0x13: {  	[smem:$0x3FA7] =	sst s0;
	s0 =	simm.s32 @!p1 $0x0  }
0x14: {  	s2 =	sld [smem:$0x3F8B];
	s0 =	simm.s32 @p1 $0x1  }
0x15: {  	[smem:$0x3FA8] =	sst s0;
	s0 =	simm.s32 @!p2 $0x0  }
0x16: {  	s3 =	sld [smem:$0x3FDB];
	s0 =	simm.s32 @p2 $0x1  }
0x17: {  	s4 =	simm.s32 $0x1BF5;
	[smem:$0x3FAA] =	sst s0  }
0x18: {  	s0 =	sld [smem:$0x3F8D];
	_ =	swait.ge [sflag:s4], $0x0  }
0x19: {  	s7 =	sld [smem:$0x3F8E]  }
0x1a: {  	s8 =	sadd.s32 $0xFFFFE003, lr  }
0x1b: {  	s9 =	sadd.s32 $0xFFFFFEF7, lr;
	s5 =	simm.s32 $0xFFFFFFFF;
	p2 =	slt.u32 s8, $0xFFFFF086  }
0x1c: {  	p1 =	slt.u32 s9, $0xF7A;
	s5 =	simm.s32 @!p2 $0x0  }
0x1d: {  	s5 =	simm.s32 @p1 $0x1;
	p0 =	seq.s32 s7, s2  }
0x1e: {  	s7 =	smul.u32 @!p0 $0xF7A, s2;
	p2 =	seq.s32 @!p0 s5, $0x0  }
0x1f: {  	s9 =	smul.u32 $0xF7A, s1;
	s8 =	simm.s32 @!p0 $0x1BF5;
	p2 =	por !p2, p0  }
0x20: {  	[sflag:s8] =	ssyncset.s32 @!p0 $0xFFFFF086;
	s6 =	sadd.s32 @!p0 s3, s7;
	s7 =	simm.s32 @!p0 $0x108  }
0x21: {  	s3 =	sadd.s32 s3, s9;
	s6 =	sadd.s32 @!p0 $0x88, s6;
	s7 =	simm.s32 @p2 $0x1082  }
0x22: {  	[simem:s7], [sflag:s8] =	dma.local @!p0 [hbm:s6], $0xF7A  }
0x23: {  	s9 =	sor.u32 $0xD0000000, s2;
	s6 =	simm.s32 $0x108;
	_ =	swait.ge @!p0 [sflag:s8], $0x0  }
0x24: {  	s3 =	sadd.s32 $0x88, s3;
	s6 =	simm.s32 @!p1 $0x1082;
	[sflag:s4] =	ssyncset.s32 $0xFFFFF086  }
0x25: {  	[simem:s6], [sflag:s4] =	dma.local [hbm:s3], $0xF7A  }
0x26: {  	[smem:$0x3F8E] =	sst s1;
	(tag) =	ssettag s2;
	_ =	strace s9  }
0x27: {  	s1 =	sld [smem:$0x3F9E]  }
0x28: {  	s2 =	sld [smem:$0x3F9F]  }
0x29: {  	s4 =	sld [smem:$0x3FA1]  }
0x2a: {  	p0 =	seq.s32 s5, $0x0;
	s5 =	sld [smem:$0x3FA2]  }
0x2b: {  	s6 =	sld [smem:$0x3FA3]  }
0x2c: {  	s7 =	sld [smem:$0x3FA4]  }
0x2d: {  	s3 =	simm.s32 $0x108;
	s8 =	sld [smem:$0x3FA5]  }
0x2e: {  	s3 =	simm.s32 @!p0 $0x1082;
	s9 =	sld [smem:$0x3FA6]  }
0x2f: {  	lr =	sadd.s32 s0, s3;
	s0 =	sld [smem:$0x3F9D]  }
0x30: {  	s3 =	sld [smem:$0x3FA0]  }
0x31: {  	[smem:$0x3FA9] =	sst s10  }
0x32: {  	s10 =	sld [smem:$0x3FA7];
	_ =	sdelay $0x3  }
0x33: {  	p0 =	seq.s32 s10, $0x1;
	s10 =	sld [smem:$0x3FA9];
	_ =	sdelay $0x3  }
0x34: {  	[smem:$0x3FA9] =	sst s10  }
0x35: {  	s10 =	sld [smem:$0x3FA8];
	_ =	sdelay $0x3  }
0x36: {  	p1 =	seq.s32 s10, $0x1;
	s10 =	sld [smem:$0x3FA9];
	_ =	sdelay $0x3  }
0x37: {  	[smem:$0x3FA9] =	sst s10  }
0x38: {  	s10 =	sld [smem:$0x3FAA]  }
0x39: {  	_ = 	snop;
	(pc) =	sbr.ind lr, $3  }
0x3a: {  	_ = 	snop  }
0x3b: {  	_ = 	snop  }
0x3c: {  	p2 =	seq.s32 s10, $0x1;
	s10 =	sld [smem:$0x3FA9]  }
0x3d: {  	_ =	shalt  }
0x3e: {  	_ =	shalt  }
0x3f: {  	_ =	shalt  }
0x40: {  	_ =	shalt  }
0x41: {  	_ =	shalt  }
0x42: {  	_ =	shalt  }
0x43: {  	_ =	shalt  }
0x44: {  	_ =	shalt  }
0x45: {  	_ =	shalt  }
0x46: {  	_ =	shalt  }
0x47: {  	_ =	shalt  }
0x48: {  	_ =	shalt  }
0x49: {  	_ =	shalt  }
0x4a: {  	_ =	shalt  }
0x4b: {  	_ =	shalt  }
0x4c: {  	_ =	shalt  }
0x4d: {  	_ =	shalt  }
0x4e: {  	_ =	shalt  }
0x4f: {  	_ =	shalt  }
0x50: {  	_ =	shalt  }
0x51: {  	_ =	shalt  }
0x52: {  	_ =	shalt  }
0x53: {  	_ =	shalt  }
0x54: {  	_ =	shalt  }
0x55: {  	_ =	shalt  }
0x56: {  	_ =	shalt  }
0x57: {  	_ =	shalt  }
0x58: {  	_ =	shalt  }
0x59: {  	_ =	shalt  }
0x5a: {  	_ =	shalt  }
0x5b: {  	_ =	shalt  }
0x5c: {  	_ =	shalt  }
0x5d: {  	_ =	shalt  }
0x5e: {  	_ =	shalt  }
0x5f: {  	_ =	shalt  }
0x60: {  	_ =	shalt  }
0x61: {  	_ =	shalt  }
0x62: {  	_ =	shalt  }
0x63: {  	_ =	shalt  }
0x64: {  	_ =	shalt  }
0x65: {  	_ =	shalt  }
0x66: {  	_ =	shalt  }
0x67: {  	_ =	shalt  }
0x68: {  	_ =	shalt  }
0x69: {  	_ =	shalt  }
0x6a: {  	_ =	shalt  }
0x6b: {  	_ =	shalt  }
0x6c: {  	_ =	shalt  }
0x6d: {  	_ =	shalt  }
0x6e: {  	_ =	shalt  }
0x6f: {  	_ =	shalt  }
0x70: {  	_ =	shalt  }
0x71: {  	_ =	shalt  }
0x72: {  	_ =	shalt  }
0x73: {  	_ =	shalt  }
0x74: {  	_ =	shalt  }
0x75: {  	_ =	shalt  }
0x76: {  	_ =	shalt  }
0x77: {  	_ =	shalt  }
0x78: {  	_ =	shalt  }
0x79: {  	_ =	shalt  }
0x7a: {  	_ =	shalt  }
0x7b: {  	_ =	shalt  }
0x7c: {  	_ =	shalt  }
0x7d: {  	_ =	shalt  }
0x7e: {  	_ =	shalt  }
0x7f: {  	_ =	shalt  }
0x80: {  	_ =	shalt  }
0x81: {  	_ =	shalt  }
0x82: {  	_ =	shalt  }
0x83: {  	_ =	shalt  }
0x84: {  	_ =	shalt  }
0x85: {  	_ =	shalt  }
0x86: {  	_ =	shalt  }
0x87: {  	_ =	shalt  }
.Lfunc_end0:
.L_simem_size_0:
called_computation_lowered:
.L_overlay_start_0:
0x88: {  	s2 =	sld [smem:$0x3FD9]  }
0x89: {  	s3 =	sld [smem:$0x3FFE];
	_ =	sdelay $0x1  }
0x8a: {  	s1 =	srdreg.scid  }
0x8b: {  	s0 =	sand.u32 $0x1, s1  }
0x8c: {  	s17 =	sshll.u32 s0, $0xA;
	s2 =	sadd.s32 s3, s2  }
0x8d: {  	s2 =	sadd.s32 s2, s17  }
0x8e: {  	[smem:$0x3FB5] =	sst s2  }
0x8f: {  	_ = 	snop  }
0x90: {  	s2 =	sld [smem:$0x3FC9];
	(tm) =	ssettm $0x1  }
0x91: {  	s18 =	sld [smem:$0x3FFB];
	_ =	sdelay $0x3  }
0x92: {  	_ =	strace s18  }
0x93: {  	s3 =	sld [smem:$0x3FFC];
	_ =	sdelay $0x3  }
0x94: {  	_ =	strace s3  }
0x95: {  	s3 =	sld [smem:$0x3FFD];
	_ =	sdelay $0x3  }
0x96: {  	_ =	strace s3  }
0x97: {  	_ =	strace $0x8FFFFFFF  }
0x98: {  	s19 =	sld [smem:$0x3FDB];
	_ =	sdelay $0x1  }
0x99: {  	s4 =	simm.s32 $_scs_section_size  }
0x9a: {  	s5 =	simm.s32 $_size__tile_overlayer_lowered;
	s6 =	simm.s32 $_tile_overlayer_lowered  }
0x9b: {  	s22 =	simm.s32 $0x1BFF;
	s21 =	sshll.u32 s6, $0x1;
	s3 =	sadd.s32 s4, s19  }
0x9c: {  	s7 =	simm.s32 $0x0;
	s20 =	sshll.u32 s5, $0x1;
	s5 =	sadd.s32 s21, s3  }
0x9d: {  	[timem:s7], [sflag:s22] =	dma.local [hbm:s5], s20  }
0x9e: {  	_ =	swait.ge [sflag:s22], s20  }
0x9f: {  	s4 =	ssub.s32 $0x0, s20;
	[sflag:s22] =	ssyncset.done $0x0  }
0xa0: {  	[sflag:s22] =	ssyncadd.s32 s4;
	_ =	sdelay $0x1  }
0xa1: {  	s23 =	simm.s32 $0x1B8B  }
0xa2: {  	_ =	swait.ge [sflag:s23], $0x1  }
0xa3: {  	[sflag:s23] =	ssyncset.done $0x0  }
0xa4: {  	s25 =	simm.s32 $0x1B8E;
	s24 =	sld [smem:$0x3FFE];
	[sflag:s23] =	ssyncadd.s32 $0xFFFFFFFF  }
0xa5: {  	s26 =	simm.s32 $execute0_lowered;
	[smem:$0x3FD2] =	sst s25  }
0xa6: {  	s5 =	sshll.u32 s26, $0x1;
	_ =	strace $0x80000046;
	[dreg:$0x1] =	wrdreg $0xFFFFFFFF  }
0xa7: {  	s28 =	simm.s32 $_size_execute0_lowered;
	s3 =	sadd.s32 s3, s5;
	[dreg:$0x0] =	wrdreg $0x0  }
0xa8: {  	s5 =	sshll.u32 s28, $0x1;
	[dreg:$0x2] =	wrdreg s3  }
0xa9: {  	[dreg:$0x3] =	wrdreg s5  }
0xaa: {  	[dreg:$0x4] =	wrdreg $0xC0  }
0xab: {  	_ =	task [dreg:s7], $0x5FFFF  }
0xac: {  	[dreg:$0x1] =	wrdreg $0xFFFFFFFF  }
0xad: {  	[dreg:$0x0] =	wrdreg $0x60  }
0xae: {  	[dreg:$0x2] =	wrdreg s2  }
0xaf: {  	[dreg:$0x3] =	wrdreg s24  }
0xb0: {  	[dreg:$0x4] =	wrdreg $0x98000  }
0xb1: {  	[dreg:$0x5] =	wrdreg $0x9  }
0xb2: {  	_ =	task.clear_ibuf [dreg:s7], $0x6FFFF;
	_ =	strace $0x90000046  }
0xb3: {  	s29 =	simm.s32 $0x9;
	_ =	strace $0x80000048  }
0xb4: {  	_ =	swait.ge [sflag:s29], $0x1  }
0xb5: {  	[sflag:s29] =	ssyncadd.s32 $0xFFFFFFFF  }
0xb6: {  	_ =	strace $0x90000048  }
0xb7: {  	_ =	sfence  }
0xb8: {  	s30 =	sld [smem:$0x0];
	_ =	sdelay $0x2  }
0xb9: {  	s31 =	sshll.u32 s1, $0xD;
	s1 =	sshrl.u32 s1, $0x2  }
0xba: {  	s3 =	sand.u32 $0x4000, s31;
	s1 =	sadd.s32 s1, s30  }
0xbb: {  	s0 =	sor.u32 s3, s0;
	s1 =	sshll.u32 s1, $0x11  }
0xbc: {  	s0 =	sor.u32 s1, s0  }
0xbd: {  	s0 =	sadd.s32 $0x8F2B, s0  }
0xbe: {  	[sflag:s0] =	ssyncadd.remote.s32 $0x1  }
0xbf: {  	_ =	sfence.sel $0xFFFF  }
0xc0: {  	[dreg:$0x0] =	wrdreg $0xFFFFFFFF;
	(pc) =	sbr.abs _section_cstart, $3  }
0xc1: {  	[dreg:$0x1] =	wrdreg $0xFFFFFFFF  }
0xc2: {  	_ =	task.clear_ibuf [dreg:s7], $0x2FFFF;
	_ =	strace $0x9FFFFFFF  }
0xc3: {  	(tm) =	ssettm $0x7FFFFFFF  }
tec
execute0_lowered:
.L_overlay_start_1:
0x0: {  	(tag) =	ssettag $0x1  }
0x1: {  	s1 =	rddreg [dreg:$0x0]  }
0x2: {  	s0 =	rddreg [dreg:$0x1]  }
0x3: {  	s2 =	rddreg [dreg:$0x2]  }
0x4: {  	s4 =	simm.s32 $0x0;
	s3 =	srdreg.scid;
	s12 =	stileid.u32  }
0x5: {  	s15 =	simm.s32 $0x5;
	s16 =	simm.s32 $0x1000;
	s17 =	simm.s32 $0x50  }
0x6: {  	s18 =	simm.s32 $0x2000;
	s20 =	simm.s32 $0x4800;
	s22 =	simm.s32 $0x7000  }
0x7: {  	s30 =	simm.s32 $0x3;
	[smem:$0x7FF] =	sst s4;
	s8 =	smul.u32 $0x13C00, s12  }
0x8: {  	s3 =	sand.u32 $0x1, s3;
	s5 =	sadd.s32 $0x4A00, s0;
	s24 =	smul.u32 $0x4F000, s12  }
0x9: {  	s6 =	sadd.s32 $0x18A00, s0;
	s10 =	sadd.s32 $0x2CA00, s0;
	s11 =	smul.u32 $0x5000, s12  }
0xa: {  	s28 =	sshll.u32 s12, $0x6;
	s7 =	smul.u32 $0x13C000, s3;
	_ =	strace $0x80000047  }
0xb: {  	s9 =	sshll.u32 s3, $0x4;
	[dreg:$0x5] =	wrdreg s10;
	s25 =	ssub.s32 $0x2, s3  }
0xc: {  	s3 =	smul.u32 $0x50000, s3;
	[dreg:$0x6] =	wrdreg s28;
	s10 =	sor.u32 $0x1C04, s28  }
0xd: {  	s23 =	sor.u32 s12, s9;
	s26 =	sshrl.u32 s25, $0x1;
	s9 =	sshrl.u32 s24, $0x2  }
0xe: {  	s7 =	sadd.s32 s8, s7;
	s8 =	smul.u32 $0x5000, s23;
	s3 =	sadd.s32 s11, s3  }
0xf: {  	[dreg:$0x7] =	wrdreg s10;
	s9 =	sadd.s32 s9, s2;
	s3 =	sadd.s32 $0x1000, s3  }
0x10: {  	s23 =	sshrl.u32 s9, $0x3;
	s8 =	sshrl.u32 s8, $0x3;
	[dreg:$0x4] =	wrdreg s3  }
0x11: {  	s7 =	sshrl.u32 s7, $0x3;
	[dreg:$0xc] =	wrdreg s23;
	s29 =	sadd.s32 s5, s8  }
0x12: {  	s0 =	sadd.s32 s7, s0;
	s8 =	sadd.s32 s6, s8;
	[dreg:$0x8] =	wrdreg s29  }
0x13: {  	s7 =	ssub.s32 s25, s26;
	s0 =	sadd.s32 $0x2F200, s0;
	[dreg:$0x9] =	wrdreg s8  }
0x14: {  	s24 =	simm.s32 $0x1;
	s31 =	smax.u32 s7, $0x1;
	[dreg:$0xa] =	wrdreg s0  }
0x15: {  	s26 =	simm.s32 $0x2;
	[dreg:$0xb] =	wrdreg s31;
	s0 =	simm.s32 $0x0  }
.LBB2_1:
0x16: {  	[dreg:$0xd] =	wrdreg s0  }
0x17: {  	s8 =	rddreg [dreg:$0x5]  }
0x18: {  	s14 =	rddreg [dreg:$0x7]  }
0x19: {  	[spmem:s23], [sflag:s14] =	dma.local [hbm:s8], $0x2780  }
0x1a: {  	s8 =	rddreg [dreg:$0x8]  }
0x1b: {  	[tilespmem:s4], [sflag:$0x5] =	stream.linear.gather [hbm4b:s8+s4], $0xC80, $0x38;
	[tilespmem:$0x1D400] =	vst v63  }
0x1c: {  	_ =	swait.ge [sflag:s15], $0xC80  }
0x1d: {  	[sflag:s15] =	ssyncset.done $0x0  }
0x1e: {  	s21 =	rddreg [dreg:$0x9];
	[sflag:s15] =	ssyncadd.s32 $0xFFFFF380  }
0x1f: {  	[tilespmem:s16], [sflag:$0x5] =	stream.linear.gather [hbm4b:s21+s4], $0xC80, $0x38;
	[tilespmem:$0x1D400] =	vst v63  }
0x20: {  	_ =	swait.ge [sflag:s15], $0xC80  }
0x21: {  	[sflag:s15] =	ssyncset.done $0x0  }
0x22: {  	[sflag:s15] =	ssyncadd.s32 $0xFFFFF380  }
0x23: {  	[tilespmem:s18], [sflag:$0x1] =	stream.indirect.gather [hbm4b:s1+s17], $0x80, s4, s17, $0xb8;
	[tilespmem:$0x1D400] =	vst v63  }
0x24: {  	s3 =	simm.s32 $0x80  }
0x25: {  	[tilespmem:s20], [sflag:$0x2] =	stream.indirect.gather [hbm4b:s1+s17], $0x80, s3, s17, $0xb8;
	[tilespmem:$0x1D400] =	vst v63  }
0x26: {  	s7 =	simm.s32 $0x100;
	s23 =	simm.s32 $0x4  }
0x27: {  	[tilespmem:s22], [sflag:$0x3] =	stream.indirect.gather [hbm4b:s1+s17], $0x80, s7, s17, $0xb8;
	[tilespmem:$0x1D400] =	vst v63  }
0x28: {  	_ =	swait.ge [sflag:s23], $0x2780  }
0x29: {  	[sflag:s23] =	ssyncset.done $0x0  }
0x2a: {  	[sflag:s23] =	ssyncadd.s32 $0xFFFFD880  }
0x2b: {  	[bflag:$0x0] =	sbarrier.arrive $0xFFFF  }
0x2c: {  	_ =	swait.ge [sflag:s24], $0x2800  }
0x2d: {  	[sflag:s24] =	ssyncset.done $0x0  }
0x2e: {  	[sflag:s24] =	ssyncadd.s32 $0xFFFFD800  }
0x2f: {  	[spmem:s2] =	stream.indirect.scatter.add.f32 [tilespmem:s18], [sflag:$0x5], $0x80, s16, s17, $0xb8;
	[tilespmem:$0x1D400] =	vst v63  }
0x30: {  	_ =	swait.ge [sflag:s15], $0x2800  }
0x31: {  	[sflag:s15] =	ssyncset.done $0x0  }
0x32: {  	s14 =	simm.s32 $0x180;
	[sflag:s15] =	ssyncadd.s32 $0xFFFFD800  }
0x33: {  	[tilespmem:s18], [sflag:$0x1] =	stream.indirect.gather [hbm4b:s1+s17], $0x80, s14, s17, $0xb8;
	[tilespmem:$0x1D400] =	vst v63  }
0x34: {  	_ =	swait.ge [sflag:s26], $0x2800  }
0x35: {  	[sflag:s26] =	ssyncset.done $0x0  }
0x36: {  	s23 =	simm.s32 $0x1080;
	[sflag:s26] =	ssyncadd.s32 $0xFFFFD800  }
0x37: {  	[spmem:s2] =	stream.indirect.scatter.add.f32 [tilespmem:s20], [sflag:$0x5], $0x80, s23, s17, $0xb8;
	[tilespmem:$0x1D400] =	vst v63  }
0x38: {  	_ =	swait.ge [sflag:s15], $0x2800  }
0x39: {  	[sflag:s15] =	ssyncset.done $0x0  }
0x3a: {  	s25 =	simm.s32 $0x200;
	[sflag:s15] =	ssyncadd.s32 $0xFFFFD800  }
0x3b: {  	[tilespmem:s20], [sflag:$0x2] =	stream.indirect.gather [hbm4b:s1+s17], $0x80, s25, s17, $0xb8;
	[tilespmem:$0x1D400] =	vst v63  }
0x3c: {  	_ =	swait.ge [sflag:s30], $0x2800  }
0x3d: {  	[sflag:s30] =	ssyncset.done $0x0  }
0x3e: {  	s9 =	simm.s32 $0x1100;
	[sflag:s30] =	ssyncadd.s32 $0xFFFFD800  }
0x3f: {  	[spmem:s2] =	stream.indirect.scatter.add.f32 [tilespmem:s22], [sflag:$0x5], $0x80, s9, s17, $0xb8;
	[tilespmem:$0x1D400] =	vst v63  }
0x40: {  	_ =	swait.ge [sflag:s15], $0x2800  }
0x41: {  	[sflag:s15] =	ssyncset.done $0x0  }
0x42: {  	s10 =	simm.s32 $0x280;
	[sflag:s15] =	ssyncadd.s32 $0xFFFFD800  }
0x43: {  	[tilespmem:s22], [sflag:$0x3] =	stream.indirect.gather [hbm4b:s1+s17], $0x80, s10, s17, $0xb8;
	[tilespmem:$0x1D400] =	vst v63  }
0x44: {  	_ =	swait.ge [sflag:s24], $0x2800  }
0x45: {  	[sflag:s24] =	ssyncset.done $0x0  }
0x46: {  	s11 =	simm.s32 $0x1180;
	[sflag:s24] =	ssyncadd.s32 $0xFFFFD800  }
0x47: {  	[spmem:s2] =	stream.indirect.scatter.add.f32 [tilespmem:s18], [sflag:$0x5], $0x80, s11, s17, $0xb8;
	[tilespmem:$0x1D400] =	vst v63  }
0x48: {  	_ =	swait.ge [sflag:s15], $0x2800  }
0x49: {  	[sflag:s15] =	ssyncset.done $0x0  }
0x4a: {  	s12 =	simm.s32 $0x300;
	[sflag:s15] =	ssyncadd.s32 $0xFFFFD800  }
0x4b: {  	[tilespmem:s18], [sflag:$0x1] =	stream.indirect.gather [hbm4b:s1+s17], $0x80, s12, s17, $0xb8;
	[tilespmem:$0x1D400] =	vst v63  }
0x4c: {  	_ =	swait.ge [sflag:s26], $0x2800  }
0x4d: {  	[sflag:s26] =	ssyncset.done $0x0  }
0x4e: {  	s13 =	simm.s32 $0x1200;
	[sflag:s26] =	ssyncadd.s32 $0xFFFFD800  }
0x4f: {  	[spmem:s2] =	stream.indirect.scatter.add.f32 [tilespmem:s20], [sflag:$0x5], $0x80, s13, s17, $0xb8;
	[tilespmem:$0x1D400] =	vst v63  }
0x50: {  	_ =	swait.ge [sflag:s15], $0x2800  }
0x51: {  	[sflag:s15] =	ssyncset.done $0x0  }
0x52: {  	s19 =	simm.s32 $0x380;
	[sflag:s15] =	ssyncadd.s32 $0xFFFFD800  }
0x53: {  	[tilespmem:s20], [sflag:$0x2] =	stream.indirect.gather [hbm4b:s1+s17], $0x80, s19, s17, $0xb8;
	[tilespmem:$0x1D400] =	vst v63  }
0x54: {  	_ =	swait.ge [sflag:s30], $0x2800  }
0x55: {  	[sflag:s30] =	ssyncset.done $0x0  }
0x56: {  	s21 =	simm.s32 $0x1280;
	[sflag:s30] =	ssyncadd.s32 $0xFFFFD800  }
0x57: {  	[spmem:s2] =	stream.indirect.scatter.add.f32 [tilespmem:s22], [sflag:$0x5], $0x80, s21, s17, $0xb8;
	[tilespmem:$0x1D400] =	vst v63  }
0x58: {  	_ =	swait.ge [sflag:s15], $0x2800  }
0x59: {  	[sflag:s15] =	ssyncset.done $0x0  }
0x5a: {  	s25 =	simm.s32 $0x400;
	[sflag:s15] =	ssyncadd.s32 $0xFFFFD800  }
0x5b: {  	[tilespmem:s22], [sflag:$0x3] =	stream.indirect.gather [hbm4b:s1+s17], $0x80, s25, s17, $0xb8;
	[tilespmem:$0x1D400] =	vst v63  }
0x5c: {  	_ =	swait.ge [sflag:s24], $0x2800  }
0x5d: {  	[sflag:s24] =	ssyncset.done $0x0  }
0x5e: {  	s28 =	simm.s32 $0x1300;
	[sflag:s24] =	ssyncadd.s32 $0xFFFFD800  }
0x5f: {  	[spmem:s2] =	stream.indirect.scatter.add.f32 [tilespmem:s18], [sflag:$0x5], $0x80, s28, s17, $0xb8;
	[tilespmem:$0x1D400] =	vst v63  }
0x60: {  	_ =	swait.ge [sflag:s15], $0x2800  }
0x61: {  	[sflag:s15] =	ssyncset.done $0x0  }
0x62: {  	s29 =	simm.s32 $0x480;
	[sflag:s15] =	ssyncadd.s32 $0xFFFFD800  }
0x63: {  	[tilespmem:s18], [sflag:$0x1] =	stream.indirect.gather [hbm4b:s1+s17], $0x80, s29, s17, $0xb8;
	[tilespmem:$0x1D400] =	vst v63  }
0x64: {  	_ =	swait.ge [sflag:s26], $0x2800  }
0x65: {  	[sflag:s26] =	ssyncset.done $0x0  }
0x66: {  	s31 =	simm.s32 $0x1380;
	[sflag:s26] =	ssyncadd.s32 $0xFFFFD800  }
0x67: {  	[spmem:s2] =	stream.indirect.scatter.add.f32 [tilespmem:s20], [sflag:$0x5], $0x80, s31, s17, $0xb8;
	[tilespmem:$0x1D400] =	vst v63  }
0x68: {  	_ =	swait.ge [sflag:s15], $0x2800  }
0x69: {  	[sflag:s15] =	ssyncset.done $0x0  }
0x6a: {  	s0 =	simm.s32 $0x500;
	[sflag:s15] =	ssyncadd.s32 $0xFFFFD800  }
0x6b: {  	[tilespmem:s20], [sflag:$0x2] =	stream.indirect.gather [hbm4b:s1+s17], $0x80, s0, s17, $0xb8;
	[tilespmem:$0x1D400] =	vst v63  }
0x6c: {  	_ =	swait.ge [sflag:s30], $0x2800  }
0x6d: {  	[sflag:s30] =	ssyncset.done $0x0  }
0x6e: {  	s0 =	simm.s32 $0x1400;
	[sflag:s30] =	ssyncadd.s32 $0xFFFFD800  }
0x6f: {  	[spmem:s2] =	stream.indirect.scatter.add.f32 [tilespmem:s22], [sflag:$0x5], $0x80, s0, s17, $0xb8;
	[tilespmem:$0x1D400] =	vst v63  }
0x70: {  	_ =	swait.ge [sflag:s15], $0x2800  }
0x71: {  	[sflag:s15] =	ssyncset.done $0x0  }
0x72: {  	s0 =	simm.s32 $0x580;
	[sflag:s15] =	ssyncadd.s32 $0xFFFFD800  }
0x73: {  	[tilespmem:s22], [sflag:$0x3] =	stream.indirect.gather [hbm4b:s1+s17], $0x80, s0, s17, $0xb8;
	[tilespmem:$0x1D400] =	vst v63  }
0x74: {  	_ =	swait.ge [sflag:s24], $0x2800  }
0x75: {  	[sflag:s24] =	ssyncset.done $0x0  }
0x76: {  	s0 =	simm.s32 $0x1480;
	[sflag:s24] =	ssyncadd.s32 $0xFFFFD800  }
0x77: {  	[spmem:s2] =	stream.indirect.scatter.add.f32 [tilespmem:s18], [sflag:$0x5], $0x80, s0, s17, $0xb8;
	[tilespmem:$0x1D400] =	vst v63  }
0x78: {  	_ =	swait.ge [sflag:s15], $0x2800  }
0x79: {  	[sflag:s15] =	ssyncset.done $0x0  }
0x7a: {  	s0 =	simm.s32 $0x600;
	[sflag:s15] =	ssyncadd.s32 $0xFFFFD800  }
0x7b: {  	[tilespmem:s18], [sflag:$0x1] =	stream.indirect.gather [hbm4b:s1+s17], $0x80, s0, s17, $0xb8;
	[tilespmem:$0x1D400] =	vst v63  }
0x7c: {  	_ =	swait.ge [sflag:s26], $0x2800  }
0x7d: {  	[sflag:s26] =	ssyncset.done $0x0  }
0x7e: {  	s0 =	simm.s32 $0x1500;
	[sflag:s26] =	ssyncadd.s32 $0xFFFFD800  }
0x7f: {  	[spmem:s2] =	stream.indirect.scatter.add.f32 [tilespmem:s20], [sflag:$0x5], $0x80, s0, s17, $0xb8;
	[tilespmem:$0x1D400] =	vst v63  }
0x80: {  	_ =	swait.ge [sflag:s15], $0x2800  }
0x81: {  	[sflag:s15] =	ssyncset.done $0x0  }
0x82: {  	s0 =	simm.s32 $0x680;
	[sflag:s15] =	ssyncadd.s32 $0xFFFFD800  }
0x83: {  	[tilespmem:s20], [sflag:$0x2] =	stream.indirect.gather [hbm4b:s1+s17], $0x80, s0, s17, $0xb8;
	[tilespmem:$0x1D400] =	vst v63  }
0x84: {  	_ =	swait.ge [sflag:s30], $0x2800  }
0x85: {  	[sflag:s30] =	ssyncset.done $0x0  }
0x86: {  	s0 =	simm.s32 $0x1580;
	[sflag:s30] =	ssyncadd.s32 $0xFFFFD800  }
0x87: {  	[spmem:s2] =	stream.indirect.scatter.add.f32 [tilespmem:s22], [sflag:$0x5], $0x80, s0, s17, $0xb8;
	[tilespmem:$0x1D400] =	vst v63  }
0x88: {  	_ =	swait.ge [sflag:s15], $0x2800  }
0x89: {  	[sflag:s15] =	ssyncset.done $0x0  }
0x8a: {  	s0 =	simm.s32 $0x700;
	[sflag:s15] =	ssyncadd.s32 $0xFFFFD800  }
0x8b: {  	[tilespmem:s22], [sflag:$0x3] =	stream.indirect.gather [hbm4b:s1+s17], $0x80, s0, s17, $0xb8;
	[tilespmem:$0x1D400] =	vst v63  }
0x8c: {  	_ =	swait.ge [sflag:s24], $0x2800  }
0x8d: {  	[sflag:s24] =	ssyncset.done $0x0  }
0x8e: {  	s0 =	simm.s32 $0x1600;
	[sflag:s24] =	ssyncadd.s32 $0xFFFFD800  }
0x8f: {  	[spmem:s2] =	stream.indirect.scatter.add.f32 [tilespmem:s18], [sflag:$0x5], $0x80, s0, s17, $0xb8;
	[tilespmem:$0x1D400] =	vst v63  }
0x90: {  	_ =	swait.ge [sflag:s15], $0x2800  }
0x91: {  	[sflag:s15] =	ssyncset.done $0x0  }
0x92: {  	s0 =	simm.s32 $0x780;
	[sflag:s15] =	ssyncadd.s32 $0xFFFFD800  }
0x93: {  	[tilespmem:s18], [sflag:$0x1] =	stream.indirect.gather [hbm4b:s1+s17], $0x80, s0, s17, $0xb8;
	[tilespmem:$0x1D400] =	vst v63  }
0x94: {  	_ =	swait.ge [sflag:s26], $0x2800  }
0x95: {  	[sflag:s26] =	ssyncset.done $0x0  }
0x96: {  	s0 =	simm.s32 $0x1680;
	[sflag:s26] =	ssyncadd.s32 $0xFFFFD800  }
0x97: {  	[spmem:s2] =	stream.indirect.scatter.add.f32 [tilespmem:s20], [sflag:$0x5], $0x80, s0, s17, $0xb8;
	[tilespmem:$0x1D400] =	vst v63  }
0x98: {  	_ =	swait.ge [sflag:s15], $0x2800  }
0x99: {  	[sflag:s15] =	ssyncset.done $0x0  }
0x9a: {  	s0 =	simm.s32 $0x800;
	[sflag:s15] =	ssyncadd.s32 $0xFFFFD800  }
0x9b: {  	[tilespmem:s20], [sflag:$0x2] =	stream.indirect.gather [hbm4b:s1+s17], $0x80, s0, s17, $0xb8;
	[tilespmem:$0x1D400] =	vst v63  }
0x9c: {  	_ =	swait.ge [sflag:s30], $0x2800  }
0x9d: {  	[sflag:s30] =	ssyncset.done $0x0  }
0x9e: {  	s0 =	simm.s32 $0x1700;
	[sflag:s30] =	ssyncadd.s32 $0xFFFFD800  }
0x9f: {  	[spmem:s2] =	stream.indirect.scatter.add.f32 [tilespmem:s22], [sflag:$0x5], $0x80, s0, s17, $0xb8;
	[tilespmem:$0x1D400] =	vst v63  }
0xa0: {  	_ =	swait.ge [sflag:s15], $0x2800  }
0xa1: {  	[sflag:s15] =	ssyncset.done $0x0  }
0xa2: {  	s0 =	simm.s32 $0x880;
	[sflag:s15] =	ssyncadd.s32 $0xFFFFD800  }
0xa3: {  	[tilespmem:s22], [sflag:$0x3] =	stream.indirect.gather [hbm4b:s1+s17], $0x80, s0, s17, $0xb8;
	[tilespmem:$0x1D400] =	vst v63  }
0xa4: {  	_ =	swait.ge [sflag:s24], $0x2800  }
0xa5: {  	[sflag:s24] =	ssyncset.done $0x0  }
0xa6: {  	s0 =	simm.s32 $0x1780;
	[sflag:s24] =	ssyncadd.s32 $0xFFFFD800  }
0xa7: {  	[spmem:s2] =	stream.indirect.scatter.add.f32 [tilespmem:s18], [sflag:$0x5], $0x80, s0, s17, $0xb8;
	[tilespmem:$0x1D400] =	vst v63  }
0xa8: {  	_ =	swait.ge [sflag:s15], $0x2800  }
0xa9: {  	[sflag:s15] =	ssyncset.done $0x0  }
0xaa: {  	s0 =	simm.s32 $0x900;
	[sflag:s15] =	ssyncadd.s32 $0xFFFFD800  }
0xab: {  	[tilespmem:s18], [sflag:$0x1] =	stream.indirect.gather [hbm4b:s1+s17], $0x80, s0, s17, $0xb8;
	[tilespmem:$0x1D400] =	vst v63  }
0xac: {  	_ =	swait.ge [sflag:s26], $0x2800  }
0xad: {  	[sflag:s26] =	ssyncset.done $0x0  }
0xae: {  	s0 =	simm.s32 $0x1800;
	[sflag:s26] =	ssyncadd.s32 $0xFFFFD800  }
0xaf: {  	[spmem:s2] =	stream.indirect.scatter.add.f32 [tilespmem:s20], [sflag:$0x5], $0x80, s0, s17, $0xb8;
	[tilespmem:$0x1D400] =	vst v63  }
0xb0: {  	_ =	swait.ge [sflag:s15], $0x2800  }
0xb1: {  	[sflag:s15] =	ssyncset.done $0x0  }
0xb2: {  	s0 =	simm.s32 $0x980;
	[sflag:s15] =	ssyncadd.s32 $0xFFFFD800  }
0xb3: {  	[tilespmem:s20], [sflag:$0x2] =	stream.indirect.gather [hbm4b:s1+s17], $0x80, s0, s17, $0xb8;
	[tilespmem:$0x1D400] =	vst v63  }
0xb4: {  	_ =	swait.ge [sflag:s30], $0x2800  }
0xb5: {  	[sflag:s30] =	ssyncset.done $0x0  }
0xb6: {  	s0 =	simm.s32 $0x1880;
	[sflag:s30] =	ssyncadd.s32 $0xFFFFD800  }
0xb7: {  	[spmem:s2] =	stream.indirect.scatter.add.f32 [tilespmem:s22], [sflag:$0x5], $0x80, s0, s17, $0xb8;
	[tilespmem:$0x1D400] =	vst v63  }
0xb8: {  	_ =	swait.ge [sflag:s15], $0x2800  }
0xb9: {  	[sflag:s15] =	ssyncset.done $0x0  }
0xba: {  	s0 =	simm.s32 $0xA00;
	[sflag:s15] =	ssyncadd.s32 $0xFFFFD800  }
0xbb: {  	[tilespmem:s22], [sflag:$0x3] =	stream.indirect.gather [hbm4b:s1+s17], $0x80, s0, s17, $0xb8;
	[tilespmem:$0x1D400] =	vst v63  }
0xbc: {  	_ =	swait.ge [sflag:s24], $0x2800  }
0xbd: {  	[sflag:s24] =	ssyncset.done $0x0  }
0xbe: {  	s0 =	simm.s32 $0x1900;
	[sflag:s24] =	ssyncadd.s32 $0xFFFFD800  }
0xbf: {  	[spmem:s2] =	stream.indirect.scatter.add.f32 [tilespmem:s18], [sflag:$0x5], $0x80, s0, s17, $0xb8;
	[tilespmem:$0x1D400] =	vst v63  }
0xc0: {  	_ =	swait.ge [sflag:s15], $0x2800  }
0xc1: {  	[sflag:s15] =	ssyncset.done $0x0  }
0xc2: {  	s0 =	simm.s32 $0xA80;
	[sflag:s15] =	ssyncadd.s32 $0xFFFFD800  }
0xc3: {  	[tilespmem:s18], [sflag:$0x1] =	stream.indirect.gather [hbm4b:s1+s17], $0x80, s0, s17, $0xb8;
	[tilespmem:$0x1D400] =	vst v63  }
0xc4: {  	_ =	swait.ge [sflag:s26], $0x2800  }
0xc5: {  	[sflag:s26] =	ssyncset.done $0x0  }
0xc6: {  	s0 =	simm.s32 $0x1980;
	[sflag:s26] =	ssyncadd.s32 $0xFFFFD800  }
0xc7: {  	[spmem:s2] =	stream.indirect.scatter.add.f32 [tilespmem:s20], [sflag:$0x5], $0x80, s0, s17, $0xb8;
	[tilespmem:$0x1D400] =	vst v63  }
0xc8: {  	_ =	swait.ge [sflag:s15], $0x2800  }
0xc9: {  	[sflag:s15] =	ssyncset.done $0x0  }
0xca: {  	s0 =	simm.s32 $0xB00;
	[sflag:s15] =	ssyncadd.s32 $0xFFFFD800  }
0xcb: {  	[tilespmem:s20], [sflag:$0x2] =	stream.indirect.gather [hbm4b:s1+s17], $0x80, s0, s17, $0xb8;
	[tilespmem:$0x1D400] =	vst v63  }
0xcc: {  	_ =	swait.ge [sflag:s30], $0x2800  }
0xcd: {  	[sflag:s30] =	ssyncset.done $0x0  }
0xce: {  	s0 =	simm.s32 $0x1A00;
	[sflag:s30] =	ssyncadd.s32 $0xFFFFD800  }
0xcf: {  	[spmem:s2] =	stream.indirect.scatter.add.f32 [tilespmem:s22], [sflag:$0x5], $0x80, s0, s17, $0xb8;
	[tilespmem:$0x1D400] =	vst v63  }
0xd0: {  	_ =	swait.ge [sflag:s15], $0x2800  }
0xd1: {  	[sflag:s15] =	ssyncset.done $0x0  }
0xd2: {  	s0 =	simm.s32 $0xB80;
	[sflag:s15] =	ssyncadd.s32 $0xFFFFD800  }
0xd3: {  	[tilespmem:s22], [sflag:$0x3] =	stream.indirect.gather [hbm4b:s1+s17], $0x80, s0, s17, $0xb8;
	[tilespmem:$0x1D400] =	vst v63  }
0xd4: {  	_ =	swait.ge [sflag:s24], $0x2800  }
0xd5: {  	[sflag:s24] =	ssyncset.done $0x0  }
0xd6: {  	s0 =	simm.s32 $0x1A80;
	[sflag:s24] =	ssyncadd.s32 $0xFFFFD800  }
0xd7: {  	[spmem:s2] =	stream.indirect.scatter.add.f32 [tilespmem:s18], [sflag:$0x5], $0x80, s0, s17, $0xb8;
	[tilespmem:$0x1D400] =	vst v63  }
0xd8: {  	_ =	swait.ge [sflag:s15], $0x2800  }
0xd9: {  	[sflag:s15] =	ssyncset.done $0x0  }
0xda: {  	s0 =	simm.s32 $0xC00;
	[sflag:s15] =	ssyncadd.s32 $0xFFFFD800  }
0xdb: {  	[tilespmem:s18], [sflag:$0x1] =	stream.indirect.gather [hbm4b:s1+s17], $0x80, s0, s17, $0xb8;
	[tilespmem:$0x1D400] =	vst v63  }
0xdc: {  	_ =	swait.ge [sflag:s26], $0x2800  }
0xdd: {  	[sflag:s26] =	ssyncset.done $0x0  }
0xde: {  	s0 =	simm.s32 $0x1B00;
	[sflag:s26] =	ssyncadd.s32 $0xFFFFD800  }
0xdf: {  	[spmem:s2] =	stream.indirect.scatter.add.f32 [tilespmem:s20], [sflag:$0x5], $0x80, s0, s17, $0xb8;
	[tilespmem:$0x1D400] =	vst v63  }
0xe0: {  	_ =	swait.ge [sflag:s15], $0x2800  }
0xe1: {  	[sflag:s15] =	ssyncset.done $0x0  }
0xe2: {  	[sflag:s15] =	ssyncadd.s32 $0xFFFFD800  }
0xe3: {  	_ =	swait.ge [sflag:s30], $0x2800  }
0xe4: {  	[sflag:s30] =	ssyncset.done $0x0  }
0xe5: {  	s0 =	simm.s32 $0x1B80;
	[sflag:s30] =	ssyncadd.s32 $0xFFFFD800  }
0xe6: {  	[spmem:s2] =	stream.indirect.scatter.add.f32 [tilespmem:s22], [sflag:$0x5], $0x80, s0, s17, $0xb8;
	[tilespmem:$0x1D400] =	vst v63  }
0xe7: {  	_ =	swait.ge [sflag:s15], $0x2800  }
0xe8: {  	[sflag:s15] =	ssyncset.done $0x0  }
0xe9: {  	[sflag:s15] =	ssyncadd.s32 $0xFFFFD800  }
0xea: {  	_ =	swait.ge [sflag:s24], $0x2800  }
0xeb: {  	[sflag:s24] =	ssyncset.done $0x0  }
0xec: {  	s0 =	simm.s32 $0x1C00;
	[sflag:s24] =	ssyncadd.s32 $0xFFFFD800  }
0xed: {  	[spmem:s2] =	stream.indirect.scatter.add.f32 [tilespmem:s18], [sflag:$0x5], $0x80, s0, s17, $0xb8;
	[tilespmem:$0x1D400] =	vst v63  }
0xee: {  	_ =	swait.ge [sflag:s15], $0x2800  }
0xef: {  	s0 =	rddreg [dreg:$0x4]  }
0xf0: {  	s8 =	sadd.s32 $0x0, s0  }
0xf1: {  	[sflag:s15] =	ssyncset.done $0x0;
	s0 =	sshrl.u32 s8, $0x3  }
0xf2: {  	[sflag:s15] =	ssyncadd.s32 $0xFFFFD800;
	s8 =	sadd.s32 s5, s0  }
0xf3: {  	[tilespmem:s4], [sflag:$0x5] =	stream.linear.gather [hbm4b:s8+s4], $0xC80, $0x38;
	[tilespmem:$0x1D400] =	vst v63  }
0xf4: {  	_ =	swait.ge [sflag:s15], $0xC80  }
0xf5: {  	[sflag:s15] =	ssyncset.done $0x0  }
0xf6: {  	s0 =	sadd.s32 s6, s0;
	[sflag:s15] =	ssyncadd.s32 $0xFFFFF380  }
0xf7: {  	[tilespmem:s16], [sflag:$0x5] =	stream.linear.gather [hbm4b:s0+s4], $0xC80, $0x38;
	[tilespmem:$0x1D400] =	vst v63  }
0xf8: {  	_ =	swait.ge [sflag:s15], $0xC80  }
0xf9: {  	[sflag:s15] =	ssyncset.done $0x0  }
0xfa: {  	[sflag:s15] =	ssyncadd.s32 $0xFFFFF380  }
0xfb: {  	[tilespmem:s18], [sflag:$0x1] =	stream.indirect.gather [hbm4b:s1+s17], $0x80, s4, s17, $0xb8;
	[tilespmem:$0x1D400] =	vst v63  }
0xfc: {  	_ = 	snop  }
0xfd: {  	[tilespmem:s20], [sflag:$0x2] =	stream.indirect.gather [hbm4b:s1+s17], $0x80, s3, s17, $0xb8;
	[tilespmem:$0x1D400] =	vst v63  }
0xfe: {  	_ = 	snop  }
0xff: {  	[tilespmem:s22], [sflag:$0x3] =	stream.indirect.gather [hbm4b:s1+s17], $0x80, s7, s17, $0xb8;
	[tilespmem:$0x1D400] =	vst v63  }
0x100: {  	_ =	swait.ge [sflag:s24], $0x2800  }
0x101: {  	[sflag:s24] =	ssyncset.done $0x0  }
0x102: {  	[sflag:s24] =	ssyncadd.s32 $0xFFFFD800  }
0x103: {  	[spmem:s2] =	stream.indirect.scatter.add.f32 [tilespmem:s18], [sflag:$0x5], $0x80, s16, s17, $0xb8;
	[tilespmem:$0x1D400] =	vst v63  }
0x104: {  	_ =	swait.ge [sflag:s15], $0x2800  }
0x105: {  	[sflag:s15] =	ssyncset.done $0x0  }
0x106: {  	[sflag:s15] =	ssyncadd.s32 $0xFFFFD800  }
0x107: {  	[tilespmem:s18], [sflag:$0x1] =	stream.indirect.gather [hbm4b:s1+s17], $0x80, s14, s17, $0xb8;
	[tilespmem:$0x1D400] =	vst v63  }
0x108: {  	_ =	swait.ge [sflag:s26], $0x2800  }
0x109: {  	[sflag:s26] =	ssyncset.done $0x0  }
0x10a: {  	[sflag:s26] =	ssyncadd.s32 $0xFFFFD800  }
0x10b: {  	[spmem:s2] =	stream.indirect.scatter.add.f32 [tilespmem:s20], [sflag:$0x5], $0x80, s23, s17, $0xb8;
	[tilespmem:$0x1D400] =	vst v63  }
0x10c: {  	_ =	swait.ge [sflag:s15], $0x2800  }
0x10d: {  	[sflag:s15] =	ssyncset.done $0x0  }
0x10e: {  	s14 =	simm.s32 $0x200;
	[sflag:s15] =	ssyncadd.s32 $0xFFFFD800  }
0x10f: {  	[tilespmem:s20], [sflag:$0x2] =	stream.indirect.gather [hbm4b:s1+s17], $0x80, s14, s17, $0xb8;
	[tilespmem:$0x1D400] =	vst v63  }
0x110: {  	_ =	swait.ge [sflag:s30], $0x2800  }
0x111: {  	[sflag:s30] =	ssyncset.done $0x0  }
0x112: {  	[sflag:s30] =	ssyncadd.s32 $0xFFFFD800  }
0x113: {  	[spmem:s2] =	stream.indirect.scatter.add.f32 [tilespmem:s22], [sflag:$0x5], $0x80, s9, s17, $0xb8;
	[tilespmem:$0x1D400] =	vst v63  }
0x114: {  	_ =	swait.ge [sflag:s15], $0x2800  }
0x115: {  	[sflag:s15] =	ssyncset.done $0x0  }
0x116: {  	[sflag:s15] =	ssyncadd.s32 $0xFFFFD800  }
0x117: {  	[tilespmem:s22], [sflag:$0x3] =	stream.indirect.gather [hbm4b:s1+s17], $0x80, s10, s17, $0xb8;
	[tilespmem:$0x1D400] =	vst v63  }
0x118: {  	_ =	swait.ge [sflag:s24], $0x2800  }
0x119: {  	[sflag:s24] =	ssyncset.done $0x0  }
0x11a: {  	[sflag:s24] =	ssyncadd.s32 $0xFFFFD800  }
0x11b: {  	[spmem:s2] =	stream.indirect.scatter.add.f32 [tilespmem:s18], [sflag:$0x5], $0x80, s11, s17, $0xb8;
	[tilespmem:$0x1D400] =	vst v63  }
0x11c: {  	_ =	swait.ge [sflag:s15], $0x2800  }
0x11d: {  	[sflag:s15] =	ssyncset.done $0x0  }
0x11e: {  	[sflag:s15] =	ssyncadd.s32 $0xFFFFD800  }
0x11f: {  	[tilespmem:s18], [sflag:$0x1] =	stream.indirect.gather [hbm4b:s1+s17], $0x80, s12, s17, $0xb8;
	[tilespmem:$0x1D400] =	vst v63  }
0x120: {  	_ =	swait.ge [sflag:s26], $0x2800  }
0x121: {  	[sflag:s26] =	ssyncset.done $0x0  }
0x122: {  	[sflag:s26] =	ssyncadd.s32 $0xFFFFD800  }
0x123: {  	[spmem:s2] =	stream.indirect.scatter.add.f32 [tilespmem:s20], [sflag:$0x5], $0x80, s13, s17, $0xb8;
	[tilespmem:$0x1D400] =	vst v63  }
0x124: {  	_ =	swait.ge [sflag:s15], $0x2800  }
0x125: {  	[sflag:s15] =	ssyncset.done $0x0  }
0x126: {  	[sflag:s15] =	ssyncadd.s32 $0xFFFFD800  }
0x127: {  	[tilespmem:s20], [sflag:$0x2] =	stream.indirect.gather [hbm4b:s1+s17], $0x80, s19, s17, $0xb8;
	[tilespmem:$0x1D400] =	vst v63  }
0x128: {  	_ =	swait.ge [sflag:s30], $0x2800  }
0x129: {  	[sflag:s30] =	ssyncset.done $0x0  }
0x12a: {  	[sflag:s30] =	ssyncadd.s32 $0xFFFFD800  }
0x12b: {  	[spmem:s2] =	stream.indirect.scatter.add.f32 [tilespmem:s22], [sflag:$0x5], $0x80, s21, s17, $0xb8;
	[tilespmem:$0x1D400] =	vst v63  }
0x12c: {  	_ =	swait.ge [sflag:s15], $0x2800  }
0x12d: {  	[sflag:s15] =	ssyncset.done $0x0  }
0x12e: {  	[sflag:s15] =	ssyncadd.s32 $0xFFFFD800  }
0x12f: {  	[tilespmem:s22], [sflag:$0x3] =	stream.indirect.gather [hbm4b:s1+s17], $0x80, s25, s17, $0xb8;
	[tilespmem:$0x1D400] =	vst v63  }
0x130: {  	_ =	swait.ge [sflag:s24], $0x2800  }
0x131: {  	[sflag:s24] =	ssyncset.done $0x0  }
0x132: {  	[sflag:s24] =	ssyncadd.s32 $0xFFFFD800  }
0x133: {  	[spmem:s2] =	stream.indirect.scatter.add.f32 [tilespmem:s18], [sflag:$0x5], $0x80, s28, s17, $0xb8;
	[tilespmem:$0x1D400] =	vst v63  }
0x134: {  	_ =	swait.ge [sflag:s15], $0x2800  }
0x135: {  	[sflag:s15] =	ssyncset.done $0x0  }
0x136: {  	[sflag:s15] =	ssyncadd.s32 $0xFFFFD800  }
0x137: {  	[tilespmem:s18], [sflag:$0x1] =	stream.indirect.gather [hbm4b:s1+s17], $0x80, s29, s17, $0xb8;
	[tilespmem:$0x1D400] =	vst v63  }
0x138: {  	_ =	swait.ge [sflag:s26], $0x2800  }
0x139: {  	[sflag:s26] =	ssyncset.done $0x0  }
0x13a: {  	[sflag:s26] =	ssyncadd.s32 $0xFFFFD800  }
0x13b: {  	[spmem:s2] =	stream.indirect.scatter.add.f32 [tilespmem:s20], [sflag:$0x5], $0x80, s31, s17, $0xb8;
	[tilespmem:$0x1D400] =	vst v63  }
0x13c: {  	_ =	swait.ge [sflag:s15], $0x2800  }
0x13d: {  	[sflag:s15] =	ssyncset.done $0x0  }
0x13e: {  	s21 =	simm.s32 $0x500;
	[sflag:s15] =	ssyncadd.s32 $0xFFFFD800  }
0x13f: {  	[tilespmem:s20], [sflag:$0x2] =	stream.indirect.gather [hbm4b:s1+s17], $0x80, s21, s17, $0xb8;
	[tilespmem:$0x1D400] =	vst v63  }
0x140: {  	_ =	swait.ge [sflag:s30], $0x2800  }
0x141: {  	[sflag:s30] =	ssyncset.done $0x0  }
0x142: {  	s23 =	simm.s32 $0x1400;
	[sflag:s30] =	ssyncadd.s32 $0xFFFFD800  }
0x143: {  	[spmem:s2] =	stream.indirect.scatter.add.f32 [tilespmem:s22], [sflag:$0x5], $0x80, s23, s17, $0xb8;
	[tilespmem:$0x1D400] =	vst v63  }
0x144: {  	_ =	swait.ge [sflag:s15], $0x2800  }
0x145: {  	[sflag:s15] =	ssyncset.done $0x0  }
0x146: {  	s25 =	simm.s32 $0x580;
	[sflag:s15] =	ssyncadd.s32 $0xFFFFD800  }
0x147: {  	[tilespmem:s22], [sflag:$0x3] =	stream.indirect.gather [hbm4b:s1+s17], $0x80, s25, s17, $0xb8;
	[tilespmem:$0x1D400] =	vst v63  }
0x148: {  	_ =	swait.ge [sflag:s24], $0x2800  }
0x149: {  	[sflag:s24] =	ssyncset.done $0x0  }
0x14a: {  	s3 =	simm.s32 $0x1480;
	[sflag:s24] =	ssyncadd.s32 $0xFFFFD800  }
0x14b: {  	[spmem:s2] =	stream.indirect.scatter.add.f32 [tilespmem:s18], [sflag:$0x5], $0x80, s3, s17, $0xb8;
	[tilespmem:$0x1D400] =	vst v63  }
0x14c: {  	_ =	swait.ge [sflag:s15], $0x2800  }
0x14d: {  	[sflag:s15] =	ssyncset.done $0x0  }
0x14e: {  	s7 =	simm.s32 $0x600;
	[sflag:s15] =	ssyncadd.s32 $0xFFFFD800  }
0x14f: {  	[tilespmem:s18], [sflag:$0x1] =	stream.indirect.gather [hbm4b:s1+s17], $0x80, s7, s17, $0xb8;
	[tilespmem:$0x1D400] =	vst v63  }
0x150: {  	_ =	swait.ge [sflag:s26], $0x2800  }
0x151: {  	[sflag:s26] =	ssyncset.done $0x0  }
0x152: {  	s8 =	simm.s32 $0x1500;
	[sflag:s26] =	ssyncadd.s32 $0xFFFFD800  }
0x153: {  	[spmem:s2] =	stream.indirect.scatter.add.f32 [tilespmem:s20], [sflag:$0x5], $0x80, s8, s17, $0xb8;
	[tilespmem:$0x1D400] =	vst v63  }
0x154: {  	_ =	swait.ge [sflag:s15], $0x2800  }
0x155: {  	[sflag:s15] =	ssyncset.done $0x0  }
0x156: {  	s9 =	simm.s32 $0x680;
	[sflag:s15] =	ssyncadd.s32 $0xFFFFD800  }
0x157: {  	[tilespmem:s20], [sflag:$0x2] =	stream.indirect.gather [hbm4b:s1+s17], $0x80, s9, s17, $0xb8;
	[tilespmem:$0x1D400] =	vst v63  }
0x158: {  	_ =	swait.ge [sflag:s30], $0x2800  }
0x159: {  	[sflag:s30] =	ssyncset.done $0x0  }
0x15a: {  	s10 =	simm.s32 $0x1580;
	[sflag:s30] =	ssyncadd.s32 $0xFFFFD800  }
0x15b: {  	[spmem:s2] =	stream.indirect.scatter.add.f32 [tilespmem:s22], [sflag:$0x5], $0x80, s10, s17, $0xb8;
	[tilespmem:$0x1D400] =	vst v63  }
0x15c: {  	_ =	swait.ge [sflag:s15], $0x2800  }
0x15d: {  	[sflag:s15] =	ssyncset.done $0x0  }
0x15e: {  	s11 =	simm.s32 $0x700;
	[sflag:s15] =	ssyncadd.s32 $0xFFFFD800  }
0x15f: {  	[tilespmem:s22], [sflag:$0x3] =	stream.indirect.gather [hbm4b:s1+s17], $0x80, s11, s17, $0xb8;
	[tilespmem:$0x1D400] =	vst v63  }
0x160: {  	_ =	swait.ge [sflag:s24], $0x2800  }
0x161: {  	[sflag:s24] =	ssyncset.done $0x0  }
0x162: {  	s12 =	simm.s32 $0x1600;
	[sflag:s24] =	ssyncadd.s32 $0xFFFFD800  }
0x163: {  	[spmem:s2] =	stream.indirect.scatter.add.f32 [tilespmem:s18], [sflag:$0x5], $0x80, s12, s17, $0xb8;
	[tilespmem:$0x1D400] =	vst v63  }
0x164: {  	_ =	swait.ge [sflag:s15], $0x2800  }
0x165: {  	[sflag:s15] =	ssyncset.done $0x0  }
0x166: {  	s13 =	simm.s32 $0x780;
	[sflag:s15] =	ssyncadd.s32 $0xFFFFD800  }
0x167: {  	[tilespmem:s18], [sflag:$0x1] =	stream.indirect.gather [hbm4b:s1+s17], $0x80, s13, s17, $0xb8;
	[tilespmem:$0x1D400] =	vst v63  }
0x168: {  	_ =	swait.ge [sflag:s26], $0x2800  }
0x169: {  	[sflag:s26] =	ssyncset.done $0x0  }
0x16a: {  	s14 =	simm.s32 $0x1680;
	[sflag:s26] =	ssyncadd.s32 $0xFFFFD800  }
0x16b: {  	[spmem:s2] =	stream.indirect.scatter.add.f32 [tilespmem:s20], [sflag:$0x5], $0x80, s14, s17, $0xb8;
	[tilespmem:$0x1D400] =	vst v63  }
0x16c: {  	_ =	swait.ge [sflag:s15], $0x2800  }
0x16d: {  	[sflag:s15] =	ssyncset.done $0x0  }
0x16e: {  	s19 =	simm.s32 $0x800;
	[sflag:s15] =	ssyncadd.s32 $0xFFFFD800  }
0x16f: {  	[tilespmem:s20], [sflag:$0x2] =	stream.indirect.gather [hbm4b:s1+s17], $0x80, s19, s17, $0xb8;
	[tilespmem:$0x1D400] =	vst v63  }
0x170: {  	_ =	swait.ge [sflag:s30], $0x2800  }
0x171: {  	[sflag:s30] =	ssyncset.done $0x0  }
0x172: {  	s21 =	simm.s32 $0x1700;
	[sflag:s30] =	ssyncadd.s32 $0xFFFFD800  }
0x173: {  	[spmem:s2] =	stream.indirect.scatter.add.f32 [tilespmem:s22], [sflag:$0x5], $0x80, s21, s17, $0xb8;
	[tilespmem:$0x1D400] =	vst v63  }
0x174: {  	_ =	swait.ge [sflag:s15], $0x2800  }
0x175: {  	[sflag:s15] =	ssyncset.done $0x0  }
0x176: {  	s23 =	simm.s32 $0x880;
	[sflag:s15] =	ssyncadd.s32 $0xFFFFD800  }
0x177: {  	[tilespmem:s22], [sflag:$0x3] =	stream.indirect.gather [hbm4b:s1+s17], $0x80, s23, s17, $0xb8;
	[tilespmem:$0x1D400] =	vst v63  }
0x178: {  	_ =	swait.ge [sflag:s24], $0x2800  }
0x179: {  	[sflag:s24] =	ssyncset.done $0x0  }
0x17a: {  	s25 =	simm.s32 $0x1780;
	[sflag:s24] =	ssyncadd.s32 $0xFFFFD800  }
0x17b: {  	[spmem:s2] =	stream.indirect.scatter.add.f32 [tilespmem:s18], [sflag:$0x5], $0x80, s25, s17, $0xb8;
	[tilespmem:$0x1D400] =	vst v63  }
0x17c: {  	_ =	swait.ge [sflag:s15], $0x2800  }
0x17d: {  	[sflag:s15] =	ssyncset.done $0x0  }
0x17e: {  	s3 =	simm.s32 $0x900;
	[sflag:s15] =	ssyncadd.s32 $0xFFFFD800  }
0x17f: {  	[tilespmem:s18], [sflag:$0x1] =	stream.indirect.gather [hbm4b:s1+s17], $0x80, s3, s17, $0xb8;
	[tilespmem:$0x1D400] =	vst v63  }
0x180: {  	_ =	swait.ge [sflag:s26], $0x2800  }
0x181: {  	[sflag:s26] =	ssyncset.done $0x0  }
0x182: {  	s7 =	simm.s32 $0x1800;
	[sflag:s26] =	ssyncadd.s32 $0xFFFFD800  }
0x183: {  	[spmem:s2] =	stream.indirect.scatter.add.f32 [tilespmem:s20], [sflag:$0x5], $0x80, s7, s17, $0xb8;
	[tilespmem:$0x1D400] =	vst v63  }
0x184: {  	_ =	swait.ge [sflag:s15], $0x2800  }
0x185: {  	[sflag:s15] =	ssyncset.done $0x0  }
0x186: {  	s8 =	simm.s32 $0x980;
	[sflag:s15] =	ssyncadd.s32 $0xFFFFD800  }
0x187: {  	[tilespmem:s20], [sflag:$0x2] =	stream.indirect.gather [hbm4b:s1+s17], $0x80, s8, s17, $0xb8;
	[tilespmem:$0x1D400] =	vst v63  }
0x188: {  	_ =	swait.ge [sflag:s30], $0x2800  }
0x189: {  	[sflag:s30] =	ssyncset.done $0x0  }
0x18a: {  	s9 =	simm.s32 $0x1880;
	[sflag:s30] =	ssyncadd.s32 $0xFFFFD800  }
0x18b: {  	[spmem:s2] =	stream.indirect.scatter.add.f32 [tilespmem:s22], [sflag:$0x5], $0x80, s9, s17, $0xb8;
	[tilespmem:$0x1D400] =	vst v63  }
0x18c: {  	_ =	swait.ge [sflag:s15], $0x2800  }
0x18d: {  	[sflag:s15] =	ssyncset.done $0x0  }
0x18e: {  	s10 =	simm.s32 $0xA00;
	[sflag:s15] =	ssyncadd.s32 $0xFFFFD800  }
0x18f: {  	[tilespmem:s22], [sflag:$0x3] =	stream.indirect.gather [hbm4b:s1+s17], $0x80, s10, s17, $0xb8;
	[tilespmem:$0x1D400] =	vst v63  }
0x190: {  	_ =	swait.ge [sflag:s24], $0x2800  }
0x191: {  	[sflag:s24] =	ssyncset.done $0x0  }
0x192: {  	s11 =	simm.s32 $0x1900;
	[sflag:s24] =	ssyncadd.s32 $0xFFFFD800  }
0x193: {  	[spmem:s2] =	stream.indirect.scatter.add.f32 [tilespmem:s18], [sflag:$0x5], $0x80, s11, s17, $0xb8;
	[tilespmem:$0x1D400] =	vst v63  }
0x194: {  	_ =	swait.ge [sflag:s15], $0x2800  }
0x195: {  	[sflag:s15] =	ssyncset.done $0x0  }
0x196: {  	s14 =	simm.s32 $0xA80;
	[sflag:s15] =	ssyncadd.s32 $0xFFFFD800  }
0x197: {  	[tilespmem:s18], [sflag:$0x1] =	stream.indirect.gather [hbm4b:s1+s17], $0x80, s14, s17, $0xb8;
	[tilespmem:$0x1D400] =	vst v63  }
0x198: {  	_ =	swait.ge [sflag:s26], $0x2800  }
0x199: {  	[sflag:s26] =	ssyncset.done $0x0  }
0x19a: {  	s23 =	simm.s32 $0x1980;
	[sflag:s26] =	ssyncadd.s32 $0xFFFFD800  }
0x19b: {  	[spmem:s2] =	stream.indirect.scatter.add.f32 [tilespmem:s20], [sflag:$0x5], $0x80, s23, s17, $0xb8;
	[tilespmem:$0x1D400] =	vst v63  }
0x19c: {  	_ =	swait.ge [sflag:s15], $0x2800  }
0x19d: {  	[sflag:s15] =	ssyncset.done $0x0  }
0x19e: {  	s3 =	simm.s32 $0xB00;
	[sflag:s15] =	ssyncadd.s32 $0xFFFFD800  }
0x19f: {  	[tilespmem:s20], [sflag:$0x2] =	stream.indirect.gather [hbm4b:s1+s17], $0x80, s3, s17, $0xb8;
	[tilespmem:$0x1D400] =	vst v63  }
0x1a0: {  	_ =	swait.ge [sflag:s30], $0x2800  }
0x1a1: {  	[sflag:s30] =	ssyncset.done $0x0  }
0x1a2: {  	s7 =	simm.s32 $0x1A00;
	[sflag:s30] =	ssyncadd.s32 $0xFFFFD800  }
0x1a3: {  	[spmem:s2] =	stream.indirect.scatter.add.f32 [tilespmem:s22], [sflag:$0x5], $0x80, s7, s17, $0xb8;
	[tilespmem:$0x1D400] =	vst v63  }
0x1a4: {  	_ =	swait.ge [sflag:s15], $0x2800  }
0x1a5: {  	[sflag:s15] =	ssyncset.done $0x0  }
0x1a6: {  	s8 =	simm.s32 $0xB80;
	[sflag:s15] =	ssyncadd.s32 $0xFFFFD800  }
0x1a7: {  	[tilespmem:s22], [sflag:$0x3] =	stream.indirect.gather [hbm4b:s1+s17], $0x80, s8, s17, $0xb8;
	[tilespmem:$0x1D400] =	vst v63  }
0x1a8: {  	_ =	swait.ge [sflag:s24], $0x2800  }
0x1a9: {  	[sflag:s24] =	ssyncset.done $0x0  }
0x1aa: {  	s9 =	simm.s32 $0x1A80;
	[sflag:s24] =	ssyncadd.s32 $0xFFFFD800  }
0x1ab: {  	[spmem:s2] =	stream.indirect.scatter.add.f32 [tilespmem:s18], [sflag:$0x5], $0x80, s9, s17, $0xb8;
	[tilespmem:$0x1D400] =	vst v63  }
0x1ac: {  	_ =	swait.ge [sflag:s15], $0x2800  }
0x1ad: {  	[sflag:s15] =	ssyncset.done $0x0  }
0x1ae: {  	s10 =	simm.s32 $0xC00;
	[sflag:s15] =	ssyncadd.s32 $0xFFFFD800  }
0x1af: {  	[tilespmem:s18], [sflag:$0x1] =	stream.indirect.gather [hbm4b:s1+s17], $0x80, s10, s17, $0xb8;
	[tilespmem:$0x1D400] =	vst v63  }
0x1b0: {  	_ =	swait.ge [sflag:s26], $0x2800  }
0x1b1: {  	[sflag:s26] =	ssyncset.done $0x0  }
0x1b2: {  	s11 =	simm.s32 $0x1B00;
	[sflag:s26] =	ssyncadd.s32 $0xFFFFD800  }
0x1b3: {  	[spmem:s2] =	stream.indirect.scatter.add.f32 [tilespmem:s20], [sflag:$0x5], $0x80, s11, s17, $0xb8;
	[tilespmem:$0x1D400] =	vst v63  }
0x1b4: {  	_ =	swait.ge [sflag:s15], $0x2800  }
0x1b5: {  	[sflag:s15] =	ssyncset.done $0x0  }
0x1b6: {  	[sflag:s15] =	ssyncadd.s32 $0xFFFFD800  }
0x1b7: {  	_ =	swait.ge [sflag:s30], $0x2800  }
0x1b8: {  	s0 =	simm.s32 $0xB80;
	[sflag:s30] =	ssyncset.done $0x0  }
0x1b9: {  	s28 =	simm.s32 $0x1980;
	s14 =	simm.s32 $0x1B80;
	[sflag:s30] =	ssyncadd.s32 $0xFFFFD800  }
0x1ba: {  	[spmem:s2] =	stream.indirect.scatter.add.f32 [tilespmem:s22], [sflag:$0x5], $0x80, s14, s17, $0xb8;
	[tilespmem:$0x1D400] =	vst v63  }
0x1bb: {  	s29 =	simm.s32 $0xB00;
	s31 =	simm.s32 $0x1A00;
	_ =	swait.ge [sflag:s15], $0x2800  }
0x1bc: {  	s12 =	simm.s32 $0x980;
	s13 =	simm.s32 $0x1880;
	[sflag:s15] =	ssyncset.done $0x0  }
0x1bd: {  	s19 =	simm.s32 $0xA00;
	s21 =	simm.s32 $0x1900;
	[sflag:s15] =	ssyncadd.s32 $0xFFFFD800  }
0x1be: {  	s25 =	simm.s32 $0xA80;
	s23 =	simm.s32 $0x1C00;
	_ =	swait.ge [sflag:s24], $0x2800  }
0x1bf: {  	s3 =	simm.s32 $0x1A80;
	s7 =	simm.s32 $0xC00;
	[sflag:s24] =	ssyncset.done $0x0  }
0x1c0: {  	s8 =	simm.s32 $0x1000;
	s9 =	simm.s32 $0x1B00;
	[sflag:s24] =	ssyncadd.s32 $0xFFFFD800  }
0x1c1: {  	[spmem:s2] =	stream.indirect.scatter.add.f32 [tilespmem:s18], [sflag:$0x5], $0x80, s23, s17, $0xb8;
	[tilespmem:$0x1D400] =	vst v63  }
0x1c2: {  	s10 =	simm.s32 $0x1B80;
	s11 =	simm.s32 $0x1C00;
	_ =	swait.ge [sflag:s15], $0x2800  }
.LBB2_2:
0x1c3: {  	s23 =	rddreg [dreg:$0x4];
	s14 =	smov.u32 s8  }
0x1c4: {  	s14 =	sadd.s32 s14, s23  }
0x1c5: {  	[sflag:s15] =	ssyncset.done $0x0;
	s14 =	sshrl.u32 s14, $0x3  }
0x1c6: {  	[sflag:s15] =	ssyncadd.s32 $0xFFFFD800;
	s23 =	sadd.s32 s5, s14  }
0x1c7: {  	[tilespmem:s4], [sflag:$0x5] =	stream.linear.gather [hbm4b:s23+s4], $0xC80, $0x38;
	[tilespmem:$0x1D400] =	vst v63  }
0x1c8: {  	_ =	swait.ge [sflag:s15], $0xC80  }
0x1c9: {  	[sflag:s15] =	ssyncset.done $0x0  }
0x1ca: {  	s14 =	sadd.s32 s6, s14;
	[sflag:s15] =	ssyncadd.s32 $0xFFFFF380  }
0x1cb: {  	[tilespmem:s16], [sflag:$0x5] =	stream.linear.gather [hbm4b:s14+s4], $0xC80, $0x38;
	[tilespmem:$0x1D400] =	vst v63  }
0x1cc: {  	_ =	swait.ge [sflag:s15], $0xC80  }
0x1cd: {  	[sflag:s15] =	ssyncset.done $0x0  }
0x1ce: {  	[sflag:s15] =	ssyncadd.s32 $0xFFFFF380  }
0x1cf: {  	[tilespmem:s18], [sflag:$0x1] =	stream.indirect.gather [hbm4b:s1+s17], $0x80, s4, s17, $0xb8;
	[tilespmem:$0x1D400] =	vst v63  }
0x1d0: {  	s23 =	simm.s32 $0x80  }
0x1d1: {  	[tilespmem:s20], [sflag:$0x2] =	stream.indirect.gather [hbm4b:s1+s17], $0x80, s23, s17, $0xb8;
	[tilespmem:$0x1D400] =	vst v63  }
0x1d2: {  	s23 =	simm.s32 $0x100  }
0x1d3: {  	[tilespmem:s22], [sflag:$0x3] =	stream.indirect.gather [hbm4b:s1+s17], $0x80, s23, s17, $0xb8;
	[tilespmem:$0x1D400] =	vst v63  }
0x1d4: {  	_ =	swait.ge [sflag:s24], $0x2800  }
0x1d5: {  	[sflag:s24] =	ssyncset.done $0x0  }
0x1d6: {  	[sflag:s24] =	ssyncadd.s32 $0xFFFFD800  }
0x1d7: {  	[spmem:s2] =	stream.indirect.scatter.add.f32 [tilespmem:s18], [sflag:$0x5], $0x80, s16, s17, $0xb8;
	[tilespmem:$0x1D400] =	vst v63  }
0x1d8: {  	_ =	swait.ge [sflag:s15], $0x2800  }
0x1d9: {  	[sflag:s15] =	ssyncset.done $0x0  }
0x1da: {  	s23 =	simm.s32 $0x180;
	[sflag:s15] =	ssyncadd.s32 $0xFFFFD800  }
0x1db: {  	[tilespmem:s18], [sflag:$0x1] =	stream.indirect.gather [hbm4b:s1+s17], $0x80, s23, s17, $0xb8;
	[tilespmem:$0x1D400] =	vst v63  }
0x1dc: {  	_ =	swait.ge [sflag:s26], $0x2800  }
0x1dd: {  	[sflag:s26] =	ssyncset.done $0x0  }
0x1de: {  	s23 =	simm.s32 $0x1080;
	[sflag:s26] =	ssyncadd.s32 $0xFFFFD800  }
0x1df: {  	[spmem:s2] =	stream.indirect.scatter.add.f32 [tilespmem:s20], [sflag:$0x5], $0x80, s23, s17, $0xb8;
	[tilespmem:$0x1D400] =	vst v63  }
0x1e0: {  	_ =	swait.ge [sflag:s15], $0x2800  }
0x1e1: {  	[sflag:s15] =	ssyncset.done $0x0  }
0x1e2: {  	s23 =	simm.s32 $0x200;
	[sflag:s15] =	ssyncadd.s32 $0xFFFFD800  }
0x1e3: {  	[tilespmem:s20], [sflag:$0x2] =	stream.indirect.gather [hbm4b:s1+s17], $0x80, s23, s17, $0xb8;
	[tilespmem:$0x1D400] =	vst v63  }
0x1e4: {  	_ =	swait.ge [sflag:s30], $0x2800  }
0x1e5: {  	[sflag:s30] =	ssyncset.done $0x0  }
0x1e6: {  	s23 =	simm.s32 $0x1100;
	[sflag:s30] =	ssyncadd.s32 $0xFFFFD800  }
0x1e7: {  	[spmem:s2] =	stream.indirect.scatter.add.f32 [tilespmem:s22], [sflag:$0x5], $0x80, s23, s17, $0xb8;
	[tilespmem:$0x1D400] =	vst v63  }
0x1e8: {  	_ =	swait.ge [sflag:s15], $0x2800  }
0x1e9: {  	[sflag:s15] =	ssyncset.done $0x0  }
0x1ea: {  	s23 =	simm.s32 $0x280;
	[sflag:s15] =	ssyncadd.s32 $0xFFFFD800  }
0x1eb: {  	[tilespmem:s22], [sflag:$0x3] =	stream.indirect.gather [hbm4b:s1+s17], $0x80, s23, s17, $0xb8;
	[tilespmem:$0x1D400] =	vst v63  }
0x1ec: {  	_ =	swait.ge [sflag:s24], $0x2800  }
0x1ed: {  	[sflag:s24] =	ssyncset.done $0x0  }
0x1ee: {  	s23 =	simm.s32 $0x1180;
	[sflag:s24] =	ssyncadd.s32 $0xFFFFD800  }
0x1ef: {  	[spmem:s2] =	stream.indirect.scatter.add.f32 [tilespmem:s18], [sflag:$0x5], $0x80, s23, s17, $0xb8;
	[tilespmem:$0x1D400] =	vst v63  }
0x1f0: {  	_ =	swait.ge [sflag:s15], $0x2800  }
0x1f1: {  	[sflag:s15] =	ssyncset.done $0x0  }
0x1f2: {  	s23 =	simm.s32 $0x300;
	[sflag:s15] =	ssyncadd.s32 $0xFFFFD800  }
0x1f3: {  	[tilespmem:s18], [sflag:$0x1] =	stream.indirect.gather [hbm4b:s1+s17], $0x80, s23, s17, $0xb8;
	[tilespmem:$0x1D400] =	vst v63  }
0x1f4: {  	_ =	swait.ge [sflag:s26], $0x2800  }
0x1f5: {  	[sflag:s26] =	ssyncset.done $0x0  }
0x1f6: {  	s23 =	simm.s32 $0x1200;
	[sflag:s26] =	ssyncadd.s32 $0xFFFFD800  }
0x1f7: {  	[spmem:s2] =	stream.indirect.scatter.add.f32 [tilespmem:s20], [sflag:$0x5], $0x80, s23, s17, $0xb8;
	[tilespmem:$0x1D400] =	vst v63  }
0x1f8: {  	_ =	swait.ge [sflag:s15], $0x2800  }
0x1f9: {  	[sflag:s15] =	ssyncset.done $0x0  }
0x1fa: {  	s23 =	simm.s32 $0x380;
	[sflag:s15] =	ssyncadd.s32 $0xFFFFD800  }
0x1fb: {  	[tilespmem:s20], [sflag:$0x2] =	stream.indirect.gather [hbm4b:s1+s17], $0x80, s23, s17, $0xb8;
	[tilespmem:$0x1D400] =	vst v63  }
0x1fc: {  	_ =	swait.ge [sflag:s30], $0x2800  }
0x1fd: {  	[sflag:s30] =	ssyncset.done $0x0  }
0x1fe: {  	s23 =	simm.s32 $0x1280;
	[sflag:s30] =	ssyncadd.s32 $0xFFFFD800  }
0x1ff: {  	[spmem:s2] =	stream.indirect.scatter.add.f32 [tilespmem:s22], [sflag:$0x5], $0x80, s23, s17, $0xb8;
	[tilespmem:$0x1D400] =	vst v63  }
0x200: {  	_ =	swait.ge [sflag:s15], $0x2800  }
0x201: {  	[sflag:s15] =	ssyncset.done $0x0  }
0x202: {  	s23 =	simm.s32 $0x400;
	[sflag:s15] =	ssyncadd.s32 $0xFFFFD800  }
0x203: {  	[tilespmem:s22], [sflag:$0x3] =	stream.indirect.gather [hbm4b:s1+s17], $0x80, s23, s17, $0xb8;
	[tilespmem:$0x1D400] =	vst v63  }
0x204: {  	_ =	swait.ge [sflag:s24], $0x2800  }
0x205: {  	[sflag:s24] =	ssyncset.done $0x0  }
0x206: {  	s23 =	simm.s32 $0x1300;
	[sflag:s24] =	ssyncadd.s32 $0xFFFFD800  }
0x207: {  	[spmem:s2] =	stream.indirect.scatter.add.f32 [tilespmem:s18], [sflag:$0x5], $0x80, s23, s17, $0xb8;
	[tilespmem:$0x1D400] =	vst v63  }
0x208: {  	_ =	swait.ge [sflag:s15], $0x2800  }
0x209: {  	[sflag:s15] =	ssyncset.done $0x0  }
0x20a: {  	s23 =	simm.s32 $0x480;
	[sflag:s15] =	ssyncadd.s32 $0xFFFFD800  }
0x20b: {  	[tilespmem:s18], [sflag:$0x1] =	stream.indirect.gather [hbm4b:s1+s17], $0x80, s23, s17, $0xb8;
	[tilespmem:$0x1D400] =	vst v63  }
0x20c: {  	_ =	swait.ge [sflag:s26], $0x2800  }
0x20d: {  	[sflag:s26] =	ssyncset.done $0x0  }
0x20e: {  	s23 =	simm.s32 $0x1380;
	[sflag:s26] =	ssyncadd.s32 $0xFFFFD800  }
0x20f: {  	[spmem:s2] =	stream.indirect.scatter.add.f32 [tilespmem:s20], [sflag:$0x5], $0x80, s23, s17, $0xb8;
	[tilespmem:$0x1D400] =	vst v63  }
0x210: {  	_ =	swait.ge [sflag:s15], $0x2800  }
0x211: {  	[sflag:s15] =	ssyncset.done $0x0  }
0x212: {  	s23 =	simm.s32 $0x500;
	[sflag:s15] =	ssyncadd.s32 $0xFFFFD800  }
0x213: {  	[tilespmem:s20], [sflag:$0x2] =	stream.indirect.gather [hbm4b:s1+s17], $0x80, s23, s17, $0xb8;
	[tilespmem:$0x1D400] =	vst v63  }
0x214: {  	_ =	swait.ge [sflag:s30], $0x2800  }
0x215: {  	[sflag:s30] =	ssyncset.done $0x0  }
0x216: {  	s23 =	simm.s32 $0x1400;
	[sflag:s30] =	ssyncadd.s32 $0xFFFFD800  }
0x217: {  	[spmem:s2] =	stream.indirect.scatter.add.f32 [tilespmem:s22], [sflag:$0x5], $0x80, s23, s17, $0xb8;
	[tilespmem:$0x1D400] =	vst v63  }
0x218: {  	_ =	swait.ge [sflag:s15], $0x2800  }
0x219: {  	[sflag:s15] =	ssyncset.done $0x0  }
0x21a: {  	s23 =	simm.s32 $0x580;
	[sflag:s15] =	ssyncadd.s32 $0xFFFFD800  }
0x21b: {  	[tilespmem:s22], [sflag:$0x3] =	stream.indirect.gather [hbm4b:s1+s17], $0x80, s23, s17, $0xb8;
	[tilespmem:$0x1D400] =	vst v63  }
0x21c: {  	_ =	swait.ge [sflag:s24], $0x2800  }
0x21d: {  	[sflag:s24] =	ssyncset.done $0x0  }
0x21e: {  	s23 =	simm.s32 $0x1480;
	[sflag:s24] =	ssyncadd.s32 $0xFFFFD800  }
0x21f: {  	[spmem:s2] =	stream.indirect.scatter.add.f32 [tilespmem:s18], [sflag:$0x5], $0x80, s23, s17, $0xb8;
	[tilespmem:$0x1D400] =	vst v63  }
0x220: {  	_ =	swait.ge [sflag:s15], $0x2800  }
0x221: {  	[sflag:s15] =	ssyncset.done $0x0  }
0x222: {  	s23 =	simm.s32 $0x600;
	[sflag:s15] =	ssyncadd.s32 $0xFFFFD800  }
0x223: {  	[tilespmem:s18], [sflag:$0x1] =	stream.indirect.gather [hbm4b:s1+s17], $0x80, s23, s17, $0xb8;
	[tilespmem:$0x1D400] =	vst v63  }
0x224: {  	_ =	swait.ge [sflag:s26], $0x2800  }
0x225: {  	[sflag:s26] =	ssyncset.done $0x0  }
0x226: {  	s23 =	simm.s32 $0x1500;
	[sflag:s26] =	ssyncadd.s32 $0xFFFFD800  }
0x227: {  	[spmem:s2] =	stream.indirect.scatter.add.f32 [tilespmem:s20], [sflag:$0x5], $0x80, s23, s17, $0xb8;
	[tilespmem:$0x1D400] =	vst v63  }
0x228: {  	_ =	swait.ge [sflag:s15], $0x2800  }
0x229: {  	[sflag:s15] =	ssyncset.done $0x0  }
0x22a: {  	s23 =	simm.s32 $0x680;
	[sflag:s15] =	ssyncadd.s32 $0xFFFFD800  }
0x22b: {  	[tilespmem:s20], [sflag:$0x2] =	stream.indirect.gather [hbm4b:s1+s17], $0x80, s23, s17, $0xb8;
	[tilespmem:$0x1D400] =	vst v63  }
0x22c: {  	_ =	swait.ge [sflag:s30], $0x2800  }
0x22d: {  	[sflag:s30] =	ssyncset.done $0x0  }
0x22e: {  	s23 =	simm.s32 $0x1580;
	[sflag:s30] =	ssyncadd.s32 $0xFFFFD800  }
0x22f: {  	[spmem:s2] =	stream.indirect.scatter.add.f32 [tilespmem:s22], [sflag:$0x5], $0x80, s23, s17, $0xb8;
	[tilespmem:$0x1D400] =	vst v63  }
0x230: {  	_ =	swait.ge [sflag:s15], $0x2800  }
0x231: {  	[sflag:s15] =	ssyncset.done $0x0  }
0x232: {  	s23 =	simm.s32 $0x700;
	[sflag:s15] =	ssyncadd.s32 $0xFFFFD800  }
0x233: {  	[tilespmem:s22], [sflag:$0x3] =	stream.indirect.gather [hbm4b:s1+s17], $0x80, s23, s17, $0xb8;
	[tilespmem:$0x1D400] =	vst v63  }
0x234: {  	_ =	swait.ge [sflag:s24], $0x2800  }
0x235: {  	[sflag:s24] =	ssyncset.done $0x0  }
0x236: {  	s23 =	simm.s32 $0x1600;
	[sflag:s24] =	ssyncadd.s32 $0xFFFFD800  }
0x237: {  	[spmem:s2] =	stream.indirect.scatter.add.f32 [tilespmem:s18], [sflag:$0x5], $0x80, s23, s17, $0xb8;
	[tilespmem:$0x1D400] =	vst v63  }
0x238: {  	_ =	swait.ge [sflag:s15], $0x2800  }
0x239: {  	[sflag:s15] =	ssyncset.done $0x0  }
0x23a: {  	s23 =	simm.s32 $0x780;
	[sflag:s15] =	ssyncadd.s32 $0xFFFFD800  }
0x23b: {  	[tilespmem:s18], [sflag:$0x1] =	stream.indirect.gather [hbm4b:s1+s17], $0x80, s23, s17, $0xb8;
	[tilespmem:$0x1D400] =	vst v63  }
0x23c: {  	_ =	swait.ge [sflag:s26], $0x2800  }
0x23d: {  	[sflag:s26] =	ssyncset.done $0x0  }
0x23e: {  	s23 =	simm.s32 $0x1680;
	[sflag:s26] =	ssyncadd.s32 $0xFFFFD800  }
0x23f: {  	[spmem:s2] =	stream.indirect.scatter.add.f32 [tilespmem:s20], [sflag:$0x5], $0x80, s23, s17, $0xb8;
	[tilespmem:$0x1D400] =	vst v63  }
0x240: {  	_ =	swait.ge [sflag:s15], $0x2800  }
0x241: {  	[sflag:s15] =	ssyncset.done $0x0  }
0x242: {  	s23 =	simm.s32 $0x800;
	[sflag:s15] =	ssyncadd.s32 $0xFFFFD800  }
0x243: {  	[tilespmem:s20], [sflag:$0x2] =	stream.indirect.gather [hbm4b:s1+s17], $0x80, s23, s17, $0xb8;
	[tilespmem:$0x1D400] =	vst v63  }
0x244: {  	_ =	swait.ge [sflag:s30], $0x2800  }
0x245: {  	[sflag:s30] =	ssyncset.done $0x0  }
0x246: {  	s23 =	simm.s32 $0x1700;
	[sflag:s30] =	ssyncadd.s32 $0xFFFFD800  }
0x247: {  	[spmem:s2] =	stream.indirect.scatter.add.f32 [tilespmem:s22], [sflag:$0x5], $0x80, s23, s17, $0xb8;
	[tilespmem:$0x1D400] =	vst v63  }
0x248: {  	_ =	swait.ge [sflag:s15], $0x2800  }
0x249: {  	[sflag:s15] =	ssyncset.done $0x0  }
0x24a: {  	s23 =	simm.s32 $0x880;
	[sflag:s15] =	ssyncadd.s32 $0xFFFFD800  }
0x24b: {  	[tilespmem:s22], [sflag:$0x3] =	stream.indirect.gather [hbm4b:s1+s17], $0x80, s23, s17, $0xb8;
	[tilespmem:$0x1D400] =	vst v63  }
0x24c: {  	_ =	swait.ge [sflag:s24], $0x2800  }
0x24d: {  	[sflag:s24] =	ssyncset.done $0x0  }
0x24e: {  	s23 =	simm.s32 $0x1780;
	[sflag:s24] =	ssyncadd.s32 $0xFFFFD800  }
0x24f: {  	[spmem:s2] =	stream.indirect.scatter.add.f32 [tilespmem:s18], [sflag:$0x5], $0x80, s23, s17, $0xb8;
	[tilespmem:$0x1D400] =	vst v63  }
0x250: {  	_ =	swait.ge [sflag:s15], $0x2800  }
0x251: {  	[sflag:s15] =	ssyncset.done $0x0  }
0x252: {  	s23 =	simm.s32 $0x900;
	[sflag:s15] =	ssyncadd.s32 $0xFFFFD800  }
0x253: {  	[tilespmem:s18], [sflag:$0x1] =	stream.indirect.gather [hbm4b:s1+s17], $0x80, s23, s17, $0xb8;
	[tilespmem:$0x1D400] =	vst v63  }
0x254: {  	_ =	swait.ge [sflag:s26], $0x2800  }
0x255: {  	[sflag:s26] =	ssyncset.done $0x0  }
0x256: {  	s23 =	simm.s32 $0x1800;
	[sflag:s26] =	ssyncadd.s32 $0xFFFFD800  }
0x257: {  	[spmem:s2] =	stream.indirect.scatter.add.f32 [tilespmem:s20], [sflag:$0x5], $0x80, s23, s17, $0xb8;
	[tilespmem:$0x1D400] =	vst v63  }
0x258: {  	_ =	swait.ge [sflag:s15], $0x2800  }
0x259: {  	[sflag:s15] =	ssyncset.done $0x0  }
0x25a: {  	[sflag:s15] =	ssyncadd.s32 $0xFFFFD800  }
0x25b: {  	[tilespmem:s20], [sflag:$0x2] =	stream.indirect.gather [hbm4b:s1+s17], $0x80, s12, s17, $0xb8;
	[tilespmem:$0x1D400] =	vst v63  }
0x25c: {  	_ =	swait.ge [sflag:s30], $0x2800  }
0x25d: {  	[sflag:s30] =	ssyncset.done $0x0  }
0x25e: {  	[sflag:s30] =	ssyncadd.s32 $0xFFFFD800  }
0x25f: {  	[spmem:s2] =	stream.indirect.scatter.add.f32 [tilespmem:s22], [sflag:$0x5], $0x80, s13, s17, $0xb8;
	[tilespmem:$0x1D400] =	vst v63  }
0x260: {  	_ =	swait.ge [sflag:s15], $0x2800  }
0x261: {  	[sflag:s15] =	ssyncset.done $0x0  }
0x262: {  	[sflag:s15] =	ssyncadd.s32 $0xFFFFD800  }
0x263: {  	[tilespmem:s22], [sflag:$0x3] =	stream.indirect.gather [hbm4b:s1+s17], $0x80, s19, s17, $0xb8;
	[tilespmem:$0x1D400] =	vst v63  }
0x264: {  	_ =	swait.ge [sflag:s24], $0x2800  }
0x265: {  	[sflag:s24] =	ssyncset.done $0x0  }
0x266: {  	[sflag:s24] =	ssyncadd.s32 $0xFFFFD800  }
0x267: {  	[spmem:s2] =	stream.indirect.scatter.add.f32 [tilespmem:s18], [sflag:$0x5], $0x80, s21, s17, $0xb8;
	[tilespmem:$0x1D400] =	vst v63  }
0x268: {  	_ =	swait.ge [sflag:s15], $0x2800  }
0x269: {  	[sflag:s15] =	ssyncset.done $0x0  }
0x26a: {  	[sflag:s15] =	ssyncadd.s32 $0xFFFFD800  }
0x26b: {  	[tilespmem:s18], [sflag:$0x1] =	stream.indirect.gather [hbm4b:s1+s17], $0x80, s25, s17, $0xb8;
	[tilespmem:$0x1D400] =	vst v63  }
0x26c: {  	_ =	swait.ge [sflag:s26], $0x2800  }
0x26d: {  	[sflag:s26] =	ssyncset.done $0x0  }
0x26e: {  	[sflag:s26] =	ssyncadd.s32 $0xFFFFD800  }
0x26f: {  	[spmem:s2] =	stream.indirect.scatter.add.f32 [tilespmem:s20], [sflag:$0x5], $0x80, s28, s17, $0xb8;
	[tilespmem:$0x1D400] =	vst v63  }
0x270: {  	_ =	swait.ge [sflag:s15], $0x2800  }
0x271: {  	[sflag:s15] =	ssyncset.done $0x0  }
0x272: {  	[sflag:s15] =	ssyncadd.s32 $0xFFFFD800  }
0x273: {  	[tilespmem:s20], [sflag:$0x2] =	stream.indirect.gather [hbm4b:s1+s17], $0x80, s29, s17, $0xb8;
	[tilespmem:$0x1D400] =	vst v63  }
0x274: {  	_ =	swait.ge [sflag:s30], $0x2800  }
0x275: {  	[sflag:s30] =	ssyncset.done $0x0  }
0x276: {  	[sflag:s30] =	ssyncadd.s32 $0xFFFFD800  }
0x277: {  	[spmem:s2] =	stream.indirect.scatter.add.f32 [tilespmem:s22], [sflag:$0x5], $0x80, s31, s17, $0xb8;
	[tilespmem:$0x1D400] =	vst v63  }
0x278: {  	_ =	swait.ge [sflag:s15], $0x2800  }
0x279: {  	[sflag:s15] =	ssyncset.done $0x0  }
0x27a: {  	[sflag:s15] =	ssyncadd.s32 $0xFFFFD800  }
0x27b: {  	[tilespmem:s22], [sflag:$0x3] =	stream.indirect.gather [hbm4b:s1+s17], $0x80, s0, s17, $0xb8;
	[tilespmem:$0x1D400] =	vst v63  }
0x27c: {  	_ =	swait.ge [sflag:s24], $0x2800  }
0x27d: {  	[sflag:s24] =	ssyncset.done $0x0  }
0x27e: {  	[sflag:s24] =	ssyncadd.s32 $0xFFFFD800  }
0x27f: {  	[spmem:s2] =	stream.indirect.scatter.add.f32 [tilespmem:s18], [sflag:$0x5], $0x80, s3, s17, $0xb8;
	[tilespmem:$0x1D400] =	vst v63  }
0x280: {  	_ =	swait.ge [sflag:s15], $0x2800  }
0x281: {  	[sflag:s15] =	ssyncset.done $0x0  }
0x282: {  	[sflag:s15] =	ssyncadd.s32 $0xFFFFD800  }
0x283: {  	[tilespmem:s18], [sflag:$0x1] =	stream.indirect.gather [hbm4b:s1+s17], $0x80, s7, s17, $0xb8;
	[tilespmem:$0x1D400] =	vst v63  }
0x284: {  	_ =	swait.ge [sflag:s26], $0x2800  }
0x285: {  	[sflag:s26] =	ssyncset.done $0x0  }
0x286: {  	[sflag:s26] =	ssyncadd.s32 $0xFFFFD800  }
0x287: {  	[spmem:s2] =	stream.indirect.scatter.add.f32 [tilespmem:s20], [sflag:$0x5], $0x80, s9, s17, $0xb8;
	[tilespmem:$0x1D400] =	vst v63  }
0x288: {  	_ =	swait.ge [sflag:s15], $0x2800  }
0x289: {  	[sflag:s15] =	ssyncset.done $0x0  }
0x28a: {  	[sflag:s15] =	ssyncadd.s32 $0xFFFFD800  }
0x28b: {  	_ =	swait.ge [sflag:s30], $0x2800  }
0x28c: {  	[sflag:s30] =	ssyncset.done $0x0  }
0x28d: {  	[sflag:s30] =	ssyncadd.s32 $0xFFFFD800  }
0x28e: {  	[spmem:s2] =	stream.indirect.scatter.add.f32 [tilespmem:s22], [sflag:$0x5], $0x80, s10, s17, $0xb8;
	[tilespmem:$0x1D400] =	vst v63  }
0x28f: {  	_ =	swait.ge [sflag:s15], $0x2800  }
0x290: {  	[sflag:s15] =	ssyncset.done $0x0  }
0x291: {  	p0 =	sne.s32 s8, $0x3000;
	[sflag:s15] =	ssyncadd.s32 $0xFFFFD800  }
.Ltmp0:
0x292: {  	_ =	swait.ge [sflag:s24], $0x2800;
	(pc) =	sbr.rel @p0 .LBB2_2-.Ltmp0, $4  }
0x293: {  	[sflag:s24] =	ssyncset.done $0x0  }
0x294: {  	[sflag:s24] =	ssyncadd.s32 $0xFFFFD800  }
0x295: {  	[spmem:s2] =	stream.indirect.scatter.add.f32 [tilespmem:s18], [sflag:$0x5], $0x80, s11, s17, $0xb8;
	[tilespmem:$0x1D400] =	vst v63  }
0x296: {  	s8 =	sadd.s32 $0x1000, s8;
	_ =	swait.ge [sflag:s15], $0x2800  }
0x297: {  	[sflag:s15] =	ssyncset.done $0x0  }
0x298: {  	[sflag:s15] =	ssyncadd.s32 $0xFFFFD800  }
0x299: {  	[bflag:$0x0] =	sbarrier.arrive $0xFFFF  }
0x29a: {  	s8 =	rddreg [dreg:$0x6]  }
0x29b: {  	s14 =	rddreg [dreg:$0xa]  }
0x29c: {  	s23 =	rddreg [dreg:$0xc];
	s8 =	sor.u32 $0x1C05, s8  }
0x29d: {  	[hbm:s14], [sflag:s8] =	dma.local [spmem:s23], $0x2780  }
0x29e: {  	_ =	swait.ge [sflag:s15], $0x2780  }
0x29f: {  	s0 =	rddreg [dreg:$0xd]  }
0x2a0: {  	s31 =	rddreg [dreg:$0xb];
	s0 =	sadd.s32 $0x1, s0  }
0x2a1: {  	p0 =	sne.s32 s0, s31  }
.Ltmp1:
0x2a2: {  	_ = 	snop;
	(pc) =	sbr.rel @p0 .LBB2_1-.Ltmp1, $3  }
0x2a3: {  	_ =	sdelay $0x1  }
0x2a4: {  	[sflag:s15] =	ssyncset.done $0x0  }
0x2a5: {  	[sflag:s15] =	ssyncadd.s32 $0xFFFFD880  }
0x2a6: {  	_ =	sfence.sel $0x180000  }
0x2a7: {  	[bflag:$0x0] =	sbarrier.arrive $0xFFFF  }
0x2a8: {  	_ =	strace $0x90000047  }
0x2a9: {  	s0 =	stileid.u32;
	[bflag:$0x2] =	sbarrier.arrive $0xFFFF  }
0x2aa: {  	p0 =	sne.s32 s0, $0x0;
	s0 =	rddreg [dreg:$0x3]  }
0x2ab: {  	s0 =	sadd.s32 @!p0 $0x100000, s0  }
0x2ac: {  	[sflag:s0] =	ssyncadd.tile.s32 @!p0 $0x1;
	_ =	shalt  }
.Lfunc_end2:
_tile_overlayer_lowered:
.L_overlay_start_2:
0x2ad: {  	(tag) =	ssettag $0x2  }
0x2ae: {  	s0 =	rddreg [dreg:$0x0];
	s2 =	stileid.u32  }
0x2af: {  	s1 =	rddreg [dreg:$0x1];
	p0 =	sne.s32 s2, $0x0  }
0x2b0: {  	s3 =	rddreg [dreg:$0x2];
	[bflag:$0x3] =	sbarrier.arrive $0xFFFF;
	s2 =	simm.s32 @!p0 $0x1C05  }
0x2b1: {  	[timem:s3], [sflag:s2] =	dma.local @!p0 [hbm:s0], s1  }
0x2b2: {  	s0 =	simm.s32 @!p0 $0x5  }
0x2b3: {  	_ =	swait.ge @!p0 [sflag:s0], s1  }
0x2b4: {  	s1 =	ssub.s32 @!p0 $0x0, s1;
	[sflag:s0] =	ssyncset.done @!p0 $0x0  }
0x2b5: {  	[sflag:s0] =	ssyncadd.s32 @!p0 s1  }
0x2b6: {  	[bflag:$0x3] =	sbarrier.arrive $0xFFFF  }
0x2b7: {  	_ =	shalt  }

</sc_bundles>
